<compile_context>
chip_gen: v7x
topology: tpu7x:2x2x1
jax: 0.10.2.dev20260603
libtpu: 0.0.44.dev20260713+nightly
codegen_flags: <defaults>
</compile_context>

<pallas_src>
import jax
import jax.numpy as jnp
from jax import lax
from jax.experimental import pallas as pl
from jax.experimental.pallas import tpu as pltpu
from jax.experimental.pallas import tpu_sc as plsc

MAXLEN = 200
EMBED_DIM = 128
CHUNK = 100
LANES = 16
VPR = EMBED_DIM // LANES
NB = 6
LOOK = 4


def _build(total_tokens):
    info = plsc.get_sparse_core_info()
    nc, ns = info.num_cores, info.num_subcores
    nw = nc * ns
    n_chunks = total_tokens // CHUNK
    cpw = n_chunks // nw
    tail = cpw % NB
    n_main = cpw // NB - 1
    assert n_chunks % nw == 0 and tail == cpw - (n_main + 1) * NB

    mesh = plsc.VectorSubcoreMesh(core_axis_name="c", subcore_axis_name="s")

    def body(x_ref, tok_ref, pos_ref, out_ref, *scratch):
        idx_v = scratch[0]
        pos_v = scratch[1]
        bufs = scratch[2:2 + NB]
        gsems = scratch[2 + NB:2 + 2 * NB]
        osems = scratch[2 + 2 * NB:]
        wid = lax.axis_index("s") * nc + lax.axis_index("c")
        c0 = wid * cpw
        row0 = c0 * CHUNK
        pltpu.sync_copy(x_ref.at[pl.ds(c0, cpw)], idx_v)
        pltpu.sync_copy(pos_ref, pos_v)

        def start_gather(j, b):
            pltpu.async_copy(tok_ref.at[idx_v.at[j]], bufs[b], gsems[b])

        def wait_gather(b):
            pltpu.make_async_copy(
                tok_ref.at[pl.ds(0, CHUNK)], bufs[b], gsems[b]).wait()

        def start_out(j, b):
            pltpu.async_copy(
                bufs[b], out_ref.at[pl.ds(row0 + j * CHUNK, CHUNK)], osems[b])

        def wait_out(b):
            pltpu.make_async_copy(
                bufs[b], out_ref.at[pl.ds(0, CHUNK)], osems[b]).wait()

        def add_pos(b):
            def one(i, _):
                for k in range(VPR):
                    sl = pl.ds(k * LANES, LANES)
                    plsc.addupdate(
                        bufs[b].at[i, sl], pos_v[(b % 2) * CHUNK + i, sl])
                return 0
            lax.fori_loop(0, CHUNK, one, 0)

        def step(j, b, wait_prev_out):
            wait_gather(b)
            add_pos(b)
            start_out(j, b)
            if wait_prev_out:
                wait_out((b + LOOK) % NB)
            start_gather(j + LOOK, (b + LOOK) % NB)

        for k in range(LOOK):
            start_gather(k, k)
        for j in range(NB):
            step(j, j, j >= NB - LOOK)

        def outer(o, _):
            for b in range(NB):
                step(o * NB + b, b, True)
            return 0
        lax.fori_loop(1, n_main, outer, 0)

        for b in range(NB):
            j = n_main * NB + b
            wait_gather(b)
            add_pos(b)
            start_out(j, b)
            wait_out((b + LOOK) % NB)
            if j + LOOK < cpw:
                start_gather(j + LOOK, (b + LOOK) % NB)

        for t in range(tail):
            j = (n_main + 1) * NB + t
            b = j % NB
            wait_gather(b)
            add_pos(b)
            wait_out((b + LOOK) % NB)
            start_out(j, b)
        for t in range(NB - LOOK):
            wait_out((cpw - (NB - LOOK) + t) % NB)

    return pl.kernel(
        body,
        out_type=jax.ShapeDtypeStruct((total_tokens, EMBED_DIM), jnp.float32),
        mesh=mesh,
        compiler_params=pltpu.CompilerParams(use_tc_tiling_on_sc=False),
        scratch_types=(
            [pltpu.VMEM((cpw, CHUNK), jnp.int32),
             pltpu.VMEM((MAXLEN, EMBED_DIM), jnp.float32)]
            + [pltpu.VMEM((CHUNK, EMBED_DIM), jnp.float32)] * NB
            + [pltpu.SemaphoreType.DMA] * (2 * NB)
        ),
    )


@jax.jit
def kernel(x, token_table, pos_table):
    batch = x.shape[0]
    x2 = x.reshape(-1, CHUNK).astype(jnp.int32)
    out = _build(batch * MAXLEN)(x2, token_table, pos_table)
    return out.reshape(batch, MAXLEN, EMBED_DIM)

# --- scband reference (transcript-rebuilt; emitter-appended) ---
"""Pipeline reference for scband-token-and-position-embedding-10883447128508 (READ-ONLY COPY).

The authoritative reference and input builder live on the scoring server;
editing this copy changes nothing except your own understanding.
"""

import jax, jax.numpy as jnp
import numpy as np

MAXLEN = 200
VOCAB_SIZE = 100000
EMBED_DIM = 128
BATCH = 4096

def setup_inputs(seed: int = 0) -> dict:
    key = jax.random.key(seed)
    k1, k2, k3 = jax.random.split(key, 3)
    x = jax.random.randint(k1, (BATCH, MAXLEN), 0, VOCAB_SIZE, dtype=jnp.int64 if jax.config.jax_enable_x64 else jnp.int32)
    token_table = jax.random.normal(k2, (VOCAB_SIZE, EMBED_DIM), dtype=jnp.float32) * 0.05
    pos_table = jax.random.normal(k3, (MAXLEN, EMBED_DIM), dtype=jnp.float32) * 0.05
    return {"x": x, "token_table": token_table, "pos_table": pos_table}

def reference(x, token_table, pos_table):
    # positions = range(0, maxlen); pos_emb(positions) is a gather of the full position table
    positions = jnp.arange(0, MAXLEN)
    pos = jnp.take(pos_table, positions, axis=0)          # [MAXLEN, D]
    tok = jnp.take(token_table, x, axis=0)                # [B, MAXLEN, D]
    return tok + pos[None, :, :]

if __name__ == "__main__":
    import jax
    _d = setup_inputs()
    print(jax.jit(kernel)(*tuple(_d.values())))

</pallas_src>

<mosaic_0001>
#map = affine_map<(d0, d1) -> (0, 0)>
module attributes {stable_mosaic.version = 14 : i64} {
  func.func @body(%arg0: i32, %arg1: i32, %arg2: memref<8192x100xi32, #tpu.memory_space<hbm>>, %arg3: memref<100000x128xf32, #tpu.memory_space<hbm>>, %arg4: memref<200x128xf32, #tpu.memory_space<hbm>>, %arg5: memref<819200x128xf32, #tpu.memory_space<hbm>>, %arg6: memref<256x100xi32, #tpu.memory_space<vmem>>, %arg7: memref<200x128xf32, #tpu.memory_space<vmem>>, %arg8: memref<100x128xf32, #tpu.memory_space<vmem>>, %arg9: memref<100x128xf32, #tpu.memory_space<vmem>>, %arg10: memref<100x128xf32, #tpu.memory_space<vmem>>, %arg11: memref<100x128xf32, #tpu.memory_space<vmem>>, %arg12: memref<100x128xf32, #tpu.memory_space<vmem>>, %arg13: memref<100x128xf32, #tpu.memory_space<vmem>>, %arg14: memref<!tpu.dma_semaphore, #tpu.memory_space<semaphore_mem>>, %arg15: memref<!tpu.dma_semaphore, #tpu.memory_space<semaphore_mem>>, %arg16: memref<!tpu.dma_semaphore, #tpu.memory_space<semaphore_mem>>, %arg17: memref<!tpu.dma_semaphore, #tpu.memory_space<semaphore_mem>>, %arg18: memref<!tpu.dma_semaphore, #tpu.memory_space<semaphore_mem>>, %arg19: memref<!tpu.dma_semaphore, #tpu.memory_space<semaphore_mem>>, %arg20: memref<!tpu.dma_semaphore, #tpu.memory_space<semaphore_mem>>, %arg21: memref<!tpu.dma_semaphore, #tpu.memory_space<semaphore_mem>>, %arg22: memref<!tpu.dma_semaphore, #tpu.memory_space<semaphore_mem>>, %arg23: memref<!tpu.dma_semaphore, #tpu.memory_space<semaphore_mem>>, %arg24: memref<!tpu.dma_semaphore, #tpu.memory_space<semaphore_mem>>, %arg25: memref<!tpu.dma_semaphore, #tpu.memory_space<semaphore_mem>>) attributes {dimension_semantics = [#tpu.dimension_semantics<core_parallel>, #tpu.dimension_semantics<subcore_parallel>], iteration_bounds = array<i64: 2, 16>, scalar_prefetch = 0 : i64, scratch_operands = 20 : i64, tpu.core_type = #tpu.core_type<sc_vector_subcore>, window_params = [{transform_indices = #map}, {transform_indices = #map}, {transform_indices = #map}, {transform_indices = #map}]} {
    %mul3A = arith.constant 2 : i32
    %mul3A_0 = arith.muli %arg1, %mul3A : i32
    %add3A = arith.addi %mul3A_0, %arg0 : i32
    %mul3A_1 = arith.constant 256 : i32
    %mul3A_2 = arith.muli %add3A, %mul3A_1 : i32
    %mul3A_3 = arith.constant 100 : i32
    %mul3A_4 = arith.muli %mul3A_2, %mul3A_3 : i32
    "tpu.region"() ({
      %run_scoped3A = tpu.sem_alloc : memref<!tpu.dma_semaphore, #tpu.memory_space<semaphore_mem>>
      %dma_start3A_521 = arith.constant 0 : i32
      %dma_start3A_522 = tpu.memref_slice %arg2[%mul3A_2, %dma_start3A_521] : memref<8192x100xi32, #tpu.memory_space<hbm>> -> memref<256x100xi32, #tpu.memory_space<hbm>>
      %dma_start3A_523 = arith.constant 0 : i32
      %dma_start3A_524 = tpu.memref_slice %arg2[%mul3A_2, %dma_start3A_523] : memref<8192x100xi32, #tpu.memory_space<hbm>> -> memref<256x100xi32, #tpu.memory_space<hbm>>
      tpu.enqueue_dma source(%dma_start3A_524 : memref<256x100xi32, #tpu.memory_space<hbm>>) target(%arg6 : memref<256x100xi32, #tpu.memory_space<vmem>>) target_semaphore(%run_scoped3A : memref<!tpu.dma_semaphore, #tpu.memory_space<semaphore_mem>>)
      %dma_wait3A_525 = arith.constant 0 : i32
      %dma_wait3A_526 = tpu.memref_slice %arg2[%mul3A_2, %dma_wait3A_525] : memref<8192x100xi32, #tpu.memory_space<hbm>> -> memref<256x100xi32, #tpu.memory_space<hbm>>
      %dma_wait3A_527 = arith.constant 0 : i32
      %dma_wait3A_528 = tpu.memref_slice %arg2[%mul3A_2, %dma_wait3A_527] : memref<8192x100xi32, #tpu.memory_space<hbm>> -> memref<256x100xi32, #tpu.memory_space<hbm>>
      tpu.wait_dma2 semaphore(%run_scoped3A : memref<!tpu.dma_semaphore, #tpu.memory_space<semaphore_mem>>) src(%dma_wait3A_528 : memref<256x100xi32, #tpu.memory_space<hbm>>) dst(%arg6 : memref<256x100xi32, #tpu.memory_space<vmem>>)
      tpu.yield
    }) : () -> ()
    "tpu.region"() ({
      %run_scoped3A = tpu.sem_alloc : memref<!tpu.dma_semaphore, #tpu.memory_space<semaphore_mem>>
      tpu.enqueue_dma source(%arg4 : memref<200x128xf32, #tpu.memory_space<hbm>>) target(%arg7 : memref<200x128xf32, #tpu.memory_space<vmem>>) target_semaphore(%run_scoped3A : memref<!tpu.dma_semaphore, #tpu.memory_space<semaphore_mem>>)
      tpu.wait_dma2 semaphore(%run_scoped3A : memref<!tpu.dma_semaphore, #tpu.memory_space<semaphore_mem>>) src(%arg4 : memref<200x128xf32, #tpu.memory_space<hbm>>) dst(%arg7 : memref<200x128xf32, #tpu.memory_space<vmem>>)
      tpu.yield
    }) : () -> ()
    %dma_start3A = arith.constant 0 : i32
    %dma_start3A_5 = arith.constant 0 : i32
    %dma_start3A_6 = tpu.memref_slice %arg6[%dma_start3A, %dma_start3A_5] : memref<256x100xi32, #tpu.memory_space<vmem>> -> memref<1x100xi32, #tpu.memory_space<vmem>>
    %dma_start3A_7 = tpu.memref_squeeze %dma_start3A_6 : memref<1x100xi32, #tpu.memory_space<vmem>> -> memref<100xi32, #tpu.memory_space<vmem>>
    %dma_start3A_8 = arith.constant 0 : i32
    %dma_start3A_9 = arith.constant 0 : i32
    %dma_start3A_10 = tpu.memref_slice %arg3[%dma_start3A_8, %dma_start3A_9] : memref<100000x128xf32, #tpu.memory_space<hbm>> -> memref<100000x128xf32, #tpu.memory_space<hbm>>
    tpu.enqueue_indirect_dma source(%dma_start3A_10 : memref<100000x128xf32, #tpu.memory_space<hbm>>) target(%arg8 : memref<100x128xf32, #tpu.memory_space<vmem>>) offsets(%dma_start3A_7 : memref<100xi32, #tpu.memory_space<vmem>>) semaphore(%arg14 : memref<!tpu.dma_semaphore, #tpu.memory_space<semaphore_mem>>)
    %dma_start3A_11 = arith.constant 1 : i32
    %dma_start3A_12 = arith.constant 0 : i32
    %dma_start3A_13 = tpu.memref_slice %arg6[%dma_start3A_11, %dma_start3A_12] : memref<256x100xi32, #tpu.memory_space<vmem>> -> memref<1x100xi32, #tpu.memory_space<vmem>>
    %dma_start3A_14 = tpu.memref_squeeze %dma_start3A_13 : memref<1x100xi32, #tpu.memory_space<vmem>> -> memref<100xi32, #tpu.memory_space<vmem>>
    %dma_start3A_15 = arith.constant 0 : i32
    %dma_start3A_16 = arith.constant 0 : i32
    %dma_start3A_17 = tpu.memref_slice %arg3[%dma_start3A_15, %dma_start3A_16] : memref<100000x128xf32, #tpu.memory_space<hbm>> -> memref<100000x128xf32, #tpu.memory_space<hbm>>
    tpu.enqueue_indirect_dma source(%dma_start3A_17 : memref<100000x128xf32, #tpu.memory_space<hbm>>) target(%arg9 : memref<100x128xf32, #tpu.memory_space<vmem>>) offsets(%dma_start3A_14 : memref<100xi32, #tpu.memory_space<vmem>>) semaphore(%arg15 : memref<!tpu.dma_semaphore, #tpu.memory_space<semaphore_mem>>)
    %dma_start3A_18 = arith.constant 2 : i32
    %dma_start3A_19 = arith.constant 0 : i32
    %dma_start3A_20 = tpu.memref_slice %arg6[%dma_start3A_18, %dma_start3A_19] : memref<256x100xi32, #tpu.memory_space<vmem>> -> memref<1x100xi32, #tpu.memory_space<vmem>>
    %dma_start3A_21 = tpu.memref_squeeze %dma_start3A_20 : memref<1x100xi32, #tpu.memory_space<vmem>> -> memref<100xi32, #tpu.memory_space<vmem>>
    %dma_start3A_22 = arith.constant 0 : i32
    %dma_start3A_23 = arith.constant 0 : i32
    %dma_start3A_24 = tpu.memref_slice %arg3[%dma_start3A_22, %dma_start3A_23] : memref<100000x128xf32, #tpu.memory_space<hbm>> -> memref<100000x128xf32, #tpu.memory_space<hbm>>
    tpu.enqueue_indirect_dma source(%dma_start3A_24 : memref<100000x128xf32, #tpu.memory_space<hbm>>) target(%arg10 : memref<100x128xf32, #tpu.memory_space<vmem>>) offsets(%dma_start3A_21 : memref<100xi32, #tpu.memory_space<vmem>>) semaphore(%arg16 : memref<!tpu.dma_semaphore, #tpu.memory_space<semaphore_mem>>)
    %dma_start3A_25 = arith.constant 3 : i32
    %dma_start3A_26 = arith.constant 0 : i32
    %dma_start3A_27 = tpu.memref_slice %arg6[%dma_start3A_25, %dma_start3A_26] : memref<256x100xi32, #tpu.memory_space<vmem>> -> memref<1x100xi32, #tpu.memory_space<vmem>>
    %dma_start3A_28 = tpu.memref_squeeze %dma_start3A_27 : memref<1x100xi32, #tpu.memory_space<vmem>> -> memref<100xi32, #tpu.memory_space<vmem>>
    %dma_start3A_29 = arith.constant 0 : i32
    %dma_start3A_30 = arith.constant 0 : i32
    %dma_start3A_31 = tpu.memref_slice %arg3[%dma_start3A_29, %dma_start3A_30] : memref<100000x128xf32, #tpu.memory_space<hbm>> -> memref<100000x128xf32, #tpu.memory_space<hbm>>
    tpu.enqueue_indirect_dma source(%dma_start3A_31 : memref<100000x128xf32, #tpu.memory_space<hbm>>) target(%arg11 : memref<100x128xf32, #tpu.memory_space<vmem>>) offsets(%dma_start3A_28 : memref<100xi32, #tpu.memory_space<vmem>>) semaphore(%arg17 : memref<!tpu.dma_semaphore, #tpu.memory_space<semaphore_mem>>)
    %dma_wait3A = arith.constant 0 : i32
    %dma_wait3A_32 = arith.constant 0 : i32
    %dma_wait3A_33 = tpu.memref_slice %arg3[%dma_wait3A, %dma_wait3A_32] : memref<100000x128xf32, #tpu.memory_space<hbm>> -> memref<100x128xf32, #tpu.memory_space<hbm>>
    %dma_wait3A_34 = arith.constant 0 : i32
    %dma_wait3A_35 = arith.constant 0 : i32
    %dma_wait3A_36 = tpu.memref_slice %arg3[%dma_wait3A_34, %dma_wait3A_35] : memref<100000x128xf32, #tpu.memory_space<hbm>> -> memref<100x128xf32, #tpu.memory_space<hbm>>
    tpu.wait_dma2 semaphore(%arg14 : memref<!tpu.dma_semaphore, #tpu.memory_space<semaphore_mem>>) src(%dma_wait3A_36 : memref<100x128xf32, #tpu.memory_space<hbm>>) dst(%arg8 : memref<100x128xf32, #tpu.memory_space<vmem>>)
    %scan3A = arith.constant 0 : i32
    %scan3A_37 = arith.constant 0 : i32
    %scan3A_38 = arith.constant 100 : i32
    %scan3A_39 = arith.addi %scan3A_37, %scan3A_38 : i32
    %scan3A_40 = arith.constant 1 : i32
    %scan3A_41 = scf.for %scan3A_521 = %scan3A_37 to %scan3A_39 step %scan3A_40 iter_args(%scan3A_522 = %scan3A) -> (i32)  : i32 {
      %add3A_523 = arith.constant 0 : i32
      %add3A_524 = arith.addi %add3A_523, %scan3A_521 : i32
      %get3A = arith.index_cast %add3A_524 : i32 to index
      %get3A_525 = arith.constant 0 : index
      %get3A_526 = tpu.vector_load %arg7[%get3A, %get3A_525] {strides = array<i32>} : memref<200x128xf32, #tpu.memory_space<vmem>>, vector<1x16xf32>,
      %get3A_527 = vector.shape_cast %get3A_526 : vector<1x16xf32> to vector<16xf32>
      %swap3A = arith.index_cast %scan3A_521 : i32 to index
      %swap3A_528 = arith.constant 0 : index
      %swap3A_529 = tpu.vector_load %arg8[%swap3A, %swap3A_528] {strides = array<i32>} : memref<100x128xf32, #tpu.memory_space<vmem>>, vector<1x16xf32>,
      %swap3A_530 = vector.shape_cast %swap3A_529 : vector<1x16xf32> to vector<16xf32>
      %swap3A_531 = vector.shape_cast %get3A_527 : vector<16xf32> to vector<1x16xf32>
      tpu.vector_store %arg8[%swap3A, %swap3A_528], %swap3A_531 {add = true, strides = array<i32>} : memref<100x128xf32, #tpu.memory_space<vmem>>, vector<1x16xf32>,
      %add3A_532 = arith.constant 0 : i32
      %add3A_533 = arith.addi %add3A_532, %scan3A_521 : i32
      %get3A_534 = arith.index_cast %add3A_533 : i32 to index
      %get3A_535 = arith.constant 16 : index
      %get3A_536 = tpu.vector_load %arg7[%get3A_534, %get3A_535] {strides = array<i32>} : memref<200x128xf32, #tpu.memory_space<vmem>>, vector<1x16xf32>,
      %get3A_537 = vector.shape_cast %get3A_536 : vector<1x16xf32> to vector<16xf32>
      %swap3A_538 = arith.index_cast %scan3A_521 : i32 to index
      %swap3A_539 = arith.constant 16 : index
      %swap3A_540 = tpu.vector_load %arg8[%swap3A_538, %swap3A_539] {strides = array<i32>} : memref<100x128xf32, #tpu.memory_space<vmem>>, vector<1x16xf32>,
      %swap3A_541 = vector.shape_cast %swap3A_540 : vector<1x16xf32> to vector<16xf32>
      %swap3A_542 = vector.shape_cast %get3A_537 : vector<16xf32> to vector<1x16xf32>
      tpu.vector_store %arg8[%swap3A_538, %swap3A_539], %swap3A_542 {add = true, strides = array<i32>} : memref<100x128xf32, #tpu.memory_space<vmem>>, vector<1x16xf32>,
      %add3A_543 = arith.constant 0 : i32
      %add3A_544 = arith.addi %add3A_543, %scan3A_521 : i32
      %get3A_545 = arith.index_cast %add3A_544 : i32 to index
      %get3A_546 = arith.constant 32 : index
      %get3A_547 = tpu.vector_load %arg7[%get3A_545, %get3A_546] {strides = array<i32>} : memref<200x128xf32, #tpu.memory_space<vmem>>, vector<1x16xf32>,
      %get3A_548 = vector.shape_cast %get3A_547 : vector<1x16xf32> to vector<16xf32>
      %swap3A_549 = arith.index_cast %scan3A_521 : i32 to index
      %swap3A_550 = arith.constant 32 : index
      %swap3A_551 = tpu.vector_load %arg8[%swap3A_549, %swap3A_550] {strides = array<i32>} : memref<100x128xf32, #tpu.memory_space<vmem>>, vector<1x16xf32>,
      %swap3A_552 = vector.shape_cast %swap3A_551 : vector<1x16xf32> to vector<16xf32>
      %swap3A_553 = vector.shape_cast %get3A_548 : vector<16xf32> to vector<1x16xf32>
      tpu.vector_store %arg8[%swap3A_549, %swap3A_550], %swap3A_553 {add = true, strides = array<i32>} : memref<100x128xf32, #tpu.memory_space<vmem>>, vector<1x16xf32>,
      %add3A_554 = arith.constant 0 : i32
      %add3A_555 = arith.addi %add3A_554, %scan3A_521 : i32
      %get3A_556 = arith.index_cast %add3A_555 : i32 to index
      %get3A_557 = arith.constant 48 : index
      %get3A_558 = tpu.vector_load %arg7[%get3A_556, %get3A_557] {strides = array<i32>} : memref<200x128xf32, #tpu.memory_space<vmem>>, vector<1x16xf32>,
      %get3A_559 = vector.shape_cast %get3A_558 : vector<1x16xf32> to vector<16xf32>
      %swap3A_560 = arith.index_cast %scan3A_521 : i32 to index
      %swap3A_561 = arith.constant 48 : index
      %swap3A_562 = tpu.vector_load %arg8[%swap3A_560, %swap3A_561] {strides = array<i32>} : memref<100x128xf32, #tpu.memory_space<vmem>>, vector<1x16xf32>,
      %swap3A_563 = vector.shape_cast %swap3A_562 : vector<1x16xf32> to vector<16xf32>
      %swap3A_564 = vector.shape_cast %get3A_559 : vector<16xf32> to vector<1x16xf32>
      tpu.vector_store %arg8[%swap3A_560, %swap3A_561], %swap3A_564 {add = true, strides = array<i32>} : memref<100x128xf32, #tpu.memory_space<vmem>>, vector<1x16xf32>,
      %add3A_565 = arith.constant 0 : i32
      %add3A_566 = arith.addi %add3A_565, %scan3A_521 : i32
      %get3A_567 = arith.index_cast %add3A_566 : i32 to index
      %get3A_568 = arith.constant 64 : index
      %get3A_569 = tpu.vector_load %arg7[%get3A_567, %get3A_568] {strides = array<i32>} : memref<200x128xf32, #tpu.memory_space<vmem>>, vector<1x16xf32>,
      %get3A_570 = vector.shape_cast %get3A_569 : vector<1x16xf32> to vector<16xf32>
      %swap3A_571 = arith.index_cast %scan3A_521 : i32 to index
      %swap3A_572 = arith.constant 64 : index
      %swap3A_573 = tpu.vector_load %arg8[%swap3A_571, %swap3A_572] {strides = array<i32>} : memref<100x128xf32, #tpu.memory_space<vmem>>, vector<1x16xf32>,
      %swap3A_574 = vector.shape_cast %swap3A_573 : vector<1x16xf32> to vector<16xf32>
      %swap3A_575 = vector.shape_cast %get3A_570 : vector<16xf32> to vector<1x16xf32>
      tpu.vector_store %arg8[%swap3A_571, %swap3A_572], %swap3A_575 {add = true, strides = array<i32>} : memref<100x128xf32, #tpu.memory_space<vmem>>, vector<1x16xf32>,
      %add3A_576 = arith.constant 0 : i32
      %add3A_577 = arith.addi %add3A_576, %scan3A_521 : i32
      %get3A_578 = arith.index_cast %add3A_577 : i32 to index
      %get3A_579 = arith.constant 80 : index
      %get3A_580 = tpu.vector_load %arg7[%get3A_578, %get3A_579] {strides = array<i32>} : memref<200x128xf32, #tpu.memory_space<vmem>>, vector<1x16xf32>,
      %get3A_581 = vector.shape_cast %get3A_580 : vector<1x16xf32> to vector<16xf32>
      %swap3A_582 = arith.index_cast %scan3A_521 : i32 to index
      %swap3A_583 = arith.constant 80 : index
      %swap3A_584 = tpu.vector_load %arg8[%swap3A_582, %swap3A_583] {strides = array<i32>} : memref<100x128xf32, #tpu.memory_space<vmem>>, vector<1x16xf32>,
      %swap3A_585 = vector.shape_cast %swap3A_584 : vector<1x16xf32> to vector<16xf32>
      %swap3A_586 = vector.shape_cast %get3A_581 : vector<16xf32> to vector<1x16xf32>
      tpu.vector_store %arg8[%swap3A_582, %swap3A_583], %swap3A_586 {add = true, strides = array<i32>} : memref<100x128xf32, #tpu.memory_space<vmem>>, vector<1x16xf32>,
      %add3A_587 = arith.constant 0 : i32
      %add3A_588 = arith.addi %add3A_587, %scan3A_521 : i32
      %get3A_589 = arith.index_cast %add3A_588 : i32 to index
      %get3A_590 = arith.constant 96 : index
      %get3A_591 = tpu.vector_load %arg7[%get3A_589, %get3A_590] {strides = array<i32>} : memref<200x128xf32, #tpu.memory_space<vmem>>, vector<1x16xf32>,
      %get3A_592 = vector.shape_cast %get3A_591 : vector<1x16xf32> to vector<16xf32>
      %swap3A_593 = arith.index_cast %scan3A_521 : i32 to index
      %swap3A_594 = arith.constant 96 : index
      %swap3A_595 = tpu.vector_load %arg8[%swap3A_593, %swap3A_594] {strides = array<i32>} : memref<100x128xf32, #tpu.memory_space<vmem>>, vector<1x16xf32>,
      %swap3A_596 = vector.shape_cast %swap3A_595 : vector<1x16xf32> to vector<16xf32>
      %swap3A_597 = vector.shape_cast %get3A_592 : vector<16xf32> to vector<1x16xf32>
      tpu.vector_store %arg8[%swap3A_593, %swap3A_594], %swap3A_597 {add = true, strides = array<i32>} : memref<100x128xf32, #tpu.memory_space<vmem>>, vector<1x16xf32>,
      %add3A_598 = arith.constant 0 : i32
      %add3A_599 = arith.addi %add3A_598, %scan3A_521 : i32
      %get3A_600 = arith.index_cast %add3A_599 : i32 to index
      %get3A_601 = arith.constant 112 : index
      %get3A_602 = tpu.vector_load %arg7[%get3A_600, %get3A_601] {strides = array<i32>} : memref<200x128xf32, #tpu.memory_space<vmem>>, vector<1x16xf32>,
      %get3A_603 = vector.shape_cast %get3A_602 : vector<1x16xf32> to vector<16xf32>
      %swap3A_604 = arith.index_cast %scan3A_521 : i32 to index
      %swap3A_605 = arith.constant 112 : index
      %swap3A_606 = tpu.vector_load %arg8[%swap3A_604, %swap3A_605] {strides = array<i32>} : memref<100x128xf32, #tpu.memory_space<vmem>>, vector<1x16xf32>,
      %swap3A_607 = vector.shape_cast %swap3A_606 : vector<1x16xf32> to vector<16xf32>
      %swap3A_608 = vector.shape_cast %get3A_603 : vector<16xf32> to vector<1x16xf32>
      tpu.vector_store %arg8[%swap3A_604, %swap3A_605], %swap3A_608 {add = true, strides = array<i32>} : memref<100x128xf32, #tpu.memory_space<vmem>>, vector<1x16xf32>,
      %scan3A_609 = arith.constant 0 : i32
      scf.yield %scan3A_609 : i32
    }
    %scan3A_42 = arith.constant 100 : i32
    %add3A_43 = arith.constant 0 : i32
    %add3A_44 = arith.addi %mul3A_4, %add3A_43 : i32
    %dma_start3A_45 = arith.constant 0 : i32
    %dma_start3A_46 = tpu.memref_slice %arg5[%add3A_44, %dma_start3A_45] : memref<819200x128xf32, #tpu.memory_space<hbm>> -> memref<100x128xf32, #tpu.memory_space<hbm>>
    %dma_start3A_47 = arith.constant 0 : i32
    %dma_start3A_48 = tpu.memref_slice %arg5[%add3A_44, %dma_start3A_47] : memref<819200x128xf32, #tpu.memory_space<hbm>> -> memref<100x128xf32, #tpu.memory_space<hbm>>
    tpu.enqueue_dma source(%arg8 : memref<100x128xf32, #tpu.memory_space<vmem>>) target(%dma_start3A_48 : memref<100x128xf32, #tpu.memory_space<hbm>>) target_semaphore(%arg20 : memref<!tpu.dma_semaphore, #tpu.memory_space<semaphore_mem>>)
    %dma_start3A_49 = arith.constant 4 : i32
    %dma_start3A_50 = arith.constant 0 : i32
    %dma_start3A_51 = tpu.memref_slice %arg6[%dma_start3A_49, %dma_start3A_50] : memref<256x100xi32, #tpu.memory_space<vmem>> -> memref<1x100xi32, #tpu.memory_space<vmem>>
    %dma_start3A_52 = tpu.memref_squeeze %dma_start3A_51 : memref<1x100xi32, #tpu.memory_space<vmem>> -> memref<100xi32, #tpu.memory_space<vmem>>
    %dma_start3A_53 = arith.constant 0 : i32
    %dma_start3A_54 = arith.constant 0 : i32
    %dma_start3A_55 = tpu.memref_slice %arg3[%dma_start3A_53, %dma_start3A_54] : memref<100000x128xf32, #tpu.memory_space<hbm>> -> memref<100000x128xf32, #tpu.memory_space<hbm>>
    tpu.enqueue_indirect_dma source(%dma_start3A_55 : memref<100000x128xf32, #tpu.memory_space<hbm>>) target(%arg12 : memref<100x128xf32, #tpu.memory_space<vmem>>) offsets(%dma_start3A_52 : memref<100xi32, #tpu.memory_space<vmem>>) semaphore(%arg18 : memref<!tpu.dma_semaphore, #tpu.memory_space<semaphore_mem>>)
    %dma_wait3A_56 = arith.constant 0 : i32
    %dma_wait3A_57 = arith.constant 0 : i32
    %dma_wait3A_58 = tpu.memref_slice %arg3[%dma_wait3A_56, %dma_wait3A_57] : memref<100000x128xf32, #tpu.memory_space<hbm>> -> memref<100x128xf32, #tpu.memory_space<hbm>>
    %dma_wait3A_59 = arith.constant 0 : i32
    %dma_wait3A_60 = arith.constant 0 : i32
    %dma_wait3A_61 = tpu.memref_slice %arg3[%dma_wait3A_59, %dma_wait3A_60] : memref<100000x128xf32, #tpu.memory_space<hbm>> -> memref<100x128xf32, #tpu.memory_space<hbm>>
    tpu.wait_dma2 semaphore(%arg15 : memref<!tpu.dma_semaphore, #tpu.memory_space<semaphore_mem>>) src(%dma_wait3A_61 : memref<100x128xf32, #tpu.memory_space<hbm>>) dst(%arg9 : memref<100x128xf32, #tpu.memory_space<vmem>>)
    %scan3A_62 = arith.constant 0 : i32
    %scan3A_63 = arith.constant 0 : i32
    %scan3A_64 = arith.constant 100 : i32
    %scan3A_65 = arith.addi %scan3A_63, %scan3A_64 : i32
    %scan3A_66 = arith.constant 1 : i32
    %scan3A_67 = scf.for %scan3A_521 = %scan3A_63 to %scan3A_65 step %scan3A_66 iter_args(%scan3A_522 = %scan3A_62) -> (i32)  : i32 {
      %add3A_523 = arith.constant 100 : i32
      %add3A_524 = arith.addi %add3A_523, %scan3A_521 : i32
      %get3A = arith.index_cast %add3A_524 : i32 to index
      %get3A_525 = arith.constant 0 : index
      %get3A_526 = tpu.vector_load %arg7[%get3A, %get3A_525] {strides = array<i32>} : memref<200x128xf32, #tpu.memory_space<vmem>>, vector<1x16xf32>,
      %get3A_527 = vector.shape_cast %get3A_526 : vector<1x16xf32> to vector<16xf32>
      %swap3A = arith.index_cast %scan3A_521 : i32 to index
      %swap3A_528 = arith.constant 0 : index
      %swap3A_529 = tpu.vector_load %arg9[%swap3A, %swap3A_528] {strides = array<i32>} : memref<100x128xf32, #tpu.memory_space<vmem>>, vector<1x16xf32>,
      %swap3A_530 = vector.shape_cast %swap3A_529 : vector<1x16xf32> to vector<16xf32>
      %swap3A_531 = vector.shape_cast %get3A_527 : vector<16xf32> to vector<1x16xf32>
      tpu.vector_store %arg9[%swap3A, %swap3A_528], %swap3A_531 {add = true, strides = array<i32>} : memref<100x128xf32, #tpu.memory_space<vmem>>, vector<1x16xf32>,
      %add3A_532 = arith.constant 100 : i32
      %add3A_533 = arith.addi %add3A_532, %scan3A_521 : i32
      %get3A_534 = arith.index_cast %add3A_533 : i32 to index
      %get3A_535 = arith.constant 16 : index
      %get3A_536 = tpu.vector_load %arg7[%get3A_534, %get3A_535] {strides = array<i32>} : memref<200x128xf32, #tpu.memory_space<vmem>>, vector<1x16xf32>,
      %get3A_537 = vector.shape_cast %get3A_536 : vector<1x16xf32> to vector<16xf32>
      %swap3A_538 = arith.index_cast %scan3A_521 : i32 to index
      %swap3A_539 = arith.constant 16 : index
      %swap3A_540 = tpu.vector_load %arg9[%swap3A_538, %swap3A_539] {strides = array<i32>} : memref<100x128xf32, #tpu.memory_space<vmem>>, vector<1x16xf32>,
      %swap3A_541 = vector.shape_cast %swap3A_540 : vector<1x16xf32> to vector<16xf32>
      %swap3A_542 = vector.shape_cast %get3A_537 : vector<16xf32> to vector<1x16xf32>
      tpu.vector_store %arg9[%swap3A_538, %swap3A_539], %swap3A_542 {add = true, strides = array<i32>} : memref<100x128xf32, #tpu.memory_space<vmem>>, vector<1x16xf32>,
      %add3A_543 = arith.constant 100 : i32
      %add3A_544 = arith.addi %add3A_543, %scan3A_521 : i32
      %get3A_545 = arith.index_cast %add3A_544 : i32 to index
      %get3A_546 = arith.constant 32 : index
      %get3A_547 = tpu.vector_load %arg7[%get3A_545, %get3A_546] {strides = array<i32>} : memref<200x128xf32, #tpu.memory_space<vmem>>, vector<1x16xf32>,
      %get3A_548 = vector.shape_cast %get3A_547 : vector<1x16xf32> to vector<16xf32>
      %swap3A_549 = arith.index_cast %scan3A_521 : i32 to index
      %swap3A_550 = arith.constant 32 : index
      %swap3A_551 = tpu.vector_load %arg9[%swap3A_549, %swap3A_550] {strides = array<i32>} : memref<100x128xf32, #tpu.memory_space<vmem>>, vector<1x16xf32>,
      %swap3A_552 = vector.shape_cast %swap3A_551 : vector<1x16xf32> to vector<16xf32>
      %swap3A_553 = vector.shape_cast %get3A_548 : vector<16xf32> to vector<1x16xf32>
      tpu.vector_store %arg9[%swap3A_549, %swap3A_550], %swap3A_553 {add = true, strides = array<i32>} : memref<100x128xf32, #tpu.memory_space<vmem>>, vector<1x16xf32>,
      %add3A_554 = arith.constant 100 : i32
      %add3A_555 = arith.addi %add3A_554, %scan3A_521 : i32
      %get3A_556 = arith.index_cast %add3A_555 : i32 to index
      %get3A_557 = arith.constant 48 : index
      %get3A_558 = tpu.vector_load %arg7[%get3A_556, %get3A_557] {strides = array<i32>} : memref<200x128xf32, #tpu.memory_space<vmem>>, vector<1x16xf32>,
      %get3A_559 = vector.shape_cast %get3A_558 : vector<1x16xf32> to vector<16xf32>
      %swap3A_560 = arith.index_cast %scan3A_521 : i32 to index
      %swap3A_561 = arith.constant 48 : index
      %swap3A_562 = tpu.vector_load %arg9[%swap3A_560, %swap3A_561] {strides = array<i32>} : memref<100x128xf32, #tpu.memory_space<vmem>>, vector<1x16xf32>,
      %swap3A_563 = vector.shape_cast %swap3A_562 : vector<1x16xf32> to vector<16xf32>
      %swap3A_564 = vector.shape_cast %get3A_559 : vector<16xf32> to vector<1x16xf32>
      tpu.vector_store %arg9[%swap3A_560, %swap3A_561], %swap3A_564 {add = true, strides = array<i32>} : memref<100x128xf32, #tpu.memory_space<vmem>>, vector<1x16xf32>,
      %add3A_565 = arith.constant 100 : i32
      %add3A_566 = arith.addi %add3A_565, %scan3A_521 : i32
      %get3A_567 = arith.index_cast %add3A_566 : i32 to index
      %get3A_568 = arith.constant 64 : index
      %get3A_569 = tpu.vector_load %arg7[%get3A_567, %get3A_568] {strides = array<i32>} : memref<200x128xf32, #tpu.memory_space<vmem>>, vector<1x16xf32>,
      %get3A_570 = vector.shape_cast %get3A_569 : vector<1x16xf32> to vector<16xf32>
      %swap3A_571 = arith.index_cast %scan3A_521 : i32 to index
      %swap3A_572 = arith.constant 64 : index
      %swap3A_573 = tpu.vector_load %arg9[%swap3A_571, %swap3A_572] {strides = array<i32>} : memref<100x128xf32, #tpu.memory_space<vmem>>, vector<1x16xf32>,
      %swap3A_574 = vector.shape_cast %swap3A_573 : vector<1x16xf32> to vector<16xf32>
      %swap3A_575 = vector.shape_cast %get3A_570 : vector<16xf32> to vector<1x16xf32>
      tpu.vector_store %arg9[%swap3A_571, %swap3A_572], %swap3A_575 {add = true, strides = array<i32>} : memref<100x128xf32, #tpu.memory_space<vmem>>, vector<1x16xf32>,
      %add3A_576 = arith.constant 100 : i32
      %add3A_577 = arith.addi %add3A_576, %scan3A_521 : i32
      %get3A_578 = arith.index_cast %add3A_577 : i32 to index
      %get3A_579 = arith.constant 80 : index
      %get3A_580 = tpu.vector_load %arg7[%get3A_578, %get3A_579] {strides = array<i32>} : memref<200x128xf32, #tpu.memory_space<vmem>>, vector<1x16xf32>,
      %get3A_581 = vector.shape_cast %get3A_580 : vector<1x16xf32> to vector<16xf32>
      %swap3A_582 = arith.index_cast %scan3A_521 : i32 to index
      %swap3A_583 = arith.constant 80 : index
      %swap3A_584 = tpu.vector_load %arg9[%swap3A_582, %swap3A_583] {strides = array<i32>} : memref<100x128xf32, #tpu.memory_space<vmem>>, vector<1x16xf32>,
      %swap3A_585 = vector.shape_cast %swap3A_584 : vector<1x16xf32> to vector<16xf32>
      %swap3A_586 = vector.shape_cast %get3A_581 : vector<16xf32> to vector<1x16xf32>
      tpu.vector_store %arg9[%swap3A_582, %swap3A_583], %swap3A_586 {add = true, strides = array<i32>} : memref<100x128xf32, #tpu.memory_space<vmem>>, vector<1x16xf32>,
      %add3A_587 = arith.constant 100 : i32
      %add3A_588 = arith.addi %add3A_587, %scan3A_521 : i32
      %get3A_589 = arith.index_cast %add3A_588 : i32 to index
      %get3A_590 = arith.constant 96 : index
      %get3A_591 = tpu.vector_load %arg7[%get3A_589, %get3A_590] {strides = array<i32>} : memref<200x128xf32, #tpu.memory_space<vmem>>, vector<1x16xf32>,
      %get3A_592 = vector.shape_cast %get3A_591 : vector<1x16xf32> to vector<16xf32>
      %swap3A_593 = arith.index_cast %scan3A_521 : i32 to index
      %swap3A_594 = arith.constant 96 : index
      %swap3A_595 = tpu.vector_load %arg9[%swap3A_593, %swap3A_594] {strides = array<i32>} : memref<100x128xf32, #tpu.memory_space<vmem>>, vector<1x16xf32>,
      %swap3A_596 = vector.shape_cast %swap3A_595 : vector<1x16xf32> to vector<16xf32>
      %swap3A_597 = vector.shape_cast %get3A_592 : vector<16xf32> to vector<1x16xf32>
      tpu.vector_store %arg9[%swap3A_593, %swap3A_594], %swap3A_597 {add = true, strides = array<i32>} : memref<100x128xf32, #tpu.memory_space<vmem>>, vector<1x16xf32>,
      %add3A_598 = arith.constant 100 : i32
      %add3A_599 = arith.addi %add3A_598, %scan3A_521 : i32
      %get3A_600 = arith.index_cast %add3A_599 : i32 to index
      %get3A_601 = arith.constant 112 : index
      %get3A_602 = tpu.vector_load %arg7[%get3A_600, %get3A_601] {strides = array<i32>} : memref<200x128xf32, #tpu.memory_space<vmem>>, vector<1x16xf32>,
      %get3A_603 = vector.shape_cast %get3A_602 : vector<1x16xf32> to vector<16xf32>
      %swap3A_604 = arith.index_cast %scan3A_521 : i32 to index
      %swap3A_605 = arith.constant 112 : index
      %swap3A_606 = tpu.vector_load %arg9[%swap3A_604, %swap3A_605] {strides = array<i32>} : memref<100x128xf32, #tpu.memory_space<vmem>>, vector<1x16xf32>,
      %swap3A_607 = vector.shape_cast %swap3A_606 : vector<1x16xf32> to vector<16xf32>
      %swap3A_608 = vector.shape_cast %get3A_603 : vector<16xf32> to vector<1x16xf32>
      tpu.vector_store %arg9[%swap3A_604, %swap3A_605], %swap3A_608 {add = true, strides = array<i32>} : memref<100x128xf32, #tpu.memory_space<vmem>>, vector<1x16xf32>,
      %scan3A_609 = arith.constant 0 : i32
      scf.yield %scan3A_609 : i32
    }
    %scan3A_68 = arith.constant 100 : i32
    %add3A_69 = arith.constant 100 : i32
    %add3A_70 = arith.addi %mul3A_4, %add3A_69 : i32
    %dma_start3A_71 = arith.constant 0 : i32
    %dma_start3A_72 = tpu.memref_slice %arg5[%add3A_70, %dma_start3A_71] : memref<819200x128xf32, #tpu.memory_space<hbm>> -> memref<100x128xf32, #tpu.memory_space<hbm>>
    %dma_start3A_73 = arith.constant 0 : i32
    %dma_start3A_74 = tpu.memref_slice %arg5[%add3A_70, %dma_start3A_73] : memref<819200x128xf32, #tpu.memory_space<hbm>> -> memref<100x128xf32, #tpu.memory_space<hbm>>
    tpu.enqueue_dma source(%arg9 : memref<100x128xf32, #tpu.memory_space<vmem>>) target(%dma_start3A_74 : memref<100x128xf32, #tpu.memory_space<hbm>>) target_semaphore(%arg21 : memref<!tpu.dma_semaphore, #tpu.memory_space<semaphore_mem>>)
    %dma_start3A_75 = arith.constant 5 : i32
    %dma_start3A_76 = arith.constant 0 : i32
    %dma_start3A_77 = tpu.memref_slice %arg6[%dma_start3A_75, %dma_start3A_76] : memref<256x100xi32, #tpu.memory_space<vmem>> -> memref<1x100xi32, #tpu.memory_space<vmem>>
    %dma_start3A_78 = tpu.memref_squeeze %dma_start3A_77 : memref<1x100xi32, #tpu.memory_space<vmem>> -> memref<100xi32, #tpu.memory_space<vmem>>
    %dma_start3A_79 = arith.constant 0 : i32
    %dma_start3A_80 = arith.constant 0 : i32
    %dma_start3A_81 = tpu.memref_slice %arg3[%dma_start3A_79, %dma_start3A_80] : memref<100000x128xf32, #tpu.memory_space<hbm>> -> memref<100000x128xf32, #tpu.memory_space<hbm>>
    tpu.enqueue_indirect_dma source(%dma_start3A_81 : memref<100000x128xf32, #tpu.memory_space<hbm>>) target(%arg13 : memref<100x128xf32, #tpu.memory_space<vmem>>) offsets(%dma_start3A_78 : memref<100xi32, #tpu.memory_space<vmem>>) semaphore(%arg19 : memref<!tpu.dma_semaphore, #tpu.memory_space<semaphore_mem>>)
    %dma_wait3A_82 = arith.constant 0 : i32
    %dma_wait3A_83 = arith.constant 0 : i32
    %dma_wait3A_84 = tpu.memref_slice %arg3[%dma_wait3A_82, %dma_wait3A_83] : memref<100000x128xf32, #tpu.memory_space<hbm>> -> memref<100x128xf32, #tpu.memory_space<hbm>>
    %dma_wait3A_85 = arith.constant 0 : i32
    %dma_wait3A_86 = arith.constant 0 : i32
    %dma_wait3A_87 = tpu.memref_slice %arg3[%dma_wait3A_85, %dma_wait3A_86] : memref<100000x128xf32, #tpu.memory_space<hbm>> -> memref<100x128xf32, #tpu.memory_space<hbm>>
    tpu.wait_dma2 semaphore(%arg16 : memref<!tpu.dma_semaphore, #tpu.memory_space<semaphore_mem>>) src(%dma_wait3A_87 : memref<100x128xf32, #tpu.memory_space<hbm>>) dst(%arg10 : memref<100x128xf32, #tpu.memory_space<vmem>>)
    %scan3A_88 = arith.constant 0 : i32
    %scan3A_89 = arith.constant 0 : i32
    %scan3A_90 = arith.constant 100 : i32
    %scan3A_91 = arith.addi %scan3A_89, %scan3A_90 : i32
    %scan3A_92 = arith.constant 1 : i32
    %scan3A_93 = scf.for %scan3A_521 = %scan3A_89 to %scan3A_91 step %scan3A_92 iter_args(%scan3A_522 = %scan3A_88) -> (i32)  : i32 {
      %add3A_523 = arith.constant 0 : i32
      %add3A_524 = arith.addi %add3A_523, %scan3A_521 : i32
      %get3A = arith.index_cast %add3A_524 : i32 to index
      %get3A_525 = arith.constant 0 : index
      %get3A_526 = tpu.vector_load %arg7[%get3A, %get3A_525] {strides = array<i32>} : memref<200x128xf32, #tpu.memory_space<vmem>>, vector<1x16xf32>,
      %get3A_527 = vector.shape_cast %get3A_526 : vector<1x16xf32> to vector<16xf32>
      %swap3A = arith.index_cast %scan3A_521 : i32 to index
      %swap3A_528 = arith.constant 0 : index
      %swap3A_529 = tpu.vector_load %arg10[%swap3A, %swap3A_528] {strides = array<i32>} : memref<100x128xf32, #tpu.memory_space<vmem>>, vector<1x16xf32>,
      %swap3A_530 = vector.shape_cast %swap3A_529 : vector<1x16xf32> to vector<16xf32>
      %swap3A_531 = vector.shape_cast %get3A_527 : vector<16xf32> to vector<1x16xf32>
      tpu.vector_store %arg10[%swap3A, %swap3A_528], %swap3A_531 {add = true, strides = array<i32>} : memref<100x128xf32, #tpu.memory_space<vmem>>, vector<1x16xf32>,
      %add3A_532 = arith.constant 0 : i32
      %add3A_533 = arith.addi %add3A_532, %scan3A_521 : i32
      %get3A_534 = arith.index_cast %add3A_533 : i32 to index
      %get3A_535 = arith.constant 16 : index
      %get3A_536 = tpu.vector_load %arg7[%get3A_534, %get3A_535] {strides = array<i32>} : memref<200x128xf32, #tpu.memory_space<vmem>>, vector<1x16xf32>,
      %get3A_537 = vector.shape_cast %get3A_536 : vector<1x16xf32> to vector<16xf32>
      %swap3A_538 = arith.index_cast %scan3A_521 : i32 to index
      %swap3A_539 = arith.constant 16 : index
      %swap3A_540 = tpu.vector_load %arg10[%swap3A_538, %swap3A_539] {strides = array<i32>} : memref<100x128xf32, #tpu.memory_space<vmem>>, vector<1x16xf32>,
      %swap3A_541 = vector.shape_cast %swap3A_540 : vector<1x16xf32> to vector<16xf32>
      %swap3A_542 = vector.shape_cast %get3A_537 : vector<16xf32> to vector<1x16xf32>
      tpu.vector_store %arg10[%swap3A_538, %swap3A_539], %swap3A_542 {add = true, strides = array<i32>} : memref<100x128xf32, #tpu.memory_space<vmem>>, vector<1x16xf32>,
      %add3A_543 = arith.constant 0 : i32
      %add3A_544 = arith.addi %add3A_543, %scan3A_521 : i32
      %get3A_545 = arith.index_cast %add3A_544 : i32 to index
      %get3A_546 = arith.constant 32 : index
      %get3A_547 = tpu.vector_load %arg7[%get3A_545, %get3A_546] {strides = array<i32>} : memref<200x128xf32, #tpu.memory_space<vmem>>, vector<1x16xf32>,
      %get3A_548 = vector.shape_cast %get3A_547 : vector<1x16xf32> to vector<16xf32>
      %swap3A_549 = arith.index_cast %scan3A_521 : i32 to index
      %swap3A_550 = arith.constant 32 : index
      %swap3A_551 = tpu.vector_load %arg10[%swap3A_549, %swap3A_550] {strides = array<i32>} : memref<100x128xf32, #tpu.memory_space<vmem>>, vector<1x16xf32>,
      %swap3A_552 = vector.shape_cast %swap3A_551 : vector<1x16xf32> to vector<16xf32>
      %swap3A_553 = vector.shape_cast %get3A_548 : vector<16xf32> to vector<1x16xf32>
      tpu.vector_store %arg10[%swap3A_549, %swap3A_550], %swap3A_553 {add = true, strides = array<i32>} : memref<100x128xf32, #tpu.memory_space<vmem>>, vector<1x16xf32>,
      %add3A_554 = arith.constant 0 : i32
      %add3A_555 = arith.addi %add3A_554, %scan3A_521 : i32
      %get3A_556 = arith.index_cast %add3A_555 : i32 to index
      %get3A_557 = arith.constant 48 : index
      %get3A_558 = tpu.vector_load %arg7[%get3A_556, %get3A_557] {strides = array<i32>} : memref<200x128xf32, #tpu.memory_space<vmem>>, vector<1x16xf32>,
      %get3A_559 = vector.shape_cast %get3A_558 : vector<1x16xf32> to vector<16xf32>
      %swap3A_560 = arith.index_cast %scan3A_521 : i32 to index
      %swap3A_561 = arith.constant 48 : index
      %swap3A_562 = tpu.vector_load %arg10[%swap3A_560, %swap3A_561] {strides = array<i32>} : memref<100x128xf32, #tpu.memory_space<vmem>>, vector<1x16xf32>,
      %swap3A_563 = vector.shape_cast %swap3A_562 : vector<1x16xf32> to vector<16xf32>
      %swap3A_564 = vector.shape_cast %get3A_559 : vector<16xf32> to vector<1x16xf32>
      tpu.vector_store %arg10[%swap3A_560, %swap3A_561], %swap3A_564 {add = true, strides = array<i32>} : memref<100x128xf32, #tpu.memory_space<vmem>>, vector<1x16xf32>,
      %add3A_565 = arith.constant 0 : i32
      %add3A_566 = arith.addi %add3A_565, %scan3A_521 : i32
      %get3A_567 = arith.index_cast %add3A_566 : i32 to index
      %get3A_568 = arith.constant 64 : index
      %get3A_569 = tpu.vector_load %arg7[%get3A_567, %get3A_568] {strides = array<i32>} : memref<200x128xf32, #tpu.memory_space<vmem>>, vector<1x16xf32>,
      %get3A_570 = vector.shape_cast %get3A_569 : vector<1x16xf32> to vector<16xf32>
      %swap3A_571 = arith.index_cast %scan3A_521 : i32 to index
      %swap3A_572 = arith.constant 64 : index
      %swap3A_573 = tpu.vector_load %arg10[%swap3A_571, %swap3A_572] {strides = array<i32>} : memref<100x128xf32, #tpu.memory_space<vmem>>, vector<1x16xf32>,
      %swap3A_574 = vector.shape_cast %swap3A_573 : vector<1x16xf32> to vector<16xf32>
      %swap3A_575 = vector.shape_cast %get3A_570 : vector<16xf32> to vector<1x16xf32>
      tpu.vector_store %arg10[%swap3A_571, %swap3A_572], %swap3A_575 {add = true, strides = array<i32>} : memref<100x128xf32, #tpu.memory_space<vmem>>, vector<1x16xf32>,
      %add3A_576 = arith.constant 0 : i32
      %add3A_577 = arith.addi %add3A_576, %scan3A_521 : i32
      %get3A_578 = arith.index_cast %add3A_577 : i32 to index
      %get3A_579 = arith.constant 80 : index
      %get3A_580 = tpu.vector_load %arg7[%get3A_578, %get3A_579] {strides = array<i32>} : memref<200x128xf32, #tpu.memory_space<vmem>>, vector<1x16xf32>,
      %get3A_581 = vector.shape_cast %get3A_580 : vector<1x16xf32> to vector<16xf32>
      %swap3A_582 = arith.index_cast %scan3A_521 : i32 to index
      %swap3A_583 = arith.constant 80 : index
      %swap3A_584 = tpu.vector_load %arg10[%swap3A_582, %swap3A_583] {strides = array<i32>} : memref<100x128xf32, #tpu.memory_space<vmem>>, vector<1x16xf32>,
      %swap3A_585 = vector.shape_cast %swap3A_584 : vector<1x16xf32> to vector<16xf32>
      %swap3A_586 = vector.shape_cast %get3A_581 : vector<16xf32> to vector<1x16xf32>
      tpu.vector_store %arg10[%swap3A_582, %swap3A_583], %swap3A_586 {add = true, strides = array<i32>} : memref<100x128xf32, #tpu.memory_space<vmem>>, vector<1x16xf32>,
      %add3A_587 = arith.constant 0 : i32
      %add3A_588 = arith.addi %add3A_587, %scan3A_521 : i32
      %get3A_589 = arith.index_cast %add3A_588 : i32 to index
      %get3A_590 = arith.constant 96 : index
      %get3A_591 = tpu.vector_load %arg7[%get3A_589, %get3A_590] {strides = array<i32>} : memref<200x128xf32, #tpu.memory_space<vmem>>, vector<1x16xf32>,
      %get3A_592 = vector.shape_cast %get3A_591 : vector<1x16xf32> to vector<16xf32>
      %swap3A_593 = arith.index_cast %scan3A_521 : i32 to index
      %swap3A_594 = arith.constant 96 : index
      %swap3A_595 = tpu.vector_load %arg10[%swap3A_593, %swap3A_594] {strides = array<i32>} : memref<100x128xf32, #tpu.memory_space<vmem>>, vector<1x16xf32>,
      %swap3A_596 = vector.shape_cast %swap3A_595 : vector<1x16xf32> to vector<16xf32>
      %swap3A_597 = vector.shape_cast %get3A_592 : vector<16xf32> to vector<1x16xf32>
      tpu.vector_store %arg10[%swap3A_593, %swap3A_594], %swap3A_597 {add = true, strides = array<i32>} : memref<100x128xf32, #tpu.memory_space<vmem>>, vector<1x16xf32>,
      %add3A_598 = arith.constant 0 : i32
      %add3A_599 = arith.addi %add3A_598, %scan3A_521 : i32
      %get3A_600 = arith.index_cast %add3A_599 : i32 to index
      %get3A_601 = arith.constant 112 : index
      %get3A_602 = tpu.vector_load %arg7[%get3A_600, %get3A_601] {strides = array<i32>} : memref<200x128xf32, #tpu.memory_space<vmem>>, vector<1x16xf32>,
      %get3A_603 = vector.shape_cast %get3A_602 : vector<1x16xf32> to vector<16xf32>
      %swap3A_604 = arith.index_cast %scan3A_521 : i32 to index
      %swap3A_605 = arith.constant 112 : index
      %swap3A_606 = tpu.vector_load %arg10[%swap3A_604, %swap3A_605] {strides = array<i32>} : memref<100x128xf32, #tpu.memory_space<vmem>>, vector<1x16xf32>,
      %swap3A_607 = vector.shape_cast %swap3A_606 : vector<1x16xf32> to vector<16xf32>
      %swap3A_608 = vector.shape_cast %get3A_603 : vector<16xf32> to vector<1x16xf32>
      tpu.vector_store %arg10[%swap3A_604, %swap3A_605], %swap3A_608 {add = true, strides = array<i32>} : memref<100x128xf32, #tpu.memory_space<vmem>>, vector<1x16xf32>,
      %scan3A_609 = arith.constant 0 : i32
      scf.yield %scan3A_609 : i32
    }
    %scan3A_94 = arith.constant 100 : i32
    %add3A_95 = arith.constant 200 : i32
    %add3A_96 = arith.addi %mul3A_4, %add3A_95 : i32
    %dma_start3A_97 = arith.constant 0 : i32
    %dma_start3A_98 = tpu.memref_slice %arg5[%add3A_96, %dma_start3A_97] : memref<819200x128xf32, #tpu.memory_space<hbm>> -> memref<100x128xf32, #tpu.memory_space<hbm>>
    %dma_start3A_99 = arith.constant 0 : i32
    %dma_start3A_100 = tpu.memref_slice %arg5[%add3A_96, %dma_start3A_99] : memref<819200x128xf32, #tpu.memory_space<hbm>> -> memref<100x128xf32, #tpu.memory_space<hbm>>
    tpu.enqueue_dma source(%arg10 : memref<100x128xf32, #tpu.memory_space<vmem>>) target(%dma_start3A_100 : memref<100x128xf32, #tpu.memory_space<hbm>>) target_semaphore(%arg22 : memref<!tpu.dma_semaphore, #tpu.memory_space<semaphore_mem>>)
    %dma_wait3A_101 = arith.constant 0 : i32
    %dma_wait3A_102 = arith.constant 0 : i32
    %dma_wait3A_103 = tpu.memref_slice %arg5[%dma_wait3A_101, %dma_wait3A_102] : memref<819200x128xf32, #tpu.memory_space<hbm>> -> memref<100x128xf32, #tpu.memory_space<hbm>>
    %dma_wait3A_104 = arith.constant 0 : i32
    %dma_wait3A_105 = arith.constant 0 : i32
    %dma_wait3A_106 = tpu.memref_slice %arg5[%dma_wait3A_104, %dma_wait3A_105] : memref<819200x128xf32, #tpu.memory_space<hbm>> -> memref<100x128xf32, #tpu.memory_space<hbm>>
    tpu.wait_dma2 semaphore(%arg20 : memref<!tpu.dma_semaphore, #tpu.memory_space<semaphore_mem>>) src(%arg8 : memref<100x128xf32, #tpu.memory_space<vmem>>) dst(%dma_wait3A_106 : memref<100x128xf32, #tpu.memory_space<hbm>>)
    %dma_start3A_107 = arith.constant 6 : i32
    %dma_start3A_108 = arith.constant 0 : i32
    %dma_start3A_109 = tpu.memref_slice %arg6[%dma_start3A_107, %dma_start3A_108] : memref<256x100xi32, #tpu.memory_space<vmem>> -> memref<1x100xi32, #tpu.memory_space<vmem>>
    %dma_start3A_110 = tpu.memref_squeeze %dma_start3A_109 : memref<1x100xi32, #tpu.memory_space<vmem>> -> memref<100xi32, #tpu.memory_space<vmem>>
    %dma_start3A_111 = arith.constant 0 : i32
    %dma_start3A_112 = arith.constant 0 : i32
    %dma_start3A_113 = tpu.memref_slice %arg3[%dma_start3A_111, %dma_start3A_112] : memref<100000x128xf32, #tpu.memory_space<hbm>> -> memref<100000x128xf32, #tpu.memory_space<hbm>>
    tpu.enqueue_indirect_dma source(%dma_start3A_113 : memref<100000x128xf32, #tpu.memory_space<hbm>>) target(%arg8 : memref<100x128xf32, #tpu.memory_space<vmem>>) offsets(%dma_start3A_110 : memref<100xi32, #tpu.memory_space<vmem>>) semaphore(%arg14 : memref<!tpu.dma_semaphore, #tpu.memory_space<semaphore_mem>>)
    %dma_wait3A_114 = arith.constant 0 : i32
    %dma_wait3A_115 = arith.constant 0 : i32
    %dma_wait3A_116 = tpu.memref_slice %arg3[%dma_wait3A_114, %dma_wait3A_115] : memref<100000x128xf32, #tpu.memory_space<hbm>> -> memref<100x128xf32, #tpu.memory_space<hbm>>
    %dma_wait3A_117 = arith.constant 0 : i32
    %dma_wait3A_118 = arith.constant 0 : i32
    %dma_wait3A_119 = tpu.memref_slice %arg3[%dma_wait3A_117, %dma_wait3A_118] : memref<100000x128xf32, #tpu.memory_space<hbm>> -> memref<100x128xf32, #tpu.memory_space<hbm>>
    tpu.wait_dma2 semaphore(%arg17 : memref<!tpu.dma_semaphore, #tpu.memory_space<semaphore_mem>>) src(%dma_wait3A_119 : memref<100x128xf32, #tpu.memory_space<hbm>>) dst(%arg11 : memref<100x128xf32, #tpu.memory_space<vmem>>)
    %scan3A_120 = arith.constant 0 : i32
    %scan3A_121 = arith.constant 0 : i32
    %scan3A_122 = arith.constant 100 : i32
    %scan3A_123 = arith.addi %scan3A_121, %scan3A_122 : i32
    %scan3A_124 = arith.constant 1 : i32
    %scan3A_125 = scf.for %scan3A_521 = %scan3A_121 to %scan3A_123 step %scan3A_124 iter_args(%scan3A_522 = %scan3A_120) -> (i32)  : i32 {
      %add3A_523 = arith.constant 100 : i32
      %add3A_524 = arith.addi %add3A_523, %scan3A_521 : i32
      %get3A = arith.index_cast %add3A_524 : i32 to index
      %get3A_525 = arith.constant 0 : index
      %get3A_526 = tpu.vector_load %arg7[%get3A, %get3A_525] {strides = array<i32>} : memref<200x128xf32, #tpu.memory_space<vmem>>, vector<1x16xf32>,
      %get3A_527 = vector.shape_cast %get3A_526 : vector<1x16xf32> to vector<16xf32>
      %swap3A = arith.index_cast %scan3A_521 : i32 to index
      %swap3A_528 = arith.constant 0 : index
      %swap3A_529 = tpu.vector_load %arg11[%swap3A, %swap3A_528] {strides = array<i32>} : memref<100x128xf32, #tpu.memory_space<vmem>>, vector<1x16xf32>,
      %swap3A_530 = vector.shape_cast %swap3A_529 : vector<1x16xf32> to vector<16xf32>
      %swap3A_531 = vector.shape_cast %get3A_527 : vector<16xf32> to vector<1x16xf32>
      tpu.vector_store %arg11[%swap3A, %swap3A_528], %swap3A_531 {add = true, strides = array<i32>} : memref<100x128xf32, #tpu.memory_space<vmem>>, vector<1x16xf32>,
      %add3A_532 = arith.constant 100 : i32
      %add3A_533 = arith.addi %add3A_532, %scan3A_521 : i32
      %get3A_534 = arith.index_cast %add3A_533 : i32 to index
      %get3A_535 = arith.constant 16 : index
      %get3A_536 = tpu.vector_load %arg7[%get3A_534, %get3A_535] {strides = array<i32>} : memref<200x128xf32, #tpu.memory_space<vmem>>, vector<1x16xf32>,
      %get3A_537 = vector.shape_cast %get3A_536 : vector<1x16xf32> to vector<16xf32>
      %swap3A_538 = arith.index_cast %scan3A_521 : i32 to index
      %swap3A_539 = arith.constant 16 : index
      %swap3A_540 = tpu.vector_load %arg11[%swap3A_538, %swap3A_539] {strides = array<i32>} : memref<100x128xf32, #tpu.memory_space<vmem>>, vector<1x16xf32>,
      %swap3A_541 = vector.shape_cast %swap3A_540 : vector<1x16xf32> to vector<16xf32>
      %swap3A_542 = vector.shape_cast %get3A_537 : vector<16xf32> to vector<1x16xf32>
      tpu.vector_store %arg11[%swap3A_538, %swap3A_539], %swap3A_542 {add = true, strides = array<i32>} : memref<100x128xf32, #tpu.memory_space<vmem>>, vector<1x16xf32>,
      %add3A_543 = arith.constant 100 : i32
      %add3A_544 = arith.addi %add3A_543, %scan3A_521 : i32
      %get3A_545 = arith.index_cast %add3A_544 : i32 to index
      %get3A_546 = arith.constant 32 : index
      %get3A_547 = tpu.vector_load %arg7[%get3A_545, %get3A_546] {strides = array<i32>} : memref<200x128xf32, #tpu.memory_space<vmem>>, vector<1x16xf32>,
      %get3A_548 = vector.shape_cast %get3A_547 : vector<1x16xf32> to vector<16xf32>
      %swap3A_549 = arith.index_cast %scan3A_521 : i32 to index
      %swap3A_550 = arith.constant 32 : index
      %swap3A_551 = tpu.vector_load %arg11[%swap3A_549, %swap3A_550] {strides = array<i32>} : memref<100x128xf32, #tpu.memory_space<vmem>>, vector<1x16xf32>,
      %swap3A_552 = vector.shape_cast %swap3A_551 : vector<1x16xf32> to vector<16xf32>
      %swap3A_553 = vector.shape_cast %get3A_548 : vector<16xf32> to vector<1x16xf32>
      tpu.vector_store %arg11[%swap3A_549, %swap3A_550], %swap3A_553 {add = true, strides = array<i32>} : memref<100x128xf32, #tpu.memory_space<vmem>>, vector<1x16xf32>,
      %add3A_554 = arith.constant 100 : i32
      %add3A_555 = arith.addi %add3A_554, %scan3A_521 : i32
      %get3A_556 = arith.index_cast %add3A_555 : i32 to index
      %get3A_557 = arith.constant 48 : index
      %get3A_558 = tpu.vector_load %arg7[%get3A_556, %get3A_557] {strides = array<i32>} : memref<200x128xf32, #tpu.memory_space<vmem>>, vector<1x16xf32>,
      %get3A_559 = vector.shape_cast %get3A_558 : vector<1x16xf32> to vector<16xf32>
      %swap3A_560 = arith.index_cast %scan3A_521 : i32 to index
      %swap3A_561 = arith.constant 48 : index
      %swap3A_562 = tpu.vector_load %arg11[%swap3A_560, %swap3A_561] {strides = array<i32>} : memref<100x128xf32, #tpu.memory_space<vmem>>, vector<1x16xf32>,
      %swap3A_563 = vector.shape_cast %swap3A_562 : vector<1x16xf32> to vector<16xf32>
      %swap3A_564 = vector.shape_cast %get3A_559 : vector<16xf32> to vector<1x16xf32>
      tpu.vector_store %arg11[%swap3A_560, %swap3A_561], %swap3A_564 {add = true, strides = array<i32>} : memref<100x128xf32, #tpu.memory_space<vmem>>, vector<1x16xf32>,
      %add3A_565 = arith.constant 100 : i32
      %add3A_566 = arith.addi %add3A_565, %scan3A_521 : i32
      %get3A_567 = arith.index_cast %add3A_566 : i32 to index
      %get3A_568 = arith.constant 64 : index
      %get3A_569 = tpu.vector_load %arg7[%get3A_567, %get3A_568] {strides = array<i32>} : memref<200x128xf32, #tpu.memory_space<vmem>>, vector<1x16xf32>,
      %get3A_570 = vector.shape_cast %get3A_569 : vector<1x16xf32> to vector<16xf32>
      %swap3A_571 = arith.index_cast %scan3A_521 : i32 to index
      %swap3A_572 = arith.constant 64 : index
      %swap3A_573 = tpu.vector_load %arg11[%swap3A_571, %swap3A_572] {strides = array<i32>} : memref<100x128xf32, #tpu.memory_space<vmem>>, vector<1x16xf32>,
      %swap3A_574 = vector.shape_cast %swap3A_573 : vector<1x16xf32> to vector<16xf32>
      %swap3A_575 = vector.shape_cast %get3A_570 : vector<16xf32> to vector<1x16xf32>
      tpu.vector_store %arg11[%swap3A_571, %swap3A_572], %swap3A_575 {add = true, strides = array<i32>} : memref<100x128xf32, #tpu.memory_space<vmem>>, vector<1x16xf32>,
      %add3A_576 = arith.constant 100 : i32
      %add3A_577 = arith.addi %add3A_576, %scan3A_521 : i32
      %get3A_578 = arith.index_cast %add3A_577 : i32 to index
      %get3A_579 = arith.constant 80 : index
      %get3A_580 = tpu.vector_load %arg7[%get3A_578, %get3A_579] {strides = array<i32>} : memref<200x128xf32, #tpu.memory_space<vmem>>, vector<1x16xf32>,
      %get3A_581 = vector.shape_cast %get3A_580 : vector<1x16xf32> to vector<16xf32>
      %swap3A_582 = arith.index_cast %scan3A_521 : i32 to index
      %swap3A_583 = arith.constant 80 : index
      %swap3A_584 = tpu.vector_load %arg11[%swap3A_582, %swap3A_583] {strides = array<i32>} : memref<100x128xf32, #tpu.memory_space<vmem>>, vector<1x16xf32>,
      %swap3A_585 = vector.shape_cast %swap3A_584 : vector<1x16xf32> to vector<16xf32>
      %swap3A_586 = vector.shape_cast %get3A_581 : vector<16xf32> to vector<1x16xf32>
      tpu.vector_store %arg11[%swap3A_582, %swap3A_583], %swap3A_586 {add = true, strides = array<i32>} : memref<100x128xf32, #tpu.memory_space<vmem>>, vector<1x16xf32>,
      %add3A_587 = arith.constant 100 : i32
      %add3A_588 = arith.addi %add3A_587, %scan3A_521 : i32
      %get3A_589 = arith.index_cast %add3A_588 : i32 to index
      %get3A_590 = arith.constant 96 : index
      %get3A_591 = tpu.vector_load %arg7[%get3A_589, %get3A_590] {strides = array<i32>} : memref<200x128xf32, #tpu.memory_space<vmem>>, vector<1x16xf32>,
      %get3A_592 = vector.shape_cast %get3A_591 : vector<1x16xf32> to vector<16xf32>
      %swap3A_593 = arith.index_cast %scan3A_521 : i32 to index
      %swap3A_594 = arith.constant 96 : index
      %swap3A_595 = tpu.vector_load %arg11[%swap3A_593, %swap3A_594] {strides = array<i32>} : memref<100x128xf32, #tpu.memory_space<vmem>>, vector<1x16xf32>,
      %swap3A_596 = vector.shape_cast %swap3A_595 : vector<1x16xf32> to vector<16xf32>
      %swap3A_597 = vector.shape_cast %get3A_592 : vector<16xf32> to vector<1x16xf32>
      tpu.vector_store %arg11[%swap3A_593, %swap3A_594], %swap3A_597 {add = true, strides = array<i32>} : memref<100x128xf32, #tpu.memory_space<vmem>>, vector<1x16xf32>,
      %add3A_598 = arith.constant 100 : i32
      %add3A_599 = arith.addi %add3A_598, %scan3A_521 : i32
      %get3A_600 = arith.index_cast %add3A_599 : i32 to index
      %get3A_601 = arith.constant 112 : index
      %get3A_602 = tpu.vector_load %arg7[%get3A_600, %get3A_601] {strides = array<i32>} : memref<200x128xf32, #tpu.memory_space<vmem>>, vector<1x16xf32>,
      %get3A_603 = vector.shape_cast %get3A_602 : vector<1x16xf32> to vector<16xf32>
      %swap3A_604 = arith.index_cast %scan3A_521 : i32 to index
      %swap3A_605 = arith.constant 112 : index
      %swap3A_606 = tpu.vector_load %arg11[%swap3A_604, %swap3A_605] {strides = array<i32>} : memref<100x128xf32, #tpu.memory_space<vmem>>, vector<1x16xf32>,
      %swap3A_607 = vector.shape_cast %swap3A_606 : vector<1x16xf32> to vector<16xf32>
      %swap3A_608 = vector.shape_cast %get3A_603 : vector<16xf32> to vector<1x16xf32>
      tpu.vector_store %arg11[%swap3A_604, %swap3A_605], %swap3A_608 {add = true, strides = array<i32>} : memref<100x128xf32, #tpu.memory_space<vmem>>, vector<1x16xf32>,
      %scan3A_609 = arith.constant 0 : i32
      scf.yield %scan3A_609 : i32
    }
    %scan3A_126 = arith.constant 100 : i32
    %add3A_127 = arith.constant 300 : i32
    %add3A_128 = arith.addi %mul3A_4, %add3A_127 : i32
    %dma_start3A_129 = arith.constant 0 : i32
    %dma_start3A_130 = tpu.memref_slice %arg5[%add3A_128, %dma_start3A_129] : memref<819200x128xf32, #tpu.memory_space<hbm>> -> memref<100x128xf32, #tpu.memory_space<hbm>>
    %dma_start3A_131 = arith.constant 0 : i32
    %dma_start3A_132 = tpu.memref_slice %arg5[%add3A_128, %dma_start3A_131] : memref<819200x128xf32, #tpu.memory_space<hbm>> -> memref<100x128xf32, #tpu.memory_space<hbm>>
    tpu.enqueue_dma source(%arg11 : memref<100x128xf32, #tpu.memory_space<vmem>>) target(%dma_start3A_132 : memref<100x128xf32, #tpu.memory_space<hbm>>) target_semaphore(%arg23 : memref<!tpu.dma_semaphore, #tpu.memory_space<semaphore_mem>>)
    %dma_wait3A_133 = arith.constant 0 : i32
    %dma_wait3A_134 = arith.constant 0 : i32
    %dma_wait3A_135 = tpu.memref_slice %arg5[%dma_wait3A_133, %dma_wait3A_134] : memref<819200x128xf32, #tpu.memory_space<hbm>> -> memref<100x128xf32, #tpu.memory_space<hbm>>
    %dma_wait3A_136 = arith.constant 0 : i32
    %dma_wait3A_137 = arith.constant 0 : i32
    %dma_wait3A_138 = tpu.memref_slice %arg5[%dma_wait3A_136, %dma_wait3A_137] : memref<819200x128xf32, #tpu.memory_space<hbm>> -> memref<100x128xf32, #tpu.memory_space<hbm>>
    tpu.wait_dma2 semaphore(%arg21 : memref<!tpu.dma_semaphore, #tpu.memory_space<semaphore_mem>>) src(%arg9 : memref<100x128xf32, #tpu.memory_space<vmem>>) dst(%dma_wait3A_138 : memref<100x128xf32, #tpu.memory_space<hbm>>)
    %dma_start3A_139 = arith.constant 7 : i32
    %dma_start3A_140 = arith.constant 0 : i32
    %dma_start3A_141 = tpu.memref_slice %arg6[%dma_start3A_139, %dma_start3A_140] : memref<256x100xi32, #tpu.memory_space<vmem>> -> memref<1x100xi32, #tpu.memory_space<vmem>>
    %dma_start3A_142 = tpu.memref_squeeze %dma_start3A_141 : memref<1x100xi32, #tpu.memory_space<vmem>> -> memref<100xi32, #tpu.memory_space<vmem>>
    %dma_start3A_143 = arith.constant 0 : i32
    %dma_start3A_144 = arith.constant 0 : i32
    %dma_start3A_145 = tpu.memref_slice %arg3[%dma_start3A_143, %dma_start3A_144] : memref<100000x128xf32, #tpu.memory_space<hbm>> -> memref<100000x128xf32, #tpu.memory_space<hbm>>
    tpu.enqueue_indirect_dma source(%dma_start3A_145 : memref<100000x128xf32, #tpu.memory_space<hbm>>) target(%arg9 : memref<100x128xf32, #tpu.memory_space<vmem>>) offsets(%dma_start3A_142 : memref<100xi32, #tpu.memory_space<vmem>>) semaphore(%arg15 : memref<!tpu.dma_semaphore, #tpu.memory_space<semaphore_mem>>)
    %dma_wait3A_146 = arith.constant 0 : i32
    %dma_wait3A_147 = arith.constant 0 : i32
    %dma_wait3A_148 = tpu.memref_slice %arg3[%dma_wait3A_146, %dma_wait3A_147] : memref<100000x128xf32, #tpu.memory_space<hbm>> -> memref<100x128xf32, #tpu.memory_space<hbm>>
    %dma_wait3A_149 = arith.constant 0 : i32
    %dma_wait3A_150 = arith.constant 0 : i32
    %dma_wait3A_151 = tpu.memref_slice %arg3[%dma_wait3A_149, %dma_wait3A_150] : memref<100000x128xf32, #tpu.memory_space<hbm>> -> memref<100x128xf32, #tpu.memory_space<hbm>>
    tpu.wait_dma2 semaphore(%arg18 : memref<!tpu.dma_semaphore, #tpu.memory_space<semaphore_mem>>) src(%dma_wait3A_151 : memref<100x128xf32, #tpu.memory_space<hbm>>) dst(%arg12 : memref<100x128xf32, #tpu.memory_space<vmem>>)
    %scan3A_152 = arith.constant 0 : i32
    %scan3A_153 = arith.constant 0 : i32
    %scan3A_154 = arith.constant 100 : i32
    %scan3A_155 = arith.addi %scan3A_153, %scan3A_154 : i32
    %scan3A_156 = arith.constant 1 : i32
    %scan3A_157 = scf.for %scan3A_521 = %scan3A_153 to %scan3A_155 step %scan3A_156 iter_args(%scan3A_522 = %scan3A_152) -> (i32)  : i32 {
      %add3A_523 = arith.constant 0 : i32
      %add3A_524 = arith.addi %add3A_523, %scan3A_521 : i32
      %get3A = arith.index_cast %add3A_524 : i32 to index
      %get3A_525 = arith.constant 0 : index
      %get3A_526 = tpu.vector_load %arg7[%get3A, %get3A_525] {strides = array<i32>} : memref<200x128xf32, #tpu.memory_space<vmem>>, vector<1x16xf32>,
      %get3A_527 = vector.shape_cast %get3A_526 : vector<1x16xf32> to vector<16xf32>
      %swap3A = arith.index_cast %scan3A_521 : i32 to index
      %swap3A_528 = arith.constant 0 : index
      %swap3A_529 = tpu.vector_load %arg12[%swap3A, %swap3A_528] {strides = array<i32>} : memref<100x128xf32, #tpu.memory_space<vmem>>, vector<1x16xf32>,
      %swap3A_530 = vector.shape_cast %swap3A_529 : vector<1x16xf32> to vector<16xf32>
      %swap3A_531 = vector.shape_cast %get3A_527 : vector<16xf32> to vector<1x16xf32>
      tpu.vector_store %arg12[%swap3A, %swap3A_528], %swap3A_531 {add = true, strides = array<i32>} : memref<100x128xf32, #tpu.memory_space<vmem>>, vector<1x16xf32>,
      %add3A_532 = arith.constant 0 : i32
      %add3A_533 = arith.addi %add3A_532, %scan3A_521 : i32
      %get3A_534 = arith.index_cast %add3A_533 : i32 to index
      %get3A_535 = arith.constant 16 : index
      %get3A_536 = tpu.vector_load %arg7[%get3A_534, %get3A_535] {strides = array<i32>} : memref<200x128xf32, #tpu.memory_space<vmem>>, vector<1x16xf32>,
      %get3A_537 = vector.shape_cast %get3A_536 : vector<1x16xf32> to vector<16xf32>
      %swap3A_538 = arith.index_cast %scan3A_521 : i32 to index
      %swap3A_539 = arith.constant 16 : index
      %swap3A_540 = tpu.vector_load %arg12[%swap3A_538, %swap3A_539] {strides = array<i32>} : memref<100x128xf32, #tpu.memory_space<vmem>>, vector<1x16xf32>,
      %swap3A_541 = vector.shape_cast %swap3A_540 : vector<1x16xf32> to vector<16xf32>
      %swap3A_542 = vector.shape_cast %get3A_537 : vector<16xf32> to vector<1x16xf32>
      tpu.vector_store %arg12[%swap3A_538, %swap3A_539], %swap3A_542 {add = true, strides = array<i32>} : memref<100x128xf32, #tpu.memory_space<vmem>>, vector<1x16xf32>,
      %add3A_543 = arith.constant 0 : i32
      %add3A_544 = arith.addi %add3A_543, %scan3A_521 : i32
      %get3A_545 = arith.index_cast %add3A_544 : i32 to index
      %get3A_546 = arith.constant 32 : index
      %get3A_547 = tpu.vector_load %arg7[%get3A_545, %get3A_546] {strides = array<i32>} : memref<200x128xf32, #tpu.memory_space<vmem>>, vector<1x16xf32>,
      %get3A_548 = vector.shape_cast %get3A_547 : vector<1x16xf32> to vector<16xf32>
      %swap3A_549 = arith.index_cast %scan3A_521 : i32 to index
      %swap3A_550 = arith.constant 32 : index
      %swap3A_551 = tpu.vector_load %arg12[%swap3A_549, %swap3A_550] {strides = array<i32>} : memref<100x128xf32, #tpu.memory_space<vmem>>, vector<1x16xf32>,
      %swap3A_552 = vector.shape_cast %swap3A_551 : vector<1x16xf32> to vector<16xf32>
      %swap3A_553 = vector.shape_cast %get3A_548 : vector<16xf32> to vector<1x16xf32>
      tpu.vector_store %arg12[%swap3A_549, %swap3A_550], %swap3A_553 {add = true, strides = array<i32>} : memref<100x128xf32, #tpu.memory_space<vmem>>, vector<1x16xf32>,
      %add3A_554 = arith.constant 0 : i32
      %add3A_555 = arith.addi %add3A_554, %scan3A_521 : i32
      %get3A_556 = arith.index_cast %add3A_555 : i32 to index
      %get3A_557 = arith.constant 48 : index
      %get3A_558 = tpu.vector_load %arg7[%get3A_556, %get3A_557] {strides = array<i32>} : memref<200x128xf32, #tpu.memory_space<vmem>>, vector<1x16xf32>,
      %get3A_559 = vector.shape_cast %get3A_558 : vector<1x16xf32> to vector<16xf32>
      %swap3A_560 = arith.index_cast %scan3A_521 : i32 to index
      %swap3A_561 = arith.constant 48 : index
      %swap3A_562 = tpu.vector_load %arg12[%swap3A_560, %swap3A_561] {strides = array<i32>} : memref<100x128xf32, #tpu.memory_space<vmem>>, vector<1x16xf32>,
      %swap3A_563 = vector.shape_cast %swap3A_562 : vector<1x16xf32> to vector<16xf32>
      %swap3A_564 = vector.shape_cast %get3A_559 : vector<16xf32> to vector<1x16xf32>
      tpu.vector_store %arg12[%swap3A_560, %swap3A_561], %swap3A_564 {add = true, strides = array<i32>} : memref<100x128xf32, #tpu.memory_space<vmem>>, vector<1x16xf32>,
      %add3A_565 = arith.constant 0 : i32
      %add3A_566 = arith.addi %add3A_565, %scan3A_521 : i32
      %get3A_567 = arith.index_cast %add3A_566 : i32 to index
      %get3A_568 = arith.constant 64 : index
      %get3A_569 = tpu.vector_load %arg7[%get3A_567, %get3A_568] {strides = array<i32>} : memref<200x128xf32, #tpu.memory_space<vmem>>, vector<1x16xf32>,
      %get3A_570 = vector.shape_cast %get3A_569 : vector<1x16xf32> to vector<16xf32>
      %swap3A_571 = arith.index_cast %scan3A_521 : i32 to index
      %swap3A_572 = arith.constant 64 : index
      %swap3A_573 = tpu.vector_load %arg12[%swap3A_571, %swap3A_572] {strides = array<i32>} : memref<100x128xf32, #tpu.memory_space<vmem>>, vector<1x16xf32>,
      %swap3A_574 = vector.shape_cast %swap3A_573 : vector<1x16xf32> to vector<16xf32>
      %swap3A_575 = vector.shape_cast %get3A_570 : vector<16xf32> to vector<1x16xf32>
      tpu.vector_store %arg12[%swap3A_571, %swap3A_572], %swap3A_575 {add = true, strides = array<i32>} : memref<100x128xf32, #tpu.memory_space<vmem>>, vector<1x16xf32>,
      %add3A_576 = arith.constant 0 : i32
      %add3A_577 = arith.addi %add3A_576, %scan3A_521 : i32
      %get3A_578 = arith.index_cast %add3A_577 : i32 to index
      %get3A_579 = arith.constant 80 : index
      %get3A_580 = tpu.vector_load %arg7[%get3A_578, %get3A_579] {strides = array<i32>} : memref<200x128xf32, #tpu.memory_space<vmem>>, vector<1x16xf32>,
      %get3A_581 = vector.shape_cast %get3A_580 : vector<1x16xf32> to vector<16xf32>
      %swap3A_582 = arith.index_cast %scan3A_521 : i32 to index
      %swap3A_583 = arith.constant 80 : index
      %swap3A_584 = tpu.vector_load %arg12[%swap3A_582, %swap3A_583] {strides = array<i32>} : memref<100x128xf32, #tpu.memory_space<vmem>>, vector<1x16xf32>,
      %swap3A_585 = vector.shape_cast %swap3A_584 : vector<1x16xf32> to vector<16xf32>
      %swap3A_586 = vector.shape_cast %get3A_581 : vector<16xf32> to vector<1x16xf32>
      tpu.vector_store %arg12[%swap3A_582, %swap3A_583], %swap3A_586 {add = true, strides = array<i32>} : memref<100x128xf32, #tpu.memory_space<vmem>>, vector<1x16xf32>,
      %add3A_587 = arith.constant 0 : i32
      %add3A_588 = arith.addi %add3A_587, %scan3A_521 : i32
      %get3A_589 = arith.index_cast %add3A_588 : i32 to index
      %get3A_590 = arith.constant 96 : index
      %get3A_591 = tpu.vector_load %arg7[%get3A_589, %get3A_590] {strides = array<i32>} : memref<200x128xf32, #tpu.memory_space<vmem>>, vector<1x16xf32>,
      %get3A_592 = vector.shape_cast %get3A_591 : vector<1x16xf32> to vector<16xf32>
      %swap3A_593 = arith.index_cast %scan3A_521 : i32 to index
      %swap3A_594 = arith.constant 96 : index
      %swap3A_595 = tpu.vector_load %arg12[%swap3A_593, %swap3A_594] {strides = array<i32>} : memref<100x128xf32, #tpu.memory_space<vmem>>, vector<1x16xf32>,
      %swap3A_596 = vector.shape_cast %swap3A_595 : vector<1x16xf32> to vector<16xf32>
      %swap3A_597 = vector.shape_cast %get3A_592 : vector<16xf32> to vector<1x16xf32>
      tpu.vector_store %arg12[%swap3A_593, %swap3A_594], %swap3A_597 {add = true, strides = array<i32>} : memref<100x128xf32, #tpu.memory_space<vmem>>, vector<1x16xf32>,
      %add3A_598 = arith.constant 0 : i32
      %add3A_599 = arith.addi %add3A_598, %scan3A_521 : i32
      %get3A_600 = arith.index_cast %add3A_599 : i32 to index
      %get3A_601 = arith.constant 112 : index
      %get3A_602 = tpu.vector_load %arg7[%get3A_600, %get3A_601] {strides = array<i32>} : memref<200x128xf32, #tpu.memory_space<vmem>>, vector<1x16xf32>,
      %get3A_603 = vector.shape_cast %get3A_602 : vector<1x16xf32> to vector<16xf32>
      %swap3A_604 = arith.index_cast %scan3A_521 : i32 to index
      %swap3A_605 = arith.constant 112 : index
      %swap3A_606 = tpu.vector_load %arg12[%swap3A_604, %swap3A_605] {strides = array<i32>} : memref<100x128xf32, #tpu.memory_space<vmem>>, vector<1x16xf32>,
      %swap3A_607 = vector.shape_cast %swap3A_606 : vector<1x16xf32> to vector<16xf32>
      %swap3A_608 = vector.shape_cast %get3A_603 : vector<16xf32> to vector<1x16xf32>
      tpu.vector_store %arg12[%swap3A_604, %swap3A_605], %swap3A_608 {add = true, strides = array<i32>} : memref<100x128xf32, #tpu.memory_space<vmem>>, vector<1x16xf32>,
      %scan3A_609 = arith.constant 0 : i32
      scf.yield %scan3A_609 : i32
    }
    %scan3A_158 = arith.constant 100 : i32
    %add3A_159 = arith.constant 400 : i32
    %add3A_160 = arith.addi %mul3A_4, %add3A_159 : i32
    %dma_start3A_161 = arith.constant 0 : i32
    %dma_start3A_162 = tpu.memref_slice %arg5[%add3A_160, %dma_start3A_161] : memref<819200x128xf32, #tpu.memory_space<hbm>> -> memref<100x128xf32, #tpu.memory_space<hbm>>
    %dma_start3A_163 = arith.constant 0 : i32
    %dma_start3A_164 = tpu.memref_slice %arg5[%add3A_160, %dma_start3A_163] : memref<819200x128xf32, #tpu.memory_space<hbm>> -> memref<100x128xf32, #tpu.memory_space<hbm>>
    tpu.enqueue_dma source(%arg12 : memref<100x128xf32, #tpu.memory_space<vmem>>) target(%dma_start3A_164 : memref<100x128xf32, #tpu.memory_space<hbm>>) target_semaphore(%arg24 : memref<!tpu.dma_semaphore, #tpu.memory_space<semaphore_mem>>)
    %dma_wait3A_165 = arith.constant 0 : i32
    %dma_wait3A_166 = arith.constant 0 : i32
    %dma_wait3A_167 = tpu.memref_slice %arg5[%dma_wait3A_165, %dma_wait3A_166] : memref<819200x128xf32, #tpu.memory_space<hbm>> -> memref<100x128xf32, #tpu.memory_space<hbm>>
    %dma_wait3A_168 = arith.constant 0 : i32
    %dma_wait3A_169 = arith.constant 0 : i32
    %dma_wait3A_170 = tpu.memref_slice %arg5[%dma_wait3A_168, %dma_wait3A_169] : memref<819200x128xf32, #tpu.memory_space<hbm>> -> memref<100x128xf32, #tpu.memory_space<hbm>>
    tpu.wait_dma2 semaphore(%arg22 : memref<!tpu.dma_semaphore, #tpu.memory_space<semaphore_mem>>) src(%arg10 : memref<100x128xf32, #tpu.memory_space<vmem>>) dst(%dma_wait3A_170 : memref<100x128xf32, #tpu.memory_space<hbm>>)
    %dma_start3A_171 = arith.constant 8 : i32
    %dma_start3A_172 = arith.constant 0 : i32
    %dma_start3A_173 = tpu.memref_slice %arg6[%dma_start3A_171, %dma_start3A_172] : memref<256x100xi32, #tpu.memory_space<vmem>> -> memref<1x100xi32, #tpu.memory_space<vmem>>
    %dma_start3A_174 = tpu.memref_squeeze %dma_start3A_173 : memref<1x100xi32, #tpu.memory_space<vmem>> -> memref<100xi32, #tpu.memory_space<vmem>>
    %dma_start3A_175 = arith.constant 0 : i32
    %dma_start3A_176 = arith.constant 0 : i32
    %dma_start3A_177 = tpu.memref_slice %arg3[%dma_start3A_175, %dma_start3A_176] : memref<100000x128xf32, #tpu.memory_space<hbm>> -> memref<100000x128xf32, #tpu.memory_space<hbm>>
    tpu.enqueue_indirect_dma source(%dma_start3A_177 : memref<100000x128xf32, #tpu.memory_space<hbm>>) target(%arg10 : memref<100x128xf32, #tpu.memory_space<vmem>>) offsets(%dma_start3A_174 : memref<100xi32, #tpu.memory_space<vmem>>) semaphore(%arg16 : memref<!tpu.dma_semaphore, #tpu.memory_space<semaphore_mem>>)
    %dma_wait3A_178 = arith.constant 0 : i32
    %dma_wait3A_179 = arith.constant 0 : i32
    %dma_wait3A_180 = tpu.memref_slice %arg3[%dma_wait3A_178, %dma_wait3A_179] : memref<100000x128xf32, #tpu.memory_space<hbm>> -> memref<100x128xf32, #tpu.memory_space<hbm>>
    %dma_wait3A_181 = arith.constant 0 : i32
    %dma_wait3A_182 = arith.constant 0 : i32
    %dma_wait3A_183 = tpu.memref_slice %arg3[%dma_wait3A_181, %dma_wait3A_182] : memref<100000x128xf32, #tpu.memory_space<hbm>> -> memref<100x128xf32, #tpu.memory_space<hbm>>
    tpu.wait_dma2 semaphore(%arg19 : memref<!tpu.dma_semaphore, #tpu.memory_space<semaphore_mem>>) src(%dma_wait3A_183 : memref<100x128xf32, #tpu.memory_space<hbm>>) dst(%arg13 : memref<100x128xf32, #tpu.memory_space<vmem>>)
    %scan3A_184 = arith.constant 0 : i32
    %scan3A_185 = arith.constant 0 : i32
    %scan3A_186 = arith.constant 100 : i32
    %scan3A_187 = arith.addi %scan3A_185, %scan3A_186 : i32
    %scan3A_188 = arith.constant 1 : i32
    %scan3A_189 = scf.for %scan3A_521 = %scan3A_185 to %scan3A_187 step %scan3A_188 iter_args(%scan3A_522 = %scan3A_184) -> (i32)  : i32 {
      %add3A_523 = arith.constant 100 : i32
      %add3A_524 = arith.addi %add3A_523, %scan3A_521 : i32
      %get3A = arith.index_cast %add3A_524 : i32 to index
      %get3A_525 = arith.constant 0 : index
      %get3A_526 = tpu.vector_load %arg7[%get3A, %get3A_525] {strides = array<i32>} : memref<200x128xf32, #tpu.memory_space<vmem>>, vector<1x16xf32>,
      %get3A_527 = vector.shape_cast %get3A_526 : vector<1x16xf32> to vector<16xf32>
      %swap3A = arith.index_cast %scan3A_521 : i32 to index
      %swap3A_528 = arith.constant 0 : index
      %swap3A_529 = tpu.vector_load %arg13[%swap3A, %swap3A_528] {strides = array<i32>} : memref<100x128xf32, #tpu.memory_space<vmem>>, vector<1x16xf32>,
      %swap3A_530 = vector.shape_cast %swap3A_529 : vector<1x16xf32> to vector<16xf32>
      %swap3A_531 = vector.shape_cast %get3A_527 : vector<16xf32> to vector<1x16xf32>
      tpu.vector_store %arg13[%swap3A, %swap3A_528], %swap3A_531 {add = true, strides = array<i32>} : memref<100x128xf32, #tpu.memory_space<vmem>>, vector<1x16xf32>,
      %add3A_532 = arith.constant 100 : i32
      %add3A_533 = arith.addi %add3A_532, %scan3A_521 : i32
      %get3A_534 = arith.index_cast %add3A_533 : i32 to index
      %get3A_535 = arith.constant 16 : index
      %get3A_536 = tpu.vector_load %arg7[%get3A_534, %get3A_535] {strides = array<i32>} : memref<200x128xf32, #tpu.memory_space<vmem>>, vector<1x16xf32>,
      %get3A_537 = vector.shape_cast %get3A_536 : vector<1x16xf32> to vector<16xf32>
      %swap3A_538 = arith.index_cast %scan3A_521 : i32 to index
      %swap3A_539 = arith.constant 16 : index
      %swap3A_540 = tpu.vector_load %arg13[%swap3A_538, %swap3A_539] {strides = array<i32>} : memref<100x128xf32, #tpu.memory_space<vmem>>, vector<1x16xf32>,
      %swap3A_541 = vector.shape_cast %swap3A_540 : vector<1x16xf32> to vector<16xf32>
      %swap3A_542 = vector.shape_cast %get3A_537 : vector<16xf32> to vector<1x16xf32>
      tpu.vector_store %arg13[%swap3A_538, %swap3A_539], %swap3A_542 {add = true, strides = array<i32>} : memref<100x128xf32, #tpu.memory_space<vmem>>, vector<1x16xf32>,
      %add3A_543 = arith.constant 100 : i32
      %add3A_544 = arith.addi %add3A_543, %scan3A_521 : i32
      %get3A_545 = arith.index_cast %add3A_544 : i32 to index
      %get3A_546 = arith.constant 32 : index
      %get3A_547 = tpu.vector_load %arg7[%get3A_545, %get3A_546] {strides = array<i32>} : memref<200x128xf32, #tpu.memory_space<vmem>>, vector<1x16xf32>,
      %get3A_548 = vector.shape_cast %get3A_547 : vector<1x16xf32> to vector<16xf32>
      %swap3A_549 = arith.index_cast %scan3A_521 : i32 to index
      %swap3A_550 = arith.constant 32 : index
      %swap3A_551 = tpu.vector_load %arg13[%swap3A_549, %swap3A_550] {strides = array<i32>} : memref<100x128xf32, #tpu.memory_space<vmem>>, vector<1x16xf32>,
      %swap3A_552 = vector.shape_cast %swap3A_551 : vector<1x16xf32> to vector<16xf32>
      %swap3A_553 = vector.shape_cast %get3A_548 : vector<16xf32> to vector<1x16xf32>
      tpu.vector_store %arg13[%swap3A_549, %swap3A_550], %swap3A_553 {add = true, strides = array<i32>} : memref<100x128xf32, #tpu.memory_space<vmem>>, vector<1x16xf32>,
      %add3A_554 = arith.constant 100 : i32
      %add3A_555 = arith.addi %add3A_554, %scan3A_521 : i32
      %get3A_556 = arith.index_cast %add3A_555 : i32 to index
      %get3A_557 = arith.constant 48 : index
      %get3A_558 = tpu.vector_load %arg7[%get3A_556, %get3A_557] {strides = array<i32>} : memref<200x128xf32, #tpu.memory_space<vmem>>, vector<1x16xf32>,
      %get3A_559 = vector.shape_cast %get3A_558 : vector<1x16xf32> to vector<16xf32>
      %swap3A_560 = arith.index_cast %scan3A_521 : i32 to index
      %swap3A_561 = arith.constant 48 : index
      %swap3A_562 = tpu.vector_load %arg13[%swap3A_560, %swap3A_561] {strides = array<i32>} : memref<100x128xf32, #tpu.memory_space<vmem>>, vector<1x16xf32>,
      %swap3A_563 = vector.shape_cast %swap3A_562 : vector<1x16xf32> to vector<16xf32>
      %swap3A_564 = vector.shape_cast %get3A_559 : vector<16xf32> to vector<1x16xf32>
      tpu.vector_store %arg13[%swap3A_560, %swap3A_561], %swap3A_564 {add = true, strides = array<i32>} : memref<100x128xf32, #tpu.memory_space<vmem>>, vector<1x16xf32>,
      %add3A_565 = arith.constant 100 : i32
      %add3A_566 = arith.addi %add3A_565, %scan3A_521 : i32
      %get3A_567 = arith.index_cast %add3A_566 : i32 to index
      %get3A_568 = arith.constant 64 : index
      %get3A_569 = tpu.vector_load %arg7[%get3A_567, %get3A_568] {strides = array<i32>} : memref<200x128xf32, #tpu.memory_space<vmem>>, vector<1x16xf32>,
      %get3A_570 = vector.shape_cast %get3A_569 : vector<1x16xf32> to vector<16xf32>
      %swap3A_571 = arith.index_cast %scan3A_521 : i32 to index
      %swap3A_572 = arith.constant 64 : index
      %swap3A_573 = tpu.vector_load %arg13[%swap3A_571, %swap3A_572] {strides = array<i32>} : memref<100x128xf32, #tpu.memory_space<vmem>>, vector<1x16xf32>,
      %swap3A_574 = vector.shape_cast %swap3A_573 : vector<1x16xf32> to vector<16xf32>
      %swap3A_575 = vector.shape_cast %get3A_570 : vector<16xf32> to vector<1x16xf32>
      tpu.vector_store %arg13[%swap3A_571, %swap3A_572], %swap3A_575 {add = true, strides = array<i32>} : memref<100x128xf32, #tpu.memory_space<vmem>>, vector<1x16xf32>,
      %add3A_576 = arith.constant 100 : i32
      %add3A_577 = arith.addi %add3A_576, %scan3A_521 : i32
      %get3A_578 = arith.index_cast %add3A_577 : i32 to index
      %get3A_579 = arith.constant 80 : index
      %get3A_580 = tpu.vector_load %arg7[%get3A_578, %get3A_579] {strides = array<i32>} : memref<200x128xf32, #tpu.memory_space<vmem>>, vector<1x16xf32>,
      %get3A_581 = vector.shape_cast %get3A_580 : vector<1x16xf32> to vector<16xf32>
      %swap3A_582 = arith.index_cast %scan3A_521 : i32 to index
      %swap3A_583 = arith.constant 80 : index
      %swap3A_584 = tpu.vector_load %arg13[%swap3A_582, %swap3A_583] {strides = array<i32>} : memref<100x128xf32, #tpu.memory_space<vmem>>, vector<1x16xf32>,
      %swap3A_585 = vector.shape_cast %swap3A_584 : vector<1x16xf32> to vector<16xf32>
      %swap3A_586 = vector.shape_cast %get3A_581 : vector<16xf32> to vector<1x16xf32>
      tpu.vector_store %arg13[%swap3A_582, %swap3A_583], %swap3A_586 {add = true, strides = array<i32>} : memref<100x128xf32, #tpu.memory_space<vmem>>, vector<1x16xf32>,
      %add3A_587 = arith.constant 100 : i32
      %add3A_588 = arith.addi %add3A_587, %scan3A_521 : i32
      %get3A_589 = arith.index_cast %add3A_588 : i32 to index
      %get3A_590 = arith.constant 96 : index
      %get3A_591 = tpu.vector_load %arg7[%get3A_589, %get3A_590] {strides = array<i32>} : memref<200x128xf32, #tpu.memory_space<vmem>>, vector<1x16xf32>,
      %get3A_592 = vector.shape_cast %get3A_591 : vector<1x16xf32> to vector<16xf32>
      %swap3A_593 = arith.index_cast %scan3A_521 : i32 to index
      %swap3A_594 = arith.constant 96 : index
      %swap3A_595 = tpu.vector_load %arg13[%swap3A_593, %swap3A_594] {strides = array<i32>} : memref<100x128xf32, #tpu.memory_space<vmem>>, vector<1x16xf32>,
      %swap3A_596 = vector.shape_cast %swap3A_595 : vector<1x16xf32> to vector<16xf32>
      %swap3A_597 = vector.shape_cast %get3A_592 : vector<16xf32> to vector<1x16xf32>
      tpu.vector_store %arg13[%swap3A_593, %swap3A_594], %swap3A_597 {add = true, strides = array<i32>} : memref<100x128xf32, #tpu.memory_space<vmem>>, vector<1x16xf32>,
      %add3A_598 = arith.constant 100 : i32
      %add3A_599 = arith.addi %add3A_598, %scan3A_521 : i32
      %get3A_600 = arith.index_cast %add3A_599 : i32 to index
      %get3A_601 = arith.constant 112 : index
      %get3A_602 = tpu.vector_load %arg7[%get3A_600, %get3A_601] {strides = array<i32>} : memref<200x128xf32, #tpu.memory_space<vmem>>, vector<1x16xf32>,
      %get3A_603 = vector.shape_cast %get3A_602 : vector<1x16xf32> to vector<16xf32>
      %swap3A_604 = arith.index_cast %scan3A_521 : i32 to index
      %swap3A_605 = arith.constant 112 : index
      %swap3A_606 = tpu.vector_load %arg13[%swap3A_604, %swap3A_605] {strides = array<i32>} : memref<100x128xf32, #tpu.memory_space<vmem>>, vector<1x16xf32>,
      %swap3A_607 = vector.shape_cast %swap3A_606 : vector<1x16xf32> to vector<16xf32>
      %swap3A_608 = vector.shape_cast %get3A_603 : vector<16xf32> to vector<1x16xf32>
      tpu.vector_store %arg13[%swap3A_604, %swap3A_605], %swap3A_608 {add = true, strides = array<i32>} : memref<100x128xf32, #tpu.memory_space<vmem>>, vector<1x16xf32>,
      %scan3A_609 = arith.constant 0 : i32
      scf.yield %scan3A_609 : i32
    }
    %scan3A_190 = arith.constant 100 : i32
    %add3A_191 = arith.constant 500 : i32
    %add3A_192 = arith.addi %mul3A_4, %add3A_191 : i32
    %dma_start3A_193 = arith.constant 0 : i32
    %dma_start3A_194 = tpu.memref_slice %arg5[%add3A_192, %dma_start3A_193] : memref<819200x128xf32, #tpu.memory_space<hbm>> -> memref<100x128xf32, #tpu.memory_space<hbm>>
    %dma_start3A_195 = arith.constant 0 : i32
    %dma_start3A_196 = tpu.memref_slice %arg5[%add3A_192, %dma_start3A_195] : memref<819200x128xf32, #tpu.memory_space<hbm>> -> memref<100x128xf32, #tpu.memory_space<hbm>>
    tpu.enqueue_dma source(%arg13 : memref<100x128xf32, #tpu.memory_space<vmem>>) target(%dma_start3A_196 : memref<100x128xf32, #tpu.memory_space<hbm>>) target_semaphore(%arg25 : memref<!tpu.dma_semaphore, #tpu.memory_space<semaphore_mem>>)
    %dma_wait3A_197 = arith.constant 0 : i32
    %dma_wait3A_198 = arith.constant 0 : i32
    %dma_wait3A_199 = tpu.memref_slice %arg5[%dma_wait3A_197, %dma_wait3A_198] : memref<819200x128xf32, #tpu.memory_space<hbm>> -> memref<100x128xf32, #tpu.memory_space<hbm>>
    %dma_wait3A_200 = arith.constant 0 : i32
    %dma_wait3A_201 = arith.constant 0 : i32
    %dma_wait3A_202 = tpu.memref_slice %arg5[%dma_wait3A_200, %dma_wait3A_201] : memref<819200x128xf32, #tpu.memory_space<hbm>> -> memref<100x128xf32, #tpu.memory_space<hbm>>
    tpu.wait_dma2 semaphore(%arg23 : memref<!tpu.dma_semaphore, #tpu.memory_space<semaphore_mem>>) src(%arg11 : memref<100x128xf32, #tpu.memory_space<vmem>>) dst(%dma_wait3A_202 : memref<100x128xf32, #tpu.memory_space<hbm>>)
    %dma_start3A_203 = arith.constant 9 : i32
    %dma_start3A_204 = arith.constant 0 : i32
    %dma_start3A_205 = tpu.memref_slice %arg6[%dma_start3A_203, %dma_start3A_204] : memref<256x100xi32, #tpu.memory_space<vmem>> -> memref<1x100xi32, #tpu.memory_space<vmem>>
    %dma_start3A_206 = tpu.memref_squeeze %dma_start3A_205 : memref<1x100xi32, #tpu.memory_space<vmem>> -> memref<100xi32, #tpu.memory_space<vmem>>
    %dma_start3A_207 = arith.constant 0 : i32
    %dma_start3A_208 = arith.constant 0 : i32
    %dma_start3A_209 = tpu.memref_slice %arg3[%dma_start3A_207, %dma_start3A_208] : memref<100000x128xf32, #tpu.memory_space<hbm>> -> memref<100000x128xf32, #tpu.memory_space<hbm>>
    tpu.enqueue_indirect_dma source(%dma_start3A_209 : memref<100000x128xf32, #tpu.memory_space<hbm>>) target(%arg11 : memref<100x128xf32, #tpu.memory_space<vmem>>) offsets(%dma_start3A_206 : memref<100xi32, #tpu.memory_space<vmem>>) semaphore(%arg17 : memref<!tpu.dma_semaphore, #tpu.memory_space<semaphore_mem>>)
    %scan3A_210 = arith.constant 0 : i32
    %scan3A_211 = arith.constant 1 : i32
    %scan3A_212 = arith.constant 40 : i32
    %scan3A_213 = arith.addi %scan3A_211, %scan3A_212 : i32
    %scan3A_214 = arith.constant 1 : i32
    %scan3A_215 = scf.for %scan3A_521 = %scan3A_211 to %scan3A_213 step %scan3A_214 iter_args(%scan3A_522 = %scan3A_210) -> (i32)  : i32 {
      %mul3A_523 = arith.constant 6 : i32
      %mul3A_524 = arith.muli %scan3A_521, %mul3A_523 : i32
      %add3A_525 = arith.constant 0 : i32
      %add3A_526 = arith.addi %mul3A_524, %add3A_525 : i32
      %dma_wait3A_527 = arith.constant 0 : i32
      %dma_wait3A_528 = arith.constant 0 : i32
      %dma_wait3A_529 = tpu.memref_slice %arg3[%dma_wait3A_527, %dma_wait3A_528] : memref<100000x128xf32, #tpu.memory_space<hbm>> -> memref<100x128xf32, #tpu.memory_space<hbm>>
      %dma_wait3A_530 = arith.constant 0 : i32
      %dma_wait3A_531 = arith.constant 0 : i32
      %dma_wait3A_532 = tpu.memref_slice %arg3[%dma_wait3A_530, %dma_wait3A_531] : memref<100000x128xf32, #tpu.memory_space<hbm>> -> memref<100x128xf32, #tpu.memory_space<hbm>>
      tpu.wait_dma2 semaphore(%arg14 : memref<!tpu.dma_semaphore, #tpu.memory_space<semaphore_mem>>) src(%dma_wait3A_532 : memref<100x128xf32, #tpu.memory_space<hbm>>) dst(%arg8 : memref<100x128xf32, #tpu.memory_space<vmem>>)
      %scan3A_533 = arith.constant 0 : i32
      %scan3A_534 = arith.constant 0 : i32
      %scan3A_535 = arith.constant 100 : i32
      %scan3A_536 = arith.addi %scan3A_534, %scan3A_535 : i32
      %scan3A_537 = arith.constant 1 : i32
      %scan3A_538 = scf.for %scan3A_752 = %scan3A_534 to %scan3A_536 step %scan3A_537 iter_args(%scan3A_753 = %scan3A_533) -> (i32)  : i32 {
        %add3A_754 = arith.constant 0 : i32
        %add3A_755 = arith.addi %add3A_754, %scan3A_752 : i32
        %get3A = arith.index_cast %add3A_755 : i32 to index
        %get3A_756 = arith.constant 0 : index
        %get3A_757 = tpu.vector_load %arg7[%get3A, %get3A_756] {strides = array<i32>} : memref<200x128xf32, #tpu.memory_space<vmem>>, vector<1x16xf32>,
        %get3A_758 = vector.shape_cast %get3A_757 : vector<1x16xf32> to vector<16xf32>
        %swap3A = arith.index_cast %scan3A_752 : i32 to index
        %swap3A_759 = arith.constant 0 : index
        %swap3A_760 = tpu.vector_load %arg8[%swap3A, %swap3A_759] {strides = array<i32>} : memref<100x128xf32, #tpu.memory_space<vmem>>, vector<1x16xf32>,
        %swap3A_761 = vector.shape_cast %swap3A_760 : vector<1x16xf32> to vector<16xf32>
        %swap3A_762 = vector.shape_cast %get3A_758 : vector<16xf32> to vector<1x16xf32>
        tpu.vector_store %arg8[%swap3A, %swap3A_759], %swap3A_762 {add = true, strides = array<i32>} : memref<100x128xf32, #tpu.memory_space<vmem>>, vector<1x16xf32>,
        %add3A_763 = arith.constant 0 : i32
        %add3A_764 = arith.addi %add3A_763, %scan3A_752 : i32
        %get3A_765 = arith.index_cast %add3A_764 : i32 to index
        %get3A_766 = arith.constant 16 : index
        %get3A_767 = tpu.vector_load %arg7[%get3A_765, %get3A_766] {strides = array<i32>} : memref<200x128xf32, #tpu.memory_space<vmem>>, vector<1x16xf32>,
        %get3A_768 = vector.shape_cast %get3A_767 : vector<1x16xf32> to vector<16xf32>
        %swap3A_769 = arith.index_cast %scan3A_752 : i32 to index
        %swap3A_770 = arith.constant 16 : index
        %swap3A_771 = tpu.vector_load %arg8[%swap3A_769, %swap3A_770] {strides = array<i32>} : memref<100x128xf32, #tpu.memory_space<vmem>>, vector<1x16xf32>,
        %swap3A_772 = vector.shape_cast %swap3A_771 : vector<1x16xf32> to vector<16xf32>
        %swap3A_773 = vector.shape_cast %get3A_768 : vector<16xf32> to vector<1x16xf32>
        tpu.vector_store %arg8[%swap3A_769, %swap3A_770], %swap3A_773 {add = true, strides = array<i32>} : memref<100x128xf32, #tpu.memory_space<vmem>>, vector<1x16xf32>,
        %add3A_774 = arith.constant 0 : i32
        %add3A_775 = arith.addi %add3A_774, %scan3A_752 : i32
        %get3A_776 = arith.index_cast %add3A_775 : i32 to index
        %get3A_777 = arith.constant 32 : index
        %get3A_778 = tpu.vector_load %arg7[%get3A_776, %get3A_777] {strides = array<i32>} : memref<200x128xf32, #tpu.memory_space<vmem>>, vector<1x16xf32>,
        %get3A_779 = vector.shape_cast %get3A_778 : vector<1x16xf32> to vector<16xf32>
        %swap3A_780 = arith.index_cast %scan3A_752 : i32 to index
        %swap3A_781 = arith.constant 32 : index
        %swap3A_782 = tpu.vector_load %arg8[%swap3A_780, %swap3A_781] {strides = array<i32>} : memref<100x128xf32, #tpu.memory_space<vmem>>, vector<1x16xf32>,
        %swap3A_783 = vector.shape_cast %swap3A_782 : vector<1x16xf32> to vector<16xf32>
        %swap3A_784 = vector.shape_cast %get3A_779 : vector<16xf32> to vector<1x16xf32>
        tpu.vector_store %arg8[%swap3A_780, %swap3A_781], %swap3A_784 {add = true, strides = array<i32>} : memref<100x128xf32, #tpu.memory_space<vmem>>, vector<1x16xf32>,
        %add3A_785 = arith.constant 0 : i32
        %add3A_786 = arith.addi %add3A_785, %scan3A_752 : i32
        %get3A_787 = arith.index_cast %add3A_786 : i32 to index
        %get3A_788 = arith.constant 48 : index
        %get3A_789 = tpu.vector_load %arg7[%get3A_787, %get3A_788] {strides = array<i32>} : memref<200x128xf32, #tpu.memory_space<vmem>>, vector<1x16xf32>,
        %get3A_790 = vector.shape_cast %get3A_789 : vector<1x16xf32> to vector<16xf32>
        %swap3A_791 = arith.index_cast %scan3A_752 : i32 to index
        %swap3A_792 = arith.constant 48 : index
        %swap3A_793 = tpu.vector_load %arg8[%swap3A_791, %swap3A_792] {strides = array<i32>} : memref<100x128xf32, #tpu.memory_space<vmem>>, vector<1x16xf32>,
        %swap3A_794 = vector.shape_cast %swap3A_793 : vector<1x16xf32> to vector<16xf32>
        %swap3A_795 = vector.shape_cast %get3A_790 : vector<16xf32> to vector<1x16xf32>
        tpu.vector_store %arg8[%swap3A_791, %swap3A_792], %swap3A_795 {add = true, strides = array<i32>} : memref<100x128xf32, #tpu.memory_space<vmem>>, vector<1x16xf32>,
        %add3A_796 = arith.constant 0 : i32
        %add3A_797 = arith.addi %add3A_796, %scan3A_752 : i32
        %get3A_798 = arith.index_cast %add3A_797 : i32 to index
        %get3A_799 = arith.constant 64 : index
        %get3A_800 = tpu.vector_load %arg7[%get3A_798, %get3A_799] {strides = array<i32>} : memref<200x128xf32, #tpu.memory_space<vmem>>, vector<1x16xf32>,
        %get3A_801 = vector.shape_cast %get3A_800 : vector<1x16xf32> to vector<16xf32>
        %swap3A_802 = arith.index_cast %scan3A_752 : i32 to index
        %swap3A_803 = arith.constant 64 : index
        %swap3A_804 = tpu.vector_load %arg8[%swap3A_802, %swap3A_803] {strides = array<i32>} : memref<100x128xf32, #tpu.memory_space<vmem>>, vector<1x16xf32>,
        %swap3A_805 = vector.shape_cast %swap3A_804 : vector<1x16xf32> to vector<16xf32>
        %swap3A_806 = vector.shape_cast %get3A_801 : vector<16xf32> to vector<1x16xf32>
        tpu.vector_store %arg8[%swap3A_802, %swap3A_803], %swap3A_806 {add = true, strides = array<i32>} : memref<100x128xf32, #tpu.memory_space<vmem>>, vector<1x16xf32>,
        %add3A_807 = arith.constant 0 : i32
        %add3A_808 = arith.addi %add3A_807, %scan3A_752 : i32
        %get3A_809 = arith.index_cast %add3A_808 : i32 to index
        %get3A_810 = arith.constant 80 : index
        %get3A_811 = tpu.vector_load %arg7[%get3A_809, %get3A_810] {strides = array<i32>} : memref<200x128xf32, #tpu.memory_space<vmem>>, vector<1x16xf32>,
        %get3A_812 = vector.shape_cast %get3A_811 : vector<1x16xf32> to vector<16xf32>
        %swap3A_813 = arith.index_cast %scan3A_752 : i32 to index
        %swap3A_814 = arith.constant 80 : index
        %swap3A_815 = tpu.vector_load %arg8[%swap3A_813, %swap3A_814] {strides = array<i32>} : memref<100x128xf32, #tpu.memory_space<vmem>>, vector<1x16xf32>,
        %swap3A_816 = vector.shape_cast %swap3A_815 : vector<1x16xf32> to vector<16xf32>
        %swap3A_817 = vector.shape_cast %get3A_812 : vector<16xf32> to vector<1x16xf32>
        tpu.vector_store %arg8[%swap3A_813, %swap3A_814], %swap3A_817 {add = true, strides = array<i32>} : memref<100x128xf32, #tpu.memory_space<vmem>>, vector<1x16xf32>,
        %add3A_818 = arith.constant 0 : i32
        %add3A_819 = arith.addi %add3A_818, %scan3A_752 : i32
        %get3A_820 = arith.index_cast %add3A_819 : i32 to index
        %get3A_821 = arith.constant 96 : index
        %get3A_822 = tpu.vector_load %arg7[%get3A_820, %get3A_821] {strides = array<i32>} : memref<200x128xf32, #tpu.memory_space<vmem>>, vector<1x16xf32>,
        %get3A_823 = vector.shape_cast %get3A_822 : vector<1x16xf32> to vector<16xf32>
        %swap3A_824 = arith.index_cast %scan3A_752 : i32 to index
        %swap3A_825 = arith.constant 96 : index
        %swap3A_826 = tpu.vector_load %arg8[%swap3A_824, %swap3A_825] {strides = array<i32>} : memref<100x128xf32, #tpu.memory_space<vmem>>, vector<1x16xf32>,
        %swap3A_827 = vector.shape_cast %swap3A_826 : vector<1x16xf32> to vector<16xf32>
        %swap3A_828 = vector.shape_cast %get3A_823 : vector<16xf32> to vector<1x16xf32>
        tpu.vector_store %arg8[%swap3A_824, %swap3A_825], %swap3A_828 {add = true, strides = array<i32>} : memref<100x128xf32, #tpu.memory_space<vmem>>, vector<1x16xf32>,
        %add3A_829 = arith.constant 0 : i32
        %add3A_830 = arith.addi %add3A_829, %scan3A_752 : i32
        %get3A_831 = arith.index_cast %add3A_830 : i32 to index
        %get3A_832 = arith.constant 112 : index
        %get3A_833 = tpu.vector_load %arg7[%get3A_831, %get3A_832] {strides = array<i32>} : memref<200x128xf32, #tpu.memory_space<vmem>>, vector<1x16xf32>,
        %get3A_834 = vector.shape_cast %get3A_833 : vector<1x16xf32> to vector<16xf32>
        %swap3A_835 = arith.index_cast %scan3A_752 : i32 to index
        %swap3A_836 = arith.constant 112 : index
        %swap3A_837 = tpu.vector_load %arg8[%swap3A_835, %swap3A_836] {strides = array<i32>} : memref<100x128xf32, #tpu.memory_space<vmem>>, vector<1x16xf32>,
        %swap3A_838 = vector.shape_cast %swap3A_837 : vector<1x16xf32> to vector<16xf32>
        %swap3A_839 = vector.shape_cast %get3A_834 : vector<16xf32> to vector<1x16xf32>
        tpu.vector_store %arg8[%swap3A_835, %swap3A_836], %swap3A_839 {add = true, strides = array<i32>} : memref<100x128xf32, #tpu.memory_space<vmem>>, vector<1x16xf32>,
        %scan3A_840 = arith.constant 0 : i32
        scf.yield %scan3A_840 : i32
      }
      %scan3A_539 = arith.constant 100 : i32
      %mul3A_540 = arith.constant 100 : i32
      %mul3A_541 = arith.muli %add3A_526, %mul3A_540 : i32
      %add3A_542 = arith.addi %mul3A_4, %mul3A_541 : i32
      %dma_start3A_543 = arith.constant 0 : i32
      %dma_start3A_544 = tpu.memref_slice %arg5[%add3A_542, %dma_start3A_543] : memref<819200x128xf32, #tpu.memory_space<hbm>> -> memref<100x128xf32, #tpu.memory_space<hbm>>
      %dma_start3A_545 = arith.constant 0 : i32
      %dma_start3A_546 = tpu.memref_slice %arg5[%add3A_542, %dma_start3A_545] : memref<819200x128xf32, #tpu.memory_space<hbm>> -> memref<100x128xf32, #tpu.memory_space<hbm>>
      tpu.enqueue_dma source(%arg8 : memref<100x128xf32, #tpu.memory_space<vmem>>) target(%dma_start3A_546 : memref<100x128xf32, #tpu.memory_space<hbm>>) target_semaphore(%arg20 : memref<!tpu.dma_semaphore, #tpu.memory_space<semaphore_mem>>)
      %dma_wait3A_547 = arith.constant 0 : i32
      %dma_wait3A_548 = arith.constant 0 : i32
      %dma_wait3A_549 = tpu.memref_slice %arg5[%dma_wait3A_547, %dma_wait3A_548] : memref<819200x128xf32, #tpu.memory_space<hbm>> -> memref<100x128xf32, #tpu.memory_space<hbm>>
      %dma_wait3A_550 = arith.constant 0 : i32
      %dma_wait3A_551 = arith.constant 0 : i32
      %dma_wait3A_552 = tpu.memref_slice %arg5[%dma_wait3A_550, %dma_wait3A_551] : memref<819200x128xf32, #tpu.memory_space<hbm>> -> memref<100x128xf32, #tpu.memory_space<hbm>>
      tpu.wait_dma2 semaphore(%arg24 : memref<!tpu.dma_semaphore, #tpu.memory_space<semaphore_mem>>) src(%arg12 : memref<100x128xf32, #tpu.memory_space<vmem>>) dst(%dma_wait3A_552 : memref<100x128xf32, #tpu.memory_space<hbm>>)
      %add3A_553 = arith.constant 4 : i32
      %add3A_554 = arith.addi %add3A_526, %add3A_553 : i32
      %dma_start3A_555 = arith.constant 0 : i32
      %dma_start3A_556 = tpu.memref_slice %arg6[%add3A_554, %dma_start3A_555] : memref<256x100xi32, #tpu.memory_space<vmem>> -> memref<1x100xi32, #tpu.memory_space<vmem>>
      %dma_start3A_557 = tpu.memref_squeeze %dma_start3A_556 : memref<1x100xi32, #tpu.memory_space<vmem>> -> memref<100xi32, #tpu.memory_space<vmem>>
      %dma_start3A_558 = arith.constant 0 : i32
      %dma_start3A_559 = arith.constant 0 : i32
      %dma_start3A_560 = tpu.memref_slice %arg3[%dma_start3A_558, %dma_start3A_559] : memref<100000x128xf32, #tpu.memory_space<hbm>> -> memref<100000x128xf32, #tpu.memory_space<hbm>>
      tpu.enqueue_indirect_dma source(%dma_start3A_560 : memref<100000x128xf32, #tpu.memory_space<hbm>>) target(%arg12 : memref<100x128xf32, #tpu.memory_space<vmem>>) offsets(%dma_start3A_557 : memref<100xi32, #tpu.memory_space<vmem>>) semaphore(%arg18 : memref<!tpu.dma_semaphore, #tpu.memory_space<semaphore_mem>>)
      %mul3A_561 = arith.constant 6 : i32
      %mul3A_562 = arith.muli %scan3A_521, %mul3A_561 : i32
      %add3A_563 = arith.constant 1 : i32
      %add3A_564 = arith.addi %mul3A_562, %add3A_563 : i32
      %dma_wait3A_565 = arith.constant 0 : i32
      %dma_wait3A_566 = arith.constant 0 : i32
      %dma_wait3A_567 = tpu.memref_slice %arg3[%dma_wait3A_565, %dma_wait3A_566] : memref<100000x128xf32, #tpu.memory_space<hbm>> -> memref<100x128xf32, #tpu.memory_space<hbm>>
      %dma_wait3A_568 = arith.constant 0 : i32
      %dma_wait3A_569 = arith.constant 0 : i32
      %dma_wait3A_570 = tpu.memref_slice %arg3[%dma_wait3A_568, %dma_wait3A_569] : memref<100000x128xf32, #tpu.memory_space<hbm>> -> memref<100x128xf32, #tpu.memory_space<hbm>>
      tpu.wait_dma2 semaphore(%arg15 : memref<!tpu.dma_semaphore, #tpu.memory_space<semaphore_mem>>) src(%dma_wait3A_570 : memref<100x128xf32, #tpu.memory_space<hbm>>) dst(%arg9 : memref<100x128xf32, #tpu.memory_space<vmem>>)
      %scan3A_571 = arith.constant 0 : i32
      %scan3A_572 = arith.constant 0 : i32
      %scan3A_573 = arith.constant 100 : i32
      %scan3A_574 = arith.addi %scan3A_572, %scan3A_573 : i32
      %scan3A_575 = arith.constant 1 : i32
      %scan3A_576 = scf.for %scan3A_752 = %scan3A_572 to %scan3A_574 step %scan3A_575 iter_args(%scan3A_753 = %scan3A_571) -> (i32)  : i32 {
        %add3A_754 = arith.constant 100 : i32
        %add3A_755 = arith.addi %add3A_754, %scan3A_752 : i32
        %get3A = arith.index_cast %add3A_755 : i32 to index
        %get3A_756 = arith.constant 0 : index
        %get3A_757 = tpu.vector_load %arg7[%get3A, %get3A_756] {strides = array<i32>} : memref<200x128xf32, #tpu.memory_space<vmem>>, vector<1x16xf32>,
        %get3A_758 = vector.shape_cast %get3A_757 : vector<1x16xf32> to vector<16xf32>
        %swap3A = arith.index_cast %scan3A_752 : i32 to index
        %swap3A_759 = arith.constant 0 : index
        %swap3A_760 = tpu.vector_load %arg9[%swap3A, %swap3A_759] {strides = array<i32>} : memref<100x128xf32, #tpu.memory_space<vmem>>, vector<1x16xf32>,
        %swap3A_761 = vector.shape_cast %swap3A_760 : vector<1x16xf32> to vector<16xf32>
        %swap3A_762 = vector.shape_cast %get3A_758 : vector<16xf32> to vector<1x16xf32>
        tpu.vector_store %arg9[%swap3A, %swap3A_759], %swap3A_762 {add = true, strides = array<i32>} : memref<100x128xf32, #tpu.memory_space<vmem>>, vector<1x16xf32>,
        %add3A_763 = arith.constant 100 : i32
        %add3A_764 = arith.addi %add3A_763, %scan3A_752 : i32
        %get3A_765 = arith.index_cast %add3A_764 : i32 to index
        %get3A_766 = arith.constant 16 : index
        %get3A_767 = tpu.vector_load %arg7[%get3A_765, %get3A_766] {strides = array<i32>} : memref<200x128xf32, #tpu.memory_space<vmem>>, vector<1x16xf32>,
        %get3A_768 = vector.shape_cast %get3A_767 : vector<1x16xf32> to vector<16xf32>
        %swap3A_769 = arith.index_cast %scan3A_752 : i32 to index
        %swap3A_770 = arith.constant 16 : index
        %swap3A_771 = tpu.vector_load %arg9[%swap3A_769, %swap3A_770] {strides = array<i32>} : memref<100x128xf32, #tpu.memory_space<vmem>>, vector<1x16xf32>,
        %swap3A_772 = vector.shape_cast %swap3A_771 : vector<1x16xf32> to vector<16xf32>
        %swap3A_773 = vector.shape_cast %get3A_768 : vector<16xf32> to vector<1x16xf32>
        tpu.vector_store %arg9[%swap3A_769, %swap3A_770], %swap3A_773 {add = true, strides = array<i32>} : memref<100x128xf32, #tpu.memory_space<vmem>>, vector<1x16xf32>,
        %add3A_774 = arith.constant 100 : i32
        %add3A_775 = arith.addi %add3A_774, %scan3A_752 : i32
        %get3A_776 = arith.index_cast %add3A_775 : i32 to index
        %get3A_777 = arith.constant 32 : index
        %get3A_778 = tpu.vector_load %arg7[%get3A_776, %get3A_777] {strides = array<i32>} : memref<200x128xf32, #tpu.memory_space<vmem>>, vector<1x16xf32>,
        %get3A_779 = vector.shape_cast %get3A_778 : vector<1x16xf32> to vector<16xf32>
        %swap3A_780 = arith.index_cast %scan3A_752 : i32 to index
        %swap3A_781 = arith.constant 32 : index
        %swap3A_782 = tpu.vector_load %arg9[%swap3A_780, %swap3A_781] {strides = array<i32>} : memref<100x128xf32, #tpu.memory_space<vmem>>, vector<1x16xf32>,
        %swap3A_783 = vector.shape_cast %swap3A_782 : vector<1x16xf32> to vector<16xf32>
        %swap3A_784 = vector.shape_cast %get3A_779 : vector<16xf32> to vector<1x16xf32>
        tpu.vector_store %arg9[%swap3A_780, %swap3A_781], %swap3A_784 {add = true, strides = array<i32>} : memref<100x128xf32, #tpu.memory_space<vmem>>, vector<1x16xf32>,
        %add3A_785 = arith.constant 100 : i32
        %add3A_786 = arith.addi %add3A_785, %scan3A_752 : i32
        %get3A_787 = arith.index_cast %add3A_786 : i32 to index
        %get3A_788 = arith.constant 48 : index
        %get3A_789 = tpu.vector_load %arg7[%get3A_787, %get3A_788] {strides = array<i32>} : memref<200x128xf32, #tpu.memory_space<vmem>>, vector<1x16xf32>,
        %get3A_790 = vector.shape_cast %get3A_789 : vector<1x16xf32> to vector<16xf32>
        %swap3A_791 = arith.index_cast %scan3A_752 : i32 to index
        %swap3A_792 = arith.constant 48 : index
        %swap3A_793 = tpu.vector_load %arg9[%swap3A_791, %swap3A_792] {strides = array<i32>} : memref<100x128xf32, #tpu.memory_space<vmem>>, vector<1x16xf32>,
        %swap3A_794 = vector.shape_cast %swap3A_793 : vector<1x16xf32> to vector<16xf32>
        %swap3A_795 = vector.shape_cast %get3A_790 : vector<16xf32> to vector<1x16xf32>
        tpu.vector_store %arg9[%swap3A_791, %swap3A_792], %swap3A_795 {add = true, strides = array<i32>} : memref<100x128xf32, #tpu.memory_space<vmem>>, vector<1x16xf32>,
        %add3A_796 = arith.constant 100 : i32
        %add3A_797 = arith.addi %add3A_796, %scan3A_752 : i32
        %get3A_798 = arith.index_cast %add3A_797 : i32 to index
        %get3A_799 = arith.constant 64 : index
        %get3A_800 = tpu.vector_load %arg7[%get3A_798, %get3A_799] {strides = array<i32>} : memref<200x128xf32, #tpu.memory_space<vmem>>, vector<1x16xf32>,
        %get3A_801 = vector.shape_cast %get3A_800 : vector<1x16xf32> to vector<16xf32>
        %swap3A_802 = arith.index_cast %scan3A_752 : i32 to index
        %swap3A_803 = arith.constant 64 : index
        %swap3A_804 = tpu.vector_load %arg9[%swap3A_802, %swap3A_803] {strides = array<i32>} : memref<100x128xf32, #tpu.memory_space<vmem>>, vector<1x16xf32>,
        %swap3A_805 = vector.shape_cast %swap3A_804 : vector<1x16xf32> to vector<16xf32>
        %swap3A_806 = vector.shape_cast %get3A_801 : vector<16xf32> to vector<1x16xf32>
        tpu.vector_store %arg9[%swap3A_802, %swap3A_803], %swap3A_806 {add = true, strides = array<i32>} : memref<100x128xf32, #tpu.memory_space<vmem>>, vector<1x16xf32>,
        %add3A_807 = arith.constant 100 : i32
        %add3A_808 = arith.addi %add3A_807, %scan3A_752 : i32
        %get3A_809 = arith.index_cast %add3A_808 : i32 to index
        %get3A_810 = arith.constant 80 : index
        %get3A_811 = tpu.vector_load %arg7[%get3A_809, %get3A_810] {strides = array<i32>} : memref<200x128xf32, #tpu.memory_space<vmem>>, vector<1x16xf32>,
        %get3A_812 = vector.shape_cast %get3A_811 : vector<1x16xf32> to vector<16xf32>
        %swap3A_813 = arith.index_cast %scan3A_752 : i32 to index
        %swap3A_814 = arith.constant 80 : index
        %swap3A_815 = tpu.vector_load %arg9[%swap3A_813, %swap3A_814] {strides = array<i32>} : memref<100x128xf32, #tpu.memory_space<vmem>>, vector<1x16xf32>,
        %swap3A_816 = vector.shape_cast %swap3A_815 : vector<1x16xf32> to vector<16xf32>
        %swap3A_817 = vector.shape_cast %get3A_812 : vector<16xf32> to vector<1x16xf32>
        tpu.vector_store %arg9[%swap3A_813, %swap3A_814], %swap3A_817 {add = true, strides = array<i32>} : memref<100x128xf32, #tpu.memory_space<vmem>>, vector<1x16xf32>,
        %add3A_818 = arith.constant 100 : i32
        %add3A_819 = arith.addi %add3A_818, %scan3A_752 : i32
        %get3A_820 = arith.index_cast %add3A_819 : i32 to index
        %get3A_821 = arith.constant 96 : index
        %get3A_822 = tpu.vector_load %arg7[%get3A_820, %get3A_821] {strides = array<i32>} : memref<200x128xf32, #tpu.memory_space<vmem>>, vector<1x16xf32>,
        %get3A_823 = vector.shape_cast %get3A_822 : vector<1x16xf32> to vector<16xf32>
        %swap3A_824 = arith.index_cast %scan3A_752 : i32 to index
        %swap3A_825 = arith.constant 96 : index
        %swap3A_826 = tpu.vector_load %arg9[%swap3A_824, %swap3A_825] {strides = array<i32>} : memref<100x128xf32, #tpu.memory_space<vmem>>, vector<1x16xf32>,
        %swap3A_827 = vector.shape_cast %swap3A_826 : vector<1x16xf32> to vector<16xf32>
        %swap3A_828 = vector.shape_cast %get3A_823 : vector<16xf32> to vector<1x16xf32>
        tpu.vector_store %arg9[%swap3A_824, %swap3A_825], %swap3A_828 {add = true, strides = array<i32>} : memref<100x128xf32, #tpu.memory_space<vmem>>, vector<1x16xf32>,
        %add3A_829 = arith.constant 100 : i32
        %add3A_830 = arith.addi %add3A_829, %scan3A_752 : i32
        %get3A_831 = arith.index_cast %add3A_830 : i32 to index
        %get3A_832 = arith.constant 112 : index
        %get3A_833 = tpu.vector_load %arg7[%get3A_831, %get3A_832] {strides = array<i32>} : memref<200x128xf32, #tpu.memory_space<vmem>>, vector<1x16xf32>,
        %get3A_834 = vector.shape_cast %get3A_833 : vector<1x16xf32> to vector<16xf32>
        %swap3A_835 = arith.index_cast %scan3A_752 : i32 to index
        %swap3A_836 = arith.constant 112 : index
        %swap3A_837 = tpu.vector_load %arg9[%swap3A_835, %swap3A_836] {strides = array<i32>} : memref<100x128xf32, #tpu.memory_space<vmem>>, vector<1x16xf32>,
        %swap3A_838 = vector.shape_cast %swap3A_837 : vector<1x16xf32> to vector<16xf32>
        %swap3A_839 = vector.shape_cast %get3A_834 : vector<16xf32> to vector<1x16xf32>
        tpu.vector_store %arg9[%swap3A_835, %swap3A_836], %swap3A_839 {add = true, strides = array<i32>} : memref<100x128xf32, #tpu.memory_space<vmem>>, vector<1x16xf32>,
        %scan3A_840 = arith.constant 0 : i32
        scf.yield %scan3A_840 : i32
      }
      %scan3A_577 = arith.constant 100 : i32
      %mul3A_578 = arith.constant 100 : i32
      %mul3A_579 = arith.muli %add3A_564, %mul3A_578 : i32
      %add3A_580 = arith.addi %mul3A_4, %mul3A_579 : i32
      %dma_start3A_581 = arith.constant 0 : i32
      %dma_start3A_582 = tpu.memref_slice %arg5[%add3A_580, %dma_start3A_581] : memref<819200x128xf32, #tpu.memory_space<hbm>> -> memref<100x128xf32, #tpu.memory_space<hbm>>
      %dma_start3A_583 = arith.constant 0 : i32
      %dma_start3A_584 = tpu.memref_slice %arg5[%add3A_580, %dma_start3A_583] : memref<819200x128xf32, #tpu.memory_space<hbm>> -> memref<100x128xf32, #tpu.memory_space<hbm>>
      tpu.enqueue_dma source(%arg9 : memref<100x128xf32, #tpu.memory_space<vmem>>) target(%dma_start3A_584 : memref<100x128xf32, #tpu.memory_space<hbm>>) target_semaphore(%arg21 : memref<!tpu.dma_semaphore, #tpu.memory_space<semaphore_mem>>)
      %dma_wait3A_585 = arith.constant 0 : i32
      %dma_wait3A_586 = arith.constant 0 : i32
      %dma_wait3A_587 = tpu.memref_slice %arg5[%dma_wait3A_585, %dma_wait3A_586] : memref<819200x128xf32, #tpu.memory_space<hbm>> -> memref<100x128xf32, #tpu.memory_space<hbm>>
      %dma_wait3A_588 = arith.constant 0 : i32
      %dma_wait3A_589 = arith.constant 0 : i32
      %dma_wait3A_590 = tpu.memref_slice %arg5[%dma_wait3A_588, %dma_wait3A_589] : memref<819200x128xf32, #tpu.memory_space<hbm>> -> memref<100x128xf32, #tpu.memory_space<hbm>>
      tpu.wait_dma2 semaphore(%arg25 : memref<!tpu.dma_semaphore, #tpu.memory_space<semaphore_mem>>) src(%arg13 : memref<100x128xf32, #tpu.memory_space<vmem>>) dst(%dma_wait3A_590 : memref<100x128xf32, #tpu.memory_space<hbm>>)
      %add3A_591 = arith.constant 4 : i32
      %add3A_592 = arith.addi %add3A_564, %add3A_591 : i32
      %dma_start3A_593 = arith.constant 0 : i32
      %dma_start3A_594 = tpu.memref_slice %arg6[%add3A_592, %dma_start3A_593] : memref<256x100xi32, #tpu.memory_space<vmem>> -> memref<1x100xi32, #tpu.memory_space<vmem>>
      %dma_start3A_595 = tpu.memref_squeeze %dma_start3A_594 : memref<1x100xi32, #tpu.memory_space<vmem>> -> memref<100xi32, #tpu.memory_space<vmem>>
      %dma_start3A_596 = arith.constant 0 : i32
      %dma_start3A_597 = arith.constant 0 : i32
      %dma_start3A_598 = tpu.memref_slice %arg3[%dma_start3A_596, %dma_start3A_597] : memref<100000x128xf32, #tpu.memory_space<hbm>> -> memref<100000x128xf32, #tpu.memory_space<hbm>>
      tpu.enqueue_indirect_dma source(%dma_start3A_598 : memref<100000x128xf32, #tpu.memory_space<hbm>>) target(%arg13 : memref<100x128xf32, #tpu.memory_space<vmem>>) offsets(%dma_start3A_595 : memref<100xi32, #tpu.memory_space<vmem>>) semaphore(%arg19 : memref<!tpu.dma_semaphore, #tpu.memory_space<semaphore_mem>>)
      %mul3A_599 = arith.constant 6 : i32
      %mul3A_600 = arith.muli %scan3A_521, %mul3A_599 : i32
      %add3A_601 = arith.constant 2 : i32
      %add3A_602 = arith.addi %mul3A_600, %add3A_601 : i32
      %dma_wait3A_603 = arith.constant 0 : i32
      %dma_wait3A_604 = arith.constant 0 : i32
      %dma_wait3A_605 = tpu.memref_slice %arg3[%dma_wait3A_603, %dma_wait3A_604] : memref<100000x128xf32, #tpu.memory_space<hbm>> -> memref<100x128xf32, #tpu.memory_space<hbm>>
      %dma_wait3A_606 = arith.constant 0 : i32
      %dma_wait3A_607 = arith.constant 0 : i32
      %dma_wait3A_608 = tpu.memref_slice %arg3[%dma_wait3A_606, %dma_wait3A_607] : memref<100000x128xf32, #tpu.memory_space<hbm>> -> memref<100x128xf32, #tpu.memory_space<hbm>>
      tpu.wait_dma2 semaphore(%arg16 : memref<!tpu.dma_semaphore, #tpu.memory_space<semaphore_mem>>) src(%dma_wait3A_608 : memref<100x128xf32, #tpu.memory_space<hbm>>) dst(%arg10 : memref<100x128xf32, #tpu.memory_space<vmem>>)
      %scan3A_609 = arith.constant 0 : i32
      %scan3A_610 = arith.constant 0 : i32
      %scan3A_611 = arith.constant 100 : i32
      %scan3A_612 = arith.addi %scan3A_610, %scan3A_611 : i32
      %scan3A_613 = arith.constant 1 : i32
      %scan3A_614 = scf.for %scan3A_752 = %scan3A_610 to %scan3A_612 step %scan3A_613 iter_args(%scan3A_753 = %scan3A_609) -> (i32)  : i32 {
        %add3A_754 = arith.constant 0 : i32
        %add3A_755 = arith.addi %add3A_754, %scan3A_752 : i32
        %get3A = arith.index_cast %add3A_755 : i32 to index
        %get3A_756 = arith.constant 0 : index
        %get3A_757 = tpu.vector_load %arg7[%get3A, %get3A_756] {strides = array<i32>} : memref<200x128xf32, #tpu.memory_space<vmem>>, vector<1x16xf32>,
        %get3A_758 = vector.shape_cast %get3A_757 : vector<1x16xf32> to vector<16xf32>
        %swap3A = arith.index_cast %scan3A_752 : i32 to index
        %swap3A_759 = arith.constant 0 : index
        %swap3A_760 = tpu.vector_load %arg10[%swap3A, %swap3A_759] {strides = array<i32>} : memref<100x128xf32, #tpu.memory_space<vmem>>, vector<1x16xf32>,
        %swap3A_761 = vector.shape_cast %swap3A_760 : vector<1x16xf32> to vector<16xf32>
        %swap3A_762 = vector.shape_cast %get3A_758 : vector<16xf32> to vector<1x16xf32>
        tpu.vector_store %arg10[%swap3A, %swap3A_759], %swap3A_762 {add = true, strides = array<i32>} : memref<100x128xf32, #tpu.memory_space<vmem>>, vector<1x16xf32>,
        %add3A_763 = arith.constant 0 : i32
        %add3A_764 = arith.addi %add3A_763, %scan3A_752 : i32
        %get3A_765 = arith.index_cast %add3A_764 : i32 to index
        %get3A_766 = arith.constant 16 : index
        %get3A_767 = tpu.vector_load %arg7[%get3A_765, %get3A_766] {strides = array<i32>} : memref<200x128xf32, #tpu.memory_space<vmem>>, vector<1x16xf32>,
        %get3A_768 = vector.shape_cast %get3A_767 : vector<1x16xf32> to vector<16xf32>
        %swap3A_769 = arith.index_cast %scan3A_752 : i32 to index
        %swap3A_770 = arith.constant 16 : index
        %swap3A_771 = tpu.vector_load %arg10[%swap3A_769, %swap3A_770] {strides = array<i32>} : memref<100x128xf32, #tpu.memory_space<vmem>>, vector<1x16xf32>,
        %swap3A_772 = vector.shape_cast %swap3A_771 : vector<1x16xf32> to vector<16xf32>
        %swap3A_773 = vector.shape_cast %get3A_768 : vector<16xf32> to vector<1x16xf32>
        tpu.vector_store %arg10[%swap3A_769, %swap3A_770], %swap3A_773 {add = true, strides = array<i32>} : memref<100x128xf32, #tpu.memory_space<vmem>>, vector<1x16xf32>,
        %add3A_774 = arith.constant 0 : i32
        %add3A_775 = arith.addi %add3A_774, %scan3A_752 : i32
        %get3A_776 = arith.index_cast %add3A_775 : i32 to index
        %get3A_777 = arith.constant 32 : index
        %get3A_778 = tpu.vector_load %arg7[%get3A_776, %get3A_777] {strides = array<i32>} : memref<200x128xf32, #tpu.memory_space<vmem>>, vector<1x16xf32>,
        %get3A_779 = vector.shape_cast %get3A_778 : vector<1x16xf32> to vector<16xf32>
        %swap3A_780 = arith.index_cast %scan3A_752 : i32 to index
        %swap3A_781 = arith.constant 32 : index
        %swap3A_782 = tpu.vector_load %arg10[%swap3A_780, %swap3A_781] {strides = array<i32>} : memref<100x128xf32, #tpu.memory_space<vmem>>, vector<1x16xf32>,
        %swap3A_783 = vector.shape_cast %swap3A_782 : vector<1x16xf32> to vector<16xf32>
        %swap3A_784 = vector.shape_cast %get3A_779 : vector<16xf32> to vector<1x16xf32>
        tpu.vector_store %arg10[%swap3A_780, %swap3A_781], %swap3A_784 {add = true, strides = array<i32>} : memref<100x128xf32, #tpu.memory_space<vmem>>, vector<1x16xf32>,
        %add3A_785 = arith.constant 0 : i32
        %add3A_786 = arith.addi %add3A_785, %scan3A_752 : i32
        %get3A_787 = arith.index_cast %add3A_786 : i32 to index
        %get3A_788 = arith.constant 48 : index
        %get3A_789 = tpu.vector_load %arg7[%get3A_787, %get3A_788] {strides = array<i32>} : memref<200x128xf32, #tpu.memory_space<vmem>>, vector<1x16xf32>,
        %get3A_790 = vector.shape_cast %get3A_789 : vector<1x16xf32> to vector<16xf32>
        %swap3A_791 = arith.index_cast %scan3A_752 : i32 to index
        %swap3A_792 = arith.constant 48 : index
        %swap3A_793 = tpu.vector_load %arg10[%swap3A_791, %swap3A_792] {strides = array<i32>} : memref<100x128xf32, #tpu.memory_space<vmem>>, vector<1x16xf32>,
        %swap3A_794 = vector.shape_cast %swap3A_793 : vector<1x16xf32> to vector<16xf32>
        %swap3A_795 = vector.shape_cast %get3A_790 : vector<16xf32> to vector<1x16xf32>
        tpu.vector_store %arg10[%swap3A_791, %swap3A_792], %swap3A_795 {add = true, strides = array<i32>} : memref<100x128xf32, #tpu.memory_space<vmem>>, vector<1x16xf32>,
        %add3A_796 = arith.constant 0 : i32
        %add3A_797 = arith.addi %add3A_796, %scan3A_752 : i32
        %get3A_798 = arith.index_cast %add3A_797 : i32 to index
        %get3A_799 = arith.constant 64 : index
        %get3A_800 = tpu.vector_load %arg7[%get3A_798, %get3A_799] {strides = array<i32>} : memref<200x128xf32, #tpu.memory_space<vmem>>, vector<1x16xf32>,
        %get3A_801 = vector.shape_cast %get3A_800 : vector<1x16xf32> to vector<16xf32>
        %swap3A_802 = arith.index_cast %scan3A_752 : i32 to index
        %swap3A_803 = arith.constant 64 : index
        %swap3A_804 = tpu.vector_load %arg10[%swap3A_802, %swap3A_803] {strides = array<i32>} : memref<100x128xf32, #tpu.memory_space<vmem>>, vector<1x16xf32>,
        %swap3A_805 = vector.shape_cast %swap3A_804 : vector<1x16xf32> to vector<16xf32>
        %swap3A_806 = vector.shape_cast %get3A_801 : vector<16xf32> to vector<1x16xf32>
        tpu.vector_store %arg10[%swap3A_802, %swap3A_803], %swap3A_806 {add = true, strides = array<i32>} : memref<100x128xf32, #tpu.memory_space<vmem>>, vector<1x16xf32>,
        %add3A_807 = arith.constant 0 : i32
        %add3A_808 = arith.addi %add3A_807, %scan3A_752 : i32
        %get3A_809 = arith.index_cast %add3A_808 : i32 to index
        %get3A_810 = arith.constant 80 : index
        %get3A_811 = tpu.vector_load %arg7[%get3A_809, %get3A_810] {strides = array<i32>} : memref<200x128xf32, #tpu.memory_space<vmem>>, vector<1x16xf32>,
        %get3A_812 = vector.shape_cast %get3A_811 : vector<1x16xf32> to vector<16xf32>
        %swap3A_813 = arith.index_cast %scan3A_752 : i32 to index
        %swap3A_814 = arith.constant 80 : index
        %swap3A_815 = tpu.vector_load %arg10[%swap3A_813, %swap3A_814] {strides = array<i32>} : memref<100x128xf32, #tpu.memory_space<vmem>>, vector<1x16xf32>,
        %swap3A_816 = vector.shape_cast %swap3A_815 : vector<1x16xf32> to vector<16xf32>
        %swap3A_817 = vector.shape_cast %get3A_812 : vector<16xf32> to vector<1x16xf32>
        tpu.vector_store %arg10[%swap3A_813, %swap3A_814], %swap3A_817 {add = true, strides = array<i32>} : memref<100x128xf32, #tpu.memory_space<vmem>>, vector<1x16xf32>,
        %add3A_818 = arith.constant 0 : i32
        %add3A_819 = arith.addi %add3A_818, %scan3A_752 : i32
        %get3A_820 = arith.index_cast %add3A_819 : i32 to index
        %get3A_821 = arith.constant 96 : index
        %get3A_822 = tpu.vector_load %arg7[%get3A_820, %get3A_821] {strides = array<i32>} : memref<200x128xf32, #tpu.memory_space<vmem>>, vector<1x16xf32>,
        %get3A_823 = vector.shape_cast %get3A_822 : vector<1x16xf32> to vector<16xf32>
        %swap3A_824 = arith.index_cast %scan3A_752 : i32 to index
        %swap3A_825 = arith.constant 96 : index
        %swap3A_826 = tpu.vector_load %arg10[%swap3A_824, %swap3A_825] {strides = array<i32>} : memref<100x128xf32, #tpu.memory_space<vmem>>, vector<1x16xf32>,
        %swap3A_827 = vector.shape_cast %swap3A_826 : vector<1x16xf32> to vector<16xf32>
        %swap3A_828 = vector.shape_cast %get3A_823 : vector<16xf32> to vector<1x16xf32>
        tpu.vector_store %arg10[%swap3A_824, %swap3A_825], %swap3A_828 {add = true, strides = array<i32>} : memref<100x128xf32, #tpu.memory_space<vmem>>, vector<1x16xf32>,
        %add3A_829 = arith.constant 0 : i32
        %add3A_830 = arith.addi %add3A_829, %scan3A_752 : i32
        %get3A_831 = arith.index_cast %add3A_830 : i32 to index
        %get3A_832 = arith.constant 112 : index
        %get3A_833 = tpu.vector_load %arg7[%get3A_831, %get3A_832] {strides = array<i32>} : memref<200x128xf32, #tpu.memory_space<vmem>>, vector<1x16xf32>,
        %get3A_834 = vector.shape_cast %get3A_833 : vector<1x16xf32> to vector<16xf32>
        %swap3A_835 = arith.index_cast %scan3A_752 : i32 to index
        %swap3A_836 = arith.constant 112 : index
        %swap3A_837 = tpu.vector_load %arg10[%swap3A_835, %swap3A_836] {strides = array<i32>} : memref<100x128xf32, #tpu.memory_space<vmem>>, vector<1x16xf32>,
        %swap3A_838 = vector.shape_cast %swap3A_837 : vector<1x16xf32> to vector<16xf32>
        %swap3A_839 = vector.shape_cast %get3A_834 : vector<16xf32> to vector<1x16xf32>
        tpu.vector_store %arg10[%swap3A_835, %swap3A_836], %swap3A_839 {add = true, strides = array<i32>} : memref<100x128xf32, #tpu.memory_space<vmem>>, vector<1x16xf32>,
        %scan3A_840 = arith.constant 0 : i32
        scf.yield %scan3A_840 : i32
      }
      %scan3A_615 = arith.constant 100 : i32
      %mul3A_616 = arith.constant 100 : i32
      %mul3A_617 = arith.muli %add3A_602, %mul3A_616 : i32
      %add3A_618 = arith.addi %mul3A_4, %mul3A_617 : i32
      %dma_start3A_619 = arith.constant 0 : i32
      %dma_start3A_620 = tpu.memref_slice %arg5[%add3A_618, %dma_start3A_619] : memref<819200x128xf32, #tpu.memory_space<hbm>> -> memref<100x128xf32, #tpu.memory_space<hbm>>
      %dma_start3A_621 = arith.constant 0 : i32
      %dma_start3A_622 = tpu.memref_slice %arg5[%add3A_618, %dma_start3A_621] : memref<819200x128xf32, #tpu.memory_space<hbm>> -> memref<100x128xf32, #tpu.memory_space<hbm>>
      tpu.enqueue_dma source(%arg10 : memref<100x128xf32, #tpu.memory_space<vmem>>) target(%dma_start3A_622 : memref<100x128xf32, #tpu.memory_space<hbm>>) target_semaphore(%arg22 : memref<!tpu.dma_semaphore, #tpu.memory_space<semaphore_mem>>)
      %dma_wait3A_623 = arith.constant 0 : i32
      %dma_wait3A_624 = arith.constant 0 : i32
      %dma_wait3A_625 = tpu.memref_slice %arg5[%dma_wait3A_623, %dma_wait3A_624] : memref<819200x128xf32, #tpu.memory_space<hbm>> -> memref<100x128xf32, #tpu.memory_space<hbm>>
      %dma_wait3A_626 = arith.constant 0 : i32
      %dma_wait3A_627 = arith.constant 0 : i32
      %dma_wait3A_628 = tpu.memref_slice %arg5[%dma_wait3A_626, %dma_wait3A_627] : memref<819200x128xf32, #tpu.memory_space<hbm>> -> memref<100x128xf32, #tpu.memory_space<hbm>>
      tpu.wait_dma2 semaphore(%arg20 : memref<!tpu.dma_semaphore, #tpu.memory_space<semaphore_mem>>) src(%arg8 : memref<100x128xf32, #tpu.memory_space<vmem>>) dst(%dma_wait3A_628 : memref<100x128xf32, #tpu.memory_space<hbm>>)
      %add3A_629 = arith.constant 4 : i32
      %add3A_630 = arith.addi %add3A_602, %add3A_629 : i32
      %dma_start3A_631 = arith.constant 0 : i32
      %dma_start3A_632 = tpu.memref_slice %arg6[%add3A_630, %dma_start3A_631] : memref<256x100xi32, #tpu.memory_space<vmem>> -> memref<1x100xi32, #tpu.memory_space<vmem>>
      %dma_start3A_633 = tpu.memref_squeeze %dma_start3A_632 : memref<1x100xi32, #tpu.memory_space<vmem>> -> memref<100xi32, #tpu.memory_space<vmem>>
      %dma_start3A_634 = arith.constant 0 : i32
      %dma_start3A_635 = arith.constant 0 : i32
      %dma_start3A_636 = tpu.memref_slice %arg3[%dma_start3A_634, %dma_start3A_635] : memref<100000x128xf32, #tpu.memory_space<hbm>> -> memref<100000x128xf32, #tpu.memory_space<hbm>>
      tpu.enqueue_indirect_dma source(%dma_start3A_636 : memref<100000x128xf32, #tpu.memory_space<hbm>>) target(%arg8 : memref<100x128xf32, #tpu.memory_space<vmem>>) offsets(%dma_start3A_633 : memref<100xi32, #tpu.memory_space<vmem>>) semaphore(%arg14 : memref<!tpu.dma_semaphore, #tpu.memory_space<semaphore_mem>>)
      %mul3A_637 = arith.constant 6 : i32
      %mul3A_638 = arith.muli %scan3A_521, %mul3A_637 : i32
      %add3A_639 = arith.constant 3 : i32
      %add3A_640 = arith.addi %mul3A_638, %add3A_639 : i32
      %dma_wait3A_641 = arith.constant 0 : i32
      %dma_wait3A_642 = arith.constant 0 : i32
      %dma_wait3A_643 = tpu.memref_slice %arg3[%dma_wait3A_641, %dma_wait3A_642] : memref<100000x128xf32, #tpu.memory_space<hbm>> -> memref<100x128xf32, #tpu.memory_space<hbm>>
      %dma_wait3A_644 = arith.constant 0 : i32
      %dma_wait3A_645 = arith.constant 0 : i32
      %dma_wait3A_646 = tpu.memref_slice %arg3[%dma_wait3A_644, %dma_wait3A_645] : memref<100000x128xf32, #tpu.memory_space<hbm>> -> memref<100x128xf32, #tpu.memory_space<hbm>>
      tpu.wait_dma2 semaphore(%arg17 : memref<!tpu.dma_semaphore, #tpu.memory_space<semaphore_mem>>) src(%dma_wait3A_646 : memref<100x128xf32, #tpu.memory_space<hbm>>) dst(%arg11 : memref<100x128xf32, #tpu.memory_space<vmem>>)
      %scan3A_647 = arith.constant 0 : i32
      %scan3A_648 = arith.constant 0 : i32
      %scan3A_649 = arith.constant 100 : i32
      %scan3A_650 = arith.addi %scan3A_648, %scan3A_649 : i32
      %scan3A_651 = arith.constant 1 : i32
      %scan3A_652 = scf.for %scan3A_752 = %scan3A_648 to %scan3A_650 step %scan3A_651 iter_args(%scan3A_753 = %scan3A_647) -> (i32)  : i32 {
        %add3A_754 = arith.constant 100 : i32
        %add3A_755 = arith.addi %add3A_754, %scan3A_752 : i32
        %get3A = arith.index_cast %add3A_755 : i32 to index
        %get3A_756 = arith.constant 0 : index
        %get3A_757 = tpu.vector_load %arg7[%get3A, %get3A_756] {strides = array<i32>} : memref<200x128xf32, #tpu.memory_space<vmem>>, vector<1x16xf32>,
        %get3A_758 = vector.shape_cast %get3A_757 : vector<1x16xf32> to vector<16xf32>
        %swap3A = arith.index_cast %scan3A_752 : i32 to index
        %swap3A_759 = arith.constant 0 : index
        %swap3A_760 = tpu.vector_load %arg11[%swap3A, %swap3A_759] {strides = array<i32>} : memref<100x128xf32, #tpu.memory_space<vmem>>, vector<1x16xf32>,
        %swap3A_761 = vector.shape_cast %swap3A_760 : vector<1x16xf32> to vector<16xf32>
        %swap3A_762 = vector.shape_cast %get3A_758 : vector<16xf32> to vector<1x16xf32>
        tpu.vector_store %arg11[%swap3A, %swap3A_759], %swap3A_762 {add = true, strides = array<i32>} : memref<100x128xf32, #tpu.memory_space<vmem>>, vector<1x16xf32>,
        %add3A_763 = arith.constant 100 : i32
        %add3A_764 = arith.addi %add3A_763, %scan3A_752 : i32
        %get3A_765 = arith.index_cast %add3A_764 : i32 to index
        %get3A_766 = arith.constant 16 : index
        %get3A_767 = tpu.vector_load %arg7[%get3A_765, %get3A_766] {strides = array<i32>} : memref<200x128xf32, #tpu.memory_space<vmem>>, vector<1x16xf32>,
        %get3A_768 = vector.shape_cast %get3A_767 : vector<1x16xf32> to vector<16xf32>
        %swap3A_769 = arith.index_cast %scan3A_752 : i32 to index
        %swap3A_770 = arith.constant 16 : index
        %swap3A_771 = tpu.vector_load %arg11[%swap3A_769, %swap3A_770] {strides = array<i32>} : memref<100x128xf32, #tpu.memory_space<vmem>>, vector<1x16xf32>,
        %swap3A_772 = vector.shape_cast %swap3A_771 : vector<1x16xf32> to vector<16xf32>
        %swap3A_773 = vector.shape_cast %get3A_768 : vector<16xf32> to vector<1x16xf32>
        tpu.vector_store %arg11[%swap3A_769, %swap3A_770], %swap3A_773 {add = true, strides = array<i32>} : memref<100x128xf32, #tpu.memory_space<vmem>>, vector<1x16xf32>,
        %add3A_774 = arith.constant 100 : i32
        %add3A_775 = arith.addi %add3A_774, %scan3A_752 : i32
        %get3A_776 = arith.index_cast %add3A_775 : i32 to index
        %get3A_777 = arith.constant 32 : index
        %get3A_778 = tpu.vector_load %arg7[%get3A_776, %get3A_777] {strides = array<i32>} : memref<200x128xf32, #tpu.memory_space<vmem>>, vector<1x16xf32>,
        %get3A_779 = vector.shape_cast %get3A_778 : vector<1x16xf32> to vector<16xf32>
        %swap3A_780 = arith.index_cast %scan3A_752 : i32 to index
        %swap3A_781 = arith.constant 32 : index
        %swap3A_782 = tpu.vector_load %arg11[%swap3A_780, %swap3A_781] {strides = array<i32>} : memref<100x128xf32, #tpu.memory_space<vmem>>, vector<1x16xf32>,
        %swap3A_783 = vector.shape_cast %swap3A_782 : vector<1x16xf32> to vector<16xf32>
        %swap3A_784 = vector.shape_cast %get3A_779 : vector<16xf32> to vector<1x16xf32>
        tpu.vector_store %arg11[%swap3A_780, %swap3A_781], %swap3A_784 {add = true, strides = array<i32>} : memref<100x128xf32, #tpu.memory_space<vmem>>, vector<1x16xf32>,
        %add3A_785 = arith.constant 100 : i32
        %add3A_786 = arith.addi %add3A_785, %scan3A_752 : i32
        %get3A_787 = arith.index_cast %add3A_786 : i32 to index
        %get3A_788 = arith.constant 48 : index
        %get3A_789 = tpu.vector_load %arg7[%get3A_787, %get3A_788] {strides = array<i32>} : memref<200x128xf32, #tpu.memory_space<vmem>>, vector<1x16xf32>,
        %get3A_790 = vector.shape_cast %get3A_789 : vector<1x16xf32> to vector<16xf32>
        %swap3A_791 = arith.index_cast %scan3A_752 : i32 to index
        %swap3A_792 = arith.constant 48 : index
        %swap3A_793 = tpu.vector_load %arg11[%swap3A_791, %swap3A_792] {strides = array<i32>} : memref<100x128xf32, #tpu.memory_space<vmem>>, vector<1x16xf32>,
        %swap3A_794 = vector.shape_cast %swap3A_793 : vector<1x16xf32> to vector<16xf32>
        %swap3A_795 = vector.shape_cast %get3A_790 : vector<16xf32> to vector<1x16xf32>
        tpu.vector_store %arg11[%swap3A_791, %swap3A_792], %swap3A_795 {add = true, strides = array<i32>} : memref<100x128xf32, #tpu.memory_space<vmem>>, vector<1x16xf32>,
        %add3A_796 = arith.constant 100 : i32
        %add3A_797 = arith.addi %add3A_796, %scan3A_752 : i32
        %get3A_798 = arith.index_cast %add3A_797 : i32 to index
        %get3A_799 = arith.constant 64 : index
        %get3A_800 = tpu.vector_load %arg7[%get3A_798, %get3A_799] {strides = array<i32>} : memref<200x128xf32, #tpu.memory_space<vmem>>, vector<1x16xf32>,
        %get3A_801 = vector.shape_cast %get3A_800 : vector<1x16xf32> to vector<16xf32>
        %swap3A_802 = arith.index_cast %scan3A_752 : i32 to index
        %swap3A_803 = arith.constant 64 : index
        %swap3A_804 = tpu.vector_load %arg11[%swap3A_802, %swap3A_803] {strides = array<i32>} : memref<100x128xf32, #tpu.memory_space<vmem>>, vector<1x16xf32>,
        %swap3A_805 = vector.shape_cast %swap3A_804 : vector<1x16xf32> to vector<16xf32>
        %swap3A_806 = vector.shape_cast %get3A_801 : vector<16xf32> to vector<1x16xf32>
        tpu.vector_store %arg11[%swap3A_802, %swap3A_803], %swap3A_806 {add = true, strides = array<i32>} : memref<100x128xf32, #tpu.memory_space<vmem>>, vector<1x16xf32>,
        %add3A_807 = arith.constant 100 : i32
        %add3A_808 = arith.addi %add3A_807, %scan3A_752 : i32
        %get3A_809 = arith.index_cast %add3A_808 : i32 to index
        %get3A_810 = arith.constant 80 : index
        %get3A_811 = tpu.vector_load %arg7[%get3A_809, %get3A_810] {strides = array<i32>} : memref<200x128xf32, #tpu.memory_space<vmem>>, vector<1x16xf32>,
        %get3A_812 = vector.shape_cast %get3A_811 : vector<1x16xf32> to vector<16xf32>
        %swap3A_813 = arith.index_cast %scan3A_752 : i32 to index
        %swap3A_814 = arith.constant 80 : index
        %swap3A_815 = tpu.vector_load %arg11[%swap3A_813, %swap3A_814] {strides = array<i32>} : memref<100x128xf32, #tpu.memory_space<vmem>>, vector<1x16xf32>,
        %swap3A_816 = vector.shape_cast %swap3A_815 : vector<1x16xf32> to vector<16xf32>
        %swap3A_817 = vector.shape_cast %get3A_812 : vector<16xf32> to vector<1x16xf32>
        tpu.vector_store %arg11[%swap3A_813, %swap3A_814], %swap3A_817 {add = true, strides = array<i32>} : memref<100x128xf32, #tpu.memory_space<vmem>>, vector<1x16xf32>,
        %add3A_818 = arith.constant 100 : i32
        %add3A_819 = arith.addi %add3A_818, %scan3A_752 : i32
        %get3A_820 = arith.index_cast %add3A_819 : i32 to index
        %get3A_821 = arith.constant 96 : index
        %get3A_822 = tpu.vector_load %arg7[%get3A_820, %get3A_821] {strides = array<i32>} : memref<200x128xf32, #tpu.memory_space<vmem>>, vector<1x16xf32>,
        %get3A_823 = vector.shape_cast %get3A_822 : vector<1x16xf32> to vector<16xf32>
        %swap3A_824 = arith.index_cast %scan3A_752 : i32 to index
        %swap3A_825 = arith.constant 96 : index
        %swap3A_826 = tpu.vector_load %arg11[%swap3A_824, %swap3A_825] {strides = array<i32>} : memref<100x128xf32, #tpu.memory_space<vmem>>, vector<1x16xf32>,
        %swap3A_827 = vector.shape_cast %swap3A_826 : vector<1x16xf32> to vector<16xf32>
        %swap3A_828 = vector.shape_cast %get3A_823 : vector<16xf32> to vector<1x16xf32>
        tpu.vector_store %arg11[%swap3A_824, %swap3A_825], %swap3A_828 {add = true, strides = array<i32>} : memref<100x128xf32, #tpu.memory_space<vmem>>, vector<1x16xf32>,
        %add3A_829 = arith.constant 100 : i32
        %add3A_830 = arith.addi %add3A_829, %scan3A_752 : i32
        %get3A_831 = arith.index_cast %add3A_830 : i32 to index
        %get3A_832 = arith.constant 112 : index
        %get3A_833 = tpu.vector_load %arg7[%get3A_831, %get3A_832] {strides = array<i32>} : memref<200x128xf32, #tpu.memory_space<vmem>>, vector<1x16xf32>,
        %get3A_834 = vector.shape_cast %get3A_833 : vector<1x16xf32> to vector<16xf32>
        %swap3A_835 = arith.index_cast %scan3A_752 : i32 to index
        %swap3A_836 = arith.constant 112 : index
        %swap3A_837 = tpu.vector_load %arg11[%swap3A_835, %swap3A_836] {strides = array<i32>} : memref<100x128xf32, #tpu.memory_space<vmem>>, vector<1x16xf32>,
        %swap3A_838 = vector.shape_cast %swap3A_837 : vector<1x16xf32> to vector<16xf32>
        %swap3A_839 = vector.shape_cast %get3A_834 : vector<16xf32> to vector<1x16xf32>
        tpu.vector_store %arg11[%swap3A_835, %swap3A_836], %swap3A_839 {add = true, strides = array<i32>} : memref<100x128xf32, #tpu.memory_space<vmem>>, vector<1x16xf32>,
        %scan3A_840 = arith.constant 0 : i32
        scf.yield %scan3A_840 : i32
      }
      %scan3A_653 = arith.constant 100 : i32
      %mul3A_654 = arith.constant 100 : i32
      %mul3A_655 = arith.muli %add3A_640, %mul3A_654 : i32
      %add3A_656 = arith.addi %mul3A_4, %mul3A_655 : i32
      %dma_start3A_657 = arith.constant 0 : i32
      %dma_start3A_658 = tpu.memref_slice %arg5[%add3A_656, %dma_start3A_657] : memref<819200x128xf32, #tpu.memory_space<hbm>> -> memref<100x128xf32, #tpu.memory_space<hbm>>
      %dma_start3A_659 = arith.constant 0 : i32
      %dma_start3A_660 = tpu.memref_slice %arg5[%add3A_656, %dma_start3A_659] : memref<819200x128xf32, #tpu.memory_space<hbm>> -> memref<100x128xf32, #tpu.memory_space<hbm>>
      tpu.enqueue_dma source(%arg11 : memref<100x128xf32, #tpu.memory_space<vmem>>) target(%dma_start3A_660 : memref<100x128xf32, #tpu.memory_space<hbm>>) target_semaphore(%arg23 : memref<!tpu.dma_semaphore, #tpu.memory_space<semaphore_mem>>)
      %dma_wait3A_661 = arith.constant 0 : i32
      %dma_wait3A_662 = arith.constant 0 : i32
      %dma_wait3A_663 = tpu.memref_slice %arg5[%dma_wait3A_661, %dma_wait3A_662] : memref<819200x128xf32, #tpu.memory_space<hbm>> -> memref<100x128xf32, #tpu.memory_space<hbm>>
      %dma_wait3A_664 = arith.constant 0 : i32
      %dma_wait3A_665 = arith.constant 0 : i32
      %dma_wait3A_666 = tpu.memref_slice %arg5[%dma_wait3A_664, %dma_wait3A_665] : memref<819200x128xf32, #tpu.memory_space<hbm>> -> memref<100x128xf32, #tpu.memory_space<hbm>>
      tpu.wait_dma2 semaphore(%arg21 : memref<!tpu.dma_semaphore, #tpu.memory_space<semaphore_mem>>) src(%arg9 : memref<100x128xf32, #tpu.memory_space<vmem>>) dst(%dma_wait3A_666 : memref<100x128xf32, #tpu.memory_space<hbm>>)
      %add3A_667 = arith.constant 4 : i32
      %add3A_668 = arith.addi %add3A_640, %add3A_667 : i32
      %dma_start3A_669 = arith.constant 0 : i32
      %dma_start3A_670 = tpu.memref_slice %arg6[%add3A_668, %dma_start3A_669] : memref<256x100xi32, #tpu.memory_space<vmem>> -> memref<1x100xi32, #tpu.memory_space<vmem>>
      %dma_start3A_671 = tpu.memref_squeeze %dma_start3A_670 : memref<1x100xi32, #tpu.memory_space<vmem>> -> memref<100xi32, #tpu.memory_space<vmem>>
      %dma_start3A_672 = arith.constant 0 : i32
      %dma_start3A_673 = arith.constant 0 : i32
      %dma_start3A_674 = tpu.memref_slice %arg3[%dma_start3A_672, %dma_start3A_673] : memref<100000x128xf32, #tpu.memory_space<hbm>> -> memref<100000x128xf32, #tpu.memory_space<hbm>>
      tpu.enqueue_indirect_dma source(%dma_start3A_674 : memref<100000x128xf32, #tpu.memory_space<hbm>>) target(%arg9 : memref<100x128xf32, #tpu.memory_space<vmem>>) offsets(%dma_start3A_671 : memref<100xi32, #tpu.memory_space<vmem>>) semaphore(%arg15 : memref<!tpu.dma_semaphore, #tpu.memory_space<semaphore_mem>>)
      %mul3A_675 = arith.constant 6 : i32
      %mul3A_676 = arith.muli %scan3A_521, %mul3A_675 : i32
      %add3A_677 = arith.constant 4 : i32
      %add3A_678 = arith.addi %mul3A_676, %add3A_677 : i32
      %dma_wait3A_679 = arith.constant 0 : i32
      %dma_wait3A_680 = arith.constant 0 : i32
      %dma_wait3A_681 = tpu.memref_slice %arg3[%dma_wait3A_679, %dma_wait3A_680] : memref<100000x128xf32, #tpu.memory_space<hbm>> -> memref<100x128xf32, #tpu.memory_space<hbm>>
      %dma_wait3A_682 = arith.constant 0 : i32
      %dma_wait3A_683 = arith.constant 0 : i32
      %dma_wait3A_684 = tpu.memref_slice %arg3[%dma_wait3A_682, %dma_wait3A_683] : memref<100000x128xf32, #tpu.memory_space<hbm>> -> memref<100x128xf32, #tpu.memory_space<hbm>>
      tpu.wait_dma2 semaphore(%arg18 : memref<!tpu.dma_semaphore, #tpu.memory_space<semaphore_mem>>) src(%dma_wait3A_684 : memref<100x128xf32, #tpu.memory_space<hbm>>) dst(%arg12 : memref<100x128xf32, #tpu.memory_space<vmem>>)
      %scan3A_685 = arith.constant 0 : i32
      %scan3A_686 = arith.constant 0 : i32
      %scan3A_687 = arith.constant 100 : i32
      %scan3A_688 = arith.addi %scan3A_686, %scan3A_687 : i32
      %scan3A_689 = arith.constant 1 : i32
      %scan3A_690 = scf.for %scan3A_752 = %scan3A_686 to %scan3A_688 step %scan3A_689 iter_args(%scan3A_753 = %scan3A_685) -> (i32)  : i32 {
        %add3A_754 = arith.constant 0 : i32
        %add3A_755 = arith.addi %add3A_754, %scan3A_752 : i32
        %get3A = arith.index_cast %add3A_755 : i32 to index
        %get3A_756 = arith.constant 0 : index
        %get3A_757 = tpu.vector_load %arg7[%get3A, %get3A_756] {strides = array<i32>} : memref<200x128xf32, #tpu.memory_space<vmem>>, vector<1x16xf32>,
        %get3A_758 = vector.shape_cast %get3A_757 : vector<1x16xf32> to vector<16xf32>
        %swap3A = arith.index_cast %scan3A_752 : i32 to index
        %swap3A_759 = arith.constant 0 : index
        %swap3A_760 = tpu.vector_load %arg12[%swap3A, %swap3A_759] {strides = array<i32>} : memref<100x128xf32, #tpu.memory_space<vmem>>, vector<1x16xf32>,
        %swap3A_761 = vector.shape_cast %swap3A_760 : vector<1x16xf32> to vector<16xf32>
        %swap3A_762 = vector.shape_cast %get3A_758 : vector<16xf32> to vector<1x16xf32>
        tpu.vector_store %arg12[%swap3A, %swap3A_759], %swap3A_762 {add = true, strides = array<i32>} : memref<100x128xf32, #tpu.memory_space<vmem>>, vector<1x16xf32>,
        %add3A_763 = arith.constant 0 : i32
        %add3A_764 = arith.addi %add3A_763, %scan3A_752 : i32
        %get3A_765 = arith.index_cast %add3A_764 : i32 to index
        %get3A_766 = arith.constant 16 : index
        %get3A_767 = tpu.vector_load %arg7[%get3A_765, %get3A_766] {strides = array<i32>} : memref<200x128xf32, #tpu.memory_space<vmem>>, vector<1x16xf32>,
        %get3A_768 = vector.shape_cast %get3A_767 : vector<1x16xf32> to vector<16xf32>
        %swap3A_769 = arith.index_cast %scan3A_752 : i32 to index
        %swap3A_770 = arith.constant 16 : index
        %swap3A_771 = tpu.vector_load %arg12[%swap3A_769, %swap3A_770] {strides = array<i32>} : memref<100x128xf32, #tpu.memory_space<vmem>>, vector<1x16xf32>,
        %swap3A_772 = vector.shape_cast %swap3A_771 : vector<1x16xf32> to vector<16xf32>
        %swap3A_773 = vector.shape_cast %get3A_768 : vector<16xf32> to vector<1x16xf32>
        tpu.vector_store %arg12[%swap3A_769, %swap3A_770], %swap3A_773 {add = true, strides = array<i32>} : memref<100x128xf32, #tpu.memory_space<vmem>>, vector<1x16xf32>,
        %add3A_774 = arith.constant 0 : i32
        %add3A_775 = arith.addi %add3A_774, %scan3A_752 : i32
        %get3A_776 = arith.index_cast %add3A_775 : i32 to index
        %get3A_777 = arith.constant 32 : index
        %get3A_778 = tpu.vector_load %arg7[%get3A_776, %get3A_777] {strides = array<i32>} : memref<200x128xf32, #tpu.memory_space<vmem>>, vector<1x16xf32>,
        %get3A_779 = vector.shape_cast %get3A_778 : vector<1x16xf32> to vector<16xf32>
        %swap3A_780 = arith.index_cast %scan3A_752 : i32 to index
        %swap3A_781 = arith.constant 32 : index
        %swap3A_782 = tpu.vector_load %arg12[%swap3A_780, %swap3A_781] {strides = array<i32>} : memref<100x128xf32, #tpu.memory_space<vmem>>, vector<1x16xf32>,
        %swap3A_783 = vector.shape_cast %swap3A_782 : vector<1x16xf32> to vector<16xf32>
        %swap3A_784 = vector.shape_cast %get3A_779 : vector<16xf32> to vector<1x16xf32>
        tpu.vector_store %arg12[%swap3A_780, %swap3A_781], %swap3A_784 {add = true, strides = array<i32>} : memref<100x128xf32, #tpu.memory_space<vmem>>, vector<1x16xf32>,
        %add3A_785 = arith.constant 0 : i32
        %add3A_786 = arith.addi %add3A_785, %scan3A_752 : i32
        %get3A_787 = arith.index_cast %add3A_786 : i32 to index
        %get3A_788 = arith.constant 48 : index
        %get3A_789 = tpu.vector_load %arg7[%get3A_787, %get3A_788] {strides = array<i32>} : memref<200x128xf32, #tpu.memory_space<vmem>>, vector<1x16xf32>,
        %get3A_790 = vector.shape_cast %get3A_789 : vector<1x16xf32> to vector<16xf32>
        %swap3A_791 = arith.index_cast %scan3A_752 : i32 to index
        %swap3A_792 = arith.constant 48 : index
        %swap3A_793 = tpu.vector_load %arg12[%swap3A_791, %swap3A_792] {strides = array<i32>} : memref<100x128xf32, #tpu.memory_space<vmem>>, vector<1x16xf32>,
        %swap3A_794 = vector.shape_cast %swap3A_793 : vector<1x16xf32> to vector<16xf32>
        %swap3A_795 = vector.shape_cast %get3A_790 : vector<16xf32> to vector<1x16xf32>
        tpu.vector_store %arg12[%swap3A_791, %swap3A_792], %swap3A_795 {add = true, strides = array<i32>} : memref<100x128xf32, #tpu.memory_space<vmem>>, vector<1x16xf32>,
        %add3A_796 = arith.constant 0 : i32
        %add3A_797 = arith.addi %add3A_796, %scan3A_752 : i32
        %get3A_798 = arith.index_cast %add3A_797 : i32 to index
        %get3A_799 = arith.constant 64 : index
        %get3A_800 = tpu.vector_load %arg7[%get3A_798, %get3A_799] {strides = array<i32>} : memref<200x128xf32, #tpu.memory_space<vmem>>, vector<1x16xf32>,
        %get3A_801 = vector.shape_cast %get3A_800 : vector<1x16xf32> to vector<16xf32>
        %swap3A_802 = arith.index_cast %scan3A_752 : i32 to index
        %swap3A_803 = arith.constant 64 : index
        %swap3A_804 = tpu.vector_load %arg12[%swap3A_802, %swap3A_803] {strides = array<i32>} : memref<100x128xf32, #tpu.memory_space<vmem>>, vector<1x16xf32>,
        %swap3A_805 = vector.shape_cast %swap3A_804 : vector<1x16xf32> to vector<16xf32>
        %swap3A_806 = vector.shape_cast %get3A_801 : vector<16xf32> to vector<1x16xf32>
        tpu.vector_store %arg12[%swap3A_802, %swap3A_803], %swap3A_806 {add = true, strides = array<i32>} : memref<100x128xf32, #tpu.memory_space<vmem>>, vector<1x16xf32>,
        %add3A_807 = arith.constant 0 : i32
        %add3A_808 = arith.addi %add3A_807, %scan3A_752 : i32
        %get3A_809 = arith.index_cast %add3A_808 : i32 to index
        %get3A_810 = arith.constant 80 : index
        %get3A_811 = tpu.vector_load %arg7[%get3A_809, %get3A_810] {strides = array<i32>} : memref<200x128xf32, #tpu.memory_space<vmem>>, vector<1x16xf32>,
        %get3A_812 = vector.shape_cast %get3A_811 : vector<1x16xf32> to vector<16xf32>
        %swap3A_813 = arith.index_cast %scan3A_752 : i32 to index
        %swap3A_814 = arith.constant 80 : index
        %swap3A_815 = tpu.vector_load %arg12[%swap3A_813, %swap3A_814] {strides = array<i32>} : memref<100x128xf32, #tpu.memory_space<vmem>>, vector<1x16xf32>,
        %swap3A_816 = vector.shape_cast %swap3A_815 : vector<1x16xf32> to vector<16xf32>
        %swap3A_817 = vector.shape_cast %get3A_812 : vector<16xf32> to vector<1x16xf32>
        tpu.vector_store %arg12[%swap3A_813, %swap3A_814], %swap3A_817 {add = true, strides = array<i32>} : memref<100x128xf32, #tpu.memory_space<vmem>>, vector<1x16xf32>,
        %add3A_818 = arith.constant 0 : i32
        %add3A_819 = arith.addi %add3A_818, %scan3A_752 : i32
        %get3A_820 = arith.index_cast %add3A_819 : i32 to index
        %get3A_821 = arith.constant 96 : index
        %get3A_822 = tpu.vector_load %arg7[%get3A_820, %get3A_821] {strides = array<i32>} : memref<200x128xf32, #tpu.memory_space<vmem>>, vector<1x16xf32>,
        %get3A_823 = vector.shape_cast %get3A_822 : vector<1x16xf32> to vector<16xf32>
        %swap3A_824 = arith.index_cast %scan3A_752 : i32 to index
        %swap3A_825 = arith.constant 96 : index
        %swap3A_826 = tpu.vector_load %arg12[%swap3A_824, %swap3A_825] {strides = array<i32>} : memref<100x128xf32, #tpu.memory_space<vmem>>, vector<1x16xf32>,
        %swap3A_827 = vector.shape_cast %swap3A_826 : vector<1x16xf32> to vector<16xf32>
        %swap3A_828 = vector.shape_cast %get3A_823 : vector<16xf32> to vector<1x16xf32>
        tpu.vector_store %arg12[%swap3A_824, %swap3A_825], %swap3A_828 {add = true, strides = array<i32>} : memref<100x128xf32, #tpu.memory_space<vmem>>, vector<1x16xf32>,
        %add3A_829 = arith.constant 0 : i32
        %add3A_830 = arith.addi %add3A_829, %scan3A_752 : i32
        %get3A_831 = arith.index_cast %add3A_830 : i32 to index
        %get3A_832 = arith.constant 112 : index
        %get3A_833 = tpu.vector_load %arg7[%get3A_831, %get3A_832] {strides = array<i32>} : memref<200x128xf32, #tpu.memory_space<vmem>>, vector<1x16xf32>,
        %get3A_834 = vector.shape_cast %get3A_833 : vector<1x16xf32> to vector<16xf32>
        %swap3A_835 = arith.index_cast %scan3A_752 : i32 to index
        %swap3A_836 = arith.constant 112 : index
        %swap3A_837 = tpu.vector_load %arg12[%swap3A_835, %swap3A_836] {strides = array<i32>} : memref<100x128xf32, #tpu.memory_space<vmem>>, vector<1x16xf32>,
        %swap3A_838 = vector.shape_cast %swap3A_837 : vector<1x16xf32> to vector<16xf32>
        %swap3A_839 = vector.shape_cast %get3A_834 : vector<16xf32> to vector<1x16xf32>
        tpu.vector_store %arg12[%swap3A_835, %swap3A_836], %swap3A_839 {add = true, strides = array<i32>} : memref<100x128xf32, #tpu.memory_space<vmem>>, vector<1x16xf32>,
        %scan3A_840 = arith.constant 0 : i32
        scf.yield %scan3A_840 : i32
      }
      %scan3A_691 = arith.constant 100 : i32
      %mul3A_692 = arith.constant 100 : i32
      %mul3A_693 = arith.muli %add3A_678, %mul3A_692 : i32
      %add3A_694 = arith.addi %mul3A_4, %mul3A_693 : i32
      %dma_start3A_695 = arith.constant 0 : i32
      %dma_start3A_696 = tpu.memref_slice %arg5[%add3A_694, %dma_start3A_695] : memref<819200x128xf32, #tpu.memory_space<hbm>> -> memref<100x128xf32, #tpu.memory_space<hbm>>
      %dma_start3A_697 = arith.constant 0 : i32
      %dma_start3A_698 = tpu.memref_slice %arg5[%add3A_694, %dma_start3A_697] : memref<819200x128xf32, #tpu.memory_space<hbm>> -> memref<100x128xf32, #tpu.memory_space<hbm>>
      tpu.enqueue_dma source(%arg12 : memref<100x128xf32, #tpu.memory_space<vmem>>) target(%dma_start3A_698 : memref<100x128xf32, #tpu.memory_space<hbm>>) target_semaphore(%arg24 : memref<!tpu.dma_semaphore, #tpu.memory_space<semaphore_mem>>)
      %dma_wait3A_699 = arith.constant 0 : i32
      %dma_wait3A_700 = arith.constant 0 : i32
      %dma_wait3A_701 = tpu.memref_slice %arg5[%dma_wait3A_699, %dma_wait3A_700] : memref<819200x128xf32, #tpu.memory_space<hbm>> -> memref<100x128xf32, #tpu.memory_space<hbm>>
      %dma_wait3A_702 = arith.constant 0 : i32
      %dma_wait3A_703 = arith.constant 0 : i32
      %dma_wait3A_704 = tpu.memref_slice %arg5[%dma_wait3A_702, %dma_wait3A_703] : memref<819200x128xf32, #tpu.memory_space<hbm>> -> memref<100x128xf32, #tpu.memory_space<hbm>>
      tpu.wait_dma2 semaphore(%arg22 : memref<!tpu.dma_semaphore, #tpu.memory_space<semaphore_mem>>) src(%arg10 : memref<100x128xf32, #tpu.memory_space<vmem>>) dst(%dma_wait3A_704 : memref<100x128xf32, #tpu.memory_space<hbm>>)
      %add3A_705 = arith.constant 4 : i32
      %add3A_706 = arith.addi %add3A_678, %add3A_705 : i32
      %dma_start3A_707 = arith.constant 0 : i32
      %dma_start3A_708 = tpu.memref_slice %arg6[%add3A_706, %dma_start3A_707] : memref<256x100xi32, #tpu.memory_space<vmem>> -> memref<1x100xi32, #tpu.memory_space<vmem>>
      %dma_start3A_709 = tpu.memref_squeeze %dma_start3A_708 : memref<1x100xi32, #tpu.memory_space<vmem>> -> memref<100xi32, #tpu.memory_space<vmem>>
      %dma_start3A_710 = arith.constant 0 : i32
      %dma_start3A_711 = arith.constant 0 : i32
      %dma_start3A_712 = tpu.memref_slice %arg3[%dma_start3A_710, %dma_start3A_711] : memref<100000x128xf32, #tpu.memory_space<hbm>> -> memref<100000x128xf32, #tpu.memory_space<hbm>>
      tpu.enqueue_indirect_dma source(%dma_start3A_712 : memref<100000x128xf32, #tpu.memory_space<hbm>>) target(%arg10 : memref<100x128xf32, #tpu.memory_space<vmem>>) offsets(%dma_start3A_709 : memref<100xi32, #tpu.memory_space<vmem>>) semaphore(%arg16 : memref<!tpu.dma_semaphore, #tpu.memory_space<semaphore_mem>>)
      %mul3A_713 = arith.constant 6 : i32
      %mul3A_714 = arith.muli %scan3A_521, %mul3A_713 : i32
      %add3A_715 = arith.constant 5 : i32
      %add3A_716 = arith.addi %mul3A_714, %add3A_715 : i32
      %dma_wait3A_717 = arith.constant 0 : i32
      %dma_wait3A_718 = arith.constant 0 : i32
      %dma_wait3A_719 = tpu.memref_slice %arg3[%dma_wait3A_717, %dma_wait3A_718] : memref<100000x128xf32, #tpu.memory_space<hbm>> -> memref<100x128xf32, #tpu.memory_space<hbm>>
      %dma_wait3A_720 = arith.constant 0 : i32
      %dma_wait3A_721 = arith.constant 0 : i32
      %dma_wait3A_722 = tpu.memref_slice %arg3[%dma_wait3A_720, %dma_wait3A_721] : memref<100000x128xf32, #tpu.memory_space<hbm>> -> memref<100x128xf32, #tpu.memory_space<hbm>>
      tpu.wait_dma2 semaphore(%arg19 : memref<!tpu.dma_semaphore, #tpu.memory_space<semaphore_mem>>) src(%dma_wait3A_722 : memref<100x128xf32, #tpu.memory_space<hbm>>) dst(%arg13 : memref<100x128xf32, #tpu.memory_space<vmem>>)
      %scan3A_723 = arith.constant 0 : i32
      %scan3A_724 = arith.constant 0 : i32
      %scan3A_725 = arith.constant 100 : i32
      %scan3A_726 = arith.addi %scan3A_724, %scan3A_725 : i32
      %scan3A_727 = arith.constant 1 : i32
      %scan3A_728 = scf.for %scan3A_752 = %scan3A_724 to %scan3A_726 step %scan3A_727 iter_args(%scan3A_753 = %scan3A_723) -> (i32)  : i32 {
        %add3A_754 = arith.constant 100 : i32
        %add3A_755 = arith.addi %add3A_754, %scan3A_752 : i32
        %get3A = arith.index_cast %add3A_755 : i32 to index
        %get3A_756 = arith.constant 0 : index
        %get3A_757 = tpu.vector_load %arg7[%get3A, %get3A_756] {strides = array<i32>} : memref<200x128xf32, #tpu.memory_space<vmem>>, vector<1x16xf32>,
        %get3A_758 = vector.shape_cast %get3A_757 : vector<1x16xf32> to vector<16xf32>
        %swap3A = arith.index_cast %scan3A_752 : i32 to index
        %swap3A_759 = arith.constant 0 : index
        %swap3A_760 = tpu.vector_load %arg13[%swap3A, %swap3A_759] {strides = array<i32>} : memref<100x128xf32, #tpu.memory_space<vmem>>, vector<1x16xf32>,
        %swap3A_761 = vector.shape_cast %swap3A_760 : vector<1x16xf32> to vector<16xf32>
        %swap3A_762 = vector.shape_cast %get3A_758 : vector<16xf32> to vector<1x16xf32>
        tpu.vector_store %arg13[%swap3A, %swap3A_759], %swap3A_762 {add = true, strides = array<i32>} : memref<100x128xf32, #tpu.memory_space<vmem>>, vector<1x16xf32>,
        %add3A_763 = arith.constant 100 : i32
        %add3A_764 = arith.addi %add3A_763, %scan3A_752 : i32
        %get3A_765 = arith.index_cast %add3A_764 : i32 to index
        %get3A_766 = arith.constant 16 : index
        %get3A_767 = tpu.vector_load %arg7[%get3A_765, %get3A_766] {strides = array<i32>} : memref<200x128xf32, #tpu.memory_space<vmem>>, vector<1x16xf32>,
        %get3A_768 = vector.shape_cast %get3A_767 : vector<1x16xf32> to vector<16xf32>
        %swap3A_769 = arith.index_cast %scan3A_752 : i32 to index
        %swap3A_770 = arith.constant 16 : index
        %swap3A_771 = tpu.vector_load %arg13[%swap3A_769, %swap3A_770] {strides = array<i32>} : memref<100x128xf32, #tpu.memory_space<vmem>>, vector<1x16xf32>,
        %swap3A_772 = vector.shape_cast %swap3A_771 : vector<1x16xf32> to vector<16xf32>
        %swap3A_773 = vector.shape_cast %get3A_768 : vector<16xf32> to vector<1x16xf32>
        tpu.vector_store %arg13[%swap3A_769, %swap3A_770], %swap3A_773 {add = true, strides = array<i32>} : memref<100x128xf32, #tpu.memory_space<vmem>>, vector<1x16xf32>,
        %add3A_774 = arith.constant 100 : i32
        %add3A_775 = arith.addi %add3A_774, %scan3A_752 : i32
        %get3A_776 = arith.index_cast %add3A_775 : i32 to index
        %get3A_777 = arith.constant 32 : index
        %get3A_778 = tpu.vector_load %arg7[%get3A_776, %get3A_777] {strides = array<i32>} : memref<200x128xf32, #tpu.memory_space<vmem>>, vector<1x16xf32>,
        %get3A_779 = vector.shape_cast %get3A_778 : vector<1x16xf32> to vector<16xf32>
        %swap3A_780 = arith.index_cast %scan3A_752 : i32 to index
        %swap3A_781 = arith.constant 32 : index
        %swap3A_782 = tpu.vector_load %arg13[%swap3A_780, %swap3A_781] {strides = array<i32>} : memref<100x128xf32, #tpu.memory_space<vmem>>, vector<1x16xf32>,
        %swap3A_783 = vector.shape_cast %swap3A_782 : vector<1x16xf32> to vector<16xf32>
        %swap3A_784 = vector.shape_cast %get3A_779 : vector<16xf32> to vector<1x16xf32>
        tpu.vector_store %arg13[%swap3A_780, %swap3A_781], %swap3A_784 {add = true, strides = array<i32>} : memref<100x128xf32, #tpu.memory_space<vmem>>, vector<1x16xf32>,
        %add3A_785 = arith.constant 100 : i32
        %add3A_786 = arith.addi %add3A_785, %scan3A_752 : i32
        %get3A_787 = arith.index_cast %add3A_786 : i32 to index
        %get3A_788 = arith.constant 48 : index
        %get3A_789 = tpu.vector_load %arg7[%get3A_787, %get3A_788] {strides = array<i32>} : memref<200x128xf32, #tpu.memory_space<vmem>>, vector<1x16xf32>,
        %get3A_790 = vector.shape_cast %get3A_789 : vector<1x16xf32> to vector<16xf32>
        %swap3A_791 = arith.index_cast %scan3A_752 : i32 to index
        %swap3A_792 = arith.constant 48 : index
        %swap3A_793 = tpu.vector_load %arg13[%swap3A_791, %swap3A_792] {strides = array<i32>} : memref<100x128xf32, #tpu.memory_space<vmem>>, vector<1x16xf32>,
        %swap3A_794 = vector.shape_cast %swap3A_793 : vector<1x16xf32> to vector<16xf32>
        %swap3A_795 = vector.shape_cast %get3A_790 : vector<16xf32> to vector<1x16xf32>
        tpu.vector_store %arg13[%swap3A_791, %swap3A_792], %swap3A_795 {add = true, strides = array<i32>} : memref<100x128xf32, #tpu.memory_space<vmem>>, vector<1x16xf32>,
        %add3A_796 = arith.constant 100 : i32
        %add3A_797 = arith.addi %add3A_796, %scan3A_752 : i32
        %get3A_798 = arith.index_cast %add3A_797 : i32 to index
        %get3A_799 = arith.constant 64 : index
        %get3A_800 = tpu.vector_load %arg7[%get3A_798, %get3A_799] {strides = array<i32>} : memref<200x128xf32, #tpu.memory_space<vmem>>, vector<1x16xf32>,
        %get3A_801 = vector.shape_cast %get3A_800 : vector<1x16xf32> to vector<16xf32>
        %swap3A_802 = arith.index_cast %scan3A_752 : i32 to index
        %swap3A_803 = arith.constant 64 : index
        %swap3A_804 = tpu.vector_load %arg13[%swap3A_802, %swap3A_803] {strides = array<i32>} : memref<100x128xf32, #tpu.memory_space<vmem>>, vector<1x16xf32>,
        %swap3A_805 = vector.shape_cast %swap3A_804 : vector<1x16xf32> to vector<16xf32>
        %swap3A_806 = vector.shape_cast %get3A_801 : vector<16xf32> to vector<1x16xf32>
        tpu.vector_store %arg13[%swap3A_802, %swap3A_803], %swap3A_806 {add = true, strides = array<i32>} : memref<100x128xf32, #tpu.memory_space<vmem>>, vector<1x16xf32>,
        %add3A_807 = arith.constant 100 : i32
        %add3A_808 = arith.addi %add3A_807, %scan3A_752 : i32
        %get3A_809 = arith.index_cast %add3A_808 : i32 to index
        %get3A_810 = arith.constant 80 : index
        %get3A_811 = tpu.vector_load %arg7[%get3A_809, %get3A_810] {strides = array<i32>} : memref<200x128xf32, #tpu.memory_space<vmem>>, vector<1x16xf32>,
        %get3A_812 = vector.shape_cast %get3A_811 : vector<1x16xf32> to vector<16xf32>
        %swap3A_813 = arith.index_cast %scan3A_752 : i32 to index
        %swap3A_814 = arith.constant 80 : index
        %swap3A_815 = tpu.vector_load %arg13[%swap3A_813, %swap3A_814] {strides = array<i32>} : memref<100x128xf32, #tpu.memory_space<vmem>>, vector<1x16xf32>,
        %swap3A_816 = vector.shape_cast %swap3A_815 : vector<1x16xf32> to vector<16xf32>
        %swap3A_817 = vector.shape_cast %get3A_812 : vector<16xf32> to vector<1x16xf32>
        tpu.vector_store %arg13[%swap3A_813, %swap3A_814], %swap3A_817 {add = true, strides = array<i32>} : memref<100x128xf32, #tpu.memory_space<vmem>>, vector<1x16xf32>,
        %add3A_818 = arith.constant 100 : i32
        %add3A_819 = arith.addi %add3A_818, %scan3A_752 : i32
        %get3A_820 = arith.index_cast %add3A_819 : i32 to index
        %get3A_821 = arith.constant 96 : index
        %get3A_822 = tpu.vector_load %arg7[%get3A_820, %get3A_821] {strides = array<i32>} : memref<200x128xf32, #tpu.memory_space<vmem>>, vector<1x16xf32>,
        %get3A_823 = vector.shape_cast %get3A_822 : vector<1x16xf32> to vector<16xf32>
        %swap3A_824 = arith.index_cast %scan3A_752 : i32 to index
        %swap3A_825 = arith.constant 96 : index
        %swap3A_826 = tpu.vector_load %arg13[%swap3A_824, %swap3A_825] {strides = array<i32>} : memref<100x128xf32, #tpu.memory_space<vmem>>, vector<1x16xf32>,
        %swap3A_827 = vector.shape_cast %swap3A_826 : vector<1x16xf32> to vector<16xf32>
        %swap3A_828 = vector.shape_cast %get3A_823 : vector<16xf32> to vector<1x16xf32>
        tpu.vector_store %arg13[%swap3A_824, %swap3A_825], %swap3A_828 {add = true, strides = array<i32>} : memref<100x128xf32, #tpu.memory_space<vmem>>, vector<1x16xf32>,
        %add3A_829 = arith.constant 100 : i32
        %add3A_830 = arith.addi %add3A_829, %scan3A_752 : i32
        %get3A_831 = arith.index_cast %add3A_830 : i32 to index
        %get3A_832 = arith.constant 112 : index
        %get3A_833 = tpu.vector_load %arg7[%get3A_831, %get3A_832] {strides = array<i32>} : memref<200x128xf32, #tpu.memory_space<vmem>>, vector<1x16xf32>,
        %get3A_834 = vector.shape_cast %get3A_833 : vector<1x16xf32> to vector<16xf32>
        %swap3A_835 = arith.index_cast %scan3A_752 : i32 to index
        %swap3A_836 = arith.constant 112 : index
        %swap3A_837 = tpu.vector_load %arg13[%swap3A_835, %swap3A_836] {strides = array<i32>} : memref<100x128xf32, #tpu.memory_space<vmem>>, vector<1x16xf32>,
        %swap3A_838 = vector.shape_cast %swap3A_837 : vector<1x16xf32> to vector<16xf32>
        %swap3A_839 = vector.shape_cast %get3A_834 : vector<16xf32> to vector<1x16xf32>
        tpu.vector_store %arg13[%swap3A_835, %swap3A_836], %swap3A_839 {add = true, strides = array<i32>} : memref<100x128xf32, #tpu.memory_space<vmem>>, vector<1x16xf32>,
        %scan3A_840 = arith.constant 0 : i32
        scf.yield %scan3A_840 : i32
      }
      %scan3A_729 = arith.constant 100 : i32
      %mul3A_730 = arith.constant 100 : i32
      %mul3A_731 = arith.muli %add3A_716, %mul3A_730 : i32
      %add3A_732 = arith.addi %mul3A_4, %mul3A_731 : i32
      %dma_start3A_733 = arith.constant 0 : i32
      %dma_start3A_734 = tpu.memref_slice %arg5[%add3A_732, %dma_start3A_733] : memref<819200x128xf32, #tpu.memory_space<hbm>> -> memref<100x128xf32, #tpu.memory_space<hbm>>
      %dma_start3A_735 = arith.constant 0 : i32
      %dma_start3A_736 = tpu.memref_slice %arg5[%add3A_732, %dma_start3A_735] : memref<819200x128xf32, #tpu.memory_space<hbm>> -> memref<100x128xf32, #tpu.memory_space<hbm>>
      tpu.enqueue_dma source(%arg13 : memref<100x128xf32, #tpu.memory_space<vmem>>) target(%dma_start3A_736 : memref<100x128xf32, #tpu.memory_space<hbm>>) target_semaphore(%arg25 : memref<!tpu.dma_semaphore, #tpu.memory_space<semaphore_mem>>)
      %dma_wait3A_737 = arith.constant 0 : i32
      %dma_wait3A_738 = arith.constant 0 : i32
      %dma_wait3A_739 = tpu.memref_slice %arg5[%dma_wait3A_737, %dma_wait3A_738] : memref<819200x128xf32, #tpu.memory_space<hbm>> -> memref<100x128xf32, #tpu.memory_space<hbm>>
      %dma_wait3A_740 = arith.constant 0 : i32
      %dma_wait3A_741 = arith.constant 0 : i32
      %dma_wait3A_742 = tpu.memref_slice %arg5[%dma_wait3A_740, %dma_wait3A_741] : memref<819200x128xf32, #tpu.memory_space<hbm>> -> memref<100x128xf32, #tpu.memory_space<hbm>>
      tpu.wait_dma2 semaphore(%arg23 : memref<!tpu.dma_semaphore, #tpu.memory_space<semaphore_mem>>) src(%arg11 : memref<100x128xf32, #tpu.memory_space<vmem>>) dst(%dma_wait3A_742 : memref<100x128xf32, #tpu.memory_space<hbm>>)
      %add3A_743 = arith.constant 4 : i32
      %add3A_744 = arith.addi %add3A_716, %add3A_743 : i32
      %dma_start3A_745 = arith.constant 0 : i32
      %dma_start3A_746 = tpu.memref_slice %arg6[%add3A_744, %dma_start3A_745] : memref<256x100xi32, #tpu.memory_space<vmem>> -> memref<1x100xi32, #tpu.memory_space<vmem>>
      %dma_start3A_747 = tpu.memref_squeeze %dma_start3A_746 : memref<1x100xi32, #tpu.memory_space<vmem>> -> memref<100xi32, #tpu.memory_space<vmem>>
      %dma_start3A_748 = arith.constant 0 : i32
      %dma_start3A_749 = arith.constant 0 : i32
      %dma_start3A_750 = tpu.memref_slice %arg3[%dma_start3A_748, %dma_start3A_749] : memref<100000x128xf32, #tpu.memory_space<hbm>> -> memref<100000x128xf32, #tpu.memory_space<hbm>>
      tpu.enqueue_indirect_dma source(%dma_start3A_750 : memref<100000x128xf32, #tpu.memory_space<hbm>>) target(%arg11 : memref<100x128xf32, #tpu.memory_space<vmem>>) offsets(%dma_start3A_747 : memref<100xi32, #tpu.memory_space<vmem>>) semaphore(%arg17 : memref<!tpu.dma_semaphore, #tpu.memory_space<semaphore_mem>>)
      %scan3A_751 = arith.constant 0 : i32
      scf.yield %scan3A_751 : i32
    }
    %scan3A_216 = arith.constant 40 : i32
    %dma_wait3A_217 = arith.constant 0 : i32
    %dma_wait3A_218 = arith.constant 0 : i32
    %dma_wait3A_219 = tpu.memref_slice %arg3[%dma_wait3A_217, %dma_wait3A_218] : memref<100000x128xf32, #tpu.memory_space<hbm>> -> memref<100x128xf32, #tpu.memory_space<hbm>>
    %dma_wait3A_220 = arith.constant 0 : i32
    %dma_wait3A_221 = arith.constant 0 : i32
    %dma_wait3A_222 = tpu.memref_slice %arg3[%dma_wait3A_220, %dma_wait3A_221] : memref<100000x128xf32, #tpu.memory_space<hbm>> -> memref<100x128xf32, #tpu.memory_space<hbm>>
    tpu.wait_dma2 semaphore(%arg14 : memref<!tpu.dma_semaphore, #tpu.memory_space<semaphore_mem>>) src(%dma_wait3A_222 : memref<100x128xf32, #tpu.memory_space<hbm>>) dst(%arg8 : memref<100x128xf32, #tpu.memory_space<vmem>>)
    %scan3A_223 = arith.constant 0 : i32
    %scan3A_224 = arith.constant 0 : i32
    %scan3A_225 = arith.constant 100 : i32
    %scan3A_226 = arith.addi %scan3A_224, %scan3A_225 : i32
    %scan3A_227 = arith.constant 1 : i32
    %scan3A_228 = scf.for %scan3A_521 = %scan3A_224 to %scan3A_226 step %scan3A_227 iter_args(%scan3A_522 = %scan3A_223) -> (i32)  : i32 {
      %add3A_523 = arith.constant 0 : i32
      %add3A_524 = arith.addi %add3A_523, %scan3A_521 : i32
      %get3A = arith.index_cast %add3A_524 : i32 to index
      %get3A_525 = arith.constant 0 : index
      %get3A_526 = tpu.vector_load %arg7[%get3A, %get3A_525] {strides = array<i32>} : memref<200x128xf32, #tpu.memory_space<vmem>>, vector<1x16xf32>,
      %get3A_527 = vector.shape_cast %get3A_526 : vector<1x16xf32> to vector<16xf32>
      %swap3A = arith.index_cast %scan3A_521 : i32 to index
      %swap3A_528 = arith.constant 0 : index
      %swap3A_529 = tpu.vector_load %arg8[%swap3A, %swap3A_528] {strides = array<i32>} : memref<100x128xf32, #tpu.memory_space<vmem>>, vector<1x16xf32>,
      %swap3A_530 = vector.shape_cast %swap3A_529 : vector<1x16xf32> to vector<16xf32>
      %swap3A_531 = vector.shape_cast %get3A_527 : vector<16xf32> to vector<1x16xf32>
      tpu.vector_store %arg8[%swap3A, %swap3A_528], %swap3A_531 {add = true, strides = array<i32>} : memref<100x128xf32, #tpu.memory_space<vmem>>, vector<1x16xf32>,
      %add3A_532 = arith.constant 0 : i32
      %add3A_533 = arith.addi %add3A_532, %scan3A_521 : i32
      %get3A_534 = arith.index_cast %add3A_533 : i32 to index
      %get3A_535 = arith.constant 16 : index
      %get3A_536 = tpu.vector_load %arg7[%get3A_534, %get3A_535] {strides = array<i32>} : memref<200x128xf32, #tpu.memory_space<vmem>>, vector<1x16xf32>,
      %get3A_537 = vector.shape_cast %get3A_536 : vector<1x16xf32> to vector<16xf32>
      %swap3A_538 = arith.index_cast %scan3A_521 : i32 to index
      %swap3A_539 = arith.constant 16 : index
      %swap3A_540 = tpu.vector_load %arg8[%swap3A_538, %swap3A_539] {strides = array<i32>} : memref<100x128xf32, #tpu.memory_space<vmem>>, vector<1x16xf32>,
      %swap3A_541 = vector.shape_cast %swap3A_540 : vector<1x16xf32> to vector<16xf32>
      %swap3A_542 = vector.shape_cast %get3A_537 : vector<16xf32> to vector<1x16xf32>
      tpu.vector_store %arg8[%swap3A_538, %swap3A_539], %swap3A_542 {add = true, strides = array<i32>} : memref<100x128xf32, #tpu.memory_space<vmem>>, vector<1x16xf32>,
      %add3A_543 = arith.constant 0 : i32
      %add3A_544 = arith.addi %add3A_543, %scan3A_521 : i32
      %get3A_545 = arith.index_cast %add3A_544 : i32 to index
      %get3A_546 = arith.constant 32 : index
      %get3A_547 = tpu.vector_load %arg7[%get3A_545, %get3A_546] {strides = array<i32>} : memref<200x128xf32, #tpu.memory_space<vmem>>, vector<1x16xf32>,
      %get3A_548 = vector.shape_cast %get3A_547 : vector<1x16xf32> to vector<16xf32>
      %swap3A_549 = arith.index_cast %scan3A_521 : i32 to index
      %swap3A_550 = arith.constant 32 : index
      %swap3A_551 = tpu.vector_load %arg8[%swap3A_549, %swap3A_550] {strides = array<i32>} : memref<100x128xf32, #tpu.memory_space<vmem>>, vector<1x16xf32>,
      %swap3A_552 = vector.shape_cast %swap3A_551 : vector<1x16xf32> to vector<16xf32>
      %swap3A_553 = vector.shape_cast %get3A_548 : vector<16xf32> to vector<1x16xf32>
      tpu.vector_store %arg8[%swap3A_549, %swap3A_550], %swap3A_553 {add = true, strides = array<i32>} : memref<100x128xf32, #tpu.memory_space<vmem>>, vector<1x16xf32>,
      %add3A_554 = arith.constant 0 : i32
      %add3A_555 = arith.addi %add3A_554, %scan3A_521 : i32
      %get3A_556 = arith.index_cast %add3A_555 : i32 to index
      %get3A_557 = arith.constant 48 : index
      %get3A_558 = tpu.vector_load %arg7[%get3A_556, %get3A_557] {strides = array<i32>} : memref<200x128xf32, #tpu.memory_space<vmem>>, vector<1x16xf32>,
      %get3A_559 = vector.shape_cast %get3A_558 : vector<1x16xf32> to vector<16xf32>
      %swap3A_560 = arith.index_cast %scan3A_521 : i32 to index
      %swap3A_561 = arith.constant 48 : index
      %swap3A_562 = tpu.vector_load %arg8[%swap3A_560, %swap3A_561] {strides = array<i32>} : memref<100x128xf32, #tpu.memory_space<vmem>>, vector<1x16xf32>,
      %swap3A_563 = vector.shape_cast %swap3A_562 : vector<1x16xf32> to vector<16xf32>
      %swap3A_564 = vector.shape_cast %get3A_559 : vector<16xf32> to vector<1x16xf32>
      tpu.vector_store %arg8[%swap3A_560, %swap3A_561], %swap3A_564 {add = true, strides = array<i32>} : memref<100x128xf32, #tpu.memory_space<vmem>>, vector<1x16xf32>,
      %add3A_565 = arith.constant 0 : i32
      %add3A_566 = arith.addi %add3A_565, %scan3A_521 : i32
      %get3A_567 = arith.index_cast %add3A_566 : i32 to index
      %get3A_568 = arith.constant 64 : index
      %get3A_569 = tpu.vector_load %arg7[%get3A_567, %get3A_568] {strides = array<i32>} : memref<200x128xf32, #tpu.memory_space<vmem>>, vector<1x16xf32>,
      %get3A_570 = vector.shape_cast %get3A_569 : vector<1x16xf32> to vector<16xf32>
      %swap3A_571 = arith.index_cast %scan3A_521 : i32 to index
      %swap3A_572 = arith.constant 64 : index
      %swap3A_573 = tpu.vector_load %arg8[%swap3A_571, %swap3A_572] {strides = array<i32>} : memref<100x128xf32, #tpu.memory_space<vmem>>, vector<1x16xf32>,
      %swap3A_574 = vector.shape_cast %swap3A_573 : vector<1x16xf32> to vector<16xf32>
      %swap3A_575 = vector.shape_cast %get3A_570 : vector<16xf32> to vector<1x16xf32>
      tpu.vector_store %arg8[%swap3A_571, %swap3A_572], %swap3A_575 {add = true, strides = array<i32>} : memref<100x128xf32, #tpu.memory_space<vmem>>, vector<1x16xf32>,
      %add3A_576 = arith.constant 0 : i32
      %add3A_577 = arith.addi %add3A_576, %scan3A_521 : i32
      %get3A_578 = arith.index_cast %add3A_577 : i32 to index
      %get3A_579 = arith.constant 80 : index
      %get3A_580 = tpu.vector_load %arg7[%get3A_578, %get3A_579] {strides = array<i32>} : memref<200x128xf32, #tpu.memory_space<vmem>>, vector<1x16xf32>,
      %get3A_581 = vector.shape_cast %get3A_580 : vector<1x16xf32> to vector<16xf32>
      %swap3A_582 = arith.index_cast %scan3A_521 : i32 to index
      %swap3A_583 = arith.constant 80 : index
      %swap3A_584 = tpu.vector_load %arg8[%swap3A_582, %swap3A_583] {strides = array<i32>} : memref<100x128xf32, #tpu.memory_space<vmem>>, vector<1x16xf32>,
      %swap3A_585 = vector.shape_cast %swap3A_584 : vector<1x16xf32> to vector<16xf32>
      %swap3A_586 = vector.shape_cast %get3A_581 : vector<16xf32> to vector<1x16xf32>
      tpu.vector_store %arg8[%swap3A_582, %swap3A_583], %swap3A_586 {add = true, strides = array<i32>} : memref<100x128xf32, #tpu.memory_space<vmem>>, vector<1x16xf32>,
      %add3A_587 = arith.constant 0 : i32
      %add3A_588 = arith.addi %add3A_587, %scan3A_521 : i32
      %get3A_589 = arith.index_cast %add3A_588 : i32 to index
      %get3A_590 = arith.constant 96 : index
      %get3A_591 = tpu.vector_load %arg7[%get3A_589, %get3A_590] {strides = array<i32>} : memref<200x128xf32, #tpu.memory_space<vmem>>, vector<1x16xf32>,
      %get3A_592 = vector.shape_cast %get3A_591 : vector<1x16xf32> to vector<16xf32>
      %swap3A_593 = arith.index_cast %scan3A_521 : i32 to index
      %swap3A_594 = arith.constant 96 : index
      %swap3A_595 = tpu.vector_load %arg8[%swap3A_593, %swap3A_594] {strides = array<i32>} : memref<100x128xf32, #tpu.memory_space<vmem>>, vector<1x16xf32>,
      %swap3A_596 = vector.shape_cast %swap3A_595 : vector<1x16xf32> to vector<16xf32>
      %swap3A_597 = vector.shape_cast %get3A_592 : vector<16xf32> to vector<1x16xf32>
      tpu.vector_store %arg8[%swap3A_593, %swap3A_594], %swap3A_597 {add = true, strides = array<i32>} : memref<100x128xf32, #tpu.memory_space<vmem>>, vector<1x16xf32>,
      %add3A_598 = arith.constant 0 : i32
      %add3A_599 = arith.addi %add3A_598, %scan3A_521 : i32
      %get3A_600 = arith.index_cast %add3A_599 : i32 to index
      %get3A_601 = arith.constant 112 : index
      %get3A_602 = tpu.vector_load %arg7[%get3A_600, %get3A_601] {strides = array<i32>} : memref<200x128xf32, #tpu.memory_space<vmem>>, vector<1x16xf32>,
      %get3A_603 = vector.shape_cast %get3A_602 : vector<1x16xf32> to vector<16xf32>
      %swap3A_604 = arith.index_cast %scan3A_521 : i32 to index
      %swap3A_605 = arith.constant 112 : index
      %swap3A_606 = tpu.vector_load %arg8[%swap3A_604, %swap3A_605] {strides = array<i32>} : memref<100x128xf32, #tpu.memory_space<vmem>>, vector<1x16xf32>,
      %swap3A_607 = vector.shape_cast %swap3A_606 : vector<1x16xf32> to vector<16xf32>
      %swap3A_608 = vector.shape_cast %get3A_603 : vector<16xf32> to vector<1x16xf32>
      tpu.vector_store %arg8[%swap3A_604, %swap3A_605], %swap3A_608 {add = true, strides = array<i32>} : memref<100x128xf32, #tpu.memory_space<vmem>>, vector<1x16xf32>,
      %scan3A_609 = arith.constant 0 : i32
      scf.yield %scan3A_609 : i32
    }
    %scan3A_229 = arith.constant 100 : i32
    %add3A_230 = arith.constant 24600 : i32
    %add3A_231 = arith.addi %mul3A_4, %add3A_230 : i32
    %dma_start3A_232 = arith.constant 0 : i32
    %dma_start3A_233 = tpu.memref_slice %arg5[%add3A_231, %dma_start3A_232] : memref<819200x128xf32, #tpu.memory_space<hbm>> -> memref<100x128xf32, #tpu.memory_space<hbm>>
    %dma_start3A_234 = arith.constant 0 : i32
    %dma_start3A_235 = tpu.memref_slice %arg5[%add3A_231, %dma_start3A_234] : memref<819200x128xf32, #tpu.memory_space<hbm>> -> memref<100x128xf32, #tpu.memory_space<hbm>>
    tpu.enqueue_dma source(%arg8 : memref<100x128xf32, #tpu.memory_space<vmem>>) target(%dma_start3A_235 : memref<100x128xf32, #tpu.memory_space<hbm>>) target_semaphore(%arg20 : memref<!tpu.dma_semaphore, #tpu.memory_space<semaphore_mem>>)
    %dma_wait3A_236 = arith.constant 0 : i32
    %dma_wait3A_237 = arith.constant 0 : i32
    %dma_wait3A_238 = tpu.memref_slice %arg5[%dma_wait3A_236, %dma_wait3A_237] : memref<819200x128xf32, #tpu.memory_space<hbm>> -> memref<100x128xf32, #tpu.memory_space<hbm>>
    %dma_wait3A_239 = arith.constant 0 : i32
    %dma_wait3A_240 = arith.constant 0 : i32
    %dma_wait3A_241 = tpu.memref_slice %arg5[%dma_wait3A_239, %dma_wait3A_240] : memref<819200x128xf32, #tpu.memory_space<hbm>> -> memref<100x128xf32, #tpu.memory_space<hbm>>
    tpu.wait_dma2 semaphore(%arg24 : memref<!tpu.dma_semaphore, #tpu.memory_space<semaphore_mem>>) src(%arg12 : memref<100x128xf32, #tpu.memory_space<vmem>>) dst(%dma_wait3A_241 : memref<100x128xf32, #tpu.memory_space<hbm>>)
    %dma_start3A_242 = arith.constant 250 : i32
    %dma_start3A_243 = arith.constant 0 : i32
    %dma_start3A_244 = tpu.memref_slice %arg6[%dma_start3A_242, %dma_start3A_243] : memref<256x100xi32, #tpu.memory_space<vmem>> -> memref<1x100xi32, #tpu.memory_space<vmem>>
    %dma_start3A_245 = tpu.memref_squeeze %dma_start3A_244 : memref<1x100xi32, #tpu.memory_space<vmem>> -> memref<100xi32, #tpu.memory_space<vmem>>
    %dma_start3A_246 = arith.constant 0 : i32
    %dma_start3A_247 = arith.constant 0 : i32
    %dma_start3A_248 = tpu.memref_slice %arg3[%dma_start3A_246, %dma_start3A_247] : memref<100000x128xf32, #tpu.memory_space<hbm>> -> memref<100000x128xf32, #tpu.memory_space<hbm>>
    tpu.enqueue_indirect_dma source(%dma_start3A_248 : memref<100000x128xf32, #tpu.memory_space<hbm>>) target(%arg12 : memref<100x128xf32, #tpu.memory_space<vmem>>) offsets(%dma_start3A_245 : memref<100xi32, #tpu.memory_space<vmem>>) semaphore(%arg18 : memref<!tpu.dma_semaphore, #tpu.memory_space<semaphore_mem>>)
    %dma_wait3A_249 = arith.constant 0 : i32
    %dma_wait3A_250 = arith.constant 0 : i32
    %dma_wait3A_251 = tpu.memref_slice %arg3[%dma_wait3A_249, %dma_wait3A_250] : memref<100000x128xf32, #tpu.memory_space<hbm>> -> memref<100x128xf32, #tpu.memory_space<hbm>>
    %dma_wait3A_252 = arith.constant 0 : i32
    %dma_wait3A_253 = arith.constant 0 : i32
    %dma_wait3A_254 = tpu.memref_slice %arg3[%dma_wait3A_252, %dma_wait3A_253] : memref<100000x128xf32, #tpu.memory_space<hbm>> -> memref<100x128xf32, #tpu.memory_space<hbm>>
    tpu.wait_dma2 semaphore(%arg15 : memref<!tpu.dma_semaphore, #tpu.memory_space<semaphore_mem>>) src(%dma_wait3A_254 : memref<100x128xf32, #tpu.memory_space<hbm>>) dst(%arg9 : memref<100x128xf32, #tpu.memory_space<vmem>>)
    %scan3A_255 = arith.constant 0 : i32
    %scan3A_256 = arith.constant 0 : i32
    %scan3A_257 = arith.constant 100 : i32
    %scan3A_258 = arith.addi %scan3A_256, %scan3A_257 : i32
    %scan3A_259 = arith.constant 1 : i32
    %scan3A_260 = scf.for %scan3A_521 = %scan3A_256 to %scan3A_258 step %scan3A_259 iter_args(%scan3A_522 = %scan3A_255) -> (i32)  : i32 {
      %add3A_523 = arith.constant 100 : i32
      %add3A_524 = arith.addi %add3A_523, %scan3A_521 : i32
      %get3A = arith.index_cast %add3A_524 : i32 to index
      %get3A_525 = arith.constant 0 : index
      %get3A_526 = tpu.vector_load %arg7[%get3A, %get3A_525] {strides = array<i32>} : memref<200x128xf32, #tpu.memory_space<vmem>>, vector<1x16xf32>,
      %get3A_527 = vector.shape_cast %get3A_526 : vector<1x16xf32> to vector<16xf32>
      %swap3A = arith.index_cast %scan3A_521 : i32 to index
      %swap3A_528 = arith.constant 0 : index
      %swap3A_529 = tpu.vector_load %arg9[%swap3A, %swap3A_528] {strides = array<i32>} : memref<100x128xf32, #tpu.memory_space<vmem>>, vector<1x16xf32>,
      %swap3A_530 = vector.shape_cast %swap3A_529 : vector<1x16xf32> to vector<16xf32>
      %swap3A_531 = vector.shape_cast %get3A_527 : vector<16xf32> to vector<1x16xf32>
      tpu.vector_store %arg9[%swap3A, %swap3A_528], %swap3A_531 {add = true, strides = array<i32>} : memref<100x128xf32, #tpu.memory_space<vmem>>, vector<1x16xf32>,
      %add3A_532 = arith.constant 100 : i32
      %add3A_533 = arith.addi %add3A_532, %scan3A_521 : i32
      %get3A_534 = arith.index_cast %add3A_533 : i32 to index
      %get3A_535 = arith.constant 16 : index
      %get3A_536 = tpu.vector_load %arg7[%get3A_534, %get3A_535] {strides = array<i32>} : memref<200x128xf32, #tpu.memory_space<vmem>>, vector<1x16xf32>,
      %get3A_537 = vector.shape_cast %get3A_536 : vector<1x16xf32> to vector<16xf32>
      %swap3A_538 = arith.index_cast %scan3A_521 : i32 to index
      %swap3A_539 = arith.constant 16 : index
      %swap3A_540 = tpu.vector_load %arg9[%swap3A_538, %swap3A_539] {strides = array<i32>} : memref<100x128xf32, #tpu.memory_space<vmem>>, vector<1x16xf32>,
      %swap3A_541 = vector.shape_cast %swap3A_540 : vector<1x16xf32> to vector<16xf32>
      %swap3A_542 = vector.shape_cast %get3A_537 : vector<16xf32> to vector<1x16xf32>
      tpu.vector_store %arg9[%swap3A_538, %swap3A_539], %swap3A_542 {add = true, strides = array<i32>} : memref<100x128xf32, #tpu.memory_space<vmem>>, vector<1x16xf32>,
      %add3A_543 = arith.constant 100 : i32
      %add3A_544 = arith.addi %add3A_543, %scan3A_521 : i32
      %get3A_545 = arith.index_cast %add3A_544 : i32 to index
      %get3A_546 = arith.constant 32 : index
      %get3A_547 = tpu.vector_load %arg7[%get3A_545, %get3A_546] {strides = array<i32>} : memref<200x128xf32, #tpu.memory_space<vmem>>, vector<1x16xf32>,
      %get3A_548 = vector.shape_cast %get3A_547 : vector<1x16xf32> to vector<16xf32>
      %swap3A_549 = arith.index_cast %scan3A_521 : i32 to index
      %swap3A_550 = arith.constant 32 : index
      %swap3A_551 = tpu.vector_load %arg9[%swap3A_549, %swap3A_550] {strides = array<i32>} : memref<100x128xf32, #tpu.memory_space<vmem>>, vector<1x16xf32>,
      %swap3A_552 = vector.shape_cast %swap3A_551 : vector<1x16xf32> to vector<16xf32>
      %swap3A_553 = vector.shape_cast %get3A_548 : vector<16xf32> to vector<1x16xf32>
      tpu.vector_store %arg9[%swap3A_549, %swap3A_550], %swap3A_553 {add = true, strides = array<i32>} : memref<100x128xf32, #tpu.memory_space<vmem>>, vector<1x16xf32>,
      %add3A_554 = arith.constant 100 : i32
      %add3A_555 = arith.addi %add3A_554, %scan3A_521 : i32
      %get3A_556 = arith.index_cast %add3A_555 : i32 to index
      %get3A_557 = arith.constant 48 : index
      %get3A_558 = tpu.vector_load %arg7[%get3A_556, %get3A_557] {strides = array<i32>} : memref<200x128xf32, #tpu.memory_space<vmem>>, vector<1x16xf32>,
      %get3A_559 = vector.shape_cast %get3A_558 : vector<1x16xf32> to vector<16xf32>
      %swap3A_560 = arith.index_cast %scan3A_521 : i32 to index
      %swap3A_561 = arith.constant 48 : index
      %swap3A_562 = tpu.vector_load %arg9[%swap3A_560, %swap3A_561] {strides = array<i32>} : memref<100x128xf32, #tpu.memory_space<vmem>>, vector<1x16xf32>,
      %swap3A_563 = vector.shape_cast %swap3A_562 : vector<1x16xf32> to vector<16xf32>
      %swap3A_564 = vector.shape_cast %get3A_559 : vector<16xf32> to vector<1x16xf32>
      tpu.vector_store %arg9[%swap3A_560, %swap3A_561], %swap3A_564 {add = true, strides = array<i32>} : memref<100x128xf32, #tpu.memory_space<vmem>>, vector<1x16xf32>,
      %add3A_565 = arith.constant 100 : i32
      %add3A_566 = arith.addi %add3A_565, %scan3A_521 : i32
      %get3A_567 = arith.index_cast %add3A_566 : i32 to index
      %get3A_568 = arith.constant 64 : index
      %get3A_569 = tpu.vector_load %arg7[%get3A_567, %get3A_568] {strides = array<i32>} : memref<200x128xf32, #tpu.memory_space<vmem>>, vector<1x16xf32>,
      %get3A_570 = vector.shape_cast %get3A_569 : vector<1x16xf32> to vector<16xf32>
      %swap3A_571 = arith.index_cast %scan3A_521 : i32 to index
      %swap3A_572 = arith.constant 64 : index
      %swap3A_573 = tpu.vector_load %arg9[%swap3A_571, %swap3A_572] {strides = array<i32>} : memref<100x128xf32, #tpu.memory_space<vmem>>, vector<1x16xf32>,
      %swap3A_574 = vector.shape_cast %swap3A_573 : vector<1x16xf32> to vector<16xf32>
      %swap3A_575 = vector.shape_cast %get3A_570 : vector<16xf32> to vector<1x16xf32>
      tpu.vector_store %arg9[%swap3A_571, %swap3A_572], %swap3A_575 {add = true, strides = array<i32>} : memref<100x128xf32, #tpu.memory_space<vmem>>, vector<1x16xf32>,
      %add3A_576 = arith.constant 100 : i32
      %add3A_577 = arith.addi %add3A_576, %scan3A_521 : i32
      %get3A_578 = arith.index_cast %add3A_577 : i32 to index
      %get3A_579 = arith.constant 80 : index
      %get3A_580 = tpu.vector_load %arg7[%get3A_578, %get3A_579] {strides = array<i32>} : memref<200x128xf32, #tpu.memory_space<vmem>>, vector<1x16xf32>,
      %get3A_581 = vector.shape_cast %get3A_580 : vector<1x16xf32> to vector<16xf32>
      %swap3A_582 = arith.index_cast %scan3A_521 : i32 to index
      %swap3A_583 = arith.constant 80 : index
      %swap3A_584 = tpu.vector_load %arg9[%swap3A_582, %swap3A_583] {strides = array<i32>} : memref<100x128xf32, #tpu.memory_space<vmem>>, vector<1x16xf32>,
      %swap3A_585 = vector.shape_cast %swap3A_584 : vector<1x16xf32> to vector<16xf32>
      %swap3A_586 = vector.shape_cast %get3A_581 : vector<16xf32> to vector<1x16xf32>
      tpu.vector_store %arg9[%swap3A_582, %swap3A_583], %swap3A_586 {add = true, strides = array<i32>} : memref<100x128xf32, #tpu.memory_space<vmem>>, vector<1x16xf32>,
      %add3A_587 = arith.constant 100 : i32
      %add3A_588 = arith.addi %add3A_587, %scan3A_521 : i32
      %get3A_589 = arith.index_cast %add3A_588 : i32 to index
      %get3A_590 = arith.constant 96 : index
      %get3A_591 = tpu.vector_load %arg7[%get3A_589, %get3A_590] {strides = array<i32>} : memref<200x128xf32, #tpu.memory_space<vmem>>, vector<1x16xf32>,
      %get3A_592 = vector.shape_cast %get3A_591 : vector<1x16xf32> to vector<16xf32>
      %swap3A_593 = arith.index_cast %scan3A_521 : i32 to index
      %swap3A_594 = arith.constant 96 : index
      %swap3A_595 = tpu.vector_load %arg9[%swap3A_593, %swap3A_594] {strides = array<i32>} : memref<100x128xf32, #tpu.memory_space<vmem>>, vector<1x16xf32>,
      %swap3A_596 = vector.shape_cast %swap3A_595 : vector<1x16xf32> to vector<16xf32>
      %swap3A_597 = vector.shape_cast %get3A_592 : vector<16xf32> to vector<1x16xf32>
      tpu.vector_store %arg9[%swap3A_593, %swap3A_594], %swap3A_597 {add = true, strides = array<i32>} : memref<100x128xf32, #tpu.memory_space<vmem>>, vector<1x16xf32>,
      %add3A_598 = arith.constant 100 : i32
      %add3A_599 = arith.addi %add3A_598, %scan3A_521 : i32
      %get3A_600 = arith.index_cast %add3A_599 : i32 to index
      %get3A_601 = arith.constant 112 : index
      %get3A_602 = tpu.vector_load %arg7[%get3A_600, %get3A_601] {strides = array<i32>} : memref<200x128xf32, #tpu.memory_space<vmem>>, vector<1x16xf32>,
      %get3A_603 = vector.shape_cast %get3A_602 : vector<1x16xf32> to vector<16xf32>
      %swap3A_604 = arith.index_cast %scan3A_521 : i32 to index
      %swap3A_605 = arith.constant 112 : index
      %swap3A_606 = tpu.vector_load %arg9[%swap3A_604, %swap3A_605] {strides = array<i32>} : memref<100x128xf32, #tpu.memory_space<vmem>>, vector<1x16xf32>,
      %swap3A_607 = vector.shape_cast %swap3A_606 : vector<1x16xf32> to vector<16xf32>
      %swap3A_608 = vector.shape_cast %get3A_603 : vector<16xf32> to vector<1x16xf32>
      tpu.vector_store %arg9[%swap3A_604, %swap3A_605], %swap3A_608 {add = true, strides = array<i32>} : memref<100x128xf32, #tpu.memory_space<vmem>>, vector<1x16xf32>,
      %scan3A_609 = arith.constant 0 : i32
      scf.yield %scan3A_609 : i32
    }
    %scan3A_261 = arith.constant 100 : i32
    %add3A_262 = arith.constant 24700 : i32
    %add3A_263 = arith.addi %mul3A_4, %add3A_262 : i32
    %dma_start3A_264 = arith.constant 0 : i32
    %dma_start3A_265 = tpu.memref_slice %arg5[%add3A_263, %dma_start3A_264] : memref<819200x128xf32, #tpu.memory_space<hbm>> -> memref<100x128xf32, #tpu.memory_space<hbm>>
    %dma_start3A_266 = arith.constant 0 : i32
    %dma_start3A_267 = tpu.memref_slice %arg5[%add3A_263, %dma_start3A_266] : memref<819200x128xf32, #tpu.memory_space<hbm>> -> memref<100x128xf32, #tpu.memory_space<hbm>>
    tpu.enqueue_dma source(%arg9 : memref<100x128xf32, #tpu.memory_space<vmem>>) target(%dma_start3A_267 : memref<100x128xf32, #tpu.memory_space<hbm>>) target_semaphore(%arg21 : memref<!tpu.dma_semaphore, #tpu.memory_space<semaphore_mem>>)
    %dma_wait3A_268 = arith.constant 0 : i32
    %dma_wait3A_269 = arith.constant 0 : i32
    %dma_wait3A_270 = tpu.memref_slice %arg5[%dma_wait3A_268, %dma_wait3A_269] : memref<819200x128xf32, #tpu.memory_space<hbm>> -> memref<100x128xf32, #tpu.memory_space<hbm>>
    %dma_wait3A_271 = arith.constant 0 : i32
    %dma_wait3A_272 = arith.constant 0 : i32
    %dma_wait3A_273 = tpu.memref_slice %arg5[%dma_wait3A_271, %dma_wait3A_272] : memref<819200x128xf32, #tpu.memory_space<hbm>> -> memref<100x128xf32, #tpu.memory_space<hbm>>
    tpu.wait_dma2 semaphore(%arg25 : memref<!tpu.dma_semaphore, #tpu.memory_space<semaphore_mem>>) src(%arg13 : memref<100x128xf32, #tpu.memory_space<vmem>>) dst(%dma_wait3A_273 : memref<100x128xf32, #tpu.memory_space<hbm>>)
    %dma_start3A_274 = arith.constant 251 : i32
    %dma_start3A_275 = arith.constant 0 : i32
    %dma_start3A_276 = tpu.memref_slice %arg6[%dma_start3A_274, %dma_start3A_275] : memref<256x100xi32, #tpu.memory_space<vmem>> -> memref<1x100xi32, #tpu.memory_space<vmem>>
    %dma_start3A_277 = tpu.memref_squeeze %dma_start3A_276 : memref<1x100xi32, #tpu.memory_space<vmem>> -> memref<100xi32, #tpu.memory_space<vmem>>
    %dma_start3A_278 = arith.constant 0 : i32
    %dma_start3A_279 = arith.constant 0 : i32
    %dma_start3A_280 = tpu.memref_slice %arg3[%dma_start3A_278, %dma_start3A_279] : memref<100000x128xf32, #tpu.memory_space<hbm>> -> memref<100000x128xf32, #tpu.memory_space<hbm>>
    tpu.enqueue_indirect_dma source(%dma_start3A_280 : memref<100000x128xf32, #tpu.memory_space<hbm>>) target(%arg13 : memref<100x128xf32, #tpu.memory_space<vmem>>) offsets(%dma_start3A_277 : memref<100xi32, #tpu.memory_space<vmem>>) semaphore(%arg19 : memref<!tpu.dma_semaphore, #tpu.memory_space<semaphore_mem>>)
    %dma_wait3A_281 = arith.constant 0 : i32
    %dma_wait3A_282 = arith.constant 0 : i32
    %dma_wait3A_283 = tpu.memref_slice %arg3[%dma_wait3A_281, %dma_wait3A_282] : memref<100000x128xf32, #tpu.memory_space<hbm>> -> memref<100x128xf32, #tpu.memory_space<hbm>>
    %dma_wait3A_284 = arith.constant 0 : i32
    %dma_wait3A_285 = arith.constant 0 : i32
    %dma_wait3A_286 = tpu.memref_slice %arg3[%dma_wait3A_284, %dma_wait3A_285] : memref<100000x128xf32, #tpu.memory_space<hbm>> -> memref<100x128xf32, #tpu.memory_space<hbm>>
    tpu.wait_dma2 semaphore(%arg16 : memref<!tpu.dma_semaphore, #tpu.memory_space<semaphore_mem>>) src(%dma_wait3A_286 : memref<100x128xf32, #tpu.memory_space<hbm>>) dst(%arg10 : memref<100x128xf32, #tpu.memory_space<vmem>>)
    %scan3A_287 = arith.constant 0 : i32
    %scan3A_288 = arith.constant 0 : i32
    %scan3A_289 = arith.constant 100 : i32
    %scan3A_290 = arith.addi %scan3A_288, %scan3A_289 : i32
    %scan3A_291 = arith.constant 1 : i32
    %scan3A_292 = scf.for %scan3A_521 = %scan3A_288 to %scan3A_290 step %scan3A_291 iter_args(%scan3A_522 = %scan3A_287) -> (i32)  : i32 {
      %add3A_523 = arith.constant 0 : i32
      %add3A_524 = arith.addi %add3A_523, %scan3A_521 : i32
      %get3A = arith.index_cast %add3A_524 : i32 to index
      %get3A_525 = arith.constant 0 : index
      %get3A_526 = tpu.vector_load %arg7[%get3A, %get3A_525] {strides = array<i32>} : memref<200x128xf32, #tpu.memory_space<vmem>>, vector<1x16xf32>,
      %get3A_527 = vector.shape_cast %get3A_526 : vector<1x16xf32> to vector<16xf32>
      %swap3A = arith.index_cast %scan3A_521 : i32 to index
      %swap3A_528 = arith.constant 0 : index
      %swap3A_529 = tpu.vector_load %arg10[%swap3A, %swap3A_528] {strides = array<i32>} : memref<100x128xf32, #tpu.memory_space<vmem>>, vector<1x16xf32>,
      %swap3A_530 = vector.shape_cast %swap3A_529 : vector<1x16xf32> to vector<16xf32>
      %swap3A_531 = vector.shape_cast %get3A_527 : vector<16xf32> to vector<1x16xf32>
      tpu.vector_store %arg10[%swap3A, %swap3A_528], %swap3A_531 {add = true, strides = array<i32>} : memref<100x128xf32, #tpu.memory_space<vmem>>, vector<1x16xf32>,
      %add3A_532 = arith.constant 0 : i32
      %add3A_533 = arith.addi %add3A_532, %scan3A_521 : i32
      %get3A_534 = arith.index_cast %add3A_533 : i32 to index
      %get3A_535 = arith.constant 16 : index
      %get3A_536 = tpu.vector_load %arg7[%get3A_534, %get3A_535] {strides = array<i32>} : memref<200x128xf32, #tpu.memory_space<vmem>>, vector<1x16xf32>,
      %get3A_537 = vector.shape_cast %get3A_536 : vector<1x16xf32> to vector<16xf32>
      %swap3A_538 = arith.index_cast %scan3A_521 : i32 to index
      %swap3A_539 = arith.constant 16 : index
      %swap3A_540 = tpu.vector_load %arg10[%swap3A_538, %swap3A_539] {strides = array<i32>} : memref<100x128xf32, #tpu.memory_space<vmem>>, vector<1x16xf32>,
      %swap3A_541 = vector.shape_cast %swap3A_540 : vector<1x16xf32> to vector<16xf32>
      %swap3A_542 = vector.shape_cast %get3A_537 : vector<16xf32> to vector<1x16xf32>
      tpu.vector_store %arg10[%swap3A_538, %swap3A_539], %swap3A_542 {add = true, strides = array<i32>} : memref<100x128xf32, #tpu.memory_space<vmem>>, vector<1x16xf32>,
      %add3A_543 = arith.constant 0 : i32
      %add3A_544 = arith.addi %add3A_543, %scan3A_521 : i32
      %get3A_545 = arith.index_cast %add3A_544 : i32 to index
      %get3A_546 = arith.constant 32 : index
      %get3A_547 = tpu.vector_load %arg7[%get3A_545, %get3A_546] {strides = array<i32>} : memref<200x128xf32, #tpu.memory_space<vmem>>, vector<1x16xf32>,
      %get3A_548 = vector.shape_cast %get3A_547 : vector<1x16xf32> to vector<16xf32>
      %swap3A_549 = arith.index_cast %scan3A_521 : i32 to index
      %swap3A_550 = arith.constant 32 : index
      %swap3A_551 = tpu.vector_load %arg10[%swap3A_549, %swap3A_550] {strides = array<i32>} : memref<100x128xf32, #tpu.memory_space<vmem>>, vector<1x16xf32>,
      %swap3A_552 = vector.shape_cast %swap3A_551 : vector<1x16xf32> to vector<16xf32>
      %swap3A_553 = vector.shape_cast %get3A_548 : vector<16xf32> to vector<1x16xf32>
      tpu.vector_store %arg10[%swap3A_549, %swap3A_550], %swap3A_553 {add = true, strides = array<i32>} : memref<100x128xf32, #tpu.memory_space<vmem>>, vector<1x16xf32>,
      %add3A_554 = arith.constant 0 : i32
      %add3A_555 = arith.addi %add3A_554, %scan3A_521 : i32
      %get3A_556 = arith.index_cast %add3A_555 : i32 to index
      %get3A_557 = arith.constant 48 : index
      %get3A_558 = tpu.vector_load %arg7[%get3A_556, %get3A_557] {strides = array<i32>} : memref<200x128xf32, #tpu.memory_space<vmem>>, vector<1x16xf32>,
      %get3A_559 = vector.shape_cast %get3A_558 : vector<1x16xf32> to vector<16xf32>
      %swap3A_560 = arith.index_cast %scan3A_521 : i32 to index
      %swap3A_561 = arith.constant 48 : index
      %swap3A_562 = tpu.vector_load %arg10[%swap3A_560, %swap3A_561] {strides = array<i32>} : memref<100x128xf32, #tpu.memory_space<vmem>>, vector<1x16xf32>,
      %swap3A_563 = vector.shape_cast %swap3A_562 : vector<1x16xf32> to vector<16xf32>
      %swap3A_564 = vector.shape_cast %get3A_559 : vector<16xf32> to vector<1x16xf32>
      tpu.vector_store %arg10[%swap3A_560, %swap3A_561], %swap3A_564 {add = true, strides = array<i32>} : memref<100x128xf32, #tpu.memory_space<vmem>>, vector<1x16xf32>,
      %add3A_565 = arith.constant 0 : i32
      %add3A_566 = arith.addi %add3A_565, %scan3A_521 : i32
      %get3A_567 = arith.index_cast %add3A_566 : i32 to index
      %get3A_568 = arith.constant 64 : index
      %get3A_569 = tpu.vector_load %arg7[%get3A_567, %get3A_568] {strides = array<i32>} : memref<200x128xf32, #tpu.memory_space<vmem>>, vector<1x16xf32>,
      %get3A_570 = vector.shape_cast %get3A_569 : vector<1x16xf32> to vector<16xf32>
      %swap3A_571 = arith.index_cast %scan3A_521 : i32 to index
      %swap3A_572 = arith.constant 64 : index
      %swap3A_573 = tpu.vector_load %arg10[%swap3A_571, %swap3A_572] {strides = array<i32>} : memref<100x128xf32, #tpu.memory_space<vmem>>, vector<1x16xf32>,
      %swap3A_574 = vector.shape_cast %swap3A_573 : vector<1x16xf32> to vector<16xf32>
      %swap3A_575 = vector.shape_cast %get3A_570 : vector<16xf32> to vector<1x16xf32>
      tpu.vector_store %arg10[%swap3A_571, %swap3A_572], %swap3A_575 {add = true, strides = array<i32>} : memref<100x128xf32, #tpu.memory_space<vmem>>, vector<1x16xf32>,
      %add3A_576 = arith.constant 0 : i32
      %add3A_577 = arith.addi %add3A_576, %scan3A_521 : i32
      %get3A_578 = arith.index_cast %add3A_577 : i32 to index
      %get3A_579 = arith.constant 80 : index
      %get3A_580 = tpu.vector_load %arg7[%get3A_578, %get3A_579] {strides = array<i32>} : memref<200x128xf32, #tpu.memory_space<vmem>>, vector<1x16xf32>,
      %get3A_581 = vector.shape_cast %get3A_580 : vector<1x16xf32> to vector<16xf32>
      %swap3A_582 = arith.index_cast %scan3A_521 : i32 to index
      %swap3A_583 = arith.constant 80 : index
      %swap3A_584 = tpu.vector_load %arg10[%swap3A_582, %swap3A_583] {strides = array<i32>} : memref<100x128xf32, #tpu.memory_space<vmem>>, vector<1x16xf32>,
      %swap3A_585 = vector.shape_cast %swap3A_584 : vector<1x16xf32> to vector<16xf32>
      %swap3A_586 = vector.shape_cast %get3A_581 : vector<16xf32> to vector<1x16xf32>
      tpu.vector_store %arg10[%swap3A_582, %swap3A_583], %swap3A_586 {add = true, strides = array<i32>} : memref<100x128xf32, #tpu.memory_space<vmem>>, vector<1x16xf32>,
      %add3A_587 = arith.constant 0 : i32
      %add3A_588 = arith.addi %add3A_587, %scan3A_521 : i32
      %get3A_589 = arith.index_cast %add3A_588 : i32 to index
      %get3A_590 = arith.constant 96 : index
      %get3A_591 = tpu.vector_load %arg7[%get3A_589, %get3A_590] {strides = array<i32>} : memref<200x128xf32, #tpu.memory_space<vmem>>, vector<1x16xf32>,
      %get3A_592 = vector.shape_cast %get3A_591 : vector<1x16xf32> to vector<16xf32>
      %swap3A_593 = arith.index_cast %scan3A_521 : i32 to index
      %swap3A_594 = arith.constant 96 : index
      %swap3A_595 = tpu.vector_load %arg10[%swap3A_593, %swap3A_594] {strides = array<i32>} : memref<100x128xf32, #tpu.memory_space<vmem>>, vector<1x16xf32>,
      %swap3A_596 = vector.shape_cast %swap3A_595 : vector<1x16xf32> to vector<16xf32>
      %swap3A_597 = vector.shape_cast %get3A_592 : vector<16xf32> to vector<1x16xf32>
      tpu.vector_store %arg10[%swap3A_593, %swap3A_594], %swap3A_597 {add = true, strides = array<i32>} : memref<100x128xf32, #tpu.memory_space<vmem>>, vector<1x16xf32>,
      %add3A_598 = arith.constant 0 : i32
      %add3A_599 = arith.addi %add3A_598, %scan3A_521 : i32
      %get3A_600 = arith.index_cast %add3A_599 : i32 to index
      %get3A_601 = arith.constant 112 : index
      %get3A_602 = tpu.vector_load %arg7[%get3A_600, %get3A_601] {strides = array<i32>} : memref<200x128xf32, #tpu.memory_space<vmem>>, vector<1x16xf32>,
      %get3A_603 = vector.shape_cast %get3A_602 : vector<1x16xf32> to vector<16xf32>
      %swap3A_604 = arith.index_cast %scan3A_521 : i32 to index
      %swap3A_605 = arith.constant 112 : index
      %swap3A_606 = tpu.vector_load %arg10[%swap3A_604, %swap3A_605] {strides = array<i32>} : memref<100x128xf32, #tpu.memory_space<vmem>>, vector<1x16xf32>,
      %swap3A_607 = vector.shape_cast %swap3A_606 : vector<1x16xf32> to vector<16xf32>
      %swap3A_608 = vector.shape_cast %get3A_603 : vector<16xf32> to vector<1x16xf32>
      tpu.vector_store %arg10[%swap3A_604, %swap3A_605], %swap3A_608 {add = true, strides = array<i32>} : memref<100x128xf32, #tpu.memory_space<vmem>>, vector<1x16xf32>,
      %scan3A_609 = arith.constant 0 : i32
      scf.yield %scan3A_609 : i32
    }
    %scan3A_293 = arith.constant 100 : i32
    %add3A_294 = arith.constant 24800 : i32
    %add3A_295 = arith.addi %mul3A_4, %add3A_294 : i32
    %dma_start3A_296 = arith.constant 0 : i32
    %dma_start3A_297 = tpu.memref_slice %arg5[%add3A_295, %dma_start3A_296] : memref<819200x128xf32, #tpu.memory_space<hbm>> -> memref<100x128xf32, #tpu.memory_space<hbm>>
    %dma_start3A_298 = arith.constant 0 : i32
    %dma_start3A_299 = tpu.memref_slice %arg5[%add3A_295, %dma_start3A_298] : memref<819200x128xf32, #tpu.memory_space<hbm>> -> memref<100x128xf32, #tpu.memory_space<hbm>>
    tpu.enqueue_dma source(%arg10 : memref<100x128xf32, #tpu.memory_space<vmem>>) target(%dma_start3A_299 : memref<100x128xf32, #tpu.memory_space<hbm>>) target_semaphore(%arg22 : memref<!tpu.dma_semaphore, #tpu.memory_space<semaphore_mem>>)
    %dma_wait3A_300 = arith.constant 0 : i32
    %dma_wait3A_301 = arith.constant 0 : i32
    %dma_wait3A_302 = tpu.memref_slice %arg5[%dma_wait3A_300, %dma_wait3A_301] : memref<819200x128xf32, #tpu.memory_space<hbm>> -> memref<100x128xf32, #tpu.memory_space<hbm>>
    %dma_wait3A_303 = arith.constant 0 : i32
    %dma_wait3A_304 = arith.constant 0 : i32
    %dma_wait3A_305 = tpu.memref_slice %arg5[%dma_wait3A_303, %dma_wait3A_304] : memref<819200x128xf32, #tpu.memory_space<hbm>> -> memref<100x128xf32, #tpu.memory_space<hbm>>
    tpu.wait_dma2 semaphore(%arg20 : memref<!tpu.dma_semaphore, #tpu.memory_space<semaphore_mem>>) src(%arg8 : memref<100x128xf32, #tpu.memory_space<vmem>>) dst(%dma_wait3A_305 : memref<100x128xf32, #tpu.memory_space<hbm>>)
    %dma_start3A_306 = arith.constant 252 : i32
    %dma_start3A_307 = arith.constant 0 : i32
    %dma_start3A_308 = tpu.memref_slice %arg6[%dma_start3A_306, %dma_start3A_307] : memref<256x100xi32, #tpu.memory_space<vmem>> -> memref<1x100xi32, #tpu.memory_space<vmem>>
    %dma_start3A_309 = tpu.memref_squeeze %dma_start3A_308 : memref<1x100xi32, #tpu.memory_space<vmem>> -> memref<100xi32, #tpu.memory_space<vmem>>
    %dma_start3A_310 = arith.constant 0 : i32
    %dma_start3A_311 = arith.constant 0 : i32
    %dma_start3A_312 = tpu.memref_slice %arg3[%dma_start3A_310, %dma_start3A_311] : memref<100000x128xf32, #tpu.memory_space<hbm>> -> memref<100000x128xf32, #tpu.memory_space<hbm>>
    tpu.enqueue_indirect_dma source(%dma_start3A_312 : memref<100000x128xf32, #tpu.memory_space<hbm>>) target(%arg8 : memref<100x128xf32, #tpu.memory_space<vmem>>) offsets(%dma_start3A_309 : memref<100xi32, #tpu.memory_space<vmem>>) semaphore(%arg14 : memref<!tpu.dma_semaphore, #tpu.memory_space<semaphore_mem>>)
    %dma_wait3A_313 = arith.constant 0 : i32
    %dma_wait3A_314 = arith.constant 0 : i32
    %dma_wait3A_315 = tpu.memref_slice %arg3[%dma_wait3A_313, %dma_wait3A_314] : memref<100000x128xf32, #tpu.memory_space<hbm>> -> memref<100x128xf32, #tpu.memory_space<hbm>>
    %dma_wait3A_316 = arith.constant 0 : i32
    %dma_wait3A_317 = arith.constant 0 : i32
    %dma_wait3A_318 = tpu.memref_slice %arg3[%dma_wait3A_316, %dma_wait3A_317] : memref<100000x128xf32, #tpu.memory_space<hbm>> -> memref<100x128xf32, #tpu.memory_space<hbm>>
    tpu.wait_dma2 semaphore(%arg17 : memref<!tpu.dma_semaphore, #tpu.memory_space<semaphore_mem>>) src(%dma_wait3A_318 : memref<100x128xf32, #tpu.memory_space<hbm>>) dst(%arg11 : memref<100x128xf32, #tpu.memory_space<vmem>>)
    %scan3A_319 = arith.constant 0 : i32
    %scan3A_320 = arith.constant 0 : i32
    %scan3A_321 = arith.constant 100 : i32
    %scan3A_322 = arith.addi %scan3A_320, %scan3A_321 : i32
    %scan3A_323 = arith.constant 1 : i32
    %scan3A_324 = scf.for %scan3A_521 = %scan3A_320 to %scan3A_322 step %scan3A_323 iter_args(%scan3A_522 = %scan3A_319) -> (i32)  : i32 {
      %add3A_523 = arith.constant 100 : i32
      %add3A_524 = arith.addi %add3A_523, %scan3A_521 : i32
      %get3A = arith.index_cast %add3A_524 : i32 to index
      %get3A_525 = arith.constant 0 : index
      %get3A_526 = tpu.vector_load %arg7[%get3A, %get3A_525] {strides = array<i32>} : memref<200x128xf32, #tpu.memory_space<vmem>>, vector<1x16xf32>,
      %get3A_527 = vector.shape_cast %get3A_526 : vector<1x16xf32> to vector<16xf32>
      %swap3A = arith.index_cast %scan3A_521 : i32 to index
      %swap3A_528 = arith.constant 0 : index
      %swap3A_529 = tpu.vector_load %arg11[%swap3A, %swap3A_528] {strides = array<i32>} : memref<100x128xf32, #tpu.memory_space<vmem>>, vector<1x16xf32>,
      %swap3A_530 = vector.shape_cast %swap3A_529 : vector<1x16xf32> to vector<16xf32>
      %swap3A_531 = vector.shape_cast %get3A_527 : vector<16xf32> to vector<1x16xf32>
      tpu.vector_store %arg11[%swap3A, %swap3A_528], %swap3A_531 {add = true, strides = array<i32>} : memref<100x128xf32, #tpu.memory_space<vmem>>, vector<1x16xf32>,
      %add3A_532 = arith.constant 100 : i32
      %add3A_533 = arith.addi %add3A_532, %scan3A_521 : i32
      %get3A_534 = arith.index_cast %add3A_533 : i32 to index
      %get3A_535 = arith.constant 16 : index
      %get3A_536 = tpu.vector_load %arg7[%get3A_534, %get3A_535] {strides = array<i32>} : memref<200x128xf32, #tpu.memory_space<vmem>>, vector<1x16xf32>,
      %get3A_537 = vector.shape_cast %get3A_536 : vector<1x16xf32> to vector<16xf32>
      %swap3A_538 = arith.index_cast %scan3A_521 : i32 to index
      %swap3A_539 = arith.constant 16 : index
      %swap3A_540 = tpu.vector_load %arg11[%swap3A_538, %swap3A_539] {strides = array<i32>} : memref<100x128xf32, #tpu.memory_space<vmem>>, vector<1x16xf32>,
      %swap3A_541 = vector.shape_cast %swap3A_540 : vector<1x16xf32> to vector<16xf32>
      %swap3A_542 = vector.shape_cast %get3A_537 : vector<16xf32> to vector<1x16xf32>
      tpu.vector_store %arg11[%swap3A_538, %swap3A_539], %swap3A_542 {add = true, strides = array<i32>} : memref<100x128xf32, #tpu.memory_space<vmem>>, vector<1x16xf32>,
      %add3A_543 = arith.constant 100 : i32
      %add3A_544 = arith.addi %add3A_543, %scan3A_521 : i32
      %get3A_545 = arith.index_cast %add3A_544 : i32 to index
      %get3A_546 = arith.constant 32 : index
      %get3A_547 = tpu.vector_load %arg7[%get3A_545, %get3A_546] {strides = array<i32>} : memref<200x128xf32, #tpu.memory_space<vmem>>, vector<1x16xf32>,
      %get3A_548 = vector.shape_cast %get3A_547 : vector<1x16xf32> to vector<16xf32>
      %swap3A_549 = arith.index_cast %scan3A_521 : i32 to index
      %swap3A_550 = arith.constant 32 : index
      %swap3A_551 = tpu.vector_load %arg11[%swap3A_549, %swap3A_550] {strides = array<i32>} : memref<100x128xf32, #tpu.memory_space<vmem>>, vector<1x16xf32>,
      %swap3A_552 = vector.shape_cast %swap3A_551 : vector<1x16xf32> to vector<16xf32>
      %swap3A_553 = vector.shape_cast %get3A_548 : vector<16xf32> to vector<1x16xf32>
      tpu.vector_store %arg11[%swap3A_549, %swap3A_550], %swap3A_553 {add = true, strides = array<i32>} : memref<100x128xf32, #tpu.memory_space<vmem>>, vector<1x16xf32>,
      %add3A_554 = arith.constant 100 : i32
      %add3A_555 = arith.addi %add3A_554, %scan3A_521 : i32
      %get3A_556 = arith.index_cast %add3A_555 : i32 to index
      %get3A_557 = arith.constant 48 : index
      %get3A_558 = tpu.vector_load %arg7[%get3A_556, %get3A_557] {strides = array<i32>} : memref<200x128xf32, #tpu.memory_space<vmem>>, vector<1x16xf32>,
      %get3A_559 = vector.shape_cast %get3A_558 : vector<1x16xf32> to vector<16xf32>
      %swap3A_560 = arith.index_cast %scan3A_521 : i32 to index
      %swap3A_561 = arith.constant 48 : index
      %swap3A_562 = tpu.vector_load %arg11[%swap3A_560, %swap3A_561] {strides = array<i32>} : memref<100x128xf32, #tpu.memory_space<vmem>>, vector<1x16xf32>,
      %swap3A_563 = vector.shape_cast %swap3A_562 : vector<1x16xf32> to vector<16xf32>
      %swap3A_564 = vector.shape_cast %get3A_559 : vector<16xf32> to vector<1x16xf32>
      tpu.vector_store %arg11[%swap3A_560, %swap3A_561], %swap3A_564 {add = true, strides = array<i32>} : memref<100x128xf32, #tpu.memory_space<vmem>>, vector<1x16xf32>,
      %add3A_565 = arith.constant 100 : i32
      %add3A_566 = arith.addi %add3A_565, %scan3A_521 : i32
      %get3A_567 = arith.index_cast %add3A_566 : i32 to index
      %get3A_568 = arith.constant 64 : index
      %get3A_569 = tpu.vector_load %arg7[%get3A_567, %get3A_568] {strides = array<i32>} : memref<200x128xf32, #tpu.memory_space<vmem>>, vector<1x16xf32>,
      %get3A_570 = vector.shape_cast %get3A_569 : vector<1x16xf32> to vector<16xf32>
      %swap3A_571 = arith.index_cast %scan3A_521 : i32 to index
      %swap3A_572 = arith.constant 64 : index
      %swap3A_573 = tpu.vector_load %arg11[%swap3A_571, %swap3A_572] {strides = array<i32>} : memref<100x128xf32, #tpu.memory_space<vmem>>, vector<1x16xf32>,
      %swap3A_574 = vector.shape_cast %swap3A_573 : vector<1x16xf32> to vector<16xf32>
      %swap3A_575 = vector.shape_cast %get3A_570 : vector<16xf32> to vector<1x16xf32>
      tpu.vector_store %arg11[%swap3A_571, %swap3A_572], %swap3A_575 {add = true, strides = array<i32>} : memref<100x128xf32, #tpu.memory_space<vmem>>, vector<1x16xf32>,
      %add3A_576 = arith.constant 100 : i32
      %add3A_577 = arith.addi %add3A_576, %scan3A_521 : i32
      %get3A_578 = arith.index_cast %add3A_577 : i32 to index
      %get3A_579 = arith.constant 80 : index
      %get3A_580 = tpu.vector_load %arg7[%get3A_578, %get3A_579] {strides = array<i32>} : memref<200x128xf32, #tpu.memory_space<vmem>>, vector<1x16xf32>,
      %get3A_581 = vector.shape_cast %get3A_580 : vector<1x16xf32> to vector<16xf32>
      %swap3A_582 = arith.index_cast %scan3A_521 : i32 to index
      %swap3A_583 = arith.constant 80 : index
      %swap3A_584 = tpu.vector_load %arg11[%swap3A_582, %swap3A_583] {strides = array<i32>} : memref<100x128xf32, #tpu.memory_space<vmem>>, vector<1x16xf32>,
      %swap3A_585 = vector.shape_cast %swap3A_584 : vector<1x16xf32> to vector<16xf32>
      %swap3A_586 = vector.shape_cast %get3A_581 : vector<16xf32> to vector<1x16xf32>
      tpu.vector_store %arg11[%swap3A_582, %swap3A_583], %swap3A_586 {add = true, strides = array<i32>} : memref<100x128xf32, #tpu.memory_space<vmem>>, vector<1x16xf32>,
      %add3A_587 = arith.constant 100 : i32
      %add3A_588 = arith.addi %add3A_587, %scan3A_521 : i32
      %get3A_589 = arith.index_cast %add3A_588 : i32 to index
      %get3A_590 = arith.constant 96 : index
      %get3A_591 = tpu.vector_load %arg7[%get3A_589, %get3A_590] {strides = array<i32>} : memref<200x128xf32, #tpu.memory_space<vmem>>, vector<1x16xf32>,
      %get3A_592 = vector.shape_cast %get3A_591 : vector<1x16xf32> to vector<16xf32>
      %swap3A_593 = arith.index_cast %scan3A_521 : i32 to index
      %swap3A_594 = arith.constant 96 : index
      %swap3A_595 = tpu.vector_load %arg11[%swap3A_593, %swap3A_594] {strides = array<i32>} : memref<100x128xf32, #tpu.memory_space<vmem>>, vector<1x16xf32>,
      %swap3A_596 = vector.shape_cast %swap3A_595 : vector<1x16xf32> to vector<16xf32>
      %swap3A_597 = vector.shape_cast %get3A_592 : vector<16xf32> to vector<1x16xf32>
      tpu.vector_store %arg11[%swap3A_593, %swap3A_594], %swap3A_597 {add = true, strides = array<i32>} : memref<100x128xf32, #tpu.memory_space<vmem>>, vector<1x16xf32>,
      %add3A_598 = arith.constant 100 : i32
      %add3A_599 = arith.addi %add3A_598, %scan3A_521 : i32
      %get3A_600 = arith.index_cast %add3A_599 : i32 to index
      %get3A_601 = arith.constant 112 : index
      %get3A_602 = tpu.vector_load %arg7[%get3A_600, %get3A_601] {strides = array<i32>} : memref<200x128xf32, #tpu.memory_space<vmem>>, vector<1x16xf32>,
      %get3A_603 = vector.shape_cast %get3A_602 : vector<1x16xf32> to vector<16xf32>
      %swap3A_604 = arith.index_cast %scan3A_521 : i32 to index
      %swap3A_605 = arith.constant 112 : index
      %swap3A_606 = tpu.vector_load %arg11[%swap3A_604, %swap3A_605] {strides = array<i32>} : memref<100x128xf32, #tpu.memory_space<vmem>>, vector<1x16xf32>,
      %swap3A_607 = vector.shape_cast %swap3A_606 : vector<1x16xf32> to vector<16xf32>
      %swap3A_608 = vector.shape_cast %get3A_603 : vector<16xf32> to vector<1x16xf32>
      tpu.vector_store %arg11[%swap3A_604, %swap3A_605], %swap3A_608 {add = true, strides = array<i32>} : memref<100x128xf32, #tpu.memory_space<vmem>>, vector<1x16xf32>,
      %scan3A_609 = arith.constant 0 : i32
      scf.yield %scan3A_609 : i32
    }
    %scan3A_325 = arith.constant 100 : i32
    %add3A_326 = arith.constant 24900 : i32
    %add3A_327 = arith.addi %mul3A_4, %add3A_326 : i32
    %dma_start3A_328 = arith.constant 0 : i32
    %dma_start3A_329 = tpu.memref_slice %arg5[%add3A_327, %dma_start3A_328] : memref<819200x128xf32, #tpu.memory_space<hbm>> -> memref<100x128xf32, #tpu.memory_space<hbm>>
    %dma_start3A_330 = arith.constant 0 : i32
    %dma_start3A_331 = tpu.memref_slice %arg5[%add3A_327, %dma_start3A_330] : memref<819200x128xf32, #tpu.memory_space<hbm>> -> memref<100x128xf32, #tpu.memory_space<hbm>>
    tpu.enqueue_dma source(%arg11 : memref<100x128xf32, #tpu.memory_space<vmem>>) target(%dma_start3A_331 : memref<100x128xf32, #tpu.memory_space<hbm>>) target_semaphore(%arg23 : memref<!tpu.dma_semaphore, #tpu.memory_space<semaphore_mem>>)
    %dma_wait3A_332 = arith.constant 0 : i32
    %dma_wait3A_333 = arith.constant 0 : i32
    %dma_wait3A_334 = tpu.memref_slice %arg5[%dma_wait3A_332, %dma_wait3A_333] : memref<819200x128xf32, #tpu.memory_space<hbm>> -> memref<100x128xf32, #tpu.memory_space<hbm>>
    %dma_wait3A_335 = arith.constant 0 : i32
    %dma_wait3A_336 = arith.constant 0 : i32
    %dma_wait3A_337 = tpu.memref_slice %arg5[%dma_wait3A_335, %dma_wait3A_336] : memref<819200x128xf32, #tpu.memory_space<hbm>> -> memref<100x128xf32, #tpu.memory_space<hbm>>
    tpu.wait_dma2 semaphore(%arg21 : memref<!tpu.dma_semaphore, #tpu.memory_space<semaphore_mem>>) src(%arg9 : memref<100x128xf32, #tpu.memory_space<vmem>>) dst(%dma_wait3A_337 : memref<100x128xf32, #tpu.memory_space<hbm>>)
    %dma_start3A_338 = arith.constant 253 : i32
    %dma_start3A_339 = arith.constant 0 : i32
    %dma_start3A_340 = tpu.memref_slice %arg6[%dma_start3A_338, %dma_start3A_339] : memref<256x100xi32, #tpu.memory_space<vmem>> -> memref<1x100xi32, #tpu.memory_space<vmem>>
    %dma_start3A_341 = tpu.memref_squeeze %dma_start3A_340 : memref<1x100xi32, #tpu.memory_space<vmem>> -> memref<100xi32, #tpu.memory_space<vmem>>
    %dma_start3A_342 = arith.constant 0 : i32
    %dma_start3A_343 = arith.constant 0 : i32
    %dma_start3A_344 = tpu.memref_slice %arg3[%dma_start3A_342, %dma_start3A_343] : memref<100000x128xf32, #tpu.memory_space<hbm>> -> memref<100000x128xf32, #tpu.memory_space<hbm>>
    tpu.enqueue_indirect_dma source(%dma_start3A_344 : memref<100000x128xf32, #tpu.memory_space<hbm>>) target(%arg9 : memref<100x128xf32, #tpu.memory_space<vmem>>) offsets(%dma_start3A_341 : memref<100xi32, #tpu.memory_space<vmem>>) semaphore(%arg15 : memref<!tpu.dma_semaphore, #tpu.memory_space<semaphore_mem>>)
    %dma_wait3A_345 = arith.constant 0 : i32
    %dma_wait3A_346 = arith.constant 0 : i32
    %dma_wait3A_347 = tpu.memref_slice %arg3[%dma_wait3A_345, %dma_wait3A_346] : memref<100000x128xf32, #tpu.memory_space<hbm>> -> memref<100x128xf32, #tpu.memory_space<hbm>>
    %dma_wait3A_348 = arith.constant 0 : i32
    %dma_wait3A_349 = arith.constant 0 : i32
    %dma_wait3A_350 = tpu.memref_slice %arg3[%dma_wait3A_348, %dma_wait3A_349] : memref<100000x128xf32, #tpu.memory_space<hbm>> -> memref<100x128xf32, #tpu.memory_space<hbm>>
    tpu.wait_dma2 semaphore(%arg18 : memref<!tpu.dma_semaphore, #tpu.memory_space<semaphore_mem>>) src(%dma_wait3A_350 : memref<100x128xf32, #tpu.memory_space<hbm>>) dst(%arg12 : memref<100x128xf32, #tpu.memory_space<vmem>>)
    %scan3A_351 = arith.constant 0 : i32
    %scan3A_352 = arith.constant 0 : i32
    %scan3A_353 = arith.constant 100 : i32
    %scan3A_354 = arith.addi %scan3A_352, %scan3A_353 : i32
    %scan3A_355 = arith.constant 1 : i32
    %scan3A_356 = scf.for %scan3A_521 = %scan3A_352 to %scan3A_354 step %scan3A_355 iter_args(%scan3A_522 = %scan3A_351) -> (i32)  : i32 {
      %add3A_523 = arith.constant 0 : i32
      %add3A_524 = arith.addi %add3A_523, %scan3A_521 : i32
      %get3A = arith.index_cast %add3A_524 : i32 to index
      %get3A_525 = arith.constant 0 : index
      %get3A_526 = tpu.vector_load %arg7[%get3A, %get3A_525] {strides = array<i32>} : memref<200x128xf32, #tpu.memory_space<vmem>>, vector<1x16xf32>,
      %get3A_527 = vector.shape_cast %get3A_526 : vector<1x16xf32> to vector<16xf32>
      %swap3A = arith.index_cast %scan3A_521 : i32 to index
      %swap3A_528 = arith.constant 0 : index
      %swap3A_529 = tpu.vector_load %arg12[%swap3A, %swap3A_528] {strides = array<i32>} : memref<100x128xf32, #tpu.memory_space<vmem>>, vector<1x16xf32>,
      %swap3A_530 = vector.shape_cast %swap3A_529 : vector<1x16xf32> to vector<16xf32>
      %swap3A_531 = vector.shape_cast %get3A_527 : vector<16xf32> to vector<1x16xf32>
      tpu.vector_store %arg12[%swap3A, %swap3A_528], %swap3A_531 {add = true, strides = array<i32>} : memref<100x128xf32, #tpu.memory_space<vmem>>, vector<1x16xf32>,
      %add3A_532 = arith.constant 0 : i32
      %add3A_533 = arith.addi %add3A_532, %scan3A_521 : i32
      %get3A_534 = arith.index_cast %add3A_533 : i32 to index
      %get3A_535 = arith.constant 16 : index
      %get3A_536 = tpu.vector_load %arg7[%get3A_534, %get3A_535] {strides = array<i32>} : memref<200x128xf32, #tpu.memory_space<vmem>>, vector<1x16xf32>,
      %get3A_537 = vector.shape_cast %get3A_536 : vector<1x16xf32> to vector<16xf32>
      %swap3A_538 = arith.index_cast %scan3A_521 : i32 to index
      %swap3A_539 = arith.constant 16 : index
      %swap3A_540 = tpu.vector_load %arg12[%swap3A_538, %swap3A_539] {strides = array<i32>} : memref<100x128xf32, #tpu.memory_space<vmem>>, vector<1x16xf32>,
      %swap3A_541 = vector.shape_cast %swap3A_540 : vector<1x16xf32> to vector<16xf32>
      %swap3A_542 = vector.shape_cast %get3A_537 : vector<16xf32> to vector<1x16xf32>
      tpu.vector_store %arg12[%swap3A_538, %swap3A_539], %swap3A_542 {add = true, strides = array<i32>} : memref<100x128xf32, #tpu.memory_space<vmem>>, vector<1x16xf32>,
      %add3A_543 = arith.constant 0 : i32
      %add3A_544 = arith.addi %add3A_543, %scan3A_521 : i32
      %get3A_545 = arith.index_cast %add3A_544 : i32 to index
      %get3A_546 = arith.constant 32 : index
      %get3A_547 = tpu.vector_load %arg7[%get3A_545, %get3A_546] {strides = array<i32>} : memref<200x128xf32, #tpu.memory_space<vmem>>, vector<1x16xf32>,
      %get3A_548 = vector.shape_cast %get3A_547 : vector<1x16xf32> to vector<16xf32>
      %swap3A_549 = arith.index_cast %scan3A_521 : i32 to index
      %swap3A_550 = arith.constant 32 : index
      %swap3A_551 = tpu.vector_load %arg12[%swap3A_549, %swap3A_550] {strides = array<i32>} : memref<100x128xf32, #tpu.memory_space<vmem>>, vector<1x16xf32>,
      %swap3A_552 = vector.shape_cast %swap3A_551 : vector<1x16xf32> to vector<16xf32>
      %swap3A_553 = vector.shape_cast %get3A_548 : vector<16xf32> to vector<1x16xf32>
      tpu.vector_store %arg12[%swap3A_549, %swap3A_550], %swap3A_553 {add = true, strides = array<i32>} : memref<100x128xf32, #tpu.memory_space<vmem>>, vector<1x16xf32>,
      %add3A_554 = arith.constant 0 : i32
      %add3A_555 = arith.addi %add3A_554, %scan3A_521 : i32
      %get3A_556 = arith.index_cast %add3A_555 : i32 to index
      %get3A_557 = arith.constant 48 : index
      %get3A_558 = tpu.vector_load %arg7[%get3A_556, %get3A_557] {strides = array<i32>} : memref<200x128xf32, #tpu.memory_space<vmem>>, vector<1x16xf32>,
      %get3A_559 = vector.shape_cast %get3A_558 : vector<1x16xf32> to vector<16xf32>
      %swap3A_560 = arith.index_cast %scan3A_521 : i32 to index
      %swap3A_561 = arith.constant 48 : index
      %swap3A_562 = tpu.vector_load %arg12[%swap3A_560, %swap3A_561] {strides = array<i32>} : memref<100x128xf32, #tpu.memory_space<vmem>>, vector<1x16xf32>,
      %swap3A_563 = vector.shape_cast %swap3A_562 : vector<1x16xf32> to vector<16xf32>
      %swap3A_564 = vector.shape_cast %get3A_559 : vector<16xf32> to vector<1x16xf32>
      tpu.vector_store %arg12[%swap3A_560, %swap3A_561], %swap3A_564 {add = true, strides = array<i32>} : memref<100x128xf32, #tpu.memory_space<vmem>>, vector<1x16xf32>,
      %add3A_565 = arith.constant 0 : i32
      %add3A_566 = arith.addi %add3A_565, %scan3A_521 : i32
      %get3A_567 = arith.index_cast %add3A_566 : i32 to index
      %get3A_568 = arith.constant 64 : index
      %get3A_569 = tpu.vector_load %arg7[%get3A_567, %get3A_568] {strides = array<i32>} : memref<200x128xf32, #tpu.memory_space<vmem>>, vector<1x16xf32>,
      %get3A_570 = vector.shape_cast %get3A_569 : vector<1x16xf32> to vector<16xf32>
      %swap3A_571 = arith.index_cast %scan3A_521 : i32 to index
      %swap3A_572 = arith.constant 64 : index
      %swap3A_573 = tpu.vector_load %arg12[%swap3A_571, %swap3A_572] {strides = array<i32>} : memref<100x128xf32, #tpu.memory_space<vmem>>, vector<1x16xf32>,
      %swap3A_574 = vector.shape_cast %swap3A_573 : vector<1x16xf32> to vector<16xf32>
      %swap3A_575 = vector.shape_cast %get3A_570 : vector<16xf32> to vector<1x16xf32>
      tpu.vector_store %arg12[%swap3A_571, %swap3A_572], %swap3A_575 {add = true, strides = array<i32>} : memref<100x128xf32, #tpu.memory_space<vmem>>, vector<1x16xf32>,
      %add3A_576 = arith.constant 0 : i32
      %add3A_577 = arith.addi %add3A_576, %scan3A_521 : i32
      %get3A_578 = arith.index_cast %add3A_577 : i32 to index
      %get3A_579 = arith.constant 80 : index
      %get3A_580 = tpu.vector_load %arg7[%get3A_578, %get3A_579] {strides = array<i32>} : memref<200x128xf32, #tpu.memory_space<vmem>>, vector<1x16xf32>,
      %get3A_581 = vector.shape_cast %get3A_580 : vector<1x16xf32> to vector<16xf32>
      %swap3A_582 = arith.index_cast %scan3A_521 : i32 to index
      %swap3A_583 = arith.constant 80 : index
      %swap3A_584 = tpu.vector_load %arg12[%swap3A_582, %swap3A_583] {strides = array<i32>} : memref<100x128xf32, #tpu.memory_space<vmem>>, vector<1x16xf32>,
      %swap3A_585 = vector.shape_cast %swap3A_584 : vector<1x16xf32> to vector<16xf32>
      %swap3A_586 = vector.shape_cast %get3A_581 : vector<16xf32> to vector<1x16xf32>
      tpu.vector_store %arg12[%swap3A_582, %swap3A_583], %swap3A_586 {add = true, strides = array<i32>} : memref<100x128xf32, #tpu.memory_space<vmem>>, vector<1x16xf32>,
      %add3A_587 = arith.constant 0 : i32
      %add3A_588 = arith.addi %add3A_587, %scan3A_521 : i32
      %get3A_589 = arith.index_cast %add3A_588 : i32 to index
      %get3A_590 = arith.constant 96 : index
      %get3A_591 = tpu.vector_load %arg7[%get3A_589, %get3A_590] {strides = array<i32>} : memref<200x128xf32, #tpu.memory_space<vmem>>, vector<1x16xf32>,
      %get3A_592 = vector.shape_cast %get3A_591 : vector<1x16xf32> to vector<16xf32>
      %swap3A_593 = arith.index_cast %scan3A_521 : i32 to index
      %swap3A_594 = arith.constant 96 : index
      %swap3A_595 = tpu.vector_load %arg12[%swap3A_593, %swap3A_594] {strides = array<i32>} : memref<100x128xf32, #tpu.memory_space<vmem>>, vector<1x16xf32>,
      %swap3A_596 = vector.shape_cast %swap3A_595 : vector<1x16xf32> to vector<16xf32>
      %swap3A_597 = vector.shape_cast %get3A_592 : vector<16xf32> to vector<1x16xf32>
      tpu.vector_store %arg12[%swap3A_593, %swap3A_594], %swap3A_597 {add = true, strides = array<i32>} : memref<100x128xf32, #tpu.memory_space<vmem>>, vector<1x16xf32>,
      %add3A_598 = arith.constant 0 : i32
      %add3A_599 = arith.addi %add3A_598, %scan3A_521 : i32
      %get3A_600 = arith.index_cast %add3A_599 : i32 to index
      %get3A_601 = arith.constant 112 : index
      %get3A_602 = tpu.vector_load %arg7[%get3A_600, %get3A_601] {strides = array<i32>} : memref<200x128xf32, #tpu.memory_space<vmem>>, vector<1x16xf32>,
      %get3A_603 = vector.shape_cast %get3A_602 : vector<1x16xf32> to vector<16xf32>
      %swap3A_604 = arith.index_cast %scan3A_521 : i32 to index
      %swap3A_605 = arith.constant 112 : index
      %swap3A_606 = tpu.vector_load %arg12[%swap3A_604, %swap3A_605] {strides = array<i32>} : memref<100x128xf32, #tpu.memory_space<vmem>>, vector<1x16xf32>,
      %swap3A_607 = vector.shape_cast %swap3A_606 : vector<1x16xf32> to vector<16xf32>
      %swap3A_608 = vector.shape_cast %get3A_603 : vector<16xf32> to vector<1x16xf32>
      tpu.vector_store %arg12[%swap3A_604, %swap3A_605], %swap3A_608 {add = true, strides = array<i32>} : memref<100x128xf32, #tpu.memory_space<vmem>>, vector<1x16xf32>,
      %scan3A_609 = arith.constant 0 : i32
      scf.yield %scan3A_609 : i32
    }
    %scan3A_357 = arith.constant 100 : i32
    %add3A_358 = arith.constant 25000 : i32
    %add3A_359 = arith.addi %mul3A_4, %add3A_358 : i32
    %dma_start3A_360 = arith.constant 0 : i32
    %dma_start3A_361 = tpu.memref_slice %arg5[%add3A_359, %dma_start3A_360] : memref<819200x128xf32, #tpu.memory_space<hbm>> -> memref<100x128xf32, #tpu.memory_space<hbm>>
    %dma_start3A_362 = arith.constant 0 : i32
    %dma_start3A_363 = tpu.memref_slice %arg5[%add3A_359, %dma_start3A_362] : memref<819200x128xf32, #tpu.memory_space<hbm>> -> memref<100x128xf32, #tpu.memory_space<hbm>>
    tpu.enqueue_dma source(%arg12 : memref<100x128xf32, #tpu.memory_space<vmem>>) target(%dma_start3A_363 : memref<100x128xf32, #tpu.memory_space<hbm>>) target_semaphore(%arg24 : memref<!tpu.dma_semaphore, #tpu.memory_space<semaphore_mem>>)
    %dma_wait3A_364 = arith.constant 0 : i32
    %dma_wait3A_365 = arith.constant 0 : i32
    %dma_wait3A_366 = tpu.memref_slice %arg5[%dma_wait3A_364, %dma_wait3A_365] : memref<819200x128xf32, #tpu.memory_space<hbm>> -> memref<100x128xf32, #tpu.memory_space<hbm>>
    %dma_wait3A_367 = arith.constant 0 : i32
    %dma_wait3A_368 = arith.constant 0 : i32
    %dma_wait3A_369 = tpu.memref_slice %arg5[%dma_wait3A_367, %dma_wait3A_368] : memref<819200x128xf32, #tpu.memory_space<hbm>> -> memref<100x128xf32, #tpu.memory_space<hbm>>
    tpu.wait_dma2 semaphore(%arg22 : memref<!tpu.dma_semaphore, #tpu.memory_space<semaphore_mem>>) src(%arg10 : memref<100x128xf32, #tpu.memory_space<vmem>>) dst(%dma_wait3A_369 : memref<100x128xf32, #tpu.memory_space<hbm>>)
    %dma_start3A_370 = arith.constant 254 : i32
    %dma_start3A_371 = arith.constant 0 : i32
    %dma_start3A_372 = tpu.memref_slice %arg6[%dma_start3A_370, %dma_start3A_371] : memref<256x100xi32, #tpu.memory_space<vmem>> -> memref<1x100xi32, #tpu.memory_space<vmem>>
    %dma_start3A_373 = tpu.memref_squeeze %dma_start3A_372 : memref<1x100xi32, #tpu.memory_space<vmem>> -> memref<100xi32, #tpu.memory_space<vmem>>
    %dma_start3A_374 = arith.constant 0 : i32
    %dma_start3A_375 = arith.constant 0 : i32
    %dma_start3A_376 = tpu.memref_slice %arg3[%dma_start3A_374, %dma_start3A_375] : memref<100000x128xf32, #tpu.memory_space<hbm>> -> memref<100000x128xf32, #tpu.memory_space<hbm>>
    tpu.enqueue_indirect_dma source(%dma_start3A_376 : memref<100000x128xf32, #tpu.memory_space<hbm>>) target(%arg10 : memref<100x128xf32, #tpu.memory_space<vmem>>) offsets(%dma_start3A_373 : memref<100xi32, #tpu.memory_space<vmem>>) semaphore(%arg16 : memref<!tpu.dma_semaphore, #tpu.memory_space<semaphore_mem>>)
    %dma_wait3A_377 = arith.constant 0 : i32
    %dma_wait3A_378 = arith.constant 0 : i32
    %dma_wait3A_379 = tpu.memref_slice %arg3[%dma_wait3A_377, %dma_wait3A_378] : memref<100000x128xf32, #tpu.memory_space<hbm>> -> memref<100x128xf32, #tpu.memory_space<hbm>>
    %dma_wait3A_380 = arith.constant 0 : i32
    %dma_wait3A_381 = arith.constant 0 : i32
    %dma_wait3A_382 = tpu.memref_slice %arg3[%dma_wait3A_380, %dma_wait3A_381] : memref<100000x128xf32, #tpu.memory_space<hbm>> -> memref<100x128xf32, #tpu.memory_space<hbm>>
    tpu.wait_dma2 semaphore(%arg19 : memref<!tpu.dma_semaphore, #tpu.memory_space<semaphore_mem>>) src(%dma_wait3A_382 : memref<100x128xf32, #tpu.memory_space<hbm>>) dst(%arg13 : memref<100x128xf32, #tpu.memory_space<vmem>>)
    %scan3A_383 = arith.constant 0 : i32
    %scan3A_384 = arith.constant 0 : i32
    %scan3A_385 = arith.constant 100 : i32
    %scan3A_386 = arith.addi %scan3A_384, %scan3A_385 : i32
    %scan3A_387 = arith.constant 1 : i32
    %scan3A_388 = scf.for %scan3A_521 = %scan3A_384 to %scan3A_386 step %scan3A_387 iter_args(%scan3A_522 = %scan3A_383) -> (i32)  : i32 {
      %add3A_523 = arith.constant 100 : i32
      %add3A_524 = arith.addi %add3A_523, %scan3A_521 : i32
      %get3A = arith.index_cast %add3A_524 : i32 to index
      %get3A_525 = arith.constant 0 : index
      %get3A_526 = tpu.vector_load %arg7[%get3A, %get3A_525] {strides = array<i32>} : memref<200x128xf32, #tpu.memory_space<vmem>>, vector<1x16xf32>,
      %get3A_527 = vector.shape_cast %get3A_526 : vector<1x16xf32> to vector<16xf32>
      %swap3A = arith.index_cast %scan3A_521 : i32 to index
      %swap3A_528 = arith.constant 0 : index
      %swap3A_529 = tpu.vector_load %arg13[%swap3A, %swap3A_528] {strides = array<i32>} : memref<100x128xf32, #tpu.memory_space<vmem>>, vector<1x16xf32>,
      %swap3A_530 = vector.shape_cast %swap3A_529 : vector<1x16xf32> to vector<16xf32>
      %swap3A_531 = vector.shape_cast %get3A_527 : vector<16xf32> to vector<1x16xf32>
      tpu.vector_store %arg13[%swap3A, %swap3A_528], %swap3A_531 {add = true, strides = array<i32>} : memref<100x128xf32, #tpu.memory_space<vmem>>, vector<1x16xf32>,
      %add3A_532 = arith.constant 100 : i32
      %add3A_533 = arith.addi %add3A_532, %scan3A_521 : i32
      %get3A_534 = arith.index_cast %add3A_533 : i32 to index
      %get3A_535 = arith.constant 16 : index
      %get3A_536 = tpu.vector_load %arg7[%get3A_534, %get3A_535] {strides = array<i32>} : memref<200x128xf32, #tpu.memory_space<vmem>>, vector<1x16xf32>,
      %get3A_537 = vector.shape_cast %get3A_536 : vector<1x16xf32> to vector<16xf32>
      %swap3A_538 = arith.index_cast %scan3A_521 : i32 to index
      %swap3A_539 = arith.constant 16 : index
      %swap3A_540 = tpu.vector_load %arg13[%swap3A_538, %swap3A_539] {strides = array<i32>} : memref<100x128xf32, #tpu.memory_space<vmem>>, vector<1x16xf32>,
      %swap3A_541 = vector.shape_cast %swap3A_540 : vector<1x16xf32> to vector<16xf32>
      %swap3A_542 = vector.shape_cast %get3A_537 : vector<16xf32> to vector<1x16xf32>
      tpu.vector_store %arg13[%swap3A_538, %swap3A_539], %swap3A_542 {add = true, strides = array<i32>} : memref<100x128xf32, #tpu.memory_space<vmem>>, vector<1x16xf32>,
      %add3A_543 = arith.constant 100 : i32
      %add3A_544 = arith.addi %add3A_543, %scan3A_521 : i32
      %get3A_545 = arith.index_cast %add3A_544 : i32 to index
      %get3A_546 = arith.constant 32 : index
      %get3A_547 = tpu.vector_load %arg7[%get3A_545, %get3A_546] {strides = array<i32>} : memref<200x128xf32, #tpu.memory_space<vmem>>, vector<1x16xf32>,
      %get3A_548 = vector.shape_cast %get3A_547 : vector<1x16xf32> to vector<16xf32>
      %swap3A_549 = arith.index_cast %scan3A_521 : i32 to index
      %swap3A_550 = arith.constant 32 : index
      %swap3A_551 = tpu.vector_load %arg13[%swap3A_549, %swap3A_550] {strides = array<i32>} : memref<100x128xf32, #tpu.memory_space<vmem>>, vector<1x16xf32>,
      %swap3A_552 = vector.shape_cast %swap3A_551 : vector<1x16xf32> to vector<16xf32>
      %swap3A_553 = vector.shape_cast %get3A_548 : vector<16xf32> to vector<1x16xf32>
      tpu.vector_store %arg13[%swap3A_549, %swap3A_550], %swap3A_553 {add = true, strides = array<i32>} : memref<100x128xf32, #tpu.memory_space<vmem>>, vector<1x16xf32>,
      %add3A_554 = arith.constant 100 : i32
      %add3A_555 = arith.addi %add3A_554, %scan3A_521 : i32
      %get3A_556 = arith.index_cast %add3A_555 : i32 to index
      %get3A_557 = arith.constant 48 : index
      %get3A_558 = tpu.vector_load %arg7[%get3A_556, %get3A_557] {strides = array<i32>} : memref<200x128xf32, #tpu.memory_space<vmem>>, vector<1x16xf32>,
      %get3A_559 = vector.shape_cast %get3A_558 : vector<1x16xf32> to vector<16xf32>
      %swap3A_560 = arith.index_cast %scan3A_521 : i32 to index
      %swap3A_561 = arith.constant 48 : index
      %swap3A_562 = tpu.vector_load %arg13[%swap3A_560, %swap3A_561] {strides = array<i32>} : memref<100x128xf32, #tpu.memory_space<vmem>>, vector<1x16xf32>,
      %swap3A_563 = vector.shape_cast %swap3A_562 : vector<1x16xf32> to vector<16xf32>
      %swap3A_564 = vector.shape_cast %get3A_559 : vector<16xf32> to vector<1x16xf32>
      tpu.vector_store %arg13[%swap3A_560, %swap3A_561], %swap3A_564 {add = true, strides = array<i32>} : memref<100x128xf32, #tpu.memory_space<vmem>>, vector<1x16xf32>,
      %add3A_565 = arith.constant 100 : i32
      %add3A_566 = arith.addi %add3A_565, %scan3A_521 : i32
      %get3A_567 = arith.index_cast %add3A_566 : i32 to index
      %get3A_568 = arith.constant 64 : index
      %get3A_569 = tpu.vector_load %arg7[%get3A_567, %get3A_568] {strides = array<i32>} : memref<200x128xf32, #tpu.memory_space<vmem>>, vector<1x16xf32>,
      %get3A_570 = vector.shape_cast %get3A_569 : vector<1x16xf32> to vector<16xf32>
      %swap3A_571 = arith.index_cast %scan3A_521 : i32 to index
      %swap3A_572 = arith.constant 64 : index
      %swap3A_573 = tpu.vector_load %arg13[%swap3A_571, %swap3A_572] {strides = array<i32>} : memref<100x128xf32, #tpu.memory_space<vmem>>, vector<1x16xf32>,
      %swap3A_574 = vector.shape_cast %swap3A_573 : vector<1x16xf32> to vector<16xf32>
      %swap3A_575 = vector.shape_cast %get3A_570 : vector<16xf32> to vector<1x16xf32>
      tpu.vector_store %arg13[%swap3A_571, %swap3A_572], %swap3A_575 {add = true, strides = array<i32>} : memref<100x128xf32, #tpu.memory_space<vmem>>, vector<1x16xf32>,
      %add3A_576 = arith.constant 100 : i32
      %add3A_577 = arith.addi %add3A_576, %scan3A_521 : i32
      %get3A_578 = arith.index_cast %add3A_577 : i32 to index
      %get3A_579 = arith.constant 80 : index
      %get3A_580 = tpu.vector_load %arg7[%get3A_578, %get3A_579] {strides = array<i32>} : memref<200x128xf32, #tpu.memory_space<vmem>>, vector<1x16xf32>,
      %get3A_581 = vector.shape_cast %get3A_580 : vector<1x16xf32> to vector<16xf32>
      %swap3A_582 = arith.index_cast %scan3A_521 : i32 to index
      %swap3A_583 = arith.constant 80 : index
      %swap3A_584 = tpu.vector_load %arg13[%swap3A_582, %swap3A_583] {strides = array<i32>} : memref<100x128xf32, #tpu.memory_space<vmem>>, vector<1x16xf32>,
      %swap3A_585 = vector.shape_cast %swap3A_584 : vector<1x16xf32> to vector<16xf32>
      %swap3A_586 = vector.shape_cast %get3A_581 : vector<16xf32> to vector<1x16xf32>
      tpu.vector_store %arg13[%swap3A_582, %swap3A_583], %swap3A_586 {add = true, strides = array<i32>} : memref<100x128xf32, #tpu.memory_space<vmem>>, vector<1x16xf32>,
      %add3A_587 = arith.constant 100 : i32
      %add3A_588 = arith.addi %add3A_587, %scan3A_521 : i32
      %get3A_589 = arith.index_cast %add3A_588 : i32 to index
      %get3A_590 = arith.constant 96 : index
      %get3A_591 = tpu.vector_load %arg7[%get3A_589, %get3A_590] {strides = array<i32>} : memref<200x128xf32, #tpu.memory_space<vmem>>, vector<1x16xf32>,
      %get3A_592 = vector.shape_cast %get3A_591 : vector<1x16xf32> to vector<16xf32>
      %swap3A_593 = arith.index_cast %scan3A_521 : i32 to index
      %swap3A_594 = arith.constant 96 : index
      %swap3A_595 = tpu.vector_load %arg13[%swap3A_593, %swap3A_594] {strides = array<i32>} : memref<100x128xf32, #tpu.memory_space<vmem>>, vector<1x16xf32>,
      %swap3A_596 = vector.shape_cast %swap3A_595 : vector<1x16xf32> to vector<16xf32>
      %swap3A_597 = vector.shape_cast %get3A_592 : vector<16xf32> to vector<1x16xf32>
      tpu.vector_store %arg13[%swap3A_593, %swap3A_594], %swap3A_597 {add = true, strides = array<i32>} : memref<100x128xf32, #tpu.memory_space<vmem>>, vector<1x16xf32>,
      %add3A_598 = arith.constant 100 : i32
      %add3A_599 = arith.addi %add3A_598, %scan3A_521 : i32
      %get3A_600 = arith.index_cast %add3A_599 : i32 to index
      %get3A_601 = arith.constant 112 : index
      %get3A_602 = tpu.vector_load %arg7[%get3A_600, %get3A_601] {strides = array<i32>} : memref<200x128xf32, #tpu.memory_space<vmem>>, vector<1x16xf32>,
      %get3A_603 = vector.shape_cast %get3A_602 : vector<1x16xf32> to vector<16xf32>
      %swap3A_604 = arith.index_cast %scan3A_521 : i32 to index
      %swap3A_605 = arith.constant 112 : index
      %swap3A_606 = tpu.vector_load %arg13[%swap3A_604, %swap3A_605] {strides = array<i32>} : memref<100x128xf32, #tpu.memory_space<vmem>>, vector<1x16xf32>,
      %swap3A_607 = vector.shape_cast %swap3A_606 : vector<1x16xf32> to vector<16xf32>
      %swap3A_608 = vector.shape_cast %get3A_603 : vector<16xf32> to vector<1x16xf32>
      tpu.vector_store %arg13[%swap3A_604, %swap3A_605], %swap3A_608 {add = true, strides = array<i32>} : memref<100x128xf32, #tpu.memory_space<vmem>>, vector<1x16xf32>,
      %scan3A_609 = arith.constant 0 : i32
      scf.yield %scan3A_609 : i32
    }
    %scan3A_389 = arith.constant 100 : i32
    %add3A_390 = arith.constant 25100 : i32
    %add3A_391 = arith.addi %mul3A_4, %add3A_390 : i32
    %dma_start3A_392 = arith.constant 0 : i32
    %dma_start3A_393 = tpu.memref_slice %arg5[%add3A_391, %dma_start3A_392] : memref<819200x128xf32, #tpu.memory_space<hbm>> -> memref<100x128xf32, #tpu.memory_space<hbm>>
    %dma_start3A_394 = arith.constant 0 : i32
    %dma_start3A_395 = tpu.memref_slice %arg5[%add3A_391, %dma_start3A_394] : memref<819200x128xf32, #tpu.memory_space<hbm>> -> memref<100x128xf32, #tpu.memory_space<hbm>>
    tpu.enqueue_dma source(%arg13 : memref<100x128xf32, #tpu.memory_space<vmem>>) target(%dma_start3A_395 : memref<100x128xf32, #tpu.memory_space<hbm>>) target_semaphore(%arg25 : memref<!tpu.dma_semaphore, #tpu.memory_space<semaphore_mem>>)
    %dma_wait3A_396 = arith.constant 0 : i32
    %dma_wait3A_397 = arith.constant 0 : i32
    %dma_wait3A_398 = tpu.memref_slice %arg5[%dma_wait3A_396, %dma_wait3A_397] : memref<819200x128xf32, #tpu.memory_space<hbm>> -> memref<100x128xf32, #tpu.memory_space<hbm>>
    %dma_wait3A_399 = arith.constant 0 : i32
    %dma_wait3A_400 = arith.constant 0 : i32
    %dma_wait3A_401 = tpu.memref_slice %arg5[%dma_wait3A_399, %dma_wait3A_400] : memref<819200x128xf32, #tpu.memory_space<hbm>> -> memref<100x128xf32, #tpu.memory_space<hbm>>
    tpu.wait_dma2 semaphore(%arg23 : memref<!tpu.dma_semaphore, #tpu.memory_space<semaphore_mem>>) src(%arg11 : memref<100x128xf32, #tpu.memory_space<vmem>>) dst(%dma_wait3A_401 : memref<100x128xf32, #tpu.memory_space<hbm>>)
    %dma_start3A_402 = arith.constant 255 : i32
    %dma_start3A_403 = arith.constant 0 : i32
    %dma_start3A_404 = tpu.memref_slice %arg6[%dma_start3A_402, %dma_start3A_403] : memref<256x100xi32, #tpu.memory_space<vmem>> -> memref<1x100xi32, #tpu.memory_space<vmem>>
    %dma_start3A_405 = tpu.memref_squeeze %dma_start3A_404 : memref<1x100xi32, #tpu.memory_space<vmem>> -> memref<100xi32, #tpu.memory_space<vmem>>
    %dma_start3A_406 = arith.constant 0 : i32
    %dma_start3A_407 = arith.constant 0 : i32
    %dma_start3A_408 = tpu.memref_slice %arg3[%dma_start3A_406, %dma_start3A_407] : memref<100000x128xf32, #tpu.memory_space<hbm>> -> memref<100000x128xf32, #tpu.memory_space<hbm>>
    tpu.enqueue_indirect_dma source(%dma_start3A_408 : memref<100000x128xf32, #tpu.memory_space<hbm>>) target(%arg11 : memref<100x128xf32, #tpu.memory_space<vmem>>) offsets(%dma_start3A_405 : memref<100xi32, #tpu.memory_space<vmem>>) semaphore(%arg17 : memref<!tpu.dma_semaphore, #tpu.memory_space<semaphore_mem>>)
    %dma_wait3A_409 = arith.constant 0 : i32
    %dma_wait3A_410 = arith.constant 0 : i32
    %dma_wait3A_411 = tpu.memref_slice %arg3[%dma_wait3A_409, %dma_wait3A_410] : memref<100000x128xf32, #tpu.memory_space<hbm>> -> memref<100x128xf32, #tpu.memory_space<hbm>>
    %dma_wait3A_412 = arith.constant 0 : i32
    %dma_wait3A_413 = arith.constant 0 : i32
    %dma_wait3A_414 = tpu.memref_slice %arg3[%dma_wait3A_412, %dma_wait3A_413] : memref<100000x128xf32, #tpu.memory_space<hbm>> -> memref<100x128xf32, #tpu.memory_space<hbm>>
    tpu.wait_dma2 semaphore(%arg14 : memref<!tpu.dma_semaphore, #tpu.memory_space<semaphore_mem>>) src(%dma_wait3A_414 : memref<100x128xf32, #tpu.memory_space<hbm>>) dst(%arg8 : memref<100x128xf32, #tpu.memory_space<vmem>>)
    %scan3A_415 = arith.constant 0 : i32
    %scan3A_416 = arith.constant 0 : i32
    %scan3A_417 = arith.constant 100 : i32
    %scan3A_418 = arith.addi %scan3A_416, %scan3A_417 : i32
    %scan3A_419 = arith.constant 1 : i32
    %scan3A_420 = scf.for %scan3A_521 = %scan3A_416 to %scan3A_418 step %scan3A_419 iter_args(%scan3A_522 = %scan3A_415) -> (i32)  : i32 {
      %add3A_523 = arith.constant 0 : i32
      %add3A_524 = arith.addi %add3A_523, %scan3A_521 : i32
      %get3A = arith.index_cast %add3A_524 : i32 to index
      %get3A_525 = arith.constant 0 : index
      %get3A_526 = tpu.vector_load %arg7[%get3A, %get3A_525] {strides = array<i32>} : memref<200x128xf32, #tpu.memory_space<vmem>>, vector<1x16xf32>,
      %get3A_527 = vector.shape_cast %get3A_526 : vector<1x16xf32> to vector<16xf32>
      %swap3A = arith.index_cast %scan3A_521 : i32 to index
      %swap3A_528 = arith.constant 0 : index
      %swap3A_529 = tpu.vector_load %arg8[%swap3A, %swap3A_528] {strides = array<i32>} : memref<100x128xf32, #tpu.memory_space<vmem>>, vector<1x16xf32>,
      %swap3A_530 = vector.shape_cast %swap3A_529 : vector<1x16xf32> to vector<16xf32>
      %swap3A_531 = vector.shape_cast %get3A_527 : vector<16xf32> to vector<1x16xf32>
      tpu.vector_store %arg8[%swap3A, %swap3A_528], %swap3A_531 {add = true, strides = array<i32>} : memref<100x128xf32, #tpu.memory_space<vmem>>, vector<1x16xf32>,
      %add3A_532 = arith.constant 0 : i32
      %add3A_533 = arith.addi %add3A_532, %scan3A_521 : i32
      %get3A_534 = arith.index_cast %add3A_533 : i32 to index
      %get3A_535 = arith.constant 16 : index
      %get3A_536 = tpu.vector_load %arg7[%get3A_534, %get3A_535] {strides = array<i32>} : memref<200x128xf32, #tpu.memory_space<vmem>>, vector<1x16xf32>,
      %get3A_537 = vector.shape_cast %get3A_536 : vector<1x16xf32> to vector<16xf32>
      %swap3A_538 = arith.index_cast %scan3A_521 : i32 to index
      %swap3A_539 = arith.constant 16 : index
      %swap3A_540 = tpu.vector_load %arg8[%swap3A_538, %swap3A_539] {strides = array<i32>} : memref<100x128xf32, #tpu.memory_space<vmem>>, vector<1x16xf32>,
      %swap3A_541 = vector.shape_cast %swap3A_540 : vector<1x16xf32> to vector<16xf32>
      %swap3A_542 = vector.shape_cast %get3A_537 : vector<16xf32> to vector<1x16xf32>
      tpu.vector_store %arg8[%swap3A_538, %swap3A_539], %swap3A_542 {add = true, strides = array<i32>} : memref<100x128xf32, #tpu.memory_space<vmem>>, vector<1x16xf32>,
      %add3A_543 = arith.constant 0 : i32
      %add3A_544 = arith.addi %add3A_543, %scan3A_521 : i32
      %get3A_545 = arith.index_cast %add3A_544 : i32 to index
      %get3A_546 = arith.constant 32 : index
      %get3A_547 = tpu.vector_load %arg7[%get3A_545, %get3A_546] {strides = array<i32>} : memref<200x128xf32, #tpu.memory_space<vmem>>, vector<1x16xf32>,
      %get3A_548 = vector.shape_cast %get3A_547 : vector<1x16xf32> to vector<16xf32>
      %swap3A_549 = arith.index_cast %scan3A_521 : i32 to index
      %swap3A_550 = arith.constant 32 : index
      %swap3A_551 = tpu.vector_load %arg8[%swap3A_549, %swap3A_550] {strides = array<i32>} : memref<100x128xf32, #tpu.memory_space<vmem>>, vector<1x16xf32>,
      %swap3A_552 = vector.shape_cast %swap3A_551 : vector<1x16xf32> to vector<16xf32>
      %swap3A_553 = vector.shape_cast %get3A_548 : vector<16xf32> to vector<1x16xf32>
      tpu.vector_store %arg8[%swap3A_549, %swap3A_550], %swap3A_553 {add = true, strides = array<i32>} : memref<100x128xf32, #tpu.memory_space<vmem>>, vector<1x16xf32>,
      %add3A_554 = arith.constant 0 : i32
      %add3A_555 = arith.addi %add3A_554, %scan3A_521 : i32
      %get3A_556 = arith.index_cast %add3A_555 : i32 to index
      %get3A_557 = arith.constant 48 : index
      %get3A_558 = tpu.vector_load %arg7[%get3A_556, %get3A_557] {strides = array<i32>} : memref<200x128xf32, #tpu.memory_space<vmem>>, vector<1x16xf32>,
      %get3A_559 = vector.shape_cast %get3A_558 : vector<1x16xf32> to vector<16xf32>
      %swap3A_560 = arith.index_cast %scan3A_521 : i32 to index
      %swap3A_561 = arith.constant 48 : index
      %swap3A_562 = tpu.vector_load %arg8[%swap3A_560, %swap3A_561] {strides = array<i32>} : memref<100x128xf32, #tpu.memory_space<vmem>>, vector<1x16xf32>,
      %swap3A_563 = vector.shape_cast %swap3A_562 : vector<1x16xf32> to vector<16xf32>
      %swap3A_564 = vector.shape_cast %get3A_559 : vector<16xf32> to vector<1x16xf32>
      tpu.vector_store %arg8[%swap3A_560, %swap3A_561], %swap3A_564 {add = true, strides = array<i32>} : memref<100x128xf32, #tpu.memory_space<vmem>>, vector<1x16xf32>,
      %add3A_565 = arith.constant 0 : i32
      %add3A_566 = arith.addi %add3A_565, %scan3A_521 : i32
      %get3A_567 = arith.index_cast %add3A_566 : i32 to index
      %get3A_568 = arith.constant 64 : index
      %get3A_569 = tpu.vector_load %arg7[%get3A_567, %get3A_568] {strides = array<i32>} : memref<200x128xf32, #tpu.memory_space<vmem>>, vector<1x16xf32>,
      %get3A_570 = vector.shape_cast %get3A_569 : vector<1x16xf32> to vector<16xf32>
      %swap3A_571 = arith.index_cast %scan3A_521 : i32 to index
      %swap3A_572 = arith.constant 64 : index
      %swap3A_573 = tpu.vector_load %arg8[%swap3A_571, %swap3A_572] {strides = array<i32>} : memref<100x128xf32, #tpu.memory_space<vmem>>, vector<1x16xf32>,
      %swap3A_574 = vector.shape_cast %swap3A_573 : vector<1x16xf32> to vector<16xf32>
      %swap3A_575 = vector.shape_cast %get3A_570 : vector<16xf32> to vector<1x16xf32>
      tpu.vector_store %arg8[%swap3A_571, %swap3A_572], %swap3A_575 {add = true, strides = array<i32>} : memref<100x128xf32, #tpu.memory_space<vmem>>, vector<1x16xf32>,
      %add3A_576 = arith.constant 0 : i32
      %add3A_577 = arith.addi %add3A_576, %scan3A_521 : i32
      %get3A_578 = arith.index_cast %add3A_577 : i32 to index
      %get3A_579 = arith.constant 80 : index
      %get3A_580 = tpu.vector_load %arg7[%get3A_578, %get3A_579] {strides = array<i32>} : memref<200x128xf32, #tpu.memory_space<vmem>>, vector<1x16xf32>,
      %get3A_581 = vector.shape_cast %get3A_580 : vector<1x16xf32> to vector<16xf32>
      %swap3A_582 = arith.index_cast %scan3A_521 : i32 to index
      %swap3A_583 = arith.constant 80 : index
      %swap3A_584 = tpu.vector_load %arg8[%swap3A_582, %swap3A_583] {strides = array<i32>} : memref<100x128xf32, #tpu.memory_space<vmem>>, vector<1x16xf32>,
      %swap3A_585 = vector.shape_cast %swap3A_584 : vector<1x16xf32> to vector<16xf32>
      %swap3A_586 = vector.shape_cast %get3A_581 : vector<16xf32> to vector<1x16xf32>
      tpu.vector_store %arg8[%swap3A_582, %swap3A_583], %swap3A_586 {add = true, strides = array<i32>} : memref<100x128xf32, #tpu.memory_space<vmem>>, vector<1x16xf32>,
      %add3A_587 = arith.constant 0 : i32
      %add3A_588 = arith.addi %add3A_587, %scan3A_521 : i32
      %get3A_589 = arith.index_cast %add3A_588 : i32 to index
      %get3A_590 = arith.constant 96 : index
      %get3A_591 = tpu.vector_load %arg7[%get3A_589, %get3A_590] {strides = array<i32>} : memref<200x128xf32, #tpu.memory_space<vmem>>, vector<1x16xf32>,
      %get3A_592 = vector.shape_cast %get3A_591 : vector<1x16xf32> to vector<16xf32>
      %swap3A_593 = arith.index_cast %scan3A_521 : i32 to index
      %swap3A_594 = arith.constant 96 : index
      %swap3A_595 = tpu.vector_load %arg8[%swap3A_593, %swap3A_594] {strides = array<i32>} : memref<100x128xf32, #tpu.memory_space<vmem>>, vector<1x16xf32>,
      %swap3A_596 = vector.shape_cast %swap3A_595 : vector<1x16xf32> to vector<16xf32>
      %swap3A_597 = vector.shape_cast %get3A_592 : vector<16xf32> to vector<1x16xf32>
      tpu.vector_store %arg8[%swap3A_593, %swap3A_594], %swap3A_597 {add = true, strides = array<i32>} : memref<100x128xf32, #tpu.memory_space<vmem>>, vector<1x16xf32>,
      %add3A_598 = arith.constant 0 : i32
      %add3A_599 = arith.addi %add3A_598, %scan3A_521 : i32
      %get3A_600 = arith.index_cast %add3A_599 : i32 to index
      %get3A_601 = arith.constant 112 : index
      %get3A_602 = tpu.vector_load %arg7[%get3A_600, %get3A_601] {strides = array<i32>} : memref<200x128xf32, #tpu.memory_space<vmem>>, vector<1x16xf32>,
      %get3A_603 = vector.shape_cast %get3A_602 : vector<1x16xf32> to vector<16xf32>
      %swap3A_604 = arith.index_cast %scan3A_521 : i32 to index
      %swap3A_605 = arith.constant 112 : index
      %swap3A_606 = tpu.vector_load %arg8[%swap3A_604, %swap3A_605] {strides = array<i32>} : memref<100x128xf32, #tpu.memory_space<vmem>>, vector<1x16xf32>,
      %swap3A_607 = vector.shape_cast %swap3A_606 : vector<1x16xf32> to vector<16xf32>
      %swap3A_608 = vector.shape_cast %get3A_603 : vector<16xf32> to vector<1x16xf32>
      tpu.vector_store %arg8[%swap3A_604, %swap3A_605], %swap3A_608 {add = true, strides = array<i32>} : memref<100x128xf32, #tpu.memory_space<vmem>>, vector<1x16xf32>,
      %scan3A_609 = arith.constant 0 : i32
      scf.yield %scan3A_609 : i32
    }
    %scan3A_421 = arith.constant 100 : i32
    %dma_wait3A_422 = arith.constant 0 : i32
    %dma_wait3A_423 = arith.constant 0 : i32
    %dma_wait3A_424 = tpu.memref_slice %arg5[%dma_wait3A_422, %dma_wait3A_423] : memref<819200x128xf32, #tpu.memory_space<hbm>> -> memref<100x128xf32, #tpu.memory_space<hbm>>
    %dma_wait3A_425 = arith.constant 0 : i32
    %dma_wait3A_426 = arith.constant 0 : i32
    %dma_wait3A_427 = tpu.memref_slice %arg5[%dma_wait3A_425, %dma_wait3A_426] : memref<819200x128xf32, #tpu.memory_space<hbm>> -> memref<100x128xf32, #tpu.memory_space<hbm>>
    tpu.wait_dma2 semaphore(%arg24 : memref<!tpu.dma_semaphore, #tpu.memory_space<semaphore_mem>>) src(%arg12 : memref<100x128xf32, #tpu.memory_space<vmem>>) dst(%dma_wait3A_427 : memref<100x128xf32, #tpu.memory_space<hbm>>)
    %add3A_428 = arith.constant 25200 : i32
    %add3A_429 = arith.addi %mul3A_4, %add3A_428 : i32
    %dma_start3A_430 = arith.constant 0 : i32
    %dma_start3A_431 = tpu.memref_slice %arg5[%add3A_429, %dma_start3A_430] : memref<819200x128xf32, #tpu.memory_space<hbm>> -> memref<100x128xf32, #tpu.memory_space<hbm>>
    %dma_start3A_432 = arith.constant 0 : i32
    %dma_start3A_433 = tpu.memref_slice %arg5[%add3A_429, %dma_start3A_432] : memref<819200x128xf32, #tpu.memory_space<hbm>> -> memref<100x128xf32, #tpu.memory_space<hbm>>
    tpu.enqueue_dma source(%arg8 : memref<100x128xf32, #tpu.memory_space<vmem>>) target(%dma_start3A_433 : memref<100x128xf32, #tpu.memory_space<hbm>>) target_semaphore(%arg20 : memref<!tpu.dma_semaphore, #tpu.memory_space<semaphore_mem>>)
    %dma_wait3A_434 = arith.constant 0 : i32
    %dma_wait3A_435 = arith.constant 0 : i32
    %dma_wait3A_436 = tpu.memref_slice %arg3[%dma_wait3A_434, %dma_wait3A_435] : memref<100000x128xf32, #tpu.memory_space<hbm>> -> memref<100x128xf32, #tpu.memory_space<hbm>>
    %dma_wait3A_437 = arith.constant 0 : i32
    %dma_wait3A_438 = arith.constant 0 : i32
    %dma_wait3A_439 = tpu.memref_slice %arg3[%dma_wait3A_437, %dma_wait3A_438] : memref<100000x128xf32, #tpu.memory_space<hbm>> -> memref<100x128xf32, #tpu.memory_space<hbm>>
    tpu.wait_dma2 semaphore(%arg15 : memref<!tpu.dma_semaphore, #tpu.memory_space<semaphore_mem>>) src(%dma_wait3A_439 : memref<100x128xf32, #tpu.memory_space<hbm>>) dst(%arg9 : memref<100x128xf32, #tpu.memory_space<vmem>>)
    %scan3A_440 = arith.constant 0 : i32
    %scan3A_441 = arith.constant 0 : i32
    %scan3A_442 = arith.constant 100 : i32
    %scan3A_443 = arith.addi %scan3A_441, %scan3A_442 : i32
    %scan3A_444 = arith.constant 1 : i32
    %scan3A_445 = scf.for %scan3A_521 = %scan3A_441 to %scan3A_443 step %scan3A_444 iter_args(%scan3A_522 = %scan3A_440) -> (i32)  : i32 {
      %add3A_523 = arith.constant 100 : i32
      %add3A_524 = arith.addi %add3A_523, %scan3A_521 : i32
      %get3A = arith.index_cast %add3A_524 : i32 to index
      %get3A_525 = arith.constant 0 : index
      %get3A_526 = tpu.vector_load %arg7[%get3A, %get3A_525] {strides = array<i32>} : memref<200x128xf32, #tpu.memory_space<vmem>>, vector<1x16xf32>,
      %get3A_527 = vector.shape_cast %get3A_526 : vector<1x16xf32> to vector<16xf32>
      %swap3A = arith.index_cast %scan3A_521 : i32 to index
      %swap3A_528 = arith.constant 0 : index
      %swap3A_529 = tpu.vector_load %arg9[%swap3A, %swap3A_528] {strides = array<i32>} : memref<100x128xf32, #tpu.memory_space<vmem>>, vector<1x16xf32>,
      %swap3A_530 = vector.shape_cast %swap3A_529 : vector<1x16xf32> to vector<16xf32>
      %swap3A_531 = vector.shape_cast %get3A_527 : vector<16xf32> to vector<1x16xf32>
      tpu.vector_store %arg9[%swap3A, %swap3A_528], %swap3A_531 {add = true, strides = array<i32>} : memref<100x128xf32, #tpu.memory_space<vmem>>, vector<1x16xf32>,
      %add3A_532 = arith.constant 100 : i32
      %add3A_533 = arith.addi %add3A_532, %scan3A_521 : i32
      %get3A_534 = arith.index_cast %add3A_533 : i32 to index
      %get3A_535 = arith.constant 16 : index
      %get3A_536 = tpu.vector_load %arg7[%get3A_534, %get3A_535] {strides = array<i32>} : memref<200x128xf32, #tpu.memory_space<vmem>>, vector<1x16xf32>,
      %get3A_537 = vector.shape_cast %get3A_536 : vector<1x16xf32> to vector<16xf32>
      %swap3A_538 = arith.index_cast %scan3A_521 : i32 to index
      %swap3A_539 = arith.constant 16 : index
      %swap3A_540 = tpu.vector_load %arg9[%swap3A_538, %swap3A_539] {strides = array<i32>} : memref<100x128xf32, #tpu.memory_space<vmem>>, vector<1x16xf32>,
      %swap3A_541 = vector.shape_cast %swap3A_540 : vector<1x16xf32> to vector<16xf32>
      %swap3A_542 = vector.shape_cast %get3A_537 : vector<16xf32> to vector<1x16xf32>
      tpu.vector_store %arg9[%swap3A_538, %swap3A_539], %swap3A_542 {add = true, strides = array<i32>} : memref<100x128xf32, #tpu.memory_space<vmem>>, vector<1x16xf32>,
      %add3A_543 = arith.constant 100 : i32
      %add3A_544 = arith.addi %add3A_543, %scan3A_521 : i32
      %get3A_545 = arith.index_cast %add3A_544 : i32 to index
      %get3A_546 = arith.constant 32 : index
      %get3A_547 = tpu.vector_load %arg7[%get3A_545, %get3A_546] {strides = array<i32>} : memref<200x128xf32, #tpu.memory_space<vmem>>, vector<1x16xf32>,
      %get3A_548 = vector.shape_cast %get3A_547 : vector<1x16xf32> to vector<16xf32>
      %swap3A_549 = arith.index_cast %scan3A_521 : i32 to index
      %swap3A_550 = arith.constant 32 : index
      %swap3A_551 = tpu.vector_load %arg9[%swap3A_549, %swap3A_550] {strides = array<i32>} : memref<100x128xf32, #tpu.memory_space<vmem>>, vector<1x16xf32>,
      %swap3A_552 = vector.shape_cast %swap3A_551 : vector<1x16xf32> to vector<16xf32>
      %swap3A_553 = vector.shape_cast %get3A_548 : vector<16xf32> to vector<1x16xf32>
      tpu.vector_store %arg9[%swap3A_549, %swap3A_550], %swap3A_553 {add = true, strides = array<i32>} : memref<100x128xf32, #tpu.memory_space<vmem>>, vector<1x16xf32>,
      %add3A_554 = arith.constant 100 : i32
      %add3A_555 = arith.addi %add3A_554, %scan3A_521 : i32
      %get3A_556 = arith.index_cast %add3A_555 : i32 to index
      %get3A_557 = arith.constant 48 : index
      %get3A_558 = tpu.vector_load %arg7[%get3A_556, %get3A_557] {strides = array<i32>} : memref<200x128xf32, #tpu.memory_space<vmem>>, vector<1x16xf32>,
      %get3A_559 = vector.shape_cast %get3A_558 : vector<1x16xf32> to vector<16xf32>
      %swap3A_560 = arith.index_cast %scan3A_521 : i32 to index
      %swap3A_561 = arith.constant 48 : index
      %swap3A_562 = tpu.vector_load %arg9[%swap3A_560, %swap3A_561] {strides = array<i32>} : memref<100x128xf32, #tpu.memory_space<vmem>>, vector<1x16xf32>,
      %swap3A_563 = vector.shape_cast %swap3A_562 : vector<1x16xf32> to vector<16xf32>
      %swap3A_564 = vector.shape_cast %get3A_559 : vector<16xf32> to vector<1x16xf32>
      tpu.vector_store %arg9[%swap3A_560, %swap3A_561], %swap3A_564 {add = true, strides = array<i32>} : memref<100x128xf32, #tpu.memory_space<vmem>>, vector<1x16xf32>,
      %add3A_565 = arith.constant 100 : i32
      %add3A_566 = arith.addi %add3A_565, %scan3A_521 : i32
      %get3A_567 = arith.index_cast %add3A_566 : i32 to index
      %get3A_568 = arith.constant 64 : index
      %get3A_569 = tpu.vector_load %arg7[%get3A_567, %get3A_568] {strides = array<i32>} : memref<200x128xf32, #tpu.memory_space<vmem>>, vector<1x16xf32>,
      %get3A_570 = vector.shape_cast %get3A_569 : vector<1x16xf32> to vector<16xf32>
      %swap3A_571 = arith.index_cast %scan3A_521 : i32 to index
      %swap3A_572 = arith.constant 64 : index
      %swap3A_573 = tpu.vector_load %arg9[%swap3A_571, %swap3A_572] {strides = array<i32>} : memref<100x128xf32, #tpu.memory_space<vmem>>, vector<1x16xf32>,
      %swap3A_574 = vector.shape_cast %swap3A_573 : vector<1x16xf32> to vector<16xf32>
      %swap3A_575 = vector.shape_cast %get3A_570 : vector<16xf32> to vector<1x16xf32>
      tpu.vector_store %arg9[%swap3A_571, %swap3A_572], %swap3A_575 {add = true, strides = array<i32>} : memref<100x128xf32, #tpu.memory_space<vmem>>, vector<1x16xf32>,
      %add3A_576 = arith.constant 100 : i32
      %add3A_577 = arith.addi %add3A_576, %scan3A_521 : i32
      %get3A_578 = arith.index_cast %add3A_577 : i32 to index
      %get3A_579 = arith.constant 80 : index
      %get3A_580 = tpu.vector_load %arg7[%get3A_578, %get3A_579] {strides = array<i32>} : memref<200x128xf32, #tpu.memory_space<vmem>>, vector<1x16xf32>,
      %get3A_581 = vector.shape_cast %get3A_580 : vector<1x16xf32> to vector<16xf32>
      %swap3A_582 = arith.index_cast %scan3A_521 : i32 to index
      %swap3A_583 = arith.constant 80 : index
      %swap3A_584 = tpu.vector_load %arg9[%swap3A_582, %swap3A_583] {strides = array<i32>} : memref<100x128xf32, #tpu.memory_space<vmem>>, vector<1x16xf32>,
      %swap3A_585 = vector.shape_cast %swap3A_584 : vector<1x16xf32> to vector<16xf32>
      %swap3A_586 = vector.shape_cast %get3A_581 : vector<16xf32> to vector<1x16xf32>
      tpu.vector_store %arg9[%swap3A_582, %swap3A_583], %swap3A_586 {add = true, strides = array<i32>} : memref<100x128xf32, #tpu.memory_space<vmem>>, vector<1x16xf32>,
      %add3A_587 = arith.constant 100 : i32
      %add3A_588 = arith.addi %add3A_587, %scan3A_521 : i32
      %get3A_589 = arith.index_cast %add3A_588 : i32 to index
      %get3A_590 = arith.constant 96 : index
      %get3A_591 = tpu.vector_load %arg7[%get3A_589, %get3A_590] {strides = array<i32>} : memref<200x128xf32, #tpu.memory_space<vmem>>, vector<1x16xf32>,
      %get3A_592 = vector.shape_cast %get3A_591 : vector<1x16xf32> to vector<16xf32>
      %swap3A_593 = arith.index_cast %scan3A_521 : i32 to index
      %swap3A_594 = arith.constant 96 : index
      %swap3A_595 = tpu.vector_load %arg9[%swap3A_593, %swap3A_594] {strides = array<i32>} : memref<100x128xf32, #tpu.memory_space<vmem>>, vector<1x16xf32>,
      %swap3A_596 = vector.shape_cast %swap3A_595 : vector<1x16xf32> to vector<16xf32>
      %swap3A_597 = vector.shape_cast %get3A_592 : vector<16xf32> to vector<1x16xf32>
      tpu.vector_store %arg9[%swap3A_593, %swap3A_594], %swap3A_597 {add = true, strides = array<i32>} : memref<100x128xf32, #tpu.memory_space<vmem>>, vector<1x16xf32>,
      %add3A_598 = arith.constant 100 : i32
      %add3A_599 = arith.addi %add3A_598, %scan3A_521 : i32
      %get3A_600 = arith.index_cast %add3A_599 : i32 to index
      %get3A_601 = arith.constant 112 : index
      %get3A_602 = tpu.vector_load %arg7[%get3A_600, %get3A_601] {strides = array<i32>} : memref<200x128xf32, #tpu.memory_space<vmem>>, vector<1x16xf32>,
      %get3A_603 = vector.shape_cast %get3A_602 : vector<1x16xf32> to vector<16xf32>
      %swap3A_604 = arith.index_cast %scan3A_521 : i32 to index
      %swap3A_605 = arith.constant 112 : index
      %swap3A_606 = tpu.vector_load %arg9[%swap3A_604, %swap3A_605] {strides = array<i32>} : memref<100x128xf32, #tpu.memory_space<vmem>>, vector<1x16xf32>,
      %swap3A_607 = vector.shape_cast %swap3A_606 : vector<1x16xf32> to vector<16xf32>
      %swap3A_608 = vector.shape_cast %get3A_603 : vector<16xf32> to vector<1x16xf32>
      tpu.vector_store %arg9[%swap3A_604, %swap3A_605], %swap3A_608 {add = true, strides = array<i32>} : memref<100x128xf32, #tpu.memory_space<vmem>>, vector<1x16xf32>,
      %scan3A_609 = arith.constant 0 : i32
      scf.yield %scan3A_609 : i32
    }
    %scan3A_446 = arith.constant 100 : i32
    %dma_wait3A_447 = arith.constant 0 : i32
    %dma_wait3A_448 = arith.constant 0 : i32
    %dma_wait3A_449 = tpu.memref_slice %arg5[%dma_wait3A_447, %dma_wait3A_448] : memref<819200x128xf32, #tpu.memory_space<hbm>> -> memref<100x128xf32, #tpu.memory_space<hbm>>
    %dma_wait3A_450 = arith.constant 0 : i32
    %dma_wait3A_451 = arith.constant 0 : i32
    %dma_wait3A_452 = tpu.memref_slice %arg5[%dma_wait3A_450, %dma_wait3A_451] : memref<819200x128xf32, #tpu.memory_space<hbm>> -> memref<100x128xf32, #tpu.memory_space<hbm>>
    tpu.wait_dma2 semaphore(%arg25 : memref<!tpu.dma_semaphore, #tpu.memory_space<semaphore_mem>>) src(%arg13 : memref<100x128xf32, #tpu.memory_space<vmem>>) dst(%dma_wait3A_452 : memref<100x128xf32, #tpu.memory_space<hbm>>)
    %add3A_453 = arith.constant 25300 : i32
    %add3A_454 = arith.addi %mul3A_4, %add3A_453 : i32
    %dma_start3A_455 = arith.constant 0 : i32
    %dma_start3A_456 = tpu.memref_slice %arg5[%add3A_454, %dma_start3A_455] : memref<819200x128xf32, #tpu.memory_space<hbm>> -> memref<100x128xf32, #tpu.memory_space<hbm>>
    %dma_start3A_457 = arith.constant 0 : i32
    %dma_start3A_458 = tpu.memref_slice %arg5[%add3A_454, %dma_start3A_457] : memref<819200x128xf32, #tpu.memory_space<hbm>> -> memref<100x128xf32, #tpu.memory_space<hbm>>
    tpu.enqueue_dma source(%arg9 : memref<100x128xf32, #tpu.memory_space<vmem>>) target(%dma_start3A_458 : memref<100x128xf32, #tpu.memory_space<hbm>>) target_semaphore(%arg21 : memref<!tpu.dma_semaphore, #tpu.memory_space<semaphore_mem>>)
    %dma_wait3A_459 = arith.constant 0 : i32
    %dma_wait3A_460 = arith.constant 0 : i32
    %dma_wait3A_461 = tpu.memref_slice %arg3[%dma_wait3A_459, %dma_wait3A_460] : memref<100000x128xf32, #tpu.memory_space<hbm>> -> memref<100x128xf32, #tpu.memory_space<hbm>>
    %dma_wait3A_462 = arith.constant 0 : i32
    %dma_wait3A_463 = arith.constant 0 : i32
    %dma_wait3A_464 = tpu.memref_slice %arg3[%dma_wait3A_462, %dma_wait3A_463] : memref<100000x128xf32, #tpu.memory_space<hbm>> -> memref<100x128xf32, #tpu.memory_space<hbm>>
    tpu.wait_dma2 semaphore(%arg16 : memref<!tpu.dma_semaphore, #tpu.memory_space<semaphore_mem>>) src(%dma_wait3A_464 : memref<100x128xf32, #tpu.memory_space<hbm>>) dst(%arg10 : memref<100x128xf32, #tpu.memory_space<vmem>>)
    %scan3A_465 = arith.constant 0 : i32
    %scan3A_466 = arith.constant 0 : i32
    %scan3A_467 = arith.constant 100 : i32
    %scan3A_468 = arith.addi %scan3A_466, %scan3A_467 : i32
    %scan3A_469 = arith.constant 1 : i32
    %scan3A_470 = scf.for %scan3A_521 = %scan3A_466 to %scan3A_468 step %scan3A_469 iter_args(%scan3A_522 = %scan3A_465) -> (i32)  : i32 {
      %add3A_523 = arith.constant 0 : i32
      %add3A_524 = arith.addi %add3A_523, %scan3A_521 : i32
      %get3A = arith.index_cast %add3A_524 : i32 to index
      %get3A_525 = arith.constant 0 : index
      %get3A_526 = tpu.vector_load %arg7[%get3A, %get3A_525] {strides = array<i32>} : memref<200x128xf32, #tpu.memory_space<vmem>>, vector<1x16xf32>,
      %get3A_527 = vector.shape_cast %get3A_526 : vector<1x16xf32> to vector<16xf32>
      %swap3A = arith.index_cast %scan3A_521 : i32 to index
      %swap3A_528 = arith.constant 0 : index
      %swap3A_529 = tpu.vector_load %arg10[%swap3A, %swap3A_528] {strides = array<i32>} : memref<100x128xf32, #tpu.memory_space<vmem>>, vector<1x16xf32>,
      %swap3A_530 = vector.shape_cast %swap3A_529 : vector<1x16xf32> to vector<16xf32>
      %swap3A_531 = vector.shape_cast %get3A_527 : vector<16xf32> to vector<1x16xf32>
      tpu.vector_store %arg10[%swap3A, %swap3A_528], %swap3A_531 {add = true, strides = array<i32>} : memref<100x128xf32, #tpu.memory_space<vmem>>, vector<1x16xf32>,
      %add3A_532 = arith.constant 0 : i32
      %add3A_533 = arith.addi %add3A_532, %scan3A_521 : i32
      %get3A_534 = arith.index_cast %add3A_533 : i32 to index
      %get3A_535 = arith.constant 16 : index
      %get3A_536 = tpu.vector_load %arg7[%get3A_534, %get3A_535] {strides = array<i32>} : memref<200x128xf32, #tpu.memory_space<vmem>>, vector<1x16xf32>,
      %get3A_537 = vector.shape_cast %get3A_536 : vector<1x16xf32> to vector<16xf32>
      %swap3A_538 = arith.index_cast %scan3A_521 : i32 to index
      %swap3A_539 = arith.constant 16 : index
      %swap3A_540 = tpu.vector_load %arg10[%swap3A_538, %swap3A_539] {strides = array<i32>} : memref<100x128xf32, #tpu.memory_space<vmem>>, vector<1x16xf32>,
      %swap3A_541 = vector.shape_cast %swap3A_540 : vector<1x16xf32> to vector<16xf32>
      %swap3A_542 = vector.shape_cast %get3A_537 : vector<16xf32> to vector<1x16xf32>
      tpu.vector_store %arg10[%swap3A_538, %swap3A_539], %swap3A_542 {add = true, strides = array<i32>} : memref<100x128xf32, #tpu.memory_space<vmem>>, vector<1x16xf32>,
      %add3A_543 = arith.constant 0 : i32
      %add3A_544 = arith.addi %add3A_543, %scan3A_521 : i32
      %get3A_545 = arith.index_cast %add3A_544 : i32 to index
      %get3A_546 = arith.constant 32 : index
      %get3A_547 = tpu.vector_load %arg7[%get3A_545, %get3A_546] {strides = array<i32>} : memref<200x128xf32, #tpu.memory_space<vmem>>, vector<1x16xf32>,
      %get3A_548 = vector.shape_cast %get3A_547 : vector<1x16xf32> to vector<16xf32>
      %swap3A_549 = arith.index_cast %scan3A_521 : i32 to index
      %swap3A_550 = arith.constant 32 : index
      %swap3A_551 = tpu.vector_load %arg10[%swap3A_549, %swap3A_550] {strides = array<i32>} : memref<100x128xf32, #tpu.memory_space<vmem>>, vector<1x16xf32>,
      %swap3A_552 = vector.shape_cast %swap3A_551 : vector<1x16xf32> to vector<16xf32>
      %swap3A_553 = vector.shape_cast %get3A_548 : vector<16xf32> to vector<1x16xf32>
      tpu.vector_store %arg10[%swap3A_549, %swap3A_550], %swap3A_553 {add = true, strides = array<i32>} : memref<100x128xf32, #tpu.memory_space<vmem>>, vector<1x16xf32>,
      %add3A_554 = arith.constant 0 : i32
      %add3A_555 = arith.addi %add3A_554, %scan3A_521 : i32
      %get3A_556 = arith.index_cast %add3A_555 : i32 to index
      %get3A_557 = arith.constant 48 : index
      %get3A_558 = tpu.vector_load %arg7[%get3A_556, %get3A_557] {strides = array<i32>} : memref<200x128xf32, #tpu.memory_space<vmem>>, vector<1x16xf32>,
      %get3A_559 = vector.shape_cast %get3A_558 : vector<1x16xf32> to vector<16xf32>
      %swap3A_560 = arith.index_cast %scan3A_521 : i32 to index
      %swap3A_561 = arith.constant 48 : index
      %swap3A_562 = tpu.vector_load %arg10[%swap3A_560, %swap3A_561] {strides = array<i32>} : memref<100x128xf32, #tpu.memory_space<vmem>>, vector<1x16xf32>,
      %swap3A_563 = vector.shape_cast %swap3A_562 : vector<1x16xf32> to vector<16xf32>
      %swap3A_564 = vector.shape_cast %get3A_559 : vector<16xf32> to vector<1x16xf32>
      tpu.vector_store %arg10[%swap3A_560, %swap3A_561], %swap3A_564 {add = true, strides = array<i32>} : memref<100x128xf32, #tpu.memory_space<vmem>>, vector<1x16xf32>,
      %add3A_565 = arith.constant 0 : i32
      %add3A_566 = arith.addi %add3A_565, %scan3A_521 : i32
      %get3A_567 = arith.index_cast %add3A_566 : i32 to index
      %get3A_568 = arith.constant 64 : index
      %get3A_569 = tpu.vector_load %arg7[%get3A_567, %get3A_568] {strides = array<i32>} : memref<200x128xf32, #tpu.memory_space<vmem>>, vector<1x16xf32>,
      %get3A_570 = vector.shape_cast %get3A_569 : vector<1x16xf32> to vector<16xf32>
      %swap3A_571 = arith.index_cast %scan3A_521 : i32 to index
      %swap3A_572 = arith.constant 64 : index
      %swap3A_573 = tpu.vector_load %arg10[%swap3A_571, %swap3A_572] {strides = array<i32>} : memref<100x128xf32, #tpu.memory_space<vmem>>, vector<1x16xf32>,
      %swap3A_574 = vector.shape_cast %swap3A_573 : vector<1x16xf32> to vector<16xf32>
      %swap3A_575 = vector.shape_cast %get3A_570 : vector<16xf32> to vector<1x16xf32>
      tpu.vector_store %arg10[%swap3A_571, %swap3A_572], %swap3A_575 {add = true, strides = array<i32>} : memref<100x128xf32, #tpu.memory_space<vmem>>, vector<1x16xf32>,
      %add3A_576 = arith.constant 0 : i32
      %add3A_577 = arith.addi %add3A_576, %scan3A_521 : i32
      %get3A_578 = arith.index_cast %add3A_577 : i32 to index
      %get3A_579 = arith.constant 80 : index
      %get3A_580 = tpu.vector_load %arg7[%get3A_578, %get3A_579] {strides = array<i32>} : memref<200x128xf32, #tpu.memory_space<vmem>>, vector<1x16xf32>,
      %get3A_581 = vector.shape_cast %get3A_580 : vector<1x16xf32> to vector<16xf32>
      %swap3A_582 = arith.index_cast %scan3A_521 : i32 to index
      %swap3A_583 = arith.constant 80 : index
      %swap3A_584 = tpu.vector_load %arg10[%swap3A_582, %swap3A_583] {strides = array<i32>} : memref<100x128xf32, #tpu.memory_space<vmem>>, vector<1x16xf32>,
      %swap3A_585 = vector.shape_cast %swap3A_584 : vector<1x16xf32> to vector<16xf32>
      %swap3A_586 = vector.shape_cast %get3A_581 : vector<16xf32> to vector<1x16xf32>
      tpu.vector_store %arg10[%swap3A_582, %swap3A_583], %swap3A_586 {add = true, strides = array<i32>} : memref<100x128xf32, #tpu.memory_space<vmem>>, vector<1x16xf32>,
      %add3A_587 = arith.constant 0 : i32
      %add3A_588 = arith.addi %add3A_587, %scan3A_521 : i32
      %get3A_589 = arith.index_cast %add3A_588 : i32 to index
      %get3A_590 = arith.constant 96 : index
      %get3A_591 = tpu.vector_load %arg7[%get3A_589, %get3A_590] {strides = array<i32>} : memref<200x128xf32, #tpu.memory_space<vmem>>, vector<1x16xf32>,
      %get3A_592 = vector.shape_cast %get3A_591 : vector<1x16xf32> to vector<16xf32>
      %swap3A_593 = arith.index_cast %scan3A_521 : i32 to index
      %swap3A_594 = arith.constant 96 : index
      %swap3A_595 = tpu.vector_load %arg10[%swap3A_593, %swap3A_594] {strides = array<i32>} : memref<100x128xf32, #tpu.memory_space<vmem>>, vector<1x16xf32>,
      %swap3A_596 = vector.shape_cast %swap3A_595 : vector<1x16xf32> to vector<16xf32>
      %swap3A_597 = vector.shape_cast %get3A_592 : vector<16xf32> to vector<1x16xf32>
      tpu.vector_store %arg10[%swap3A_593, %swap3A_594], %swap3A_597 {add = true, strides = array<i32>} : memref<100x128xf32, #tpu.memory_space<vmem>>, vector<1x16xf32>,
      %add3A_598 = arith.constant 0 : i32
      %add3A_599 = arith.addi %add3A_598, %scan3A_521 : i32
      %get3A_600 = arith.index_cast %add3A_599 : i32 to index
      %get3A_601 = arith.constant 112 : index
      %get3A_602 = tpu.vector_load %arg7[%get3A_600, %get3A_601] {strides = array<i32>} : memref<200x128xf32, #tpu.memory_space<vmem>>, vector<1x16xf32>,
      %get3A_603 = vector.shape_cast %get3A_602 : vector<1x16xf32> to vector<16xf32>
      %swap3A_604 = arith.index_cast %scan3A_521 : i32 to index
      %swap3A_605 = arith.constant 112 : index
      %swap3A_606 = tpu.vector_load %arg10[%swap3A_604, %swap3A_605] {strides = array<i32>} : memref<100x128xf32, #tpu.memory_space<vmem>>, vector<1x16xf32>,
      %swap3A_607 = vector.shape_cast %swap3A_606 : vector<1x16xf32> to vector<16xf32>
      %swap3A_608 = vector.shape_cast %get3A_603 : vector<16xf32> to vector<1x16xf32>
      tpu.vector_store %arg10[%swap3A_604, %swap3A_605], %swap3A_608 {add = true, strides = array<i32>} : memref<100x128xf32, #tpu.memory_space<vmem>>, vector<1x16xf32>,
      %scan3A_609 = arith.constant 0 : i32
      scf.yield %scan3A_609 : i32
    }
    %scan3A_471 = arith.constant 100 : i32
    %dma_wait3A_472 = arith.constant 0 : i32
    %dma_wait3A_473 = arith.constant 0 : i32
    %dma_wait3A_474 = tpu.memref_slice %arg5[%dma_wait3A_472, %dma_wait3A_473] : memref<819200x128xf32, #tpu.memory_space<hbm>> -> memref<100x128xf32, #tpu.memory_space<hbm>>
    %dma_wait3A_475 = arith.constant 0 : i32
    %dma_wait3A_476 = arith.constant 0 : i32
    %dma_wait3A_477 = tpu.memref_slice %arg5[%dma_wait3A_475, %dma_wait3A_476] : memref<819200x128xf32, #tpu.memory_space<hbm>> -> memref<100x128xf32, #tpu.memory_space<hbm>>
    tpu.wait_dma2 semaphore(%arg20 : memref<!tpu.dma_semaphore, #tpu.memory_space<semaphore_mem>>) src(%arg8 : memref<100x128xf32, #tpu.memory_space<vmem>>) dst(%dma_wait3A_477 : memref<100x128xf32, #tpu.memory_space<hbm>>)
    %add3A_478 = arith.constant 25400 : i32
    %add3A_479 = arith.addi %mul3A_4, %add3A_478 : i32
    %dma_start3A_480 = arith.constant 0 : i32
    %dma_start3A_481 = tpu.memref_slice %arg5[%add3A_479, %dma_start3A_480] : memref<819200x128xf32, #tpu.memory_space<hbm>> -> memref<100x128xf32, #tpu.memory_space<hbm>>
    %dma_start3A_482 = arith.constant 0 : i32
    %dma_start3A_483 = tpu.memref_slice %arg5[%add3A_479, %dma_start3A_482] : memref<819200x128xf32, #tpu.memory_space<hbm>> -> memref<100x128xf32, #tpu.memory_space<hbm>>
    tpu.enqueue_dma source(%arg10 : memref<100x128xf32, #tpu.memory_space<vmem>>) target(%dma_start3A_483 : memref<100x128xf32, #tpu.memory_space<hbm>>) target_semaphore(%arg22 : memref<!tpu.dma_semaphore, #tpu.memory_space<semaphore_mem>>)
    %dma_wait3A_484 = arith.constant 0 : i32
    %dma_wait3A_485 = arith.constant 0 : i32
    %dma_wait3A_486 = tpu.memref_slice %arg3[%dma_wait3A_484, %dma_wait3A_485] : memref<100000x128xf32, #tpu.memory_space<hbm>> -> memref<100x128xf32, #tpu.memory_space<hbm>>
    %dma_wait3A_487 = arith.constant 0 : i32
    %dma_wait3A_488 = arith.constant 0 : i32
    %dma_wait3A_489 = tpu.memref_slice %arg3[%dma_wait3A_487, %dma_wait3A_488] : memref<100000x128xf32, #tpu.memory_space<hbm>> -> memref<100x128xf32, #tpu.memory_space<hbm>>
    tpu.wait_dma2 semaphore(%arg17 : memref<!tpu.dma_semaphore, #tpu.memory_space<semaphore_mem>>) src(%dma_wait3A_489 : memref<100x128xf32, #tpu.memory_space<hbm>>) dst(%arg11 : memref<100x128xf32, #tpu.memory_space<vmem>>)
    %scan3A_490 = arith.constant 0 : i32
    %scan3A_491 = arith.constant 0 : i32
    %scan3A_492 = arith.constant 100 : i32
    %scan3A_493 = arith.addi %scan3A_491, %scan3A_492 : i32
    %scan3A_494 = arith.constant 1 : i32
    %scan3A_495 = scf.for %scan3A_521 = %scan3A_491 to %scan3A_493 step %scan3A_494 iter_args(%scan3A_522 = %scan3A_490) -> (i32)  : i32 {
      %add3A_523 = arith.constant 100 : i32
      %add3A_524 = arith.addi %add3A_523, %scan3A_521 : i32
      %get3A = arith.index_cast %add3A_524 : i32 to index
      %get3A_525 = arith.constant 0 : index
      %get3A_526 = tpu.vector_load %arg7[%get3A, %get3A_525] {strides = array<i32>} : memref<200x128xf32, #tpu.memory_space<vmem>>, vector<1x16xf32>,
      %get3A_527 = vector.shape_cast %get3A_526 : vector<1x16xf32> to vector<16xf32>
      %swap3A = arith.index_cast %scan3A_521 : i32 to index
      %swap3A_528 = arith.constant 0 : index
      %swap3A_529 = tpu.vector_load %arg11[%swap3A, %swap3A_528] {strides = array<i32>} : memref<100x128xf32, #tpu.memory_space<vmem>>, vector<1x16xf32>,
      %swap3A_530 = vector.shape_cast %swap3A_529 : vector<1x16xf32> to vector<16xf32>
      %swap3A_531 = vector.shape_cast %get3A_527 : vector<16xf32> to vector<1x16xf32>
      tpu.vector_store %arg11[%swap3A, %swap3A_528], %swap3A_531 {add = true, strides = array<i32>} : memref<100x128xf32, #tpu.memory_space<vmem>>, vector<1x16xf32>,
      %add3A_532 = arith.constant 100 : i32
      %add3A_533 = arith.addi %add3A_532, %scan3A_521 : i32
      %get3A_534 = arith.index_cast %add3A_533 : i32 to index
      %get3A_535 = arith.constant 16 : index
      %get3A_536 = tpu.vector_load %arg7[%get3A_534, %get3A_535] {strides = array<i32>} : memref<200x128xf32, #tpu.memory_space<vmem>>, vector<1x16xf32>,
      %get3A_537 = vector.shape_cast %get3A_536 : vector<1x16xf32> to vector<16xf32>
      %swap3A_538 = arith.index_cast %scan3A_521 : i32 to index
      %swap3A_539 = arith.constant 16 : index
      %swap3A_540 = tpu.vector_load %arg11[%swap3A_538, %swap3A_539] {strides = array<i32>} : memref<100x128xf32, #tpu.memory_space<vmem>>, vector<1x16xf32>,
      %swap3A_541 = vector.shape_cast %swap3A_540 : vector<1x16xf32> to vector<16xf32>
      %swap3A_542 = vector.shape_cast %get3A_537 : vector<16xf32> to vector<1x16xf32>
      tpu.vector_store %arg11[%swap3A_538, %swap3A_539], %swap3A_542 {add = true, strides = array<i32>} : memref<100x128xf32, #tpu.memory_space<vmem>>, vector<1x16xf32>,
      %add3A_543 = arith.constant 100 : i32
      %add3A_544 = arith.addi %add3A_543, %scan3A_521 : i32
      %get3A_545 = arith.index_cast %add3A_544 : i32 to index
      %get3A_546 = arith.constant 32 : index
      %get3A_547 = tpu.vector_load %arg7[%get3A_545, %get3A_546] {strides = array<i32>} : memref<200x128xf32, #tpu.memory_space<vmem>>, vector<1x16xf32>,
      %get3A_548 = vector.shape_cast %get3A_547 : vector<1x16xf32> to vector<16xf32>
      %swap3A_549 = arith.index_cast %scan3A_521 : i32 to index
      %swap3A_550 = arith.constant 32 : index
      %swap3A_551 = tpu.vector_load %arg11[%swap3A_549, %swap3A_550] {strides = array<i32>} : memref<100x128xf32, #tpu.memory_space<vmem>>, vector<1x16xf32>,
      %swap3A_552 = vector.shape_cast %swap3A_551 : vector<1x16xf32> to vector<16xf32>
      %swap3A_553 = vector.shape_cast %get3A_548 : vector<16xf32> to vector<1x16xf32>
      tpu.vector_store %arg11[%swap3A_549, %swap3A_550], %swap3A_553 {add = true, strides = array<i32>} : memref<100x128xf32, #tpu.memory_space<vmem>>, vector<1x16xf32>,
      %add3A_554 = arith.constant 100 : i32
      %add3A_555 = arith.addi %add3A_554, %scan3A_521 : i32
      %get3A_556 = arith.index_cast %add3A_555 : i32 to index
      %get3A_557 = arith.constant 48 : index
      %get3A_558 = tpu.vector_load %arg7[%get3A_556, %get3A_557] {strides = array<i32>} : memref<200x128xf32, #tpu.memory_space<vmem>>, vector<1x16xf32>,
      %get3A_559 = vector.shape_cast %get3A_558 : vector<1x16xf32> to vector<16xf32>
      %swap3A_560 = arith.index_cast %scan3A_521 : i32 to index
      %swap3A_561 = arith.constant 48 : index
      %swap3A_562 = tpu.vector_load %arg11[%swap3A_560, %swap3A_561] {strides = array<i32>} : memref<100x128xf32, #tpu.memory_space<vmem>>, vector<1x16xf32>,
      %swap3A_563 = vector.shape_cast %swap3A_562 : vector<1x16xf32> to vector<16xf32>
      %swap3A_564 = vector.shape_cast %get3A_559 : vector<16xf32> to vector<1x16xf32>
      tpu.vector_store %arg11[%swap3A_560, %swap3A_561], %swap3A_564 {add = true, strides = array<i32>} : memref<100x128xf32, #tpu.memory_space<vmem>>, vector<1x16xf32>,
      %add3A_565 = arith.constant 100 : i32
      %add3A_566 = arith.addi %add3A_565, %scan3A_521 : i32
      %get3A_567 = arith.index_cast %add3A_566 : i32 to index
      %get3A_568 = arith.constant 64 : index
      %get3A_569 = tpu.vector_load %arg7[%get3A_567, %get3A_568] {strides = array<i32>} : memref<200x128xf32, #tpu.memory_space<vmem>>, vector<1x16xf32>,
      %get3A_570 = vector.shape_cast %get3A_569 : vector<1x16xf32> to vector<16xf32>
      %swap3A_571 = arith.index_cast %scan3A_521 : i32 to index
      %swap3A_572 = arith.constant 64 : index
      %swap3A_573 = tpu.vector_load %arg11[%swap3A_571, %swap3A_572] {strides = array<i32>} : memref<100x128xf32, #tpu.memory_space<vmem>>, vector<1x16xf32>,
      %swap3A_574 = vector.shape_cast %swap3A_573 : vector<1x16xf32> to vector<16xf32>
      %swap3A_575 = vector.shape_cast %get3A_570 : vector<16xf32> to vector<1x16xf32>
      tpu.vector_store %arg11[%swap3A_571, %swap3A_572], %swap3A_575 {add = true, strides = array<i32>} : memref<100x128xf32, #tpu.memory_space<vmem>>, vector<1x16xf32>,
      %add3A_576 = arith.constant 100 : i32
      %add3A_577 = arith.addi %add3A_576, %scan3A_521 : i32
      %get3A_578 = arith.index_cast %add3A_577 : i32 to index
      %get3A_579 = arith.constant 80 : index
      %get3A_580 = tpu.vector_load %arg7[%get3A_578, %get3A_579] {strides = array<i32>} : memref<200x128xf32, #tpu.memory_space<vmem>>, vector<1x16xf32>,
      %get3A_581 = vector.shape_cast %get3A_580 : vector<1x16xf32> to vector<16xf32>
      %swap3A_582 = arith.index_cast %scan3A_521 : i32 to index
      %swap3A_583 = arith.constant 80 : index
      %swap3A_584 = tpu.vector_load %arg11[%swap3A_582, %swap3A_583] {strides = array<i32>} : memref<100x128xf32, #tpu.memory_space<vmem>>, vector<1x16xf32>,
      %swap3A_585 = vector.shape_cast %swap3A_584 : vector<1x16xf32> to vector<16xf32>
      %swap3A_586 = vector.shape_cast %get3A_581 : vector<16xf32> to vector<1x16xf32>
      tpu.vector_store %arg11[%swap3A_582, %swap3A_583], %swap3A_586 {add = true, strides = array<i32>} : memref<100x128xf32, #tpu.memory_space<vmem>>, vector<1x16xf32>,
      %add3A_587 = arith.constant 100 : i32
      %add3A_588 = arith.addi %add3A_587, %scan3A_521 : i32
      %get3A_589 = arith.index_cast %add3A_588 : i32 to index
      %get3A_590 = arith.constant 96 : index
      %get3A_591 = tpu.vector_load %arg7[%get3A_589, %get3A_590] {strides = array<i32>} : memref<200x128xf32, #tpu.memory_space<vmem>>, vector<1x16xf32>,
      %get3A_592 = vector.shape_cast %get3A_591 : vector<1x16xf32> to vector<16xf32>
      %swap3A_593 = arith.index_cast %scan3A_521 : i32 to index
      %swap3A_594 = arith.constant 96 : index
      %swap3A_595 = tpu.vector_load %arg11[%swap3A_593, %swap3A_594] {strides = array<i32>} : memref<100x128xf32, #tpu.memory_space<vmem>>, vector<1x16xf32>,
      %swap3A_596 = vector.shape_cast %swap3A_595 : vector<1x16xf32> to vector<16xf32>
      %swap3A_597 = vector.shape_cast %get3A_592 : vector<16xf32> to vector<1x16xf32>
      tpu.vector_store %arg11[%swap3A_593, %swap3A_594], %swap3A_597 {add = true, strides = array<i32>} : memref<100x128xf32, #tpu.memory_space<vmem>>, vector<1x16xf32>,
      %add3A_598 = arith.constant 100 : i32
      %add3A_599 = arith.addi %add3A_598, %scan3A_521 : i32
      %get3A_600 = arith.index_cast %add3A_599 : i32 to index
      %get3A_601 = arith.constant 112 : index
      %get3A_602 = tpu.vector_load %arg7[%get3A_600, %get3A_601] {strides = array<i32>} : memref<200x128xf32, #tpu.memory_space<vmem>>, vector<1x16xf32>,
      %get3A_603 = vector.shape_cast %get3A_602 : vector<1x16xf32> to vector<16xf32>
      %swap3A_604 = arith.index_cast %scan3A_521 : i32 to index
      %swap3A_605 = arith.constant 112 : index
      %swap3A_606 = tpu.vector_load %arg11[%swap3A_604, %swap3A_605] {strides = array<i32>} : memref<100x128xf32, #tpu.memory_space<vmem>>, vector<1x16xf32>,
      %swap3A_607 = vector.shape_cast %swap3A_606 : vector<1x16xf32> to vector<16xf32>
      %swap3A_608 = vector.shape_cast %get3A_603 : vector<16xf32> to vector<1x16xf32>
      tpu.vector_store %arg11[%swap3A_604, %swap3A_605], %swap3A_608 {add = true, strides = array<i32>} : memref<100x128xf32, #tpu.memory_space<vmem>>, vector<1x16xf32>,
      %scan3A_609 = arith.constant 0 : i32
      scf.yield %scan3A_609 : i32
    }
    %scan3A_496 = arith.constant 100 : i32
    %dma_wait3A_497 = arith.constant 0 : i32
    %dma_wait3A_498 = arith.constant 0 : i32
    %dma_wait3A_499 = tpu.memref_slice %arg5[%dma_wait3A_497, %dma_wait3A_498] : memref<819200x128xf32, #tpu.memory_space<hbm>> -> memref<100x128xf32, #tpu.memory_space<hbm>>
    %dma_wait3A_500 = arith.constant 0 : i32
    %dma_wait3A_501 = arith.constant 0 : i32
    %dma_wait3A_502 = tpu.memref_slice %arg5[%dma_wait3A_500, %dma_wait3A_501] : memref<819200x128xf32, #tpu.memory_space<hbm>> -> memref<100x128xf32, #tpu.memory_space<hbm>>
    tpu.wait_dma2 semaphore(%arg21 : memref<!tpu.dma_semaphore, #tpu.memory_space<semaphore_mem>>) src(%arg9 : memref<100x128xf32, #tpu.memory_space<vmem>>) dst(%dma_wait3A_502 : memref<100x128xf32, #tpu.memory_space<hbm>>)
    %add3A_503 = arith.constant 25500 : i32
    %add3A_504 = arith.addi %mul3A_4, %add3A_503 : i32
    %dma_start3A_505 = arith.constant 0 : i32
    %dma_start3A_506 = tpu.memref_slice %arg5[%add3A_504, %dma_start3A_505] : memref<819200x128xf32, #tpu.memory_space<hbm>> -> memref<100x128xf32, #tpu.memory_space<hbm>>
    %dma_start3A_507 = arith.constant 0 : i32
    %dma_start3A_508 = tpu.memref_slice %arg5[%add3A_504, %dma_start3A_507] : memref<819200x128xf32, #tpu.memory_space<hbm>> -> memref<100x128xf32, #tpu.memory_space<hbm>>
    tpu.enqueue_dma source(%arg11 : memref<100x128xf32, #tpu.memory_space<vmem>>) target(%dma_start3A_508 : memref<100x128xf32, #tpu.memory_space<hbm>>) target_semaphore(%arg23 : memref<!tpu.dma_semaphore, #tpu.memory_space<semaphore_mem>>)
    %dma_wait3A_509 = arith.constant 0 : i32
    %dma_wait3A_510 = arith.constant 0 : i32
    %dma_wait3A_511 = tpu.memref_slice %arg5[%dma_wait3A_509, %dma_wait3A_510] : memref<819200x128xf32, #tpu.memory_space<hbm>> -> memref<100x128xf32, #tpu.memory_space<hbm>>
    %dma_wait3A_512 = arith.constant 0 : i32
    %dma_wait3A_513 = arith.constant 0 : i32
    %dma_wait3A_514 = tpu.memref_slice %arg5[%dma_wait3A_512, %dma_wait3A_513] : memref<819200x128xf32, #tpu.memory_space<hbm>> -> memref<100x128xf32, #tpu.memory_space<hbm>>
    tpu.wait_dma2 semaphore(%arg22 : memref<!tpu.dma_semaphore, #tpu.memory_space<semaphore_mem>>) src(%arg10 : memref<100x128xf32, #tpu.memory_space<vmem>>) dst(%dma_wait3A_514 : memref<100x128xf32, #tpu.memory_space<hbm>>)
    %dma_wait3A_515 = arith.constant 0 : i32
    %dma_wait3A_516 = arith.constant 0 : i32
    %dma_wait3A_517 = tpu.memref_slice %arg5[%dma_wait3A_515, %dma_wait3A_516] : memref<819200x128xf32, #tpu.memory_space<hbm>> -> memref<100x128xf32, #tpu.memory_space<hbm>>
    %dma_wait3A_518 = arith.constant 0 : i32
    %dma_wait3A_519 = arith.constant 0 : i32
    %dma_wait3A_520 = tpu.memref_slice %arg5[%dma_wait3A_518, %dma_wait3A_519] : memref<819200x128xf32, #tpu.memory_space<hbm>> -> memref<100x128xf32, #tpu.memory_space<hbm>>
    tpu.wait_dma2 semaphore(%arg23 : memref<!tpu.dma_semaphore, #tpu.memory_space<semaphore_mem>>) src(%arg11 : memref<100x128xf32, #tpu.memory_space<vmem>>) dst(%dma_wait3A_520 : memref<100x128xf32, #tpu.memory_space<hbm>>)
    return
  }
}

</mosaic_0001>

<sc_bundles>
// kernel: kernel.3.cloned.1.call-start
scs
__scs_entry_jumppad:
0x0: {  	(pc) =	sbr.rel $0x88, $3  }
0x1: {  	(tag) =	ssettag $0x0;
	lr =	simm.s32 $0x1  }
0x2: {  	[smem:$0x3F9E] =	sst lr;
	_ =	strace $0xD0000000  }
0x3: {  	_ = 	snop  }
0x4: {  	_ = 	snop  }
0x5: {  	_ = 	snop  }
0x6: {  	_ = 	snop  }
0x7: {  	_ = 	snop  }
__scs_overlays_trampoline_lowered:
0x8: {  	[smem:$0x3FAD] =	sst s0  }
0x9: {  	[smem:$0x3FAE] =	sst s1  }
0xa: {  	[smem:$0x3FAF] =	sst s2  }
0xb: {  	[smem:$0x3FB0] =	sst s3  }
0xc: {  	[smem:$0x3FB1] =	sst s4  }
0xd: {  	[smem:$0x3FB2] =	sst s5  }
0xe: {  	[smem:$0x3FB3] =	sst s6  }
0xf: {  	[smem:$0x3FB4] =	sst s7  }
0x10: {  	[smem:$0x3FB5] =	sst s8  }
0x11: {  	[smem:$0x3FB6] =	sst s9;
	s0 =	simm.s32 @!p0 $0x0  }
0x12: {  	s1 =	sld [smem:$0x3F9C];
	s0 =	simm.s32 @p0 $0x1  }
0x13: {  	[smem:$0x3FB7] =	sst s0;
	s0 =	simm.s32 @!p1 $0x0  }
0x14: {  	s2 =	sld [smem:$0x3F9B];
	s0 =	simm.s32 @p1 $0x1  }
0x15: {  	[smem:$0x3FB8] =	sst s0;
	s0 =	simm.s32 @!p2 $0x0  }
0x16: {  	s3 =	sld [smem:$0x3FDB];
	s0 =	simm.s32 @p2 $0x1  }
0x17: {  	s4 =	simm.s32 $0x1BF5;
	[smem:$0x3FBA] =	sst s0  }
0x18: {  	s0 =	sld [smem:$0x3F9D];
	_ =	swait.ge [sflag:s4], $0x0  }
0x19: {  	s7 =	sld [smem:$0x3F9E]  }
0x1a: {  	s8 =	sadd.s32 $0xFFFFE003, lr  }
0x1b: {  	s9 =	sadd.s32 $0xFFFFFEF7, lr;
	s5 =	simm.s32 $0xFFFFFFFF;
	p2 =	slt.u32 s8, $0xFFFFF086  }
0x1c: {  	p1 =	slt.u32 s9, $0xF7A;
	s5 =	simm.s32 @!p2 $0x0  }
0x1d: {  	s5 =	simm.s32 @p1 $0x1;
	p0 =	seq.s32 s7, s2  }
0x1e: {  	s7 =	smul.u32 @!p0 $0xF7A, s2;
	p2 =	seq.s32 @!p0 s5, $0x0  }
0x1f: {  	s9 =	smul.u32 $0xF7A, s1;
	s8 =	simm.s32 @!p0 $0x1BF5;
	p2 =	por !p2, p0  }
0x20: {  	[sflag:s8] =	ssyncset.s32 @!p0 $0xFFFFF086;
	s6 =	sadd.s32 @!p0 s3, s7;
	s7 =	simm.s32 @!p0 $0x108  }
0x21: {  	s3 =	sadd.s32 s3, s9;
	s6 =	sadd.s32 @!p0 $0x88, s6;
	s7 =	simm.s32 @p2 $0x1082  }
0x22: {  	[simem:s7], [sflag:s8] =	dma.local @!p0 [hbm:s6], $0xF7A  }
0x23: {  	s9 =	sor.u32 $0xD0000000, s2;
	s6 =	simm.s32 $0x108;
	_ =	swait.ge @!p0 [sflag:s8], $0x0  }
0x24: {  	s3 =	sadd.s32 $0x88, s3;
	s6 =	simm.s32 @!p1 $0x1082;
	[sflag:s4] =	ssyncset.s32 $0xFFFFF086  }
0x25: {  	[simem:s6], [sflag:s4] =	dma.local [hbm:s3], $0xF7A  }
0x26: {  	[smem:$0x3F9E] =	sst s1;
	(tag) =	ssettag s2;
	_ =	strace s9  }
0x27: {  	s1 =	sld [smem:$0x3FAE]  }
0x28: {  	s2 =	sld [smem:$0x3FAF]  }
0x29: {  	s4 =	sld [smem:$0x3FB1]  }
0x2a: {  	p0 =	seq.s32 s5, $0x0;
	s5 =	sld [smem:$0x3FB2]  }
0x2b: {  	s6 =	sld [smem:$0x3FB3]  }
0x2c: {  	s7 =	sld [smem:$0x3FB4]  }
0x2d: {  	s3 =	simm.s32 $0x108;
	s8 =	sld [smem:$0x3FB5]  }
0x2e: {  	s3 =	simm.s32 @!p0 $0x1082;
	s9 =	sld [smem:$0x3FB6]  }
0x2f: {  	lr =	sadd.s32 s0, s3;
	s0 =	sld [smem:$0x3FAD]  }
0x30: {  	s3 =	sld [smem:$0x3FB0]  }
0x31: {  	[smem:$0x3FB9] =	sst s10  }
0x32: {  	s10 =	sld [smem:$0x3FB7];
	_ =	sdelay $0x3  }
0x33: {  	p0 =	seq.s32 s10, $0x1;
	s10 =	sld [smem:$0x3FB9];
	_ =	sdelay $0x3  }
0x34: {  	[smem:$0x3FB9] =	sst s10  }
0x35: {  	s10 =	sld [smem:$0x3FB8];
	_ =	sdelay $0x3  }
0x36: {  	p1 =	seq.s32 s10, $0x1;
	s10 =	sld [smem:$0x3FB9];
	_ =	sdelay $0x3  }
0x37: {  	[smem:$0x3FB9] =	sst s10  }
0x38: {  	s10 =	sld [smem:$0x3FBA]  }
0x39: {  	_ = 	snop;
	(pc) =	sbr.ind lr, $3  }
0x3a: {  	_ = 	snop  }
0x3b: {  	_ = 	snop  }
0x3c: {  	p2 =	seq.s32 s10, $0x1;
	s10 =	sld [smem:$0x3FB9]  }
0x3d: {  	_ =	shalt  }
0x3e: {  	_ =	shalt  }
0x3f: {  	_ =	shalt  }
0x40: {  	_ =	shalt  }
0x41: {  	_ =	shalt  }
0x42: {  	_ =	shalt  }
0x43: {  	_ =	shalt  }
0x44: {  	_ =	shalt  }
0x45: {  	_ =	shalt  }
0x46: {  	_ =	shalt  }
0x47: {  	_ =	shalt  }
0x48: {  	_ =	shalt  }
0x49: {  	_ =	shalt  }
0x4a: {  	_ =	shalt  }
0x4b: {  	_ =	shalt  }
0x4c: {  	_ =	shalt  }
0x4d: {  	_ =	shalt  }
0x4e: {  	_ =	shalt  }
0x4f: {  	_ =	shalt  }
0x50: {  	_ =	shalt  }
0x51: {  	_ =	shalt  }
0x52: {  	_ =	shalt  }
0x53: {  	_ =	shalt  }
0x54: {  	_ =	shalt  }
0x55: {  	_ =	shalt  }
0x56: {  	_ =	shalt  }
0x57: {  	_ =	shalt  }
0x58: {  	_ =	shalt  }
0x59: {  	_ =	shalt  }
0x5a: {  	_ =	shalt  }
0x5b: {  	_ =	shalt  }
0x5c: {  	_ =	shalt  }
0x5d: {  	_ =	shalt  }
0x5e: {  	_ =	shalt  }
0x5f: {  	_ =	shalt  }
0x60: {  	_ =	shalt  }
0x61: {  	_ =	shalt  }
0x62: {  	_ =	shalt  }
0x63: {  	_ =	shalt  }
0x64: {  	_ =	shalt  }
0x65: {  	_ =	shalt  }
0x66: {  	_ =	shalt  }
0x67: {  	_ =	shalt  }
0x68: {  	_ =	shalt  }
0x69: {  	_ =	shalt  }
0x6a: {  	_ =	shalt  }
0x6b: {  	_ =	shalt  }
0x6c: {  	_ =	shalt  }
0x6d: {  	_ =	shalt  }
0x6e: {  	_ =	shalt  }
0x6f: {  	_ =	shalt  }
0x70: {  	_ =	shalt  }
0x71: {  	_ =	shalt  }
0x72: {  	_ =	shalt  }
0x73: {  	_ =	shalt  }
0x74: {  	_ =	shalt  }
0x75: {  	_ =	shalt  }
0x76: {  	_ =	shalt  }
0x77: {  	_ =	shalt  }
0x78: {  	_ =	shalt  }
0x79: {  	_ =	shalt  }
0x7a: {  	_ =	shalt  }
0x7b: {  	_ =	shalt  }
0x7c: {  	_ =	shalt  }
0x7d: {  	_ =	shalt  }
0x7e: {  	_ =	shalt  }
0x7f: {  	_ =	shalt  }
0x80: {  	_ =	shalt  }
0x81: {  	_ =	shalt  }
0x82: {  	_ =	shalt  }
0x83: {  	_ =	shalt  }
0x84: {  	_ =	shalt  }
0x85: {  	_ =	shalt  }
0x86: {  	_ =	shalt  }
0x87: {  	_ =	shalt  }
.Lfunc_end0:
.L_simem_size_0:
called_computation_lowered:
.L_overlay_start_0:
0x88: {  	s2 =	sld [smem:$0x3FD9]  }
0x89: {  	s3 =	sld [smem:$0x3FFE];
	_ =	sdelay $0x1  }
0x8a: {  	s1 =	srdreg.scid  }
0x8b: {  	s0 =	sand.u32 $0x1, s1  }
0x8c: {  	s17 =	sshll.u32 s0, $0xA;
	s2 =	sadd.s32 s3, s2  }
0x8d: {  	s2 =	sadd.s32 s2, s17  }
0x8e: {  	[smem:$0x3FC5] =	sst s2  }
0x8f: {  	_ = 	snop  }
0x90: {  	s2 =	sld [smem:$0x3FC8]  }
0x91: {  	s18 =	sld [smem:$0x3FC7]  }
0x92: {  	s4 =	sld [smem:$0x3FD0];
	(tm) =	ssettm $0x1  }
0x93: {  	s5 =	sld [smem:$0x3FFB];
	_ =	sdelay $0x3  }
0x94: {  	_ =	strace s5  }
0x95: {  	s5 =	sld [smem:$0x3FFC];
	_ =	sdelay $0x3  }
0x96: {  	_ =	strace s5  }
0x97: {  	s5 =	sld [smem:$0x3FFD];
	_ =	sdelay $0x3  }
0x98: {  	_ =	strace s5  }
0x99: {  	_ =	strace $0x8FFFFFFF  }
0x9a: {  	s19 =	sld [smem:$0x3FDB];
	_ =	sdelay $0x1  }
0x9b: {  	s6 =	simm.s32 $_scs_section_size  }
0x9c: {  	s7 =	simm.s32 $_size__tile_overlayer_lowered;
	s8 =	simm.s32 $_tile_overlayer_lowered  }
0x9d: {  	s22 =	simm.s32 $0x1BFF;
	s21 =	sshll.u32 s8, $0x1;
	s5 =	sadd.s32 s6, s19  }
0x9e: {  	s9 =	simm.s32 $0x0;
	s20 =	sshll.u32 s7, $0x1;
	s7 =	sadd.s32 s21, s5  }
0x9f: {  	[timem:s9], [sflag:s22] =	dma.local [hbm:s7], s20  }
0xa0: {  	_ =	swait.ge [sflag:s22], s20  }
0xa1: {  	s6 =	ssub.s32 $0x0, s20;
	[sflag:s22] =	ssyncset.done $0x0  }
0xa2: {  	[sflag:s22] =	ssyncadd.s32 s6;
	_ =	sdelay $0x1  }
0xa3: {  	s23 =	simm.s32 $0x1B8B  }
0xa4: {  	_ =	swait.ge [sflag:s23], $0x1  }
0xa5: {  	[sflag:s23] =	ssyncset.done $0x0  }
0xa6: {  	s25 =	simm.s32 $0x1B8E;
	s24 =	sld [smem:$0x3FFE];
	[sflag:s23] =	ssyncadd.s32 $0xFFFFFFFF  }
0xa7: {  	s26 =	simm.s32 $execute0_lowered;
	[smem:$0x3FD2] =	sst s25  }
0xa8: {  	s7 =	sshll.u32 s26, $0x1;
	_ =	strace $0x80000046;
	[dreg:$0x1] =	wrdreg $0xFFFFFFFF  }
0xa9: {  	s28 =	simm.s32 $_size_execute0_lowered;
	s5 =	sadd.s32 s5, s7;
	[dreg:$0x0] =	wrdreg $0x0  }
0xaa: {  	s7 =	sshll.u32 s28, $0x1;
	[dreg:$0x2] =	wrdreg s5  }
0xab: {  	[dreg:$0x3] =	wrdreg s7  }
0xac: {  	[dreg:$0x4] =	wrdreg $0xC0  }
0xad: {  	_ =	task [dreg:s9], $0x5FFFF  }
0xae: {  	[dreg:$0x1] =	wrdreg $0xFFFFFFFF  }
0xaf: {  	[dreg:$0x0] =	wrdreg $0x60  }
0xb0: {  	[dreg:$0x2] =	wrdreg s24  }
0xb1: {  	[dreg:$0x3] =	wrdreg s2  }
0xb2: {  	[dreg:$0x4] =	wrdreg s18  }
0xb3: {  	[dreg:$0x5] =	wrdreg s4  }
0xb4: {  	[dreg:$0x6] =	wrdreg $0x9  }
0xb5: {  	_ =	task.clear_ibuf [dreg:s9], $0x7FFFF;
	_ =	strace $0x90000046  }
0xb6: {  	s29 =	simm.s32 $0x9;
	_ =	strace $0x80000048  }
0xb7: {  	_ =	swait.ge [sflag:s29], $0x1  }
0xb8: {  	[sflag:s29] =	ssyncadd.s32 $0xFFFFFFFF  }
0xb9: {  	_ =	strace $0x90000048  }
0xba: {  	_ =	sfence  }
0xbb: {  	s30 =	sld [smem:$0x0];
	_ =	sdelay $0x2  }
0xbc: {  	s31 =	sshll.u32 s1, $0xD;
	s1 =	sshrl.u32 s1, $0x2  }
0xbd: {  	s3 =	sand.u32 $0x4000, s31;
	s1 =	sadd.s32 s1, s30  }
0xbe: {  	s0 =	sor.u32 s3, s0;
	s1 =	sshll.u32 s1, $0x11  }
0xbf: {  	s0 =	sor.u32 s1, s0  }
0xc0: {  	s0 =	sadd.s32 $0x8F2B, s0  }
0xc1: {  	[sflag:s0] =	ssyncadd.remote.s32 $0x1  }
0xc2: {  	_ =	sfence.sel $0xFFFF  }
0xc3: {  	[dreg:$0x0] =	wrdreg $0xFFFFFFFF;
	(pc) =	sbr.abs _section_cstart, $3  }
0xc4: {  	[dreg:$0x1] =	wrdreg $0xFFFFFFFF  }
0xc5: {  	_ =	task.clear_ibuf [dreg:s9], $0x2FFFF;
	_ =	strace $0x9FFFFFFF  }
0xc6: {  	(tm) =	ssettm $0x7FFFFFFF  }
0xc7: {  	_ =	shalt  }
tec
execute0_lowered:
.L_overlay_start_1:
0x0: {  	(tag) =	ssettag $0x1  }
0x1: {  	s0 =	rddreg [dreg:$0x0]  }
0x2: {  	s2 =	srdreg.scid;
	s3 =	stileid.u32  }
0x3: {  	s1 =	rddreg [dreg:$0x1];
	s2 =	sand.u32 $0x1, s2;
	s3 =	sshll.u32 s3, $0x1  }
0x4: {  	s4 =	rddreg [dreg:$0x3];
	s14 =	simm.s32 $0x0;
	s3 =	sor.u32 s2, s3  }
0x5: {  	s31 =	simm.s32 $0x64;
	[smem:$0x7FF] =	sst s14;
	s6 =	smul.u32 $0x64000, s3  }
0x6: {  	s2 =	ssub.s32 $0x2, s2;
	_ =	strace $0x80000047;
	s7 =	smul.u32 $0x6400, s3  }
0x7: {  	s5 =	smul.u32 $0xD00, s3;
	s8 =	sshrl.u32 s2, $0x1;
	s6 =	sadd.s32 s4, s6  }
0x8: {  	s2 =	ssub.s32 s2, s8;
	s17 =	sor.u32 $0x64, s7;
	[dreg:$0x5] =	wrdreg s6  }
0x9: {  	s0 =	sadd.s32 s5, s0;
	s29 =	smax.u32 s2, $0x1;
	[dreg:$0xc] =	wrdreg s17  }
0xa: {  	s30 =	simm.s32 $0x16200;
	s0 =	sadd.s32 $0x400, s0;
	[dreg:$0x17] =	wrdreg s29  }
0xb: {  	s9 =	smul.u32 $0x320000, s3;
	s10 =	sadd.s32 $0x640, s6;
	[dreg:$0x6] =	wrdreg s0  }
0xc: {  	s3 =	simm.s32 $0xFE00;
	s11 =	sadd.s32 $0xC80, s6;
	[dreg:$0x7] =	wrdreg s10  }
0xd: {  	s8 =	simm.s32 $0x1;
	s12 =	sadd.s32 $0x12C0, s6;
	[dreg:$0x8] =	wrdreg s11  }
0xe: {  	s13 =	sshrl.u32 s9, $0x3;
	s15 =	sadd.s32 $0x1900, s6;
	[dreg:$0x9] =	wrdreg s12  }
0xf: {  	s16 =	sadd.s32 $0x1F40, s6;
	[dreg:$0xa] =	wrdreg s15;
	s0 =	sadd.s32 s4, s13  }
0x10: {  	s28 =	sor.u32 $0x12C, s7;
	[dreg:$0xb] =	wrdreg s16;
	s18 =	sadd.s32 $0x60180, s0  }
0x11: {  	s2 =	simm.s32 $0xCC00;
	s19 =	sadd.s32 $0x607C0, s0;
	[dreg:$0xd] =	wrdreg s18  }
0x12: {  	s9 =	simm.s32 $0x19400;
	s20 =	sadd.s32 $0x60E00, s0;
	[dreg:$0xe] =	wrdreg s19  }
0x13: {  	s17 =	simm.s32 $0x5;
	s21 =	sadd.s32 $0x61440, s0;
	[dreg:$0xf] =	wrdreg s20  }
0x14: {  	s6 =	simm.s32 $0x0;
	s22 =	sadd.s32 $0x61A80, s0;
	[dreg:$0x10] =	wrdreg s21  }
0x15: {  	s10 =	simm.s32 $0x2;
	s23 =	sadd.s32 $0x620C0, s0;
	[dreg:$0x11] =	wrdreg s22  }
0x16: {  	s11 =	simm.s32 $0x1C600;
	s24 =	sadd.s32 $0x62700, s0;
	[dreg:$0x12] =	wrdreg s23  }
0x17: {  	s12 =	simm.s32 $0x3;
	s25 =	sadd.s32 $0x62D40, s0;
	[dreg:$0x13] =	wrdreg s24  }
0x18: {  	s13 =	simm.s32 $0x7;
	s26 =	sadd.s32 $0x63380, s0;
	[dreg:$0x14] =	wrdreg s25  }
0x19: {  	s15 =	simm.s32 $0x4;
	s0 =	sadd.s32 $0x639C0, s0;
	[dreg:$0x15] =	wrdreg s26  }
0x1a: {  	s16 =	simm.s32 $0x8;
	[dreg:$0x16] =	wrdreg s0;
	s26 =	sor.u32 $0xC8, s7  }
0x1b: {  	s0 =	simm.s32 $0x13000;
	s18 =	simm.s32 $0x9;
	s19 =	simm.s32 $0x6  }
0x1c: {  	s20 =	simm.s32 $0xA;
	s21 =	simm.s32 $0xB;
	s22 =	simm.s32 $0xC  }
.LBB2_1:
0x1d: {  	[dreg:$0x18] =	wrdreg s6  }
0x1e: {  	s5 =	rddreg [dreg:$0x6];
	s25 =	simm.s32 $0xD  }
0x1f: {  	[tilespmem:s14], [sflag:$0xD] =	stream.linear.gather [hbm4b:s5+s14], $0x6800, $0x38;
	[tilespmem:$0x1F800] =	vst v63  }
0x20: {  	_ =	swait.ge [sflag:s25], $0x6800  }
0x21: {  	[sflag:s25] =	ssyncset.done $0x0  }
0x22: {  	[sflag:s25] =	ssyncadd.s32 $0xFFFF9800  }
0x23: {  	s23 =	simm.s32 $0x6800;
	s29 =	rddreg [dreg:$0x2]  }
0x24: {  	[tilespmem:s23], [sflag:$0xD] =	stream.linear.gather [hbm4b:s29+s14], $0x6400, $0x38;
	[tilespmem:$0x1F800] =	vst v63  }
0x25: {  	_ =	swait.ge [sflag:s25], $0x6400  }
0x26: {  	[sflag:s25] =	ssyncset.done $0x0  }
0x27: {  	[sflag:s25] =	ssyncadd.s32 $0xFFFF9C00  }
0x28: {  	[tilespmem:s2], [sflag:$0x1] =	stream.indirect.gather [hbm4b:s1+s31], $0x80, s14, s31, $0xb8;
	[tilespmem:$0x1F800] =	vst v63  }
0x29: {  	s24 =	simm.s32 $0x68  }
0x2a: {  	[tilespmem:s3], [sflag:$0x2] =	stream.indirect.gather [hbm4b:s1+s31], $0x80, s24, s31, $0xb8;
	[tilespmem:$0x1F800] =	vst v63  }
0x2b: {  	s25 =	simm.s32 $0xD0  }
0x2c: {  	[tilespmem:s0], [sflag:$0x3] =	stream.indirect.gather [hbm4b:s1+s31], $0x80, s25, s31, $0xb8;
	[tilespmem:$0x1F800] =	vst v63  }
0x2d: {  	s29 =	simm.s32 $0x138  }
0x2e: {  	[tilespmem:s30], [sflag:$0x4] =	stream.indirect.gather [hbm4b:s1+s31], $0x80, s29, s31, $0xb8;
	[tilespmem:$0x1F800] =	vst v63  }
0x2f: {  	_ =	swait.ge [sflag:s8], $0x3200  }
0x30: {  	[sflag:s8] =	ssyncset.done $0x0  }
0x31: {  	s6 =	simm.s32 $0x200;
	s5 =	simm.s32 $0x0;
	[sflag:s8] =	ssyncadd.s32 $0xFFFFCE00  }
.LBB2_2:
0x32: {  	p0 =	sne.s32 s6, $0xC600;
	v0 =	vld [tilespmem:s5+$0x6870]  }
0x33: {  	v1 =	vld [tilespmem:s5+$0x6800]  }
0x34: {  	v2 =	vld [tilespmem:s5+$0x6810]  }
0x35: {  	v3 =	vld [tilespmem:s5+$0x6820]  }
0x36: {  	v4 =	vld [tilespmem:s5+$0x6830]  }
0x37: {  	[tilespmem:s5+$0xCC70] =	vst.add.f32.msk $0xffff, v0  }
0x38: {  	v0 =	vld [tilespmem:s5+$0x6840]  }
0x39: {  	v5 =	vld [tilespmem:s5+$0x6850]  }
0x3a: {  	v6 =	vld [tilespmem:s5+$0x6860]  }
0x3b: {  	[tilespmem:s5+$0xCC00] =	vst.add.f32.msk $0xffff, v1  }
0x3c: {  	[tilespmem:s5+$0xCC10] =	vst.add.f32.msk $0xffff, v2  }
.Ltmp0:
0x3d: {  	[tilespmem:s5+$0xCC20] =	vst.add.f32.msk $0xffff, v3;
	(pc) =	sbr.rel @p0 .LBB2_2-.Ltmp0, $4  }
0x3e: {  	[tilespmem:s5+$0xCC30] =	vst.add.f32.msk $0xffff, v4  }
0x3f: {  	[tilespmem:s5+$0xCC40] =	vst.add.f32.msk $0xffff, v0  }
0x40: {  	[tilespmem:s5+$0xCC50] =	vst.add.f32.msk $0xffff, v5  }
0x41: {  	[tilespmem:s5+$0xCC60] =	vst.add.f32.msk $0xffff, v6;
	s5 =	sshra.s32 s6, $0x2;
	s6 =	sadd.s32 $0x200, s6  }
0x42: {  	v0 =	vld [tilespmem:s5+$0x6870]  }
0x43: {  	v1 =	vld [tilespmem:s5+$0x6800]  }
0x44: {  	v2 =	vld [tilespmem:s5+$0x6810]  }
0x45: {  	v3 =	vld [tilespmem:s5+$0x6820]  }
0x46: {  	v4 =	vld [tilespmem:s5+$0x6830]  }
0x47: {  	v63 =	vld [tilespmem:s5+$0x6840]  }
0x48: {  	v5 =	vld [tilespmem:s5+$0x6850]  }
0x49: {  	v6 =	vld [tilespmem:s5+$0x6860]  }
0x4a: {  	[tilespmem:s5+$0xCC70] =	vst.add.f32.msk $0xffff, v0  }
0x4b: {  	[tilespmem:s5+$0xCC00] =	vst.add.f32.msk $0xffff, v1  }
0x4c: {  	[tilespmem:s5+$0xCC10] =	vst.add.f32.msk $0xffff, v2  }
0x4d: {  	[tilespmem:s5+$0xCC20] =	vst.add.f32.msk $0xffff, v3  }
0x4e: {  	[tilespmem:s5+$0xCC30] =	vst.add.f32.msk $0xffff, v4  }
0x4f: {  	[tilespmem:s5+$0xCC40] =	vst.add.f32.msk $0xffff, v63  }
0x50: {  	[tilespmem:s5+$0xCC50] =	vst.add.f32.msk $0xffff, v5  }
0x51: {  	s25 =	simm.s32 $0x0;
	s6 =	rddreg [dreg:$0x5];
	[tilespmem:s5+$0xCC60] =	vst.add.f32.msk $0xffff, v6  }
0x52: {  	[hbm4b:s6+s25] =	stream.linear.scatter [tilespmem:s2], [sflag:$0x7], $0x3200, $0x38;
	[tilespmem:$0x1F800] =	vst v63  }
0x53: {  	s29 =	simm.s32 $0x1A0  }
0x54: {  	[tilespmem:s9], [sflag:$0x5] =	stream.indirect.gather [hbm4b:s1+s31], $0x80, s29, s31, $0xb8;
	[tilespmem:$0x1F800] =	vst v63  }
0x55: {  	_ =	swait.ge [sflag:s10], $0x3200  }
0x56: {  	[sflag:s10] =	ssyncset.done $0x0  }
0x57: {  	s5 =	simm.s32 $0x0;
	s6 =	simm.s32 $0x200;
	[sflag:s10] =	ssyncadd.s32 $0xFFFFCE00  }
.LBB2_4:
0x58: {  	p0 =	sne.s32 s6, $0xC600;
	v0 =	vld [tilespmem:s5+$0x9A70]  }
0x59: {  	v1 =	vld [tilespmem:s5+$0x9A00]  }
0x5a: {  	v2 =	vld [tilespmem:s5+$0x9A10]  }
0x5b: {  	v3 =	vld [tilespmem:s5+$0x9A20]  }
0x5c: {  	v4 =	vld [tilespmem:s5+$0x9A30]  }
0x5d: {  	[tilespmem:s5+$0xFE70] =	vst.add.f32.msk $0xffff, v0  }
0x5e: {  	v0 =	vld [tilespmem:s5+$0x9A40]  }
0x5f: {  	v5 =	vld [tilespmem:s5+$0x9A50]  }
0x60: {  	v6 =	vld [tilespmem:s5+$0x9A60]  }
0x61: {  	[tilespmem:s5+$0xFE00] =	vst.add.f32.msk $0xffff, v1  }
0x62: {  	[tilespmem:s5+$0xFE10] =	vst.add.f32.msk $0xffff, v2  }
.Ltmp1:
0x63: {  	[tilespmem:s5+$0xFE20] =	vst.add.f32.msk $0xffff, v3;
	(pc) =	sbr.rel @p0 .LBB2_4-.Ltmp1, $4  }
0x64: {  	[tilespmem:s5+$0xFE30] =	vst.add.f32.msk $0xffff, v4  }
0x65: {  	[tilespmem:s5+$0xFE40] =	vst.add.f32.msk $0xffff, v0  }
0x66: {  	[tilespmem:s5+$0xFE50] =	vst.add.f32.msk $0xffff, v5  }
0x67: {  	[tilespmem:s5+$0xFE60] =	vst.add.f32.msk $0xffff, v6;
	s5 =	sshra.s32 s6, $0x2;
	s6 =	sadd.s32 $0x200, s6  }
0x68: {  	v0 =	vld [tilespmem:s5+$0x9A70]  }
0x69: {  	v1 =	vld [tilespmem:s5+$0x9A00]  }
0x6a: {  	v2 =	vld [tilespmem:s5+$0x9A10]  }
0x6b: {  	v3 =	vld [tilespmem:s5+$0x9A20]  }
0x6c: {  	v4 =	vld [tilespmem:s5+$0x9A30]  }
0x6d: {  	v63 =	vld [tilespmem:s5+$0x9A40]  }
0x6e: {  	v5 =	vld [tilespmem:s5+$0x9A50]  }
0x6f: {  	v6 =	vld [tilespmem:s5+$0x9A60]  }
0x70: {  	[tilespmem:s5+$0xFE70] =	vst.add.f32.msk $0xffff, v0  }
0x71: {  	[tilespmem:s5+$0xFE00] =	vst.add.f32.msk $0xffff, v1  }
0x72: {  	[tilespmem:s5+$0xFE10] =	vst.add.f32.msk $0xffff, v2  }
0x73: {  	[tilespmem:s5+$0xFE20] =	vst.add.f32.msk $0xffff, v3  }
0x74: {  	[tilespmem:s5+$0xFE30] =	vst.add.f32.msk $0xffff, v4  }
0x75: {  	[tilespmem:s5+$0xFE40] =	vst.add.f32.msk $0xffff, v63  }
0x76: {  	[tilespmem:s5+$0xFE50] =	vst.add.f32.msk $0xffff, v5  }
0x77: {  	s25 =	simm.s32 $0x0;
	s6 =	rddreg [dreg:$0x7];
	[tilespmem:s5+$0xFE60] =	vst.add.f32.msk $0xffff, v6  }
0x78: {  	[hbm4b:s6+s25] =	stream.linear.scatter [tilespmem:s3], [sflag:$0x8], $0x3200, $0x38;
	[tilespmem:$0x1F800] =	vst v63  }
0x79: {  	s29 =	simm.s32 $0x208  }
0x7a: {  	[tilespmem:s11], [sflag:$0x6] =	stream.indirect.gather [hbm4b:s1+s31], $0x80, s29, s31, $0xb8;
	[tilespmem:$0x1F800] =	vst v63  }
0x7b: {  	_ =	swait.ge [sflag:s12], $0x3200  }
0x7c: {  	[sflag:s12] =	ssyncset.done $0x0  }
0x7d: {  	s5 =	simm.s32 $0x0;
	s6 =	simm.s32 $0x200;
	[sflag:s12] =	ssyncadd.s32 $0xFFFFCE00  }
.LBB2_6:
0x7e: {  	p0 =	sne.s32 s6, $0xC600;
	v0 =	vld [tilespmem:s5+$0x6870]  }
0x7f: {  	v1 =	vld [tilespmem:s5+$0x6800]  }
0x80: {  	v2 =	vld [tilespmem:s5+$0x6810]  }
0x81: {  	v3 =	vld [tilespmem:s5+$0x6820]  }
0x82: {  	v4 =	vld [tilespmem:s5+$0x6830]  }
0x83: {  	[tilespmem:s5+$0x13070] =	vst.add.f32.msk $0xffff, v0  }
0x84: {  	v0 =	vld [tilespmem:s5+$0x6840]  }
0x85: {  	v5 =	vld [tilespmem:s5+$0x6850]  }
0x86: {  	v6 =	vld [tilespmem:s5+$0x6860]  }
0x87: {  	[tilespmem:s5+$0x13000] =	vst.add.f32.msk $0xffff, v1  }
0x88: {  	[tilespmem:s5+$0x13010] =	vst.add.f32.msk $0xffff, v2  }
.Ltmp2:
0x89: {  	[tilespmem:s5+$0x13020] =	vst.add.f32.msk $0xffff, v3;
	(pc) =	sbr.rel @p0 .LBB2_6-.Ltmp2, $4  }
0x8a: {  	[tilespmem:s5+$0x13030] =	vst.add.f32.msk $0xffff, v4  }
0x8b: {  	[tilespmem:s5+$0x13040] =	vst.add.f32.msk $0xffff, v0  }
0x8c: {  	[tilespmem:s5+$0x13050] =	vst.add.f32.msk $0xffff, v5  }
0x8d: {  	[tilespmem:s5+$0x13060] =	vst.add.f32.msk $0xffff, v6;
	s5 =	sshra.s32 s6, $0x2;
	s6 =	sadd.s32 $0x200, s6  }
0x8e: {  	v0 =	vld [tilespmem:s5+$0x6870]  }
0x8f: {  	v1 =	vld [tilespmem:s5+$0x6800]  }
0x90: {  	v2 =	vld [tilespmem:s5+$0x6810]  }
0x91: {  	v3 =	vld [tilespmem:s5+$0x6820]  }
0x92: {  	v4 =	vld [tilespmem:s5+$0x6830]  }
0x93: {  	v63 =	vld [tilespmem:s5+$0x6840]  }
0x94: {  	v5 =	vld [tilespmem:s5+$0x6850]  }
0x95: {  	v6 =	vld [tilespmem:s5+$0x6860]  }
0x96: {  	[tilespmem:s5+$0x13070] =	vst.add.f32.msk $0xffff, v0  }
0x97: {  	[tilespmem:s5+$0x13000] =	vst.add.f32.msk $0xffff, v1  }
0x98: {  	[tilespmem:s5+$0x13010] =	vst.add.f32.msk $0xffff, v2  }
0x99: {  	[tilespmem:s5+$0x13020] =	vst.add.f32.msk $0xffff, v3  }
0x9a: {  	[tilespmem:s5+$0x13030] =	vst.add.f32.msk $0xffff, v4  }
0x9b: {  	[tilespmem:s5+$0x13040] =	vst.add.f32.msk $0xffff, v63  }
0x9c: {  	[tilespmem:s5+$0x13050] =	vst.add.f32.msk $0xffff, v5  }
0x9d: {  	s25 =	simm.s32 $0x0;
	s6 =	rddreg [dreg:$0x8];
	[tilespmem:s5+$0x13060] =	vst.add.f32.msk $0xffff, v6  }
0x9e: {  	[hbm4b:s6+s25] =	stream.linear.scatter [tilespmem:s0], [sflag:$0x9], $0x3200, $0x38;
	[tilespmem:$0x1F800] =	vst v63  }
0x9f: {  	_ =	swait.ge [sflag:s13], $0x3200  }
0xa0: {  	[sflag:s13] =	ssyncset.done $0x0  }
0xa1: {  	s29 =	simm.s32 $0x270;
	[sflag:s13] =	ssyncadd.s32 $0xFFFFCE00  }
0xa2: {  	[tilespmem:s2], [sflag:$0x1] =	stream.indirect.gather [hbm4b:s1+s31], $0x80, s29, s31, $0xb8;
	[tilespmem:$0x1F800] =	vst v63  }
0xa3: {  	_ =	swait.ge [sflag:s15], $0x3200  }
0xa4: {  	[sflag:s15] =	ssyncset.done $0x0  }
0xa5: {  	s5 =	simm.s32 $0x0;
	s6 =	simm.s32 $0x200;
	[sflag:s15] =	ssyncadd.s32 $0xFFFFCE00  }
.LBB2_8:
0xa6: {  	p0 =	sne.s32 s6, $0xC600;
	v0 =	vld [tilespmem:s5+$0x9A70]  }
0xa7: {  	v1 =	vld [tilespmem:s5+$0x9A00]  }
0xa8: {  	v2 =	vld [tilespmem:s5+$0x9A10]  }
0xa9: {  	v3 =	vld [tilespmem:s5+$0x9A20]  }
0xaa: {  	v4 =	vld [tilespmem:s5+$0x9A30]  }
0xab: {  	[tilespmem:s5+$0x16270] =	vst.add.f32.msk $0xffff, v0  }
0xac: {  	v0 =	vld [tilespmem:s5+$0x9A40]  }
0xad: {  	v5 =	vld [tilespmem:s5+$0x9A50]  }
0xae: {  	v6 =	vld [tilespmem:s5+$0x9A60]  }
0xaf: {  	[tilespmem:s5+$0x16200] =	vst.add.f32.msk $0xffff, v1  }
0xb0: {  	[tilespmem:s5+$0x16210] =	vst.add.f32.msk $0xffff, v2  }
.Ltmp3:
0xb1: {  	[tilespmem:s5+$0x16220] =	vst.add.f32.msk $0xffff, v3;
	(pc) =	sbr.rel @p0 .LBB2_8-.Ltmp3, $4  }
0xb2: {  	[tilespmem:s5+$0x16230] =	vst.add.f32.msk $0xffff, v4  }
0xb3: {  	[tilespmem:s5+$0x16240] =	vst.add.f32.msk $0xffff, v0  }
0xb4: {  	[tilespmem:s5+$0x16250] =	vst.add.f32.msk $0xffff, v5  }
0xb5: {  	[tilespmem:s5+$0x16260] =	vst.add.f32.msk $0xffff, v6;
	s5 =	sshra.s32 s6, $0x2;
	s6 =	sadd.s32 $0x200, s6  }
0xb6: {  	v0 =	vld [tilespmem:s5+$0x9A70]  }
0xb7: {  	v1 =	vld [tilespmem:s5+$0x9A00]  }
0xb8: {  	v2 =	vld [tilespmem:s5+$0x9A10]  }
0xb9: {  	v3 =	vld [tilespmem:s5+$0x9A20]  }
0xba: {  	v4 =	vld [tilespmem:s5+$0x9A30]  }
0xbb: {  	v63 =	vld [tilespmem:s5+$0x9A40]  }
0xbc: {  	v5 =	vld [tilespmem:s5+$0x9A50]  }
0xbd: {  	v6 =	vld [tilespmem:s5+$0x9A60]  }
0xbe: {  	[tilespmem:s5+$0x16270] =	vst.add.f32.msk $0xffff, v0  }
0xbf: {  	[tilespmem:s5+$0x16200] =	vst.add.f32.msk $0xffff, v1  }
0xc0: {  	[tilespmem:s5+$0x16210] =	vst.add.f32.msk $0xffff, v2  }
0xc1: {  	[tilespmem:s5+$0x16220] =	vst.add.f32.msk $0xffff, v3  }
0xc2: {  	[tilespmem:s5+$0x16230] =	vst.add.f32.msk $0xffff, v4  }
0xc3: {  	[tilespmem:s5+$0x16240] =	vst.add.f32.msk $0xffff, v63  }
0xc4: {  	[tilespmem:s5+$0x16250] =	vst.add.f32.msk $0xffff, v5  }
0xc5: {  	s25 =	simm.s32 $0x0;
	s6 =	rddreg [dreg:$0x9];
	[tilespmem:s5+$0x16260] =	vst.add.f32.msk $0xffff, v6  }
0xc6: {  	[hbm4b:s6+s25] =	stream.linear.scatter [tilespmem:s30], [sflag:$0xA], $0x3200, $0x38;
	[tilespmem:$0x1F800] =	vst v63  }
0xc7: {  	_ =	swait.ge [sflag:s16], $0x3200  }
0xc8: {  	[sflag:s16] =	ssyncset.done $0x0  }
0xc9: {  	s29 =	simm.s32 $0x2D8;
	[sflag:s16] =	ssyncadd.s32 $0xFFFFCE00  }
0xca: {  	[tilespmem:s3], [sflag:$0x2] =	stream.indirect.gather [hbm4b:s1+s31], $0x80, s29, s31, $0xb8;
	[tilespmem:$0x1F800] =	vst v63  }
0xcb: {  	_ =	swait.ge [sflag:s17], $0x3200  }
0xcc: {  	[sflag:s17] =	ssyncset.done $0x0  }
0xcd: {  	s5 =	simm.s32 $0x0;
	s6 =	simm.s32 $0x200;
	[sflag:s17] =	ssyncadd.s32 $0xFFFFCE00  }
.LBB2_10:
0xce: {  	p0 =	sne.s32 s6, $0xC600;
	v0 =	vld [tilespmem:s5+$0x6870]  }
0xcf: {  	v1 =	vld [tilespmem:s5+$0x6800]  }
0xd0: {  	v2 =	vld [tilespmem:s5+$0x6810]  }
0xd1: {  	v3 =	vld [tilespmem:s5+$0x6820]  }
0xd2: {  	v4 =	vld [tilespmem:s5+$0x6830]  }
0xd3: {  	[tilespmem:s5+$0x19470] =	vst.add.f32.msk $0xffff, v0  }
0xd4: {  	v0 =	vld [tilespmem:s5+$0x6840]  }
0xd5: {  	v5 =	vld [tilespmem:s5+$0x6850]  }
0xd6: {  	v6 =	vld [tilespmem:s5+$0x6860]  }
0xd7: {  	[tilespmem:s5+$0x19400] =	vst.add.f32.msk $0xffff, v1  }
0xd8: {  	[tilespmem:s5+$0x19410] =	vst.add.f32.msk $0xffff, v2  }
.Ltmp4:
0xd9: {  	[tilespmem:s5+$0x19420] =	vst.add.f32.msk $0xffff, v3;
	(pc) =	sbr.rel @p0 .LBB2_10-.Ltmp4, $4  }
0xda: {  	[tilespmem:s5+$0x19430] =	vst.add.f32.msk $0xffff, v4  }
0xdb: {  	[tilespmem:s5+$0x19440] =	vst.add.f32.msk $0xffff, v0  }
0xdc: {  	[tilespmem:s5+$0x19450] =	vst.add.f32.msk $0xffff, v5  }
0xdd: {  	[tilespmem:s5+$0x19460] =	vst.add.f32.msk $0xffff, v6;
	s5 =	sshra.s32 s6, $0x2;
	s6 =	sadd.s32 $0x200, s6  }
0xde: {  	v0 =	vld [tilespmem:s5+$0x6870]  }
0xdf: {  	v1 =	vld [tilespmem:s5+$0x6800]  }
0xe0: {  	v2 =	vld [tilespmem:s5+$0x6810]  }
0xe1: {  	v3 =	vld [tilespmem:s5+$0x6820]  }
0xe2: {  	v4 =	vld [tilespmem:s5+$0x6830]  }
0xe3: {  	v63 =	vld [tilespmem:s5+$0x6840]  }
0xe4: {  	v5 =	vld [tilespmem:s5+$0x6850]  }
0xe5: {  	v6 =	vld [tilespmem:s5+$0x6860]  }
0xe6: {  	[tilespmem:s5+$0x19470] =	vst.add.f32.msk $0xffff, v0  }
0xe7: {  	[tilespmem:s5+$0x19400] =	vst.add.f32.msk $0xffff, v1  }
0xe8: {  	[tilespmem:s5+$0x19410] =	vst.add.f32.msk $0xffff, v2  }
0xe9: {  	[tilespmem:s5+$0x19420] =	vst.add.f32.msk $0xffff, v3  }
0xea: {  	[tilespmem:s5+$0x19430] =	vst.add.f32.msk $0xffff, v4  }
0xeb: {  	[tilespmem:s5+$0x19440] =	vst.add.f32.msk $0xffff, v63  }
0xec: {  	[tilespmem:s5+$0x19450] =	vst.add.f32.msk $0xffff, v5  }
0xed: {  	s25 =	simm.s32 $0x0;
	s6 =	rddreg [dreg:$0xa];
	[tilespmem:s5+$0x19460] =	vst.add.f32.msk $0xffff, v6  }
0xee: {  	[hbm4b:s6+s25] =	stream.linear.scatter [tilespmem:s9], [sflag:$0xB], $0x3200, $0x38;
	[tilespmem:$0x1F800] =	vst v63  }
0xef: {  	_ =	swait.ge [sflag:s18], $0x3200  }
0xf0: {  	[sflag:s18] =	ssyncset.done $0x0  }
0xf1: {  	s29 =	simm.s32 $0x340;
	[sflag:s18] =	ssyncadd.s32 $0xFFFFCE00  }
0xf2: {  	[tilespmem:s0], [sflag:$0x3] =	stream.indirect.gather [hbm4b:s1+s31], $0x80, s29, s31, $0xb8;
	[tilespmem:$0x1F800] =	vst v63  }
0xf3: {  	_ =	swait.ge [sflag:s19], $0x3200  }
0xf4: {  	[sflag:s19] =	ssyncset.done $0x0  }
0xf5: {  	s5 =	simm.s32 $0x0;
	s6 =	simm.s32 $0x200;
	[sflag:s19] =	ssyncadd.s32 $0xFFFFCE00  }
.LBB2_12:
0xf6: {  	p0 =	sne.s32 s6, $0xC600;
	v0 =	vld [tilespmem:s5+$0x9A70]  }
0xf7: {  	v1 =	vld [tilespmem:s5+$0x9A00]  }
0xf8: {  	v2 =	vld [tilespmem:s5+$0x9A10]  }
0xf9: {  	v3 =	vld [tilespmem:s5+$0x9A20]  }
0xfa: {  	v4 =	vld [tilespmem:s5+$0x9A30]  }
0xfb: {  	[tilespmem:s5+$0x1C670] =	vst.add.f32.msk $0xffff, v0  }
0xfc: {  	v0 =	vld [tilespmem:s5+$0x9A40]  }
0xfd: {  	v5 =	vld [tilespmem:s5+$0x9A50]  }
0xfe: {  	v6 =	vld [tilespmem:s5+$0x9A60]  }
0xff: {  	[tilespmem:s5+$0x1C600] =	vst.add.f32.msk $0xffff, v1  }
0x100: {  	[tilespmem:s5+$0x1C610] =	vst.add.f32.msk $0xffff, v2  }
.Ltmp5:
0x101: {  	[tilespmem:s5+$0x1C620] =	vst.add.f32.msk $0xffff, v3;
	(pc) =	sbr.rel @p0 .LBB2_12-.Ltmp5, $4  }
0x102: {  	[tilespmem:s5+$0x1C630] =	vst.add.f32.msk $0xffff, v4  }
0x103: {  	[tilespmem:s5+$0x1C640] =	vst.add.f32.msk $0xffff, v0  }
0x104: {  	[tilespmem:s5+$0x1C650] =	vst.add.f32.msk $0xffff, v5  }
0x105: {  	[tilespmem:s5+$0x1C660] =	vst.add.f32.msk $0xffff, v6;
	s5 =	sshra.s32 s6, $0x2;
	s6 =	sadd.s32 $0x200, s6  }
0x106: {  	v0 =	vld [tilespmem:s5+$0x9A70]  }
0x107: {  	v1 =	vld [tilespmem:s5+$0x9A00]  }
0x108: {  	v2 =	vld [tilespmem:s5+$0x9A10]  }
0x109: {  	v3 =	vld [tilespmem:s5+$0x9A20]  }
0x10a: {  	v4 =	vld [tilespmem:s5+$0x9A30]  }
0x10b: {  	v63 =	vld [tilespmem:s5+$0x9A40]  }
0x10c: {  	v5 =	vld [tilespmem:s5+$0x9A50]  }
0x10d: {  	v6 =	vld [tilespmem:s5+$0x9A60]  }
0x10e: {  	[tilespmem:s5+$0x1C670] =	vst.add.f32.msk $0xffff, v0  }
0x10f: {  	[tilespmem:s5+$0x1C600] =	vst.add.f32.msk $0xffff, v1  }
0x110: {  	[tilespmem:s5+$0x1C610] =	vst.add.f32.msk $0xffff, v2  }
0x111: {  	[tilespmem:s5+$0x1C620] =	vst.add.f32.msk $0xffff, v3  }
0x112: {  	[tilespmem:s5+$0x1C630] =	vst.add.f32.msk $0xffff, v4  }
0x113: {  	[tilespmem:s5+$0x1C640] =	vst.add.f32.msk $0xffff, v63  }
0x114: {  	[tilespmem:s5+$0x1C650] =	vst.add.f32.msk $0xffff, v5  }
0x115: {  	s25 =	rddreg [dreg:$0xb];
	[tilespmem:s5+$0x1C660] =	vst.add.f32.msk $0xffff, v6  }
0x116: {  	[hbm4b:s25+s14] =	stream.linear.scatter [tilespmem:s11], [sflag:$0xC], $0x3200, $0x38;
	[tilespmem:$0x1F800] =	vst v63  }
0x117: {  	_ =	swait.ge [sflag:s20], $0x3200  }
0x118: {  	[sflag:s20] =	ssyncset.done $0x0  }
0x119: {  	s29 =	simm.s32 $0x3A8;
	s24 =	simm.s32 $0x1;
	[sflag:s20] =	ssyncadd.s32 $0xFFFFCE00  }
0x11a: {  	[tilespmem:s30], [sflag:$0x4] =	stream.indirect.gather [hbm4b:s1+s31], $0x80, s29, s31, $0xb8;
	[tilespmem:$0x1F800] =	vst v63  }
.LBB2_14:
0x11b: {  	_ =	swait.ge [sflag:s8], $0x3200  }
0x11c: {  	[sflag:s8] =	ssyncset.done $0x0  }
0x11d: {  	s6 =	simm.s32 $0x0;
	s5 =	simm.s32 $0x200;
	[sflag:s8] =	ssyncadd.s32 $0xFFFFCE00  }
.LBB2_15:
0x11e: {  	p0 =	sne.s32 s5, $0xC600;
	v0 =	vld [tilespmem:s6+$0x6870]  }
0x11f: {  	v1 =	vld [tilespmem:s6+$0x6800]  }
0x120: {  	v2 =	vld [tilespmem:s6+$0x6810]  }
0x121: {  	v3 =	vld [tilespmem:s6+$0x6820]  }
0x122: {  	v4 =	vld [tilespmem:s6+$0x6830]  }
0x123: {  	[tilespmem:s6+$0xCC70] =	vst.add.f32.msk $0xffff, v0  }
0x124: {  	v0 =	vld [tilespmem:s6+$0x6840]  }
0x125: {  	v5 =	vld [tilespmem:s6+$0x6850]  }
0x126: {  	v6 =	vld [tilespmem:s6+$0x6860]  }
0x127: {  	[tilespmem:s6+$0xCC00] =	vst.add.f32.msk $0xffff, v1  }
0x128: {  	[tilespmem:s6+$0xCC10] =	vst.add.f32.msk $0xffff, v2  }
.Ltmp6:
0x129: {  	[tilespmem:s6+$0xCC20] =	vst.add.f32.msk $0xffff, v3;
	(pc) =	sbr.rel @p0 .LBB2_15-.Ltmp6, $4  }
0x12a: {  	[tilespmem:s6+$0xCC30] =	vst.add.f32.msk $0xffff, v4  }
0x12b: {  	[tilespmem:s6+$0xCC40] =	vst.add.f32.msk $0xffff, v0  }
0x12c: {  	[tilespmem:s6+$0xCC50] =	vst.add.f32.msk $0xffff, v5  }
0x12d: {  	[tilespmem:s6+$0xCC60] =	vst.add.f32.msk $0xffff, v6;
	s6 =	sshra.s32 s5, $0x2;
	s5 =	sadd.s32 $0x200, s5  }
0x12e: {  	v0 =	vld [tilespmem:s6+$0x6870]  }
0x12f: {  	v1 =	vld [tilespmem:s6+$0x6800]  }
0x130: {  	v2 =	vld [tilespmem:s6+$0x6810]  }
0x131: {  	v3 =	vld [tilespmem:s6+$0x6820]  }
0x132: {  	v4 =	vld [tilespmem:s6+$0x6830]  }
0x133: {  	v63 =	vld [tilespmem:s6+$0x6840]  }
0x134: {  	v5 =	vld [tilespmem:s6+$0x6850]  }
0x135: {  	v6 =	vld [tilespmem:s6+$0x6860]  }
0x136: {  	[tilespmem:s6+$0xCC70] =	vst.add.f32.msk $0xffff, v0  }
0x137: {  	[tilespmem:s6+$0xCC00] =	vst.add.f32.msk $0xffff, v1  }
0x138: {  	s29 =	smul.u32 $0x258, s24;
	[tilespmem:s6+$0xCC10] =	vst.add.f32.msk $0xffff, v2  }
0x139: {  	[tilespmem:s6+$0xCC20] =	vst.add.f32.msk $0xffff, v3  }
0x13a: {  	s5 =	sadd.s32 s7, s29;
	[tilespmem:s6+$0xCC30] =	vst.add.f32.msk $0xffff, v4  }
0x13b: {  	s5 =	sshll.u32 s5, $0x4;
	[tilespmem:s6+$0xCC40] =	vst.add.f32.msk $0xffff, v63  }
0x13c: {  	s5 =	sand.u32 $0x1FFFFF80, s5;
	[tilespmem:s6+$0xCC50] =	vst.add.f32.msk $0xffff, v5  }
0x13d: {  	s14 =	simm.s32 $0x0;
	[tilespmem:s6+$0xCC60] =	vst.add.f32.msk $0xffff, v6;
	s6 =	smul.u32 $0x6, s24;
	s5 =	sadd.s32 s4, s5  }
0x13e: {  	[hbm4b:s5+s14] =	stream.linear.scatter [tilespmem:s2], [sflag:$0x7], $0x3200, $0x38;
	[tilespmem:$0x1F800] =	vst v63  }
0x13f: {  	s25 =	sadd.s32 $0x4, s6  }
0x140: {  	_ =	swait.ge [sflag:s21], $0x3200;
	s23 =	smul.u32 $0x1A0, s25  }
0x141: {  	[sflag:s21] =	ssyncset.done $0x0  }
0x142: {  	[sflag:s21] =	ssyncadd.s32 $0xFFFFCE00;
	s5 =	sshra.s32 s23, $0x2  }
0x143: {  	[tilespmem:s9], [sflag:$0x5] =	stream.indirect.gather [hbm4b:s1+s31], $0x80, s5, s31, $0xb8;
	[tilespmem:$0x1F800] =	vst v63  }
0x144: {  	_ =	swait.ge [sflag:s10], $0x3200  }
0x145: {  	[sflag:s10] =	ssyncset.done $0x0  }
0x146: {  	s23 =	simm.s32 $0x0;
	s5 =	simm.s32 $0x200;
	[sflag:s10] =	ssyncadd.s32 $0xFFFFCE00  }
.LBB2_17:
0x147: {  	p0 =	sne.s32 s5, $0xC600;
	v0 =	vld [tilespmem:s23+$0x9A70]  }
0x148: {  	v1 =	vld [tilespmem:s23+$0x9A00]  }
0x149: {  	v2 =	vld [tilespmem:s23+$0x9A10]  }
0x14a: {  	v3 =	vld [tilespmem:s23+$0x9A20]  }
0x14b: {  	v4 =	vld [tilespmem:s23+$0x9A30]  }
0x14c: {  	[tilespmem:s23+$0xFE70] =	vst.add.f32.msk $0xffff, v0  }
0x14d: {  	v0 =	vld [tilespmem:s23+$0x9A40]  }
0x14e: {  	v5 =	vld [tilespmem:s23+$0x9A50]  }
0x14f: {  	v6 =	vld [tilespmem:s23+$0x9A60]  }
0x150: {  	[tilespmem:s23+$0xFE00] =	vst.add.f32.msk $0xffff, v1  }
0x151: {  	[tilespmem:s23+$0xFE10] =	vst.add.f32.msk $0xffff, v2  }
.Ltmp7:
0x152: {  	[tilespmem:s23+$0xFE20] =	vst.add.f32.msk $0xffff, v3;
	(pc) =	sbr.rel @p0 .LBB2_17-.Ltmp7, $4  }
0x153: {  	[tilespmem:s23+$0xFE30] =	vst.add.f32.msk $0xffff, v4  }
0x154: {  	[tilespmem:s23+$0xFE40] =	vst.add.f32.msk $0xffff, v0  }
0x155: {  	[tilespmem:s23+$0xFE50] =	vst.add.f32.msk $0xffff, v5  }
0x156: {  	[tilespmem:s23+$0xFE60] =	vst.add.f32.msk $0xffff, v6;
	s23 =	sshra.s32 s5, $0x2;
	s5 =	sadd.s32 $0x200, s5  }
0x157: {  	v0 =	vld [tilespmem:s23+$0x9A70]  }
0x158: {  	v1 =	vld [tilespmem:s23+$0x9A00]  }
0x159: {  	v2 =	vld [tilespmem:s23+$0x9A10]  }
0x15a: {  	v3 =	vld [tilespmem:s23+$0x9A20]  }
0x15b: {  	v4 =	vld [tilespmem:s23+$0x9A30]  }
0x15c: {  	v63 =	vld [tilespmem:s23+$0x9A40]  }
0x15d: {  	v5 =	vld [tilespmem:s23+$0x9A50]  }
0x15e: {  	v6 =	vld [tilespmem:s23+$0x9A60]  }
0x15f: {  	[tilespmem:s23+$0xFE70] =	vst.add.f32.msk $0xffff, v0  }
0x160: {  	[tilespmem:s23+$0xFE00] =	vst.add.f32.msk $0xffff, v1  }
0x161: {  	[tilespmem:s23+$0xFE10] =	vst.add.f32.msk $0xffff, v2  }
0x162: {  	s5 =	rddreg [dreg:$0xc];
	[tilespmem:s23+$0xFE20] =	vst.add.f32.msk $0xffff, v3  }
0x163: {  	s5 =	sadd.s32 s29, s5;
	[tilespmem:s23+$0xFE30] =	vst.add.f32.msk $0xffff, v4  }
0x164: {  	s5 =	sshll.u32 s5, $0x4;
	[tilespmem:s23+$0xFE40] =	vst.add.f32.msk $0xffff, v63  }
0x165: {  	s5 =	sand.u32 $0x1FFFFFC0, s5;
	[tilespmem:s23+$0xFE50] =	vst.add.f32.msk $0xffff, v5  }
0x166: {  	s14 =	simm.s32 $0x0;
	s6 =	sadd.s32 $0x5, s6;
	s5 =	sadd.s32 s4, s5;
	[tilespmem:s23+$0xFE60] =	vst.add.f32.msk $0xffff, v6  }
0x167: {  	[hbm4b:s5+s14] =	stream.linear.scatter [tilespmem:s3], [sflag:$0x8], $0x3200, $0x38;
	[tilespmem:$0x1F800] =	vst v63  }
0x168: {  	s23 =	smul.u32 $0x1A0, s6;
	_ =	swait.ge [sflag:s22], $0x3200  }
0x169: {  	[sflag:s22] =	ssyncset.done $0x0  }
0x16a: {  	s5 =	sshra.s32 s23, $0x2;
	[sflag:s22] =	ssyncadd.s32 $0xFFFFCE00  }
0x16b: {  	[tilespmem:s11], [sflag:$0x6] =	stream.indirect.gather [hbm4b:s1+s31], $0x80, s5, s31, $0xb8;
	[tilespmem:$0x1F800] =	vst v63  }
0x16c: {  	_ =	swait.ge [sflag:s12], $0x3200  }
0x16d: {  	[sflag:s12] =	ssyncset.done $0x0  }
0x16e: {  	s23 =	simm.s32 $0x0;
	s5 =	simm.s32 $0x200;
	[sflag:s12] =	ssyncadd.s32 $0xFFFFCE00  }
.LBB2_19:
0x16f: {  	p0 =	sne.s32 s5, $0xC600;
	v0 =	vld [tilespmem:s23+$0x6870]  }
0x170: {  	v1 =	vld [tilespmem:s23+$0x6800]  }
0x171: {  	v2 =	vld [tilespmem:s23+$0x6810]  }
0x172: {  	v3 =	vld [tilespmem:s23+$0x6820]  }
0x173: {  	v4 =	vld [tilespmem:s23+$0x6830]  }
0x174: {  	[tilespmem:s23+$0x13070] =	vst.add.f32.msk $0xffff, v0  }
0x175: {  	v0 =	vld [tilespmem:s23+$0x6840]  }
0x176: {  	v5 =	vld [tilespmem:s23+$0x6850]  }
0x177: {  	v6 =	vld [tilespmem:s23+$0x6860]  }
0x178: {  	[tilespmem:s23+$0x13000] =	vst.add.f32.msk $0xffff, v1  }
0x179: {  	[tilespmem:s23+$0x13010] =	vst.add.f32.msk $0xffff, v2  }
.Ltmp8:
0x17a: {  	[tilespmem:s23+$0x13020] =	vst.add.f32.msk $0xffff, v3;
	(pc) =	sbr.rel @p0 .LBB2_19-.Ltmp8, $4  }
0x17b: {  	[tilespmem:s23+$0x13030] =	vst.add.f32.msk $0xffff, v4  }
0x17c: {  	[tilespmem:s23+$0x13040] =	vst.add.f32.msk $0xffff, v0  }
0x17d: {  	[tilespmem:s23+$0x13050] =	vst.add.f32.msk $0xffff, v5  }
0x17e: {  	[tilespmem:s23+$0x13060] =	vst.add.f32.msk $0xffff, v6;
	s23 =	sshra.s32 s5, $0x2;
	s5 =	sadd.s32 $0x200, s5  }
0x17f: {  	v0 =	vld [tilespmem:s23+$0x6870]  }
0x180: {  	v1 =	vld [tilespmem:s23+$0x6800]  }
0x181: {  	v2 =	vld [tilespmem:s23+$0x6810]  }
0x182: {  	v3 =	vld [tilespmem:s23+$0x6820]  }
0x183: {  	v4 =	vld [tilespmem:s23+$0x6830]  }
0x184: {  	v63 =	vld [tilespmem:s23+$0x6840]  }
0x185: {  	v5 =	vld [tilespmem:s23+$0x6850]  }
0x186: {  	v6 =	vld [tilespmem:s23+$0x6860]  }
0x187: {  	[tilespmem:s23+$0x13070] =	vst.add.f32.msk $0xffff, v0  }
0x188: {  	[tilespmem:s23+$0x13000] =	vst.add.f32.msk $0xffff, v1  }
0x189: {  	[tilespmem:s23+$0x13010] =	vst.add.f32.msk $0xffff, v2  }
0x18a: {  	[tilespmem:s23+$0x13020] =	vst.add.f32.msk $0xffff, v3  }
0x18b: {  	s5 =	sadd.s32 s29, s26;
	[tilespmem:s23+$0x13030] =	vst.add.f32.msk $0xffff, v4  }
0x18c: {  	s5 =	sshll.u32 s5, $0x4;
	[tilespmem:s23+$0x13040] =	vst.add.f32.msk $0xffff, v63  }
0x18d: {  	s5 =	sand.u32 $0x1FFFFF80, s5;
	[tilespmem:s23+$0x13050] =	vst.add.f32.msk $0xffff, v5  }
0x18e: {  	s14 =	simm.s32 $0x0;
	s5 =	sadd.s32 s4, s5;
	[tilespmem:s23+$0x13060] =	vst.add.f32.msk $0xffff, v6;
	s23 =	smul.u32 $0x9C0, s24  }
0x18f: {  	[hbm4b:s5+s14] =	stream.linear.scatter [tilespmem:s0], [sflag:$0x9], $0x3200, $0x38;
	[tilespmem:$0x1F800] =	vst v63  }
0x190: {  	_ =	swait.ge [sflag:s13], $0x3200  }
0x191: {  	s23 =	sshra.s32 s23, $0x2;
	[sflag:s13] =	ssyncset.done $0x0  }
0x192: {  	s5 =	sadd.s32 $0x270, s23;
	[sflag:s13] =	ssyncadd.s32 $0xFFFFCE00  }
0x193: {  	[tilespmem:s2], [sflag:$0x1] =	stream.indirect.gather [hbm4b:s1+s31], $0x80, s5, s31, $0xb8;
	[tilespmem:$0x1F800] =	vst v63  }
0x194: {  	_ =	swait.ge [sflag:s15], $0x3200  }
0x195: {  	[sflag:s15] =	ssyncset.done $0x0  }
0x196: {  	s14 =	simm.s32 $0x200;
	s5 =	simm.s32 $0x0;
	[sflag:s15] =	ssyncadd.s32 $0xFFFFCE00  }
.LBB2_21:
0x197: {  	p0 =	sne.s32 s14, $0xC600;
	v0 =	vld [tilespmem:s5+$0x9A70]  }
0x198: {  	v1 =	vld [tilespmem:s5+$0x9A00]  }
0x199: {  	v2 =	vld [tilespmem:s5+$0x9A10]  }
0x19a: {  	v3 =	vld [tilespmem:s5+$0x9A20]  }
0x19b: {  	v4 =	vld [tilespmem:s5+$0x9A30]  }
0x19c: {  	[tilespmem:s5+$0x16270] =	vst.add.f32.msk $0xffff, v0  }
0x19d: {  	v0 =	vld [tilespmem:s5+$0x9A40]  }
0x19e: {  	v5 =	vld [tilespmem:s5+$0x9A50]  }
0x19f: {  	v6 =	vld [tilespmem:s5+$0x9A60]  }
0x1a0: {  	[tilespmem:s5+$0x16200] =	vst.add.f32.msk $0xffff, v1  }
0x1a1: {  	[tilespmem:s5+$0x16210] =	vst.add.f32.msk $0xffff, v2  }
.Ltmp9:
0x1a2: {  	[tilespmem:s5+$0x16220] =	vst.add.f32.msk $0xffff, v3;
	(pc) =	sbr.rel @p0 .LBB2_21-.Ltmp9, $4  }
0x1a3: {  	[tilespmem:s5+$0x16230] =	vst.add.f32.msk $0xffff, v4  }
0x1a4: {  	[tilespmem:s5+$0x16240] =	vst.add.f32.msk $0xffff, v0  }
0x1a5: {  	[tilespmem:s5+$0x16250] =	vst.add.f32.msk $0xffff, v5  }
0x1a6: {  	[tilespmem:s5+$0x16260] =	vst.add.f32.msk $0xffff, v6;
	s5 =	sshra.s32 s14, $0x2;
	s14 =	sadd.s32 $0x200, s14  }
0x1a7: {  	v0 =	vld [tilespmem:s5+$0x9A70]  }
0x1a8: {  	v1 =	vld [tilespmem:s5+$0x9A00]  }
0x1a9: {  	v2 =	vld [tilespmem:s5+$0x9A10]  }
0x1aa: {  	v3 =	vld [tilespmem:s5+$0x9A20]  }
0x1ab: {  	v4 =	vld [tilespmem:s5+$0x9A30]  }
0x1ac: {  	v63 =	vld [tilespmem:s5+$0x9A40]  }
0x1ad: {  	v5 =	vld [tilespmem:s5+$0x9A50]  }
0x1ae: {  	v6 =	vld [tilespmem:s5+$0x9A60]  }
0x1af: {  	[tilespmem:s5+$0x16270] =	vst.add.f32.msk $0xffff, v0  }
0x1b0: {  	[tilespmem:s5+$0x16200] =	vst.add.f32.msk $0xffff, v1  }
0x1b1: {  	[tilespmem:s5+$0x16210] =	vst.add.f32.msk $0xffff, v2  }
0x1b2: {  	[tilespmem:s5+$0x16220] =	vst.add.f32.msk $0xffff, v3  }
0x1b3: {  	s14 =	sadd.s32 s29, s28;
	[tilespmem:s5+$0x16230] =	vst.add.f32.msk $0xffff, v4  }
0x1b4: {  	s14 =	sshll.u32 s14, $0x4;
	[tilespmem:s5+$0x16240] =	vst.add.f32.msk $0xffff, v63  }
0x1b5: {  	s14 =	sand.u32 $0x1FFFFFC0, s14;
	[tilespmem:s5+$0x16250] =	vst.add.f32.msk $0xffff, v5  }
0x1b6: {  	[tilespmem:s5+$0x16260] =	vst.add.f32.msk $0xffff, v6;
	s5 =	sadd.s32 s4, s14;
	s14 =	simm.s32 $0x0  }
0x1b7: {  	[hbm4b:s5+s14] =	stream.linear.scatter [tilespmem:s30], [sflag:$0xA], $0x3200, $0x38;
	[tilespmem:$0x1F800] =	vst v63  }
0x1b8: {  	_ =	swait.ge [sflag:s16], $0x3200  }
0x1b9: {  	[sflag:s16] =	ssyncset.done $0x0  }
0x1ba: {  	s14 =	sadd.s32 $0x2D8, s23;
	[sflag:s16] =	ssyncadd.s32 $0xFFFFCE00  }
0x1bb: {  	[tilespmem:s3], [sflag:$0x2] =	stream.indirect.gather [hbm4b:s1+s31], $0x80, s14, s31, $0xb8;
	[tilespmem:$0x1F800] =	vst v63  }
0x1bc: {  	_ =	swait.ge [sflag:s17], $0x3200  }
0x1bd: {  	[sflag:s17] =	ssyncset.done $0x0  }
0x1be: {  	s29 =	simm.s32 $0x0;
	s5 =	simm.s32 $0x200;
	[sflag:s17] =	ssyncadd.s32 $0xFFFFCE00  }
.LBB2_23:
0x1bf: {  	p0 =	sne.s32 s5, $0xC600;
	v0 =	vld [tilespmem:s29+$0x6870]  }
0x1c0: {  	v1 =	vld [tilespmem:s29+$0x6800]  }
0x1c1: {  	v2 =	vld [tilespmem:s29+$0x6810]  }
0x1c2: {  	v3 =	vld [tilespmem:s29+$0x6820]  }
0x1c3: {  	v4 =	vld [tilespmem:s29+$0x6830]  }
0x1c4: {  	[tilespmem:s29+$0x19470] =	vst.add.f32.msk $0xffff, v0  }
0x1c5: {  	v0 =	vld [tilespmem:s29+$0x6840]  }
0x1c6: {  	v5 =	vld [tilespmem:s29+$0x6850]  }
0x1c7: {  	v6 =	vld [tilespmem:s29+$0x6860]  }
0x1c8: {  	[tilespmem:s29+$0x19400] =	vst.add.f32.msk $0xffff, v1  }
0x1c9: {  	[tilespmem:s29+$0x19410] =	vst.add.f32.msk $0xffff, v2  }
.Ltmp10:
0x1ca: {  	[tilespmem:s29+$0x19420] =	vst.add.f32.msk $0xffff, v3;
	(pc) =	sbr.rel @p0 .LBB2_23-.Ltmp10, $4  }
0x1cb: {  	[tilespmem:s29+$0x19430] =	vst.add.f32.msk $0xffff, v4  }
0x1cc: {  	[tilespmem:s29+$0x19440] =	vst.add.f32.msk $0xffff, v0  }
0x1cd: {  	[tilespmem:s29+$0x19450] =	vst.add.f32.msk $0xffff, v5  }
0x1ce: {  	[tilespmem:s29+$0x19460] =	vst.add.f32.msk $0xffff, v6;
	s29 =	sshra.s32 s5, $0x2;
	s5 =	sadd.s32 $0x200, s5  }
0x1cf: {  	v0 =	vld [tilespmem:s29+$0x6870]  }
0x1d0: {  	v1 =	vld [tilespmem:s29+$0x6800]  }
0x1d1: {  	v2 =	vld [tilespmem:s29+$0x6810]  }
0x1d2: {  	v3 =	vld [tilespmem:s29+$0x6820]  }
0x1d3: {  	v4 =	vld [tilespmem:s29+$0x6830]  }
0x1d4: {  	v63 =	vld [tilespmem:s29+$0x6840]  }
0x1d5: {  	v5 =	vld [tilespmem:s29+$0x6850]  }
0x1d6: {  	v6 =	vld [tilespmem:s29+$0x6860]  }
0x1d7: {  	[tilespmem:s29+$0x19470] =	vst.add.f32.msk $0xffff, v0  }
0x1d8: {  	[tilespmem:s29+$0x19400] =	vst.add.f32.msk $0xffff, v1  }
0x1d9: {  	s5 =	smul.u32 $0x64, s25;
	[tilespmem:s29+$0x19410] =	vst.add.f32.msk $0xffff, v2  }
0x1da: {  	[tilespmem:s29+$0x19420] =	vst.add.f32.msk $0xffff, v3  }
0x1db: {  	s5 =	sadd.s32 s7, s5;
	[tilespmem:s29+$0x19430] =	vst.add.f32.msk $0xffff, v4  }
0x1dc: {  	s5 =	sshll.u32 s5, $0x4;
	[tilespmem:s29+$0x19440] =	vst.add.f32.msk $0xffff, v63  }
0x1dd: {  	s5 =	sand.u32 $0x1FFFFF80, s5;
	[tilespmem:s29+$0x19450] =	vst.add.f32.msk $0xffff, v5  }
0x1de: {  	s14 =	simm.s32 $0x0;
	[tilespmem:s29+$0x19460] =	vst.add.f32.msk $0xffff, v6;
	s5 =	sadd.s32 s4, s5  }
0x1df: {  	[hbm4b:s5+s14] =	stream.linear.scatter [tilespmem:s9], [sflag:$0xB], $0x3200, $0x38;
	[tilespmem:$0x1F800] =	vst v63  }
0x1e0: {  	_ =	swait.ge [sflag:s18], $0x3200  }
0x1e1: {  	[sflag:s18] =	ssyncset.done $0x0  }
0x1e2: {  	s29 =	sadd.s32 $0x340, s23;
	[sflag:s18] =	ssyncadd.s32 $0xFFFFCE00  }
0x1e3: {  	[tilespmem:s0], [sflag:$0x3] =	stream.indirect.gather [hbm4b:s1+s31], $0x80, s29, s31, $0xb8;
	[tilespmem:$0x1F800] =	vst v63  }
0x1e4: {  	_ =	swait.ge [sflag:s19], $0x3200  }
0x1e5: {  	[sflag:s19] =	ssyncset.done $0x0  }
0x1e6: {  	s25 =	simm.s32 $0x0;
	s5 =	simm.s32 $0x200;
	[sflag:s19] =	ssyncadd.s32 $0xFFFFCE00  }
.LBB2_25:
0x1e7: {  	p0 =	sne.s32 s5, $0xC600;
	v0 =	vld [tilespmem:s25+$0x9A70]  }
0x1e8: {  	v1 =	vld [tilespmem:s25+$0x9A00]  }
0x1e9: {  	v2 =	vld [tilespmem:s25+$0x9A10]  }
0x1ea: {  	v3 =	vld [tilespmem:s25+$0x9A20]  }
0x1eb: {  	v4 =	vld [tilespmem:s25+$0x9A30]  }
0x1ec: {  	[tilespmem:s25+$0x1C670] =	vst.add.f32.msk $0xffff, v0  }
0x1ed: {  	v0 =	vld [tilespmem:s25+$0x9A40]  }
0x1ee: {  	v5 =	vld [tilespmem:s25+$0x9A50]  }
0x1ef: {  	v6 =	vld [tilespmem:s25+$0x9A60]  }
0x1f0: {  	[tilespmem:s25+$0x1C600] =	vst.add.f32.msk $0xffff, v1  }
0x1f1: {  	[tilespmem:s25+$0x1C610] =	vst.add.f32.msk $0xffff, v2  }
.Ltmp11:
0x1f2: {  	[tilespmem:s25+$0x1C620] =	vst.add.f32.msk $0xffff, v3;
	(pc) =	sbr.rel @p0 .LBB2_25-.Ltmp11, $4  }
0x1f3: {  	[tilespmem:s25+$0x1C630] =	vst.add.f32.msk $0xffff, v4  }
0x1f4: {  	[tilespmem:s25+$0x1C640] =	vst.add.f32.msk $0xffff, v0  }
0x1f5: {  	[tilespmem:s25+$0x1C650] =	vst.add.f32.msk $0xffff, v5  }
0x1f6: {  	[tilespmem:s25+$0x1C660] =	vst.add.f32.msk $0xffff, v6;
	s25 =	sshra.s32 s5, $0x2;
	s5 =	sadd.s32 $0x200, s5  }
0x1f7: {  	v0 =	vld [tilespmem:s25+$0x9A70]  }
0x1f8: {  	v1 =	vld [tilespmem:s25+$0x9A00]  }
0x1f9: {  	v2 =	vld [tilespmem:s25+$0x9A10]  }
0x1fa: {  	v3 =	vld [tilespmem:s25+$0x9A20]  }
0x1fb: {  	v4 =	vld [tilespmem:s25+$0x9A30]  }
0x1fc: {  	v63 =	vld [tilespmem:s25+$0x9A40]  }
0x1fd: {  	v5 =	vld [tilespmem:s25+$0x9A50]  }
0x1fe: {  	v6 =	vld [tilespmem:s25+$0x9A60]  }
0x1ff: {  	[tilespmem:s25+$0x1C670] =	vst.add.f32.msk $0xffff, v0  }
0x200: {  	[tilespmem:s25+$0x1C600] =	vst.add.f32.msk $0xffff, v1  }
0x201: {  	s5 =	smul.u32 $0x64, s6;
	[tilespmem:s25+$0x1C610] =	vst.add.f32.msk $0xffff, v2  }
0x202: {  	[tilespmem:s25+$0x1C620] =	vst.add.f32.msk $0xffff, v3  }
0x203: {  	s5 =	sadd.s32 s7, s5;
	[tilespmem:s25+$0x1C630] =	vst.add.f32.msk $0xffff, v4  }
0x204: {  	s5 =	sshll.u32 s5, $0x4;
	[tilespmem:s25+$0x1C640] =	vst.add.f32.msk $0xffff, v63  }
0x205: {  	s24 =	sadd.s32 $0x1, s24;
	s5 =	sand.u32 $0x1FFFFFC0, s5;
	[tilespmem:s25+$0x1C650] =	vst.add.f32.msk $0xffff, v5  }
0x206: {  	s14 =	simm.s32 $0x0;
	p0 =	sne.s32 s24, $0x29;
	[tilespmem:s25+$0x1C660] =	vst.add.f32.msk $0xffff, v6;
	s5 =	sadd.s32 s4, s5  }
0x207: {  	[hbm4b:s5+s14] =	stream.linear.scatter [tilespmem:s11], [sflag:$0xC], $0x3200, $0x38;
	[tilespmem:$0x1F800] =	vst v63  }
.Ltmp12:
0x208: {  	_ = 	snop;
	(pc) =	sbr.rel @p0 .LBB2_14-.Ltmp12, $4  }
0x209: {  	_ =	swait.ge [sflag:s20], $0x3200  }
0x20a: {  	[sflag:s20] =	ssyncset.done $0x0  }
0x20b: {  	s29 =	sadd.s32 $0x3A8, s23;
	[sflag:s20] =	ssyncadd.s32 $0xFFFFCE00  }
0x20c: {  	[tilespmem:s30], [sflag:$0x4] =	stream.indirect.gather [hbm4b:s1+s31], $0x80, s29, s31, $0xb8;
	[tilespmem:$0x1F800] =	vst v63  }
0x20d: {  	_ =	swait.ge [sflag:s8], $0x3200  }
0x20e: {  	[sflag:s8] =	ssyncset.done $0x0  }
0x20f: {  	s5 =	simm.s32 $0x0;
	s6 =	simm.s32 $0x200;
	[sflag:s8] =	ssyncadd.s32 $0xFFFFCE00  }
.LBB2_28:
0x210: {  	p0 =	sne.s32 s6, $0xC600;
	v0 =	vld [tilespmem:s5+$0x6870]  }
0x211: {  	v1 =	vld [tilespmem:s5+$0x6800]  }
0x212: {  	v2 =	vld [tilespmem:s5+$0x6810]  }
0x213: {  	v3 =	vld [tilespmem:s5+$0x6820]  }
0x214: {  	v4 =	vld [tilespmem:s5+$0x6830]  }
0x215: {  	[tilespmem:s5+$0xCC70] =	vst.add.f32.msk $0xffff, v0  }
0x216: {  	v0 =	vld [tilespmem:s5+$0x6840]  }
0x217: {  	v5 =	vld [tilespmem:s5+$0x6850]  }
0x218: {  	v6 =	vld [tilespmem:s5+$0x6860]  }
0x219: {  	[tilespmem:s5+$0xCC00] =	vst.add.f32.msk $0xffff, v1  }
0x21a: {  	[tilespmem:s5+$0xCC10] =	vst.add.f32.msk $0xffff, v2  }
.Ltmp13:
0x21b: {  	[tilespmem:s5+$0xCC20] =	vst.add.f32.msk $0xffff, v3;
	(pc) =	sbr.rel @p0 .LBB2_28-.Ltmp13, $4  }
0x21c: {  	[tilespmem:s5+$0xCC30] =	vst.add.f32.msk $0xffff, v4  }
0x21d: {  	[tilespmem:s5+$0xCC40] =	vst.add.f32.msk $0xffff, v0  }
0x21e: {  	[tilespmem:s5+$0xCC50] =	vst.add.f32.msk $0xffff, v5  }
0x21f: {  	[tilespmem:s5+$0xCC60] =	vst.add.f32.msk $0xffff, v6;
	s5 =	sshra.s32 s6, $0x2;
	s6 =	sadd.s32 $0x200, s6  }
0x220: {  	v0 =	vld [tilespmem:s5+$0x6870]  }
0x221: {  	v1 =	vld [tilespmem:s5+$0x6800]  }
0x222: {  	v2 =	vld [tilespmem:s5+$0x6810]  }
0x223: {  	v3 =	vld [tilespmem:s5+$0x6820]  }
0x224: {  	v4 =	vld [tilespmem:s5+$0x6830]  }
0x225: {  	v63 =	vld [tilespmem:s5+$0x6840]  }
0x226: {  	v5 =	vld [tilespmem:s5+$0x6850]  }
0x227: {  	v6 =	vld [tilespmem:s5+$0x6860]  }
0x228: {  	[tilespmem:s5+$0xCC70] =	vst.add.f32.msk $0xffff, v0  }
0x229: {  	[tilespmem:s5+$0xCC00] =	vst.add.f32.msk $0xffff, v1  }
0x22a: {  	[tilespmem:s5+$0xCC10] =	vst.add.f32.msk $0xffff, v2  }
0x22b: {  	[tilespmem:s5+$0xCC20] =	vst.add.f32.msk $0xffff, v3  }
0x22c: {  	[tilespmem:s5+$0xCC30] =	vst.add.f32.msk $0xffff, v4  }
0x22d: {  	[tilespmem:s5+$0xCC40] =	vst.add.f32.msk $0xffff, v63  }
0x22e: {  	[tilespmem:s5+$0xCC50] =	vst.add.f32.msk $0xffff, v5  }
0x22f: {  	s25 =	simm.s32 $0x0;
	s6 =	rddreg [dreg:$0xd];
	[tilespmem:s5+$0xCC60] =	vst.add.f32.msk $0xffff, v6  }
0x230: {  	[hbm4b:s6+s25] =	stream.linear.scatter [tilespmem:s2], [sflag:$0x7], $0x3200, $0x38;
	[tilespmem:$0x1F800] =	vst v63  }
0x231: {  	_ =	swait.ge [sflag:s21], $0x3200  }
0x232: {  	[sflag:s21] =	ssyncset.done $0x0  }
0x233: {  	s29 =	simm.s32 $0x6590;
	[sflag:s21] =	ssyncadd.s32 $0xFFFFCE00  }
0x234: {  	[tilespmem:s9], [sflag:$0x5] =	stream.indirect.gather [hbm4b:s1+s31], $0x80, s29, s31, $0xb8;
	[tilespmem:$0x1F800] =	vst v63  }
0x235: {  	_ =	swait.ge [sflag:s10], $0x3200  }
0x236: {  	[sflag:s10] =	ssyncset.done $0x0  }
0x237: {  	s5 =	simm.s32 $0x0;
	s6 =	simm.s32 $0x200;
	[sflag:s10] =	ssyncadd.s32 $0xFFFFCE00  }
.LBB2_30:
0x238: {  	p0 =	sne.s32 s6, $0xC600;
	v0 =	vld [tilespmem:s5+$0x9A70]  }
0x239: {  	v1 =	vld [tilespmem:s5+$0x9A00]  }
0x23a: {  	v2 =	vld [tilespmem:s5+$0x9A10]  }
0x23b: {  	v3 =	vld [tilespmem:s5+$0x9A20]  }
0x23c: {  	v4 =	vld [tilespmem:s5+$0x9A30]  }
0x23d: {  	[tilespmem:s5+$0xFE70] =	vst.add.f32.msk $0xffff, v0  }
0x23e: {  	v0 =	vld [tilespmem:s5+$0x9A40]  }
0x23f: {  	v5 =	vld [tilespmem:s5+$0x9A50]  }
0x240: {  	v6 =	vld [tilespmem:s5+$0x9A60]  }
0x241: {  	[tilespmem:s5+$0xFE00] =	vst.add.f32.msk $0xffff, v1  }
0x242: {  	[tilespmem:s5+$0xFE10] =	vst.add.f32.msk $0xffff, v2  }
.Ltmp14:
0x243: {  	[tilespmem:s5+$0xFE20] =	vst.add.f32.msk $0xffff, v3;
	(pc) =	sbr.rel @p0 .LBB2_30-.Ltmp14, $4  }
0x244: {  	[tilespmem:s5+$0xFE30] =	vst.add.f32.msk $0xffff, v4  }
0x245: {  	[tilespmem:s5+$0xFE40] =	vst.add.f32.msk $0xffff, v0  }
0x246: {  	[tilespmem:s5+$0xFE50] =	vst.add.f32.msk $0xffff, v5  }
0x247: {  	[tilespmem:s5+$0xFE60] =	vst.add.f32.msk $0xffff, v6;
	s5 =	sshra.s32 s6, $0x2;
	s6 =	sadd.s32 $0x200, s6  }
0x248: {  	v0 =	vld [tilespmem:s5+$0x9A70]  }
0x249: {  	v1 =	vld [tilespmem:s5+$0x9A00]  }
0x24a: {  	v2 =	vld [tilespmem:s5+$0x9A10]  }
0x24b: {  	v3 =	vld [tilespmem:s5+$0x9A20]  }
0x24c: {  	v4 =	vld [tilespmem:s5+$0x9A30]  }
0x24d: {  	v63 =	vld [tilespmem:s5+$0x9A40]  }
0x24e: {  	v5 =	vld [tilespmem:s5+$0x9A50]  }
0x24f: {  	v6 =	vld [tilespmem:s5+$0x9A60]  }
0x250: {  	[tilespmem:s5+$0xFE70] =	vst.add.f32.msk $0xffff, v0  }
0x251: {  	[tilespmem:s5+$0xFE00] =	vst.add.f32.msk $0xffff, v1  }
0x252: {  	[tilespmem:s5+$0xFE10] =	vst.add.f32.msk $0xffff, v2  }
0x253: {  	[tilespmem:s5+$0xFE20] =	vst.add.f32.msk $0xffff, v3  }
0x254: {  	[tilespmem:s5+$0xFE30] =	vst.add.f32.msk $0xffff, v4  }
0x255: {  	[tilespmem:s5+$0xFE40] =	vst.add.f32.msk $0xffff, v63  }
0x256: {  	[tilespmem:s5+$0xFE50] =	vst.add.f32.msk $0xffff, v5  }
0x257: {  	s25 =	simm.s32 $0x0;
	s6 =	rddreg [dreg:$0xe];
	[tilespmem:s5+$0xFE60] =	vst.add.f32.msk $0xffff, v6  }
0x258: {  	[hbm4b:s6+s25] =	stream.linear.scatter [tilespmem:s3], [sflag:$0x8], $0x3200, $0x38;
	[tilespmem:$0x1F800] =	vst v63  }
0x259: {  	_ =	swait.ge [sflag:s22], $0x3200  }
0x25a: {  	[sflag:s22] =	ssyncset.done $0x0  }
0x25b: {  	s29 =	simm.s32 $0x65F8;
	[sflag:s22] =	ssyncadd.s32 $0xFFFFCE00  }
0x25c: {  	[tilespmem:s11], [sflag:$0x6] =	stream.indirect.gather [hbm4b:s1+s31], $0x80, s29, s31, $0xb8;
	[tilespmem:$0x1F800] =	vst v63  }
0x25d: {  	_ =	swait.ge [sflag:s12], $0x3200  }
0x25e: {  	[sflag:s12] =	ssyncset.done $0x0  }
0x25f: {  	s5 =	simm.s32 $0x0;
	s6 =	simm.s32 $0x200;
	[sflag:s12] =	ssyncadd.s32 $0xFFFFCE00  }
.LBB2_32:
0x260: {  	p0 =	sne.s32 s6, $0xC600;
	v0 =	vld [tilespmem:s5+$0x6870]  }
0x261: {  	v1 =	vld [tilespmem:s5+$0x6800]  }
0x262: {  	v2 =	vld [tilespmem:s5+$0x6810]  }
0x263: {  	v3 =	vld [tilespmem:s5+$0x6820]  }
0x264: {  	v4 =	vld [tilespmem:s5+$0x6830]  }
0x265: {  	[tilespmem:s5+$0x13070] =	vst.add.f32.msk $0xffff, v0  }
0x266: {  	v0 =	vld [tilespmem:s5+$0x6840]  }
0x267: {  	v5 =	vld [tilespmem:s5+$0x6850]  }
0x268: {  	v6 =	vld [tilespmem:s5+$0x6860]  }
0x269: {  	[tilespmem:s5+$0x13000] =	vst.add.f32.msk $0xffff, v1  }
0x26a: {  	[tilespmem:s5+$0x13010] =	vst.add.f32.msk $0xffff, v2  }
.Ltmp15:
0x26b: {  	[tilespmem:s5+$0x13020] =	vst.add.f32.msk $0xffff, v3;
	(pc) =	sbr.rel @p0 .LBB2_32-.Ltmp15, $4  }
0x26c: {  	[tilespmem:s5+$0x13030] =	vst.add.f32.msk $0xffff, v4  }
0x26d: {  	[tilespmem:s5+$0x13040] =	vst.add.f32.msk $0xffff, v0  }
0x26e: {  	[tilespmem:s5+$0x13050] =	vst.add.f32.msk $0xffff, v5  }
0x26f: {  	[tilespmem:s5+$0x13060] =	vst.add.f32.msk $0xffff, v6;
	s5 =	sshra.s32 s6, $0x2;
	s6 =	sadd.s32 $0x200, s6  }
0x270: {  	v0 =	vld [tilespmem:s5+$0x6870]  }
0x271: {  	v1 =	vld [tilespmem:s5+$0x6800]  }
0x272: {  	v2 =	vld [tilespmem:s5+$0x6810]  }
0x273: {  	v3 =	vld [tilespmem:s5+$0x6820]  }
0x274: {  	v4 =	vld [tilespmem:s5+$0x6830]  }
0x275: {  	v63 =	vld [tilespmem:s5+$0x6840]  }
0x276: {  	v5 =	vld [tilespmem:s5+$0x6850]  }
0x277: {  	v6 =	vld [tilespmem:s5+$0x6860]  }
0x278: {  	[tilespmem:s5+$0x13070] =	vst.add.f32.msk $0xffff, v0  }
0x279: {  	[tilespmem:s5+$0x13000] =	vst.add.f32.msk $0xffff, v1  }
0x27a: {  	[tilespmem:s5+$0x13010] =	vst.add.f32.msk $0xffff, v2  }
0x27b: {  	[tilespmem:s5+$0x13020] =	vst.add.f32.msk $0xffff, v3  }
0x27c: {  	[tilespmem:s5+$0x13030] =	vst.add.f32.msk $0xffff, v4  }
0x27d: {  	[tilespmem:s5+$0x13040] =	vst.add.f32.msk $0xffff, v63  }
0x27e: {  	[tilespmem:s5+$0x13050] =	vst.add.f32.msk $0xffff, v5  }
0x27f: {  	s25 =	simm.s32 $0x0;
	s6 =	rddreg [dreg:$0xf];
	[tilespmem:s5+$0x13060] =	vst.add.f32.msk $0xffff, v6  }
0x280: {  	[hbm4b:s6+s25] =	stream.linear.scatter [tilespmem:s0], [sflag:$0x9], $0x3200, $0x38;
	[tilespmem:$0x1F800] =	vst v63  }
0x281: {  	_ =	swait.ge [sflag:s13], $0x3200  }
0x282: {  	[sflag:s13] =	ssyncset.done $0x0  }
0x283: {  	s29 =	simm.s32 $0x6660;
	[sflag:s13] =	ssyncadd.s32 $0xFFFFCE00  }
0x284: {  	[tilespmem:s2], [sflag:$0x1] =	stream.indirect.gather [hbm4b:s1+s31], $0x80, s29, s31, $0xb8;
	[tilespmem:$0x1F800] =	vst v63  }
0x285: {  	_ =	swait.ge [sflag:s15], $0x3200  }
0x286: {  	[sflag:s15] =	ssyncset.done $0x0  }
0x287: {  	s5 =	simm.s32 $0x0;
	s6 =	simm.s32 $0x200;
	[sflag:s15] =	ssyncadd.s32 $0xFFFFCE00  }
.LBB2_34:
0x288: {  	p0 =	sne.s32 s6, $0xC600;
	v0 =	vld [tilespmem:s5+$0x9A70]  }
0x289: {  	v1 =	vld [tilespmem:s5+$0x9A00]  }
0x28a: {  	v2 =	vld [tilespmem:s5+$0x9A10]  }
0x28b: {  	v3 =	vld [tilespmem:s5+$0x9A20]  }
0x28c: {  	v4 =	vld [tilespmem:s5+$0x9A30]  }
0x28d: {  	[tilespmem:s5+$0x16270] =	vst.add.f32.msk $0xffff, v0  }
0x28e: {  	v0 =	vld [tilespmem:s5+$0x9A40]  }
0x28f: {  	v5 =	vld [tilespmem:s5+$0x9A50]  }
0x290: {  	v6 =	vld [tilespmem:s5+$0x9A60]  }
0x291: {  	[tilespmem:s5+$0x16200] =	vst.add.f32.msk $0xffff, v1  }
0x292: {  	[tilespmem:s5+$0x16210] =	vst.add.f32.msk $0xffff, v2  }
.Ltmp16:
0x293: {  	[tilespmem:s5+$0x16220] =	vst.add.f32.msk $0xffff, v3;
	(pc) =	sbr.rel @p0 .LBB2_34-.Ltmp16, $4  }
0x294: {  	[tilespmem:s5+$0x16230] =	vst.add.f32.msk $0xffff, v4  }
0x295: {  	[tilespmem:s5+$0x16240] =	vst.add.f32.msk $0xffff, v0  }
0x296: {  	[tilespmem:s5+$0x16250] =	vst.add.f32.msk $0xffff, v5  }
0x297: {  	[tilespmem:s5+$0x16260] =	vst.add.f32.msk $0xffff, v6;
	s5 =	sshra.s32 s6, $0x2;
	s6 =	sadd.s32 $0x200, s6  }
0x298: {  	v0 =	vld [tilespmem:s5+$0x9A70]  }
0x299: {  	v1 =	vld [tilespmem:s5+$0x9A00]  }
0x29a: {  	v2 =	vld [tilespmem:s5+$0x9A10]  }
0x29b: {  	v3 =	vld [tilespmem:s5+$0x9A20]  }
0x29c: {  	v4 =	vld [tilespmem:s5+$0x9A30]  }
0x29d: {  	v63 =	vld [tilespmem:s5+$0x9A40]  }
0x29e: {  	v5 =	vld [tilespmem:s5+$0x9A50]  }
0x29f: {  	v6 =	vld [tilespmem:s5+$0x9A60]  }
0x2a0: {  	[tilespmem:s5+$0x16270] =	vst.add.f32.msk $0xffff, v0  }
0x2a1: {  	[tilespmem:s5+$0x16200] =	vst.add.f32.msk $0xffff, v1  }
0x2a2: {  	[tilespmem:s5+$0x16210] =	vst.add.f32.msk $0xffff, v2  }
0x2a3: {  	[tilespmem:s5+$0x16220] =	vst.add.f32.msk $0xffff, v3  }
0x2a4: {  	[tilespmem:s5+$0x16230] =	vst.add.f32.msk $0xffff, v4  }
0x2a5: {  	[tilespmem:s5+$0x16240] =	vst.add.f32.msk $0xffff, v63  }
0x2a6: {  	[tilespmem:s5+$0x16250] =	vst.add.f32.msk $0xffff, v5  }
0x2a7: {  	s25 =	simm.s32 $0x0;
	s6 =	rddreg [dreg:$0x10];
	[tilespmem:s5+$0x16260] =	vst.add.f32.msk $0xffff, v6  }
0x2a8: {  	[hbm4b:s6+s25] =	stream.linear.scatter [tilespmem:s30], [sflag:$0xA], $0x3200, $0x38;
	[tilespmem:$0x1F800] =	vst v63  }
0x2a9: {  	_ =	swait.ge [sflag:s16], $0x3200  }
0x2aa: {  	[sflag:s16] =	ssyncset.done $0x0  }
0x2ab: {  	s29 =	simm.s32 $0x66C8;
	[sflag:s16] =	ssyncadd.s32 $0xFFFFCE00  }
0x2ac: {  	[tilespmem:s3], [sflag:$0x2] =	stream.indirect.gather [hbm4b:s1+s31], $0x80, s29, s31, $0xb8;
	[tilespmem:$0x1F800] =	vst v63  }
0x2ad: {  	_ =	swait.ge [sflag:s17], $0x3200  }
0x2ae: {  	[sflag:s17] =	ssyncset.done $0x0  }
0x2af: {  	s5 =	simm.s32 $0x0;
	s6 =	simm.s32 $0x200;
	[sflag:s17] =	ssyncadd.s32 $0xFFFFCE00  }
.LBB2_36:
0x2b0: {  	p0 =	sne.s32 s6, $0xC600;
	v0 =	vld [tilespmem:s5+$0x6870]  }
0x2b1: {  	v1 =	vld [tilespmem:s5+$0x6800]  }
0x2b2: {  	v2 =	vld [tilespmem:s5+$0x6810]  }
0x2b3: {  	v3 =	vld [tilespmem:s5+$0x6820]  }
0x2b4: {  	v4 =	vld [tilespmem:s5+$0x6830]  }
0x2b5: {  	[tilespmem:s5+$0x19470] =	vst.add.f32.msk $0xffff, v0  }
0x2b6: {  	v0 =	vld [tilespmem:s5+$0x6840]  }
0x2b7: {  	v5 =	vld [tilespmem:s5+$0x6850]  }
0x2b8: {  	v6 =	vld [tilespmem:s5+$0x6860]  }
0x2b9: {  	[tilespmem:s5+$0x19400] =	vst.add.f32.msk $0xffff, v1  }
0x2ba: {  	[tilespmem:s5+$0x19410] =	vst.add.f32.msk $0xffff, v2  }
.Ltmp17:
0x2bb: {  	[tilespmem:s5+$0x19420] =	vst.add.f32.msk $0xffff, v3;
	(pc) =	sbr.rel @p0 .LBB2_36-.Ltmp17, $4  }
0x2bc: {  	[tilespmem:s5+$0x19430] =	vst.add.f32.msk $0xffff, v4  }
0x2bd: {  	[tilespmem:s5+$0x19440] =	vst.add.f32.msk $0xffff, v0  }
0x2be: {  	[tilespmem:s5+$0x19450] =	vst.add.f32.msk $0xffff, v5  }
0x2bf: {  	[tilespmem:s5+$0x19460] =	vst.add.f32.msk $0xffff, v6;
	s5 =	sshra.s32 s6, $0x2;
	s6 =	sadd.s32 $0x200, s6  }
0x2c0: {  	v0 =	vld [tilespmem:s5+$0x6870]  }
0x2c1: {  	v1 =	vld [tilespmem:s5+$0x6800]  }
0x2c2: {  	v2 =	vld [tilespmem:s5+$0x6810]  }
0x2c3: {  	v3 =	vld [tilespmem:s5+$0x6820]  }
0x2c4: {  	v4 =	vld [tilespmem:s5+$0x6830]  }
0x2c5: {  	v63 =	vld [tilespmem:s5+$0x6840]  }
0x2c6: {  	v5 =	vld [tilespmem:s5+$0x6850]  }
0x2c7: {  	v6 =	vld [tilespmem:s5+$0x6860]  }
0x2c8: {  	[tilespmem:s5+$0x19470] =	vst.add.f32.msk $0xffff, v0  }
0x2c9: {  	[tilespmem:s5+$0x19400] =	vst.add.f32.msk $0xffff, v1  }
0x2ca: {  	[tilespmem:s5+$0x19410] =	vst.add.f32.msk $0xffff, v2  }
0x2cb: {  	[tilespmem:s5+$0x19420] =	vst.add.f32.msk $0xffff, v3  }
0x2cc: {  	[tilespmem:s5+$0x19430] =	vst.add.f32.msk $0xffff, v4  }
0x2cd: {  	[tilespmem:s5+$0x19440] =	vst.add.f32.msk $0xffff, v63  }
0x2ce: {  	[tilespmem:s5+$0x19450] =	vst.add.f32.msk $0xffff, v5  }
0x2cf: {  	s25 =	simm.s32 $0x0;
	s6 =	rddreg [dreg:$0x11];
	[tilespmem:s5+$0x19460] =	vst.add.f32.msk $0xffff, v6  }
0x2d0: {  	[hbm4b:s6+s25] =	stream.linear.scatter [tilespmem:s9], [sflag:$0xB], $0x3200, $0x38;
	[tilespmem:$0x1F800] =	vst v63  }
0x2d1: {  	_ =	swait.ge [sflag:s18], $0x3200  }
0x2d2: {  	[sflag:s18] =	ssyncset.done $0x0  }
0x2d3: {  	s29 =	simm.s32 $0x6730;
	[sflag:s18] =	ssyncadd.s32 $0xFFFFCE00  }
0x2d4: {  	[tilespmem:s0], [sflag:$0x3] =	stream.indirect.gather [hbm4b:s1+s31], $0x80, s29, s31, $0xb8;
	[tilespmem:$0x1F800] =	vst v63  }
0x2d5: {  	_ =	swait.ge [sflag:s19], $0x3200  }
0x2d6: {  	[sflag:s19] =	ssyncset.done $0x0  }
0x2d7: {  	s5 =	simm.s32 $0x0;
	s6 =	simm.s32 $0x200;
	[sflag:s19] =	ssyncadd.s32 $0xFFFFCE00  }
.LBB2_38:
0x2d8: {  	p0 =	sne.s32 s6, $0xC600;
	v0 =	vld [tilespmem:s5+$0x9A70]  }
0x2d9: {  	v1 =	vld [tilespmem:s5+$0x9A00]  }
0x2da: {  	v2 =	vld [tilespmem:s5+$0x9A10]  }
0x2db: {  	v3 =	vld [tilespmem:s5+$0x9A20]  }
0x2dc: {  	v4 =	vld [tilespmem:s5+$0x9A30]  }
0x2dd: {  	[tilespmem:s5+$0x1C670] =	vst.add.f32.msk $0xffff, v0  }
0x2de: {  	v0 =	vld [tilespmem:s5+$0x9A40]  }
0x2df: {  	v5 =	vld [tilespmem:s5+$0x9A50]  }
0x2e0: {  	v6 =	vld [tilespmem:s5+$0x9A60]  }
0x2e1: {  	[tilespmem:s5+$0x1C600] =	vst.add.f32.msk $0xffff, v1  }
0x2e2: {  	[tilespmem:s5+$0x1C610] =	vst.add.f32.msk $0xffff, v2  }
.Ltmp18:
0x2e3: {  	[tilespmem:s5+$0x1C620] =	vst.add.f32.msk $0xffff, v3;
	(pc) =	sbr.rel @p0 .LBB2_38-.Ltmp18, $4  }
0x2e4: {  	[tilespmem:s5+$0x1C630] =	vst.add.f32.msk $0xffff, v4  }
0x2e5: {  	[tilespmem:s5+$0x1C640] =	vst.add.f32.msk $0xffff, v0  }
0x2e6: {  	[tilespmem:s5+$0x1C650] =	vst.add.f32.msk $0xffff, v5  }
0x2e7: {  	[tilespmem:s5+$0x1C660] =	vst.add.f32.msk $0xffff, v6;
	s5 =	sshra.s32 s6, $0x2;
	s6 =	sadd.s32 $0x200, s6  }
0x2e8: {  	v0 =	vld [tilespmem:s5+$0x9A70]  }
0x2e9: {  	v1 =	vld [tilespmem:s5+$0x9A00]  }
0x2ea: {  	v2 =	vld [tilespmem:s5+$0x9A10]  }
0x2eb: {  	v3 =	vld [tilespmem:s5+$0x9A20]  }
0x2ec: {  	v4 =	vld [tilespmem:s5+$0x9A30]  }
0x2ed: {  	v63 =	vld [tilespmem:s5+$0x9A40]  }
0x2ee: {  	v5 =	vld [tilespmem:s5+$0x9A50]  }
0x2ef: {  	v6 =	vld [tilespmem:s5+$0x9A60]  }
0x2f0: {  	[tilespmem:s5+$0x1C670] =	vst.add.f32.msk $0xffff, v0  }
0x2f1: {  	[tilespmem:s5+$0x1C600] =	vst.add.f32.msk $0xffff, v1  }
0x2f2: {  	[tilespmem:s5+$0x1C610] =	vst.add.f32.msk $0xffff, v2  }
0x2f3: {  	[tilespmem:s5+$0x1C620] =	vst.add.f32.msk $0xffff, v3  }
0x2f4: {  	[tilespmem:s5+$0x1C630] =	vst.add.f32.msk $0xffff, v4  }
0x2f5: {  	[tilespmem:s5+$0x1C640] =	vst.add.f32.msk $0xffff, v63  }
0x2f6: {  	[tilespmem:s5+$0x1C650] =	vst.add.f32.msk $0xffff, v5  }
0x2f7: {  	s25 =	simm.s32 $0x0;
	s6 =	rddreg [dreg:$0x12];
	[tilespmem:s5+$0x1C660] =	vst.add.f32.msk $0xffff, v6  }
0x2f8: {  	[hbm4b:s6+s25] =	stream.linear.scatter [tilespmem:s11], [sflag:$0xC], $0x3200, $0x38;
	[tilespmem:$0x1F800] =	vst v63  }
0x2f9: {  	_ =	swait.ge [sflag:s20], $0x3200  }
0x2fa: {  	[sflag:s20] =	ssyncset.done $0x0  }
0x2fb: {  	s29 =	simm.s32 $0x6798;
	[sflag:s20] =	ssyncadd.s32 $0xFFFFCE00  }
0x2fc: {  	[tilespmem:s30], [sflag:$0x4] =	stream.indirect.gather [hbm4b:s1+s31], $0x80, s29, s31, $0xb8;
	[tilespmem:$0x1F800] =	vst v63  }
0x2fd: {  	_ =	swait.ge [sflag:s8], $0x3200  }
0x2fe: {  	[sflag:s8] =	ssyncset.done $0x0  }
0x2ff: {  	s5 =	simm.s32 $0x0;
	s6 =	simm.s32 $0x200;
	[sflag:s8] =	ssyncadd.s32 $0xFFFFCE00  }
.LBB2_40:
0x300: {  	p0 =	sne.s32 s6, $0xC600;
	v0 =	vld [tilespmem:s5+$0x6870]  }
0x301: {  	v1 =	vld [tilespmem:s5+$0x6800]  }
0x302: {  	v2 =	vld [tilespmem:s5+$0x6810]  }
0x303: {  	v3 =	vld [tilespmem:s5+$0x6820]  }
0x304: {  	v4 =	vld [tilespmem:s5+$0x6830]  }
0x305: {  	[tilespmem:s5+$0xCC70] =	vst.add.f32.msk $0xffff, v0  }
0x306: {  	v0 =	vld [tilespmem:s5+$0x6840]  }
0x307: {  	v5 =	vld [tilespmem:s5+$0x6850]  }
0x308: {  	v6 =	vld [tilespmem:s5+$0x6860]  }
0x309: {  	[tilespmem:s5+$0xCC00] =	vst.add.f32.msk $0xffff, v1  }
0x30a: {  	[tilespmem:s5+$0xCC10] =	vst.add.f32.msk $0xffff, v2  }
.Ltmp19:
0x30b: {  	[tilespmem:s5+$0xCC20] =	vst.add.f32.msk $0xffff, v3;
	(pc) =	sbr.rel @p0 .LBB2_40-.Ltmp19, $4  }
0x30c: {  	[tilespmem:s5+$0xCC30] =	vst.add.f32.msk $0xffff, v4  }
0x30d: {  	[tilespmem:s5+$0xCC40] =	vst.add.f32.msk $0xffff, v0  }
0x30e: {  	[tilespmem:s5+$0xCC50] =	vst.add.f32.msk $0xffff, v5  }
0x30f: {  	[tilespmem:s5+$0xCC60] =	vst.add.f32.msk $0xffff, v6;
	s5 =	sshra.s32 s6, $0x2;
	s6 =	sadd.s32 $0x200, s6  }
0x310: {  	v0 =	vld [tilespmem:s5+$0x6870]  }
0x311: {  	v1 =	vld [tilespmem:s5+$0x6800]  }
0x312: {  	v2 =	vld [tilespmem:s5+$0x6810]  }
0x313: {  	v3 =	vld [tilespmem:s5+$0x6820]  }
0x314: {  	v4 =	vld [tilespmem:s5+$0x6830]  }
0x315: {  	v63 =	vld [tilespmem:s5+$0x6840]  }
0x316: {  	v5 =	vld [tilespmem:s5+$0x6850]  }
0x317: {  	v6 =	vld [tilespmem:s5+$0x6860]  }
0x318: {  	[tilespmem:s5+$0xCC70] =	vst.add.f32.msk $0xffff, v0  }
0x319: {  	[tilespmem:s5+$0xCC00] =	vst.add.f32.msk $0xffff, v1  }
0x31a: {  	[tilespmem:s5+$0xCC10] =	vst.add.f32.msk $0xffff, v2  }
0x31b: {  	[tilespmem:s5+$0xCC20] =	vst.add.f32.msk $0xffff, v3  }
0x31c: {  	[tilespmem:s5+$0xCC30] =	vst.add.f32.msk $0xffff, v4  }
0x31d: {  	[tilespmem:s5+$0xCC40] =	vst.add.f32.msk $0xffff, v63  }
0x31e: {  	[tilespmem:s5+$0xCC50] =	vst.add.f32.msk $0xffff, v5  }
0x31f: {  	[tilespmem:s5+$0xCC60] =	vst.add.f32.msk $0xffff, v6  }
0x320: {  	_ =	swait.ge [sflag:s21], $0x3200  }
0x321: {  	[sflag:s21] =	ssyncset.done $0x0  }
0x322: {  	s29 =	simm.s32 $0x0;
	s6 =	rddreg [dreg:$0x13];
	[sflag:s21] =	ssyncadd.s32 $0xFFFFCE00  }
0x323: {  	[hbm4b:s6+s29] =	stream.linear.scatter [tilespmem:s2], [sflag:$0x7], $0x3200, $0x38;
	[tilespmem:$0x1F800] =	vst v63  }
0x324: {  	_ =	swait.ge [sflag:s10], $0x3200  }
0x325: {  	[sflag:s10] =	ssyncset.done $0x0  }
0x326: {  	s5 =	simm.s32 $0x0;
	s6 =	simm.s32 $0x200;
	[sflag:s10] =	ssyncadd.s32 $0xFFFFCE00  }
.LBB2_42:
0x327: {  	p0 =	sne.s32 s6, $0xC600;
	v0 =	vld [tilespmem:s5+$0x9A70]  }
0x328: {  	v1 =	vld [tilespmem:s5+$0x9A00]  }
0x329: {  	v2 =	vld [tilespmem:s5+$0x9A10]  }
0x32a: {  	v3 =	vld [tilespmem:s5+$0x9A20]  }
0x32b: {  	v4 =	vld [tilespmem:s5+$0x9A30]  }
0x32c: {  	[tilespmem:s5+$0xFE70] =	vst.add.f32.msk $0xffff, v0  }
0x32d: {  	v0 =	vld [tilespmem:s5+$0x9A40]  }
0x32e: {  	v5 =	vld [tilespmem:s5+$0x9A50]  }
0x32f: {  	v6 =	vld [tilespmem:s5+$0x9A60]  }
0x330: {  	[tilespmem:s5+$0xFE00] =	vst.add.f32.msk $0xffff, v1  }
0x331: {  	[tilespmem:s5+$0xFE10] =	vst.add.f32.msk $0xffff, v2  }
.Ltmp20:
0x332: {  	[tilespmem:s5+$0xFE20] =	vst.add.f32.msk $0xffff, v3;
	(pc) =	sbr.rel @p0 .LBB2_42-.Ltmp20, $4  }
0x333: {  	[tilespmem:s5+$0xFE30] =	vst.add.f32.msk $0xffff, v4  }
0x334: {  	[tilespmem:s5+$0xFE40] =	vst.add.f32.msk $0xffff, v0  }
0x335: {  	[tilespmem:s5+$0xFE50] =	vst.add.f32.msk $0xffff, v5  }
0x336: {  	[tilespmem:s5+$0xFE60] =	vst.add.f32.msk $0xffff, v6;
	s5 =	sshra.s32 s6, $0x2;
	s6 =	sadd.s32 $0x200, s6  }
0x337: {  	v0 =	vld [tilespmem:s5+$0x9A70]  }
0x338: {  	v1 =	vld [tilespmem:s5+$0x9A00]  }
0x339: {  	v2 =	vld [tilespmem:s5+$0x9A10]  }
0x33a: {  	v3 =	vld [tilespmem:s5+$0x9A20]  }
0x33b: {  	v4 =	vld [tilespmem:s5+$0x9A30]  }
0x33c: {  	v63 =	vld [tilespmem:s5+$0x9A40]  }
0x33d: {  	v5 =	vld [tilespmem:s5+$0x9A50]  }
0x33e: {  	v6 =	vld [tilespmem:s5+$0x9A60]  }
0x33f: {  	[tilespmem:s5+$0xFE70] =	vst.add.f32.msk $0xffff, v0  }
0x340: {  	[tilespmem:s5+$0xFE00] =	vst.add.f32.msk $0xffff, v1  }
0x341: {  	[tilespmem:s5+$0xFE10] =	vst.add.f32.msk $0xffff, v2  }
0x342: {  	[tilespmem:s5+$0xFE20] =	vst.add.f32.msk $0xffff, v3  }
0x343: {  	[tilespmem:s5+$0xFE30] =	vst.add.f32.msk $0xffff, v4  }
0x344: {  	[tilespmem:s5+$0xFE40] =	vst.add.f32.msk $0xffff, v63  }
0x345: {  	[tilespmem:s5+$0xFE50] =	vst.add.f32.msk $0xffff, v5  }
0x346: {  	[tilespmem:s5+$0xFE60] =	vst.add.f32.msk $0xffff, v6  }
0x347: {  	_ =	swait.ge [sflag:s22], $0x3200  }
0x348: {  	[sflag:s22] =	ssyncset.done $0x0  }
0x349: {  	s29 =	simm.s32 $0x0;
	s6 =	rddreg [dreg:$0x14];
	[sflag:s22] =	ssyncadd.s32 $0xFFFFCE00  }
0x34a: {  	[hbm4b:s6+s29] =	stream.linear.scatter [tilespmem:s3], [sflag:$0x8], $0x3200, $0x38;
	[tilespmem:$0x1F800] =	vst v63  }
0x34b: {  	_ =	swait.ge [sflag:s12], $0x3200  }
0x34c: {  	[sflag:s12] =	ssyncset.done $0x0  }
0x34d: {  	s5 =	simm.s32 $0x0;
	s6 =	simm.s32 $0x200;
	[sflag:s12] =	ssyncadd.s32 $0xFFFFCE00  }
.LBB2_44:
0x34e: {  	p0 =	sne.s32 s6, $0xC600;
	v0 =	vld [tilespmem:s5+$0x6870]  }
0x34f: {  	v1 =	vld [tilespmem:s5+$0x6800]  }
0x350: {  	v2 =	vld [tilespmem:s5+$0x6810]  }
0x351: {  	v3 =	vld [tilespmem:s5+$0x6820]  }
0x352: {  	v4 =	vld [tilespmem:s5+$0x6830]  }
0x353: {  	[tilespmem:s5+$0x13070] =	vst.add.f32.msk $0xffff, v0  }
0x354: {  	v0 =	vld [tilespmem:s5+$0x6840]  }
0x355: {  	v5 =	vld [tilespmem:s5+$0x6850]  }
0x356: {  	v6 =	vld [tilespmem:s5+$0x6860]  }
0x357: {  	[tilespmem:s5+$0x13000] =	vst.add.f32.msk $0xffff, v1  }
0x358: {  	[tilespmem:s5+$0x13010] =	vst.add.f32.msk $0xffff, v2  }
.Ltmp21:
0x359: {  	[tilespmem:s5+$0x13020] =	vst.add.f32.msk $0xffff, v3;
	(pc) =	sbr.rel @p0 .LBB2_44-.Ltmp21, $4  }
0x35a: {  	[tilespmem:s5+$0x13030] =	vst.add.f32.msk $0xffff, v4  }
0x35b: {  	[tilespmem:s5+$0x13040] =	vst.add.f32.msk $0xffff, v0  }
0x35c: {  	[tilespmem:s5+$0x13050] =	vst.add.f32.msk $0xffff, v5  }
0x35d: {  	[tilespmem:s5+$0x13060] =	vst.add.f32.msk $0xffff, v6;
	s5 =	sshra.s32 s6, $0x2;
	s6 =	sadd.s32 $0x200, s6  }
0x35e: {  	v0 =	vld [tilespmem:s5+$0x6870]  }
0x35f: {  	v1 =	vld [tilespmem:s5+$0x6800]  }
0x360: {  	v2 =	vld [tilespmem:s5+$0x6810]  }
0x361: {  	v3 =	vld [tilespmem:s5+$0x6820]  }
0x362: {  	v4 =	vld [tilespmem:s5+$0x6830]  }
0x363: {  	v63 =	vld [tilespmem:s5+$0x6840]  }
0x364: {  	v5 =	vld [tilespmem:s5+$0x6850]  }
0x365: {  	v6 =	vld [tilespmem:s5+$0x6860]  }
0x366: {  	[tilespmem:s5+$0x13070] =	vst.add.f32.msk $0xffff, v0  }
0x367: {  	[tilespmem:s5+$0x13000] =	vst.add.f32.msk $0xffff, v1  }
0x368: {  	[tilespmem:s5+$0x13010] =	vst.add.f32.msk $0xffff, v2  }
0x369: {  	[tilespmem:s5+$0x13020] =	vst.add.f32.msk $0xffff, v3  }
0x36a: {  	[tilespmem:s5+$0x13030] =	vst.add.f32.msk $0xffff, v4  }
0x36b: {  	[tilespmem:s5+$0x13040] =	vst.add.f32.msk $0xffff, v63  }
0x36c: {  	[tilespmem:s5+$0x13050] =	vst.add.f32.msk $0xffff, v5  }
0x36d: {  	[tilespmem:s5+$0x13060] =	vst.add.f32.msk $0xffff, v6  }
0x36e: {  	_ =	swait.ge [sflag:s13], $0x3200  }
0x36f: {  	[sflag:s13] =	ssyncset.done $0x0  }
0x370: {  	s29 =	simm.s32 $0x0;
	s6 =	rddreg [dreg:$0x15];
	[sflag:s13] =	ssyncadd.s32 $0xFFFFCE00  }
0x371: {  	[hbm4b:s6+s29] =	stream.linear.scatter [tilespmem:s0], [sflag:$0x9], $0x3200, $0x38;
	[tilespmem:$0x1F800] =	vst v63  }
0x372: {  	_ =	swait.ge [sflag:s15], $0x3200  }
0x373: {  	[sflag:s15] =	ssyncset.done $0x0  }
0x374: {  	s5 =	simm.s32 $0x0;
	s6 =	simm.s32 $0x200;
	[sflag:s15] =	ssyncadd.s32 $0xFFFFCE00  }
.LBB2_46:
0x375: {  	p0 =	sne.s32 s6, $0xC600;
	v0 =	vld [tilespmem:s5+$0x9A70]  }
0x376: {  	v1 =	vld [tilespmem:s5+$0x9A00]  }
0x377: {  	v2 =	vld [tilespmem:s5+$0x9A10]  }
0x378: {  	v3 =	vld [tilespmem:s5+$0x9A20]  }
0x379: {  	v4 =	vld [tilespmem:s5+$0x9A30]  }
0x37a: {  	[tilespmem:s5+$0x16270] =	vst.add.f32.msk $0xffff, v0  }
0x37b: {  	v0 =	vld [tilespmem:s5+$0x9A40]  }
0x37c: {  	v5 =	vld [tilespmem:s5+$0x9A50]  }
0x37d: {  	v6 =	vld [tilespmem:s5+$0x9A60]  }
0x37e: {  	[tilespmem:s5+$0x16200] =	vst.add.f32.msk $0xffff, v1  }
0x37f: {  	[tilespmem:s5+$0x16210] =	vst.add.f32.msk $0xffff, v2  }
.Ltmp22:
0x380: {  	[tilespmem:s5+$0x16220] =	vst.add.f32.msk $0xffff, v3;
	(pc) =	sbr.rel @p0 .LBB2_46-.Ltmp22, $4  }
0x381: {  	[tilespmem:s5+$0x16230] =	vst.add.f32.msk $0xffff, v4  }
0x382: {  	[tilespmem:s5+$0x16240] =	vst.add.f32.msk $0xffff, v0  }
0x383: {  	[tilespmem:s5+$0x16250] =	vst.add.f32.msk $0xffff, v5  }
0x384: {  	[tilespmem:s5+$0x16260] =	vst.add.f32.msk $0xffff, v6;
	s5 =	sshra.s32 s6, $0x2;
	s6 =	sadd.s32 $0x200, s6  }
0x385: {  	v0 =	vld [tilespmem:s5+$0x9A70]  }
0x386: {  	v1 =	vld [tilespmem:s5+$0x9A00]  }
0x387: {  	v2 =	vld [tilespmem:s5+$0x9A10]  }
0x388: {  	v3 =	vld [tilespmem:s5+$0x9A20]  }
0x389: {  	v4 =	vld [tilespmem:s5+$0x9A30]  }
0x38a: {  	v63 =	vld [tilespmem:s5+$0x9A40]  }
0x38b: {  	v5 =	vld [tilespmem:s5+$0x9A50]  }
0x38c: {  	v6 =	vld [tilespmem:s5+$0x9A60]  }
0x38d: {  	[tilespmem:s5+$0x16270] =	vst.add.f32.msk $0xffff, v0  }
0x38e: {  	[tilespmem:s5+$0x16200] =	vst.add.f32.msk $0xffff, v1  }
0x38f: {  	[tilespmem:s5+$0x16210] =	vst.add.f32.msk $0xffff, v2  }
0x390: {  	[tilespmem:s5+$0x16220] =	vst.add.f32.msk $0xffff, v3  }
0x391: {  	[tilespmem:s5+$0x16230] =	vst.add.f32.msk $0xffff, v4  }
0x392: {  	[tilespmem:s5+$0x16240] =	vst.add.f32.msk $0xffff, v63  }
0x393: {  	[tilespmem:s5+$0x16250] =	vst.add.f32.msk $0xffff, v5  }
0x394: {  	[tilespmem:s5+$0x16260] =	vst.add.f32.msk $0xffff, v6  }
0x395: {  	_ =	swait.ge [sflag:s16], $0x3200  }
0x396: {  	[sflag:s16] =	ssyncset.done $0x0  }
0x397: {  	s25 =	rddreg [dreg:$0x16];
	[sflag:s16] =	ssyncadd.s32 $0xFFFFCE00  }
0x398: {  	[hbm4b:s25+s14] =	stream.linear.scatter [tilespmem:s30], [sflag:$0xA], $0x3200, $0x38;
	[tilespmem:$0x1F800] =	vst v63  }
0x399: {  	_ =	swait.ge [sflag:s18], $0x3200  }
0x39a: {  	[sflag:s18] =	ssyncset.done $0x0  }
0x39b: {  	[sflag:s18] =	ssyncadd.s32 $0xFFFFCE00  }
0x39c: {  	_ =	swait.ge [sflag:s20], $0x3200  }
0x39d: {  	s6 =	rddreg [dreg:$0x18]  }
0x39e: {  	s29 =	rddreg [dreg:$0x17];
	s6 =	sadd.s32 $0x1, s6  }
0x39f: {  	p0 =	sne.s32 s6, s29  }
.Ltmp23:
0x3a0: {  	_ = 	snop;
	(pc) =	sbr.rel @p0 .LBB2_1-.Ltmp23, $3  }
0x3a1: {  	_ =	sdelay $0x1  }
0x3a2: {  	[sflag:s20] =	ssyncset.done $0x0  }
0x3a3: {  	[sflag:s20] =	ssyncadd.s32 $0xFFFFCE00  }
0x3a4: {  	_ =	sfence.sel $0x180000  }
0x3a5: {  	[bflag:$0x0] =	sbarrier.arrive $0xFFFF  }
0x3a6: {  	_ =	strace $0x90000047  }
0x3a7: {  	s0 =	stileid.u32;
	[bflag:$0x2] =	sbarrier.arrive $0xFFFF  }
0x3a8: {  	p0 =	sne.s32 s0, $0x0;
	s0 =	rddreg [dreg:$0x4]  }
0x3a9: {  	s0 =	sadd.s32 @!p0 $0x100000, s0  }
0x3aa: {  	[sflag:s0] =	ssyncadd.tile.s32 @!p0 $0x1;
	_ =	shalt  }
.Lfunc_end2:
_tile_overlayer_lowered:
.L_overlay_start_2:
0x3ab: {  	(tag) =	ssettag $0x2  }
0x3ac: {  	s0 =	rddreg [dreg:$0x0];
	s2 =	stileid.u32  }
0x3ad: {  	s1 =	rddreg [dreg:$0x1];
	p0 =	sne.s32 s2, $0x0  }
0x3ae: {  	s3 =	rddreg [dreg:$0x2];
	[bflag:$0x3] =	sbarrier.arrive $0xFFFF;
	s2 =	simm.s32 @!p0 $0x1C0D  }
0x3af: {  	[timem:s3], [sflag:s2] =	dma.local @!p0 [hbm:s0], s1  }
0x3b0: {  	s0 =	simm.s32 @!p0 $0xD  }
0x3b1: {  	_ =	swait.ge @!p0 [sflag:s0], s1  }
0x3b2: {  	s1 =	ssub.s32 @!p0 $0x0, s1;
	[sflag:s0] =	ssyncset.done @!p0 $0x0  }
0x3b3: {  	[sflag:s0] =	ssyncadd.s32 @!p0 s1  }
0x3b4: {  	[bflag:$0x3] =	sbarrier.arrive $0xFFFF  }
0x3b5: {  	_ =	shalt  }

</sc_bundles>
